<compile_context>
chip_gen: v7x
topology: tpu7x:2x2x1
jax: 0.10.2.dev20260603
libtpu: 0.0.44.dev20260713+nightly
codegen_flags: <defaults>
</compile_context>

<pallas_src>
import functools
import math

import jax
import jax.numpy as jnp
import numpy as np
from jax.experimental import pallas as pl
from jax.experimental.pallas import tpu as pltpu
from jax.experimental.pallas import tpu_sc as plsc

_B, _L, _D = 16, 2048, 512
_H = 8
_DH = _D // _H
_K = 128
_PRED_TIME = 48
_NLAYERS = 2
_HI = jax.lax.Precision.HIGHEST
_F32 = jnp.float32


def _ln(x, g, b, eps=1e-5):
    m = jnp.mean(x, -1, keepdims=True)
    v = jnp.mean((x - m) ** 2, -1, keepdims=True)
    return (x - m) / jnp.sqrt(v + eps) * g + b


def _score_select_body(x_ref, t_ref, w1_ref, w1t_ref, b1_ref, g1_ref, be1_ref,
                       w2_ref, b2_ref, g2_ref, be2_ref,
                       w3_ref, b3_ref, g3_ref, be3_ref,
                       w4_ref, b4_ref, tim_ref, tsu_ref,
                       perm_ref, ts_ref, simsc_ref):
    b_step = pl.program_id(0)
    x = x_ref[0]
    t = t_ref[0]
    h = jnp.dot(x, w1_ref[...], preferred_element_type=_F32)
    h = h + t * w1t_ref[...] + b1_ref[...]
    h = jax.nn.relu(_ln(h, g1_ref[...], be1_ref[...]))
    h = jnp.dot(h, w2_ref[...], preferred_element_type=_F32) + b2_ref[...]
    h = jax.nn.relu(_ln(h, g2_ref[...], be2_ref[...]))
    h = jnp.dot(h, w3_ref[...], preferred_element_type=_F32) + b3_ref[...]
    h = jax.nn.relu(_ln(h, g3_ref[...], be3_ref[...]))
    logit = jnp.sum(h * w4_ref[...], axis=1, keepdims=True)
    simcol = jax.nn.sigmoid(logit + b4_ref[0, 0])
    for bb in range(_B):
        @pl.when(b_step == bb)
        def _store(sc=simcol, col=bb):
            simsc_ref[:, col:col + 1] = sc

    @pl.when(b_step == _B - 1)
    def _select():
        _select_tail(simsc_ref, tim_ref, tsu_ref, perm_ref, ts_ref)


def _select_tail(simsc_ref, t_ref, tsu_ref, perm_ref, ts_ref):
    sim = jnp.transpose(simsc_ref[...])
    tim = t_ref[...]
    bits = jax.lax.bitcast_convert_type(sim, jnp.int32)
    key = bits ^ jnp.where(bits < 0, jnp.int32(0x7FFFFFFF), jnp.int32(0))

    n_nonneg = jnp.sum((key >= 0).astype(jnp.int32), axis=1, keepdims=True)
    big0 = n_nonneg >= _K
    lo = jnp.where(big0, jnp.int32(0), jnp.int32(-2147483648))
    hi = jnp.where(big0, jnp.int32(2147483647), jnp.int32(-1))

    def _bisect(_, carry):
        lo, hi = carry
        d = hi - lo
        mid = lo + (d >> 1) + (d & 1)
        cnt = jnp.sum((key >= mid).astype(jnp.int32), axis=1, keepdims=True)
        big = cnt >= _K
        return jnp.where(big, mid, lo), jnp.where(big, hi, mid - 1)

    thr, _ = jax.lax.fori_loop(0, 31, _bisect, (lo, hi))
    gt = key > thr
    eq = key == thr
    n_gt = jnp.sum(gt.astype(jnp.int32), axis=1, keepdims=True)
    r_need = (_K - n_gt).astype(_F32)

    tsu = tsu_ref[...]
    pe_eq = jnp.dot(eq.astype(jnp.bfloat16), tsu, preferred_element_type=_F32)
    sel = gt | (eq & (pe_eq < r_need))
    pos = jnp.dot(sel.astype(jnp.bfloat16), tsu, preferred_element_type=_F32)

    iota_kl = jax.lax.broadcasted_iota(jnp.int32, (_L, _K), 1).astype(_F32)
    iota_l = jax.lax.broadcasted_iota(jnp.int32, (1, _L), 1).astype(_F32)
    iota_r = jax.lax.broadcasted_iota(jnp.int32, (_K, _K), 1).astype(_F32)
    iota_kc = jax.lax.broadcasted_iota(jnp.int32, (_K, 1), 0).astype(_F32)

    pos_t = jnp.transpose(pos)
    sel_t = jnp.transpose(jnp.where(sel, 1.0, 0.0))

    for b in range(_B):
        cb = jnp.where((pos_t[:, b:b + 1] == iota_kl)
                       & (sel_t[:, b:b + 1] > 0.0), 1.0, 0.0)
        g3 = jnp.concatenate([tim[b:b + 1], sim[b:b + 1], iota_l], axis=0)
        vals = jax.lax.dot_general(g3, cb, (((1,), (0,)), ((), ())),
                                   precision=_HI, preferred_element_type=_F32)
        t_row, v_row, i_row = vals[0:1], vals[1:2], vals[2:3]
        t_c = jnp.reshape(t_row, (_K, 1))
        v_c = jnp.reshape(v_row, (_K, 1))
        i_c = jnp.reshape(i_row, (_K, 1))
        before = (t_row < t_c) | ((t_row == t_c) &
                 ((v_row > v_c) | ((v_row == v_c) & (iota_r < iota_kc))))
        rank = jnp.sum(before.astype(_F32), axis=1, keepdims=True)
        st = jnp.where(rank == iota_r, 1.0, 0.0)
        out2 = jax.lax.dot_general(
            jnp.concatenate([i_c, t_c], axis=1), st,
            (((0,), (0,)), ((), ())), precision=_HI,
            preferred_element_type=_F32)
        perm_ref[b:b + 1, :] = jnp.floor(out2[0:1] + 0.5).astype(jnp.int32)
        ts_ref[b:b + 1, :] = out2[1:2]


_CH = 2
_WCH = _D // _CH


def _sc_gather(reprs_half, idx_half):
    mesh = plsc.VectorSubcoreMesh(core_axis_name="core",
                                  subcore_axis_name="subcore")
    n_idx = _B * _K * _CH
    window = 128

    @pl.kernel(out_type=jax.ShapeDtypeStruct((n_idx, _WCH), _F32), mesh=mesh)
    def gather_kernel(x_hbm, i_hbm, o_hbm):
        def body(i_vmem, o_vmem):
            pltpu.sync_copy(x_hbm.at[i_vmem.at[0]], o_vmem)

        pltpu.emit_pipeline(
            body,
            grid=(n_idx // window,),
            in_specs=[pl.BlockSpec((1, window), index_map=lambda i: (0, i))],
            out_specs=[pl.BlockSpec((window, _WCH), index_map=lambda i: (i, 0))],
            core_axis_name=("core", "subcore"),
            dimension_semantics=(pltpu.PARALLEL,),
        )(i_hbm, o_hbm)

    return gather_kernel(reprs_half, idx_half)


def _rotary_consts():
    half = _DH // 2
    freq = np.exp(np.arange(half) * -(math.log(10000.0) / (half - 1)))
    ang = np.arange(_K)[:, None] * freq[None, :]
    sp = np.concatenate([np.sin(ang), np.cos(ang)], axis=1)
    sin, cos = sp[:, :half], sp[:, half:]
    sin_pos = np.stack([sin, sin], axis=-1).reshape(_K, _DH)
    cos_pos = np.stack([cos, cos], axis=-1).reshape(_K, _DH)
    rmat = np.zeros((_DH, _DH), np.float32)
    for m in range(half):
        rmat[2 * m + 1, 2 * m] = -1.0
        rmat[2 * m, 2 * m + 1] = 1.0
    ftv = np.exp((np.arange(_D) // 2 * 2).astype(np.float64)
                 * (-math.log(10000.0) / _D))
    return (sin_pos.astype(np.float32), cos_pos.astype(np.float32), rmat,
            ftv.astype(np.float32)[None, :])


_SIN_POS, _COS_POS, _RMAT, _FT = _rotary_consts()


_NB = 4
_KB = _NB * _K


def _pred_body(x_ref, t_ref, sin_ref, cos_ref, rot_ref, ft_ref, *rest):
    layer_refs = rest[:-3]
    wf_ref, bf_ref, out_ref = rest[-3:]
    x = x_ref[...]
    t = _PRED_TIME * 60.0 - jnp.reshape(t_ref[0], (_KB, 1))
    ang = t * ft_ref[...]
    parity = jax.lax.broadcasted_iota(jnp.int32, (_KB, _D), 1) % 2
    pe = jnp.where(parity == 0, jnp.sin(ang), jnp.cos(ang))
    x = x + pe
    sin = sin_ref[...]
    cos = cos_ref[...]
    rot = rot_ref[...]

    def mm(a, b):
        return jnp.dot(a, b, preferred_element_type=_F32)

    for l in range(_NLAYERS):
        (wq, bq, wk, bk, wv, bv, wo, bo, g1, be1,
         wi, bi, wo2, bo2, g2, be2) = [r[...] for r in layer_refs[16 * l:16 * (l + 1)]]
        q = mm(x, wq) + bq
        k = mm(x, wk) + bk
        v = mm(x, wv) + bv
        q = q * cos + mm(q, rot) * sin
        k = k * cos + mm(k, rot) * sin
        ctxs = []
        for h in range(_H):
            sl = slice(h * _DH, (h + 1) * _DH)
            qh = q[:, sl]
            kh = k[:, sl]
            cols = []
            for nb in range(_NB):
                rs = slice(nb * _K, (nb + 1) * _K)
                s = jax.lax.dot_general(qh[rs], kh[rs], (((1,), (1,)), ((), ())),
                                        preferred_element_type=_F32)
                s = s * (1.0 / math.sqrt(_DH))
                s = s - jnp.max(s, axis=-1, keepdims=True)
                p = jnp.exp(s)
                a = p / jnp.sum(p, axis=-1, keepdims=True)
                cols.append(mm(a, v[rs, sl]))
            ctxs.append(jnp.concatenate(cols, axis=0))
        ctx = jnp.concatenate(ctxs, axis=1)
        x = _ln(x + mm(ctx, wo) + bo, g1, be1)
        hmid = mm(x, wi) + bi
        hmid = 0.5 * hmid * (1.0 + jax.lax.erf(hmid * (1.0 / math.sqrt(2.0))))
        x = _ln(x + mm(hmid, wo2) + bo2, g2, be2)

    for nb in range(_NB):
        pooled = jnp.mean(x[nb * _K:(nb + 1) * _K], axis=0, keepdims=True)
        logit = jnp.dot(pooled, wf_ref[...], precision=_HI,
                        preferred_element_type=_F32) + bf_ref[0, 0]
        out_ref[nb] = jax.nn.sigmoid(logit)


_TSU = np.triu(np.ones((_L, _L), np.float32), k=1)


def _full(shape):
    return pl.BlockSpec(shape, lambda b: (0,) * len(shape))


def kernel(reprs, times, params):
    tcol = times[:, :, None]

    retr = params['retr']
    (w1, b1, g1, be1), (w2, b2, g2, be2), (w3, b3, g3, be3) = retr[0], retr[1], retr[2]
    w4, b4 = retr[3]
    s1_in = [
        reprs, tcol,
        w1[:_D], w1[_D:_D + 1], b1[None, :], g1[None, :], be1[None, :],
        w2, b2[None, :], g2[None, :], be2[None, :],
        w3, b3[None, :], g3[None, :], be3[None, :],
        w4.reshape(1, -1), b4[None, :],
        times, jnp.asarray(_TSU, dtype=jnp.bfloat16),
    ]
    s1_specs = [
        pl.BlockSpec((1, _L, _D), lambda b: (b, 0, 0)),
        pl.BlockSpec((1, _L, 1), lambda b: (b, 0, 0)),
    ] + [_full(x.shape) for x in s1_in[2:]]
    perm, tsort = pl.pallas_call(
        _score_select_body,
        grid=(_B,),
        in_specs=s1_specs,
        out_specs=[
            pl.BlockSpec((_B, _K), lambda b: (0, 0)),
            pl.BlockSpec((_B, _K), lambda b: (0, 0)),
        ],
        out_shape=[
            jax.ShapeDtypeStruct((_B, _K), jnp.int32),
            jax.ShapeDtypeStruct((_B, _K), _F32),
        ],
        scratch_shapes=[pltpu.VMEM((_L, _B), _F32)],
    )(*s1_in)

    flat_idx = (perm + (jnp.arange(_B, dtype=jnp.int32) * _L)[:, None])
    idx_half = (flat_idx.reshape(-1, 1) * _CH
                + jnp.arange(_CH, dtype=jnp.int32)[None, :]).reshape(1, -1)
    topk = _sc_gather(reprs.reshape(_B * _L * _CH, _WCH), idx_half)
    topk = topk.reshape(_B * _K, _D)

    consts = [jnp.asarray(np.tile(_SIN_POS, (_NB, _H))),
              jnp.asarray(np.tile(_COS_POS, (_NB, _H))),
              jnp.asarray(np.kron(np.eye(_H, dtype=np.float32), _RMAT)),
              jnp.asarray(_FT)]
    layer_arrs = []
    for lp in params['layers']:
        wq, bq = lp['q']; wk, bk = lp['k']; wv, bv = lp['v']; wo, bo = lp['o']
        g1l, b1l = lp['ln1']; wi, bi = lp['wi']; wo2, bo2 = lp['wo']
        g2l, b2l = lp['ln2']
        layer_arrs += [wq, bq[None, :], wk, bk[None, :], wv, bv[None, :],
                       wo, bo[None, :], g1l[None, :], b1l[None, :],
                       wi, bi[None, :], wo2, bo2[None, :],
                       g2l[None, :], b2l[None, :]]
    wf, bf = params['final']
    s4_in = [topk, tsort.reshape(_B // _NB, 1, _KB)] + consts + layer_arrs + [wf, bf[None, :]]
    s4_specs = [
        pl.BlockSpec((_KB, _D), lambda b: (b, 0)),
        pl.BlockSpec((1, 1, _KB), lambda b: (b, 0, 0)),
    ] + [_full(x.shape) for x in s4_in[2:]]
    pred = pl.pallas_call(
        _pred_body,
        grid=(_B // _NB,),
        in_specs=s4_specs,
        out_specs=pl.BlockSpec((_NB, 1, 1), lambda b: (b, 0, 0)),
        out_shape=jax.ShapeDtypeStruct((_B, 1, 1), _F32),
    )(*s4_in)
    return pred.reshape(_B, 1)

# --- scband reference (transcript-rebuilt; emitter-appended) ---
"""Pipeline reference for scband-remed-12816182411528 (READ-ONLY COPY).

The authoritative reference and input builder live on the scoring server;
editing this copy changes nothing except your own understanding.
"""

import jax, jax.numpy as jnp
import numpy as np
import math

B, L, D = 16, 2048, 512
H = 8
DH = D // H
K = 128
PRED_TIME = 48
NLAYERS = 2


def _lin(k, i, o):
    k1, k2 = jax.random.split(k)
    return (jax.random.normal(k1, (i, o), dtype=jnp.float32) * 0.02,
            jnp.zeros((o,), dtype=jnp.float32))


def setup_inputs(seed: int = 0):
    key = jax.random.key(seed)
    ks = jax.random.split(key, 32)
    reprs = jax.random.normal(ks[0], (B, L, D), dtype=jnp.float32)
    times = jax.random.uniform(ks[1], (B, L), dtype=jnp.float32)
    dims = [D + 1, (D + 1) // 2, (D + 1) // 4, (D + 1) // 8, 1]
    retr = []
    for j in range(4):
        W, b = _lin(ks[2 + j], dims[j], dims[j + 1])
        if j < 3:
            retr.append((W, b, jnp.ones((dims[j + 1],), dtype=jnp.float32), jnp.zeros((dims[j + 1],), dtype=jnp.float32)))
        else:
            retr.append((W, b))
    layers = []
    kidx = 6
    for l in range(NLAYERS):
        lp = {}
        for nm in ['q', 'k', 'v', 'o']:
            lp[nm] = _lin(ks[kidx], D, D); kidx += 1
        lp['ln1'] = (jnp.ones((D,), dtype=jnp.float32), jnp.zeros((D,), dtype=jnp.float32))
        lp['wi'] = _lin(ks[kidx], D, 4 * D); kidx += 1
        lp['wo'] = _lin(ks[kidx], 4 * D, D); kidx += 1
        lp['ln2'] = (jnp.ones((D,), dtype=jnp.float32), jnp.zeros((D,), dtype=jnp.float32))
        layers.append(lp)
    params = {
        'retr': retr,
        'layers': layers,
        'rte': jax.random.normal(ks[kidx], (D,), dtype=jnp.float32),
        'final': _lin(ks[kidx + 1], D, 1),
    }
    return {'reprs': reprs, 'times': times, 'params': params}


def _ln(x, g, b, eps=1e-5):
    m = jnp.mean(x, -1, keepdims=True)
    v = jnp.mean((x - m) ** 2, -1, keepdims=True)
    return (x - m) / jnp.sqrt(v + eps) * g + b


def _sinusoidal_pos(seq_len, dim):
    half = dim // 2
    freq = np.exp(np.arange(half) * -(math.log(10000.0) / (half - 1)))
    ang = np.arange(seq_len)[:, None] * freq[None, :]
    return jnp.asarray(np.concatenate([np.sin(ang), np.cos(ang)], axis=1), dtype=jnp.float32)


def _apply_rotary(x, sin_pos, cos_pos):
    rot = jnp.stack([-x[..., 1::2], x[..., 0::2]], axis=-1).reshape(x.shape)
    return x * cos_pos + rot * sin_pos


def _forward(reprs, times, params):
    fmin = jnp.finfo(jnp.float32).min
    reprs_p = jnp.pad(reprs, ((0, 0), (0, K), (0, 0)))
    times_p = jnp.pad(times, ((0, 0), (0, K)))
    pad_row = jnp.all(reprs_p == 0, axis=-1)
    times_p = jnp.where(pad_row, 1e10, times_p)
    # Retriever MLP over all candidates (compute-heavy scoring)
    h = jnp.concatenate([reprs_p, times_p[..., None]], axis=-1)
    for j in range(3):
        W, b, g, beta = params['retr'][j]
        h = jax.nn.relu(_ln(h @ W + b, g, beta))
    W, b = params['retr'][3]
    sim = jax.nn.sigmoid(h @ W + b)[..., 0]
    _sim = jnp.where(pad_row, 0.0, sim)
    topk_values, topk_indices = jax.lax.top_k(_sim, K)
    topk = jnp.take_along_axis(reprs_p, topk_indices[..., None], axis=1)
    topk_times = jnp.take_along_axis(times_p, topk_indices, axis=1)
    order = jnp.argsort(topk_times, axis=1)
    topk_times = jnp.take_along_axis(topk_times, order, axis=1)
    topk = jnp.take_along_axis(topk, order[..., None], axis=1)
    # predictor path (eval mode)
    row0 = topk[:, 0, :]
    row0 = jnp.where(jnp.sum(row0, -1, keepdims=True) == 0, params['rte'][None, :], row0)
    topk = topk.at[:, 0, :].set(row0)
    # ReprTimeEnc
    t = PRED_TIME * 60 - topk_times
    src_pad = jnp.all(topk == 0, axis=-1)
    div_term = jnp.exp(jnp.arange(0, D, 2, dtype=jnp.float32) * (-math.log(10000.0) / D))
    ang = t[..., None] * div_term
    pe = jnp.stack([jnp.sin(ang), jnp.cos(ang)], axis=-1).reshape(topk.shape)
    x = topk + pe
    attn_mask = (src_pad.astype(jnp.float32) * fmin)[:, None, :, None]
    sp = _sinusoidal_pos(K, DH)
    sin, cos = jnp.split(sp, 2, axis=-1)
    sin_pos = jnp.stack([sin, sin], axis=-1).reshape(K, DH)
    cos_pos = jnp.stack([cos, cos], axis=-1).reshape(K, DH)
    for lp in params['layers']:
        Wq, bq = lp['q']; Wk, bk = lp['k']; Wv, bv = lp['v']; Wo, bo = lp['o']
        q = (x @ Wq + bq).reshape(B, K, H, DH).transpose(0, 2, 1, 3)
        k = (x @ Wk + bk).reshape(B, K, H, DH).transpose(0, 2, 1, 3)
        v = (x @ Wv + bv).reshape(B, K, H, DH).transpose(0, 2, 1, 3)
        q = _apply_rotary(q, sin_pos, cos_pos)
        k = _apply_rotary(k, sin_pos, cos_pos)
        scores = q @ k.transpose(0, 1, 3, 2) / math.sqrt(DH) + attn_mask
        attn = jax.nn.softmax(scores, axis=-1)
        ctx = (attn @ v).transpose(0, 2, 1, 3).reshape(B, K, D)
        g1, b1 = lp['ln1']
        x = _ln(x + (ctx @ Wo + bo), g1, b1)
        Wi, bi = lp['wi']; Wo2, bo2 = lp['wo']
        hmid = jax.nn.gelu(x @ Wi + bi, approximate=False)
        g2, b2 = lp['ln2']
        x = _ln(x + (hmid @ Wo2 + bo2), g2, b2)
    # PredOutPutLayer
    m = jnp.any(x != 0, axis=-1)[..., None].astype(jnp.float32)
    pooled = jnp.sum(x * m, axis=1) / jnp.sum(m, axis=1)
    Wf, bf = params['final']
    pred = jax.nn.sigmoid(pooled @ Wf + bf)
    return pred


def reference(reprs, times, params):
    return _forward(reprs, times, params)

if __name__ == "__main__":
    import jax
    _d = setup_inputs()
    print(jax.jit(kernel)(*tuple(_d.values())))

</pallas_src>

<mosaic_0001>
#map = affine_map<(d0, d1) -> (0, 0)>
module attributes {stable_mosaic.version = 14 : i64} {
  func.func @gather_kernel(%arg0: i32, %arg1: i32, %arg2: memref<65536x256xf32, #tpu.memory_space<hbm>>, %arg3: memref<1x4096xi32, #tpu.memory_space<hbm>>, %arg4: memref<4096x256xf32, #tpu.memory_space<hbm>>) attributes {dimension_semantics = [#tpu.dimension_semantics<core_parallel>, #tpu.dimension_semantics<subcore_parallel>], iteration_bounds = array<i64: 2, 16>, scalar_prefetch = 0 : i64, scratch_operands = 0 : i64, tpu.core_type = #tpu.core_type<sc_vector_subcore>, window_params = [{transform_indices = #map}, {transform_indices = #map}, {transform_indices = #map}]} {
    %mul3A = arith.constant 1 : i32
    %mul3A_0 = arith.muli %arg1, %mul3A : i32
    %add3A = arith.constant 0 : i32
    %add3A_1 = arith.addi %add3A, %mul3A_0 : i32
    %mul3A_2 = arith.constant 16 : i32
    %mul3A_3 = arith.muli %arg0, %mul3A_2 : i32
    %add3A_4 = arith.addi %add3A_1, %mul3A_3 : i32
    %mul3A_5 = arith.constant 1 : i32
    %mul3A_6 = arith.muli %add3A_4, %mul3A_5 : i32
    "tpu.region"() ({
      %run_scoped3A = memref.alloca() : memref<2x1x128xi32, #tpu.memory_space<vmem>>
      %run_scoped3A_7 = tpu.sem_alloc : memref<2x!tpu.dma_semaphore, #tpu.memory_space<semaphore_mem>>
      %run_scoped3A_8 = memref.alloca() : memref<2x128x256xf32, #tpu.memory_space<vmem>>
      %run_scoped3A_9 = tpu.sem_alloc : memref<2x!tpu.dma_semaphore, #tpu.memory_space<semaphore_mem>>
      %add3A_10 = arith.constant 0 : i32
      %add3A_11 = arith.addi %add3A_10, %mul3A_6 : i32
      %select_n3A = arith.constant true
      %select_n3A_12 = arith.constant 0 : i32
      %select_n3A_13 = arith.constant -1 : i32
      %select_n3A_14 = arith.select %select_n3A, %select_n3A_13, %select_n3A_12 : i32
      %eq3A = arith.constant -1 : i32
      %eq3A_15 = arith.cmpi eq, %select_n3A_14, %eq3A : i32
      %select_n3A_16 = arith.constant 0 : i32
      %select_n3A_17 = arith.select %eq3A_15, %select_n3A_16, %select_n3A_14 : i32
      %add3A_18 = arith.constant 0 : i32
      %add3A_19 = arith.addi %add3A_18, %mul3A_6 : i32
      %select_n3A_20 = arith.constant true
      %select_n3A_21 = arith.constant 0 : i32
      %select_n3A_22 = arith.constant 1 : i32
      %select_n3A_23 = arith.select %select_n3A_20, %select_n3A_22, %select_n3A_21 : i32
      %eq3A_24 = arith.constant 1 : i32
      %eq3A_25 = arith.cmpi eq, %select_n3A_23, %eq3A_24 : i32
      %select_n3A_26 = arith.constant 0 : i32
      %select_n3A_27 = arith.select %eq3A_25, %select_n3A_26, %select_n3A_23 : i32
      %add3A_28 = arith.constant 0 : i32
      %add3A_29 = arith.addi %add3A_28, %mul3A_6 : i32
      %select_n3A_30 = arith.constant true
      %select_n3A_31 = arith.constant 0 : i32
      %select_n3A_32 = arith.constant 1 : i32
      %select_n3A_33 = arith.select %select_n3A_30, %select_n3A_32, %select_n3A_31 : i32
      %eq3A_34 = arith.constant 1 : i32
      %eq3A_35 = arith.cmpi eq, %select_n3A_33, %eq3A_34 : i32
      %select_n3A_36 = arith.constant 0 : i32
      %select_n3A_37 = arith.select %eq3A_35, %select_n3A_36, %select_n3A_33 : i32
      %add3A_38 = arith.constant 0 : i32
      %add3A_39 = arith.addi %add3A_38, %mul3A_6 : i32
      "tpu.trace_start"() <{level = 10 : i32, message = "ep_initialize_0"}> : () -> ()
      %rem3A = arith.constant 0 : i32
      %rem3A_40 = arith.constant 2 : i32
      %rem3A_41 = arith.remui %rem3A, %rem3A_40 : i32
      %mul3A_42 = arith.constant 128 : i32
      %mul3A_43 = arith.muli %mul3A_42, %add3A_11 : i32
      %dma_start3A = arith.constant 0 : i32
      %dma_start3A_44 = arith.constant 0 : i32
      %dma_start3A_45 = tpu.memref_slice %run_scoped3A[%rem3A_41, %dma_start3A, %dma_start3A_44] : memref<2x1x128xi32, #tpu.memory_space<vmem>> -> memref<1x1x128xi32, #tpu.memory_space<vmem>>
      %dma_start3A_46 = tpu.memref_squeeze %dma_start3A_45 : memref<1x1x128xi32, #tpu.memory_space<vmem>> -> memref<1x128xi32, #tpu.memory_space<vmem>>
      %dma_start3A_47 = arith.constant 0 : i32
      %dma_start3A_48 = tpu.memref_slice %arg3[%dma_start3A_47, %mul3A_43] : memref<1x4096xi32, #tpu.memory_space<hbm>> -> memref<1x128xi32, #tpu.memory_space<hbm>>
      %dma_start3A_49 = tpu.memref_slice %run_scoped3A_7[%rem3A_41] : memref<2x!tpu.dma_semaphore, #tpu.memory_space<semaphore_mem>> -> memref<1x!tpu.dma_semaphore, #tpu.memory_space<semaphore_mem>>
      %dma_start3A_50 = tpu.memref_squeeze %dma_start3A_49 : memref<1x!tpu.dma_semaphore, #tpu.memory_space<semaphore_mem>> -> memref<!tpu.dma_semaphore, #tpu.memory_space<semaphore_mem>>
      %dma_start3A_51 = arith.constant 0 : i32
      %dma_start3A_52 = arith.constant 0 : i32
      %dma_start3A_53 = tpu.memref_slice %run_scoped3A[%rem3A_41, %dma_start3A_51, %dma_start3A_52] : memref<2x1x128xi32, #tpu.memory_space<vmem>> -> memref<1x1x128xi32, #tpu.memory_space<vmem>>
      %dma_start3A_54 = tpu.memref_squeeze %dma_start3A_53 : memref<1x1x128xi32, #tpu.memory_space<vmem>> -> memref<1x128xi32, #tpu.memory_space<vmem>>
      %dma_start3A_55 = arith.constant 0 : i32
      %dma_start3A_56 = tpu.memref_slice %arg3[%dma_start3A_55, %mul3A_43] : memref<1x4096xi32, #tpu.memory_space<hbm>> -> memref<1x128xi32, #tpu.memory_space<hbm>>
      tpu.enqueue_dma source(%dma_start3A_56 : memref<1x128xi32, #tpu.memory_space<hbm>>) target(%dma_start3A_54 : memref<1x128xi32, #tpu.memory_space<vmem>>) target_semaphore(%dma_start3A_50 : memref<!tpu.dma_semaphore, #tpu.memory_space<semaphore_mem>>)
      %add3A_57 = arith.constant 0 : i32
      %add3A_58 = arith.constant 1 : i32
      %add3A_59 = arith.addi %add3A_57, %add3A_58 : i32
      %select_n3A_60 = arith.constant true
      %select_n3A_61 = arith.constant 0 : i32
      %select_n3A_62 = arith.select %select_n3A_60, %add3A_59, %select_n3A_61 : i32
      "tpu.trace_stop"() : () -> ()
      %scan3A = arith.constant 0 : i32
      %scan3A_63 = arith.constant 0 : i32
      %scan3A_64 = arith.constant 0 : i32
      %scan3A_65 = arith.constant 0 : i32
      %scan3A_66 = arith.constant 0 : i32
      %eq3A_67 = arith.constant 0 : i32
      %eq3A_68 = arith.cmpi eq, %scan3A_66, %eq3A_67 : i32
      %eq3A_69 = arith.constant 0 : i32
      %eq3A_70 = arith.cmpi eq, %scan3A_66, %eq3A_69 : i32
      %add3A_71 = arith.constant 0 : i32
      %add3A_72 = arith.addi %add3A_71, %mul3A_6 : i32
      %select_n3A_73 = arith.constant true
      %select_n3A_74 = arith.constant 0 : i32
      %select_n3A_75 = arith.constant -1 : i32
      %select_n3A_76 = arith.select %select_n3A_73, %select_n3A_75, %select_n3A_74 : i32
      %eq3A_77 = arith.constant -1 : i32
      %eq3A_78 = arith.cmpi eq, %select_n3A_76, %eq3A_77 : i32
      %select_n3A_79 = arith.constant 0 : i32
      %select_n3A_80 = arith.select %eq3A_78, %select_n3A_79, %select_n3A_76 : i32
      %add3A_81 = arith.constant 0 : i32
      %add3A_82 = arith.addi %add3A_81, %mul3A_6 : i32
      %select_n3A_83 = arith.constant true
      %select_n3A_84 = arith.constant 0 : i32
      %select_n3A_85 = arith.constant 1 : i32
      %select_n3A_86 = arith.select %select_n3A_83, %select_n3A_85, %select_n3A_84 : i32
      %eq3A_87 = arith.constant 1 : i32
      %eq3A_88 = arith.cmpi eq, %select_n3A_86, %eq3A_87 : i32
      %select_n3A_89 = arith.constant 0 : i32
      %select_n3A_90 = arith.select %eq3A_88, %select_n3A_89, %select_n3A_86 : i32
      %add3A_91 = arith.constant 0 : i32
      %add3A_92 = arith.addi %add3A_91, %mul3A_6 : i32
      %select_n3A_93 = arith.constant true
      %select_n3A_94 = arith.constant 0 : i32
      %select_n3A_95 = arith.constant 1 : i32
      %select_n3A_96 = arith.select %select_n3A_93, %select_n3A_95, %select_n3A_94 : i32
      %eq3A_97 = arith.constant 1 : i32
      %eq3A_98 = arith.cmpi eq, %select_n3A_96, %eq3A_97 : i32
      %select_n3A_99 = arith.constant 0 : i32
      %select_n3A_100 = arith.select %eq3A_98, %select_n3A_99, %select_n3A_96 : i32
      %add3A_101 = arith.constant 0 : i32
      %add3A_102 = arith.addi %add3A_101, %mul3A_6 : i32
      %ne3A = arith.cmpi ne, %add3A_72, %add3A_92 : i32
      %or3A = arith.constant false
      %or3A_103 = arith.ori %or3A, %ne3A : i1
      %ge3A = arith.constant 0 : i32
      %ge3A_104 = arith.cmpi sge, %scan3A_66, %ge3A : i32
      %not3A = arith.constant true
      %not3A_105 = arith.xori %ge3A_104, %not3A : i1
      %and3A = arith.andi %or3A_103, %not3A_105 : i1
      %convert_element_type3A = arith.extui %and3A : i1 to i32
      %cond3A = arith.constant 0 : i32
      %cond3A_106 = arith.cmpi ne, %convert_element_type3A, %cond3A : i32
      scf.if %cond3A_106 {
        "tpu.trace_start"() <{level = 10 : i32, message = "ep_copy_in"}> : () -> ()
        %rem3A_266 = arith.constant 2 : i32
        %rem3A_267 = arith.remui %select_n3A_62, %rem3A_266 : i32
        %mul3A_268 = arith.constant 128 : i32
        %mul3A_269 = arith.muli %mul3A_268, %add3A_92 : i32
        %dma_start3A_270 = arith.constant 0 : i32
        %dma_start3A_271 = arith.constant 0 : i32
        %dma_start3A_272 = tpu.memref_slice %run_scoped3A[%rem3A_267, %dma_start3A_270, %dma_start3A_271] : memref<2x1x128xi32, #tpu.memory_space<vmem>> -> memref<1x1x128xi32, #tpu.memory_space<vmem>>
        %dma_start3A_273 = tpu.memref_squeeze %dma_start3A_272 : memref<1x1x128xi32, #tpu.memory_space<vmem>> -> memref<1x128xi32, #tpu.memory_space<vmem>>
        %dma_start3A_274 = arith.constant 0 : i32
        %dma_start3A_275 = tpu.memref_slice %arg3[%dma_start3A_274, %mul3A_269] : memref<1x4096xi32, #tpu.memory_space<hbm>> -> memref<1x128xi32, #tpu.memory_space<hbm>>
        %dma_start3A_276 = tpu.memref_slice %run_scoped3A_7[%rem3A_267] : memref<2x!tpu.dma_semaphore, #tpu.memory_space<semaphore_mem>> -> memref<1x!tpu.dma_semaphore, #tpu.memory_space<semaphore_mem>>
        %dma_start3A_277 = tpu.memref_squeeze %dma_start3A_276 : memref<1x!tpu.dma_semaphore, #tpu.memory_space<semaphore_mem>> -> memref<!tpu.dma_semaphore, #tpu.memory_space<semaphore_mem>>
        %dma_start3A_278 = arith.constant 0 : i32
        %dma_start3A_279 = arith.constant 0 : i32
        %dma_start3A_280 = tpu.memref_slice %run_scoped3A[%rem3A_267, %dma_start3A_278, %dma_start3A_279] : memref<2x1x128xi32, #tpu.memory_space<vmem>> -> memref<1x1x128xi32, #tpu.memory_space<vmem>>
        %dma_start3A_281 = tpu.memref_squeeze %dma_start3A_280 : memref<1x1x128xi32, #tpu.memory_space<vmem>> -> memref<1x128xi32, #tpu.memory_space<vmem>>
        %dma_start3A_282 = arith.constant 0 : i32
        %dma_start3A_283 = tpu.memref_slice %arg3[%dma_start3A_282, %mul3A_269] : memref<1x4096xi32, #tpu.memory_space<hbm>> -> memref<1x128xi32, #tpu.memory_space<hbm>>
        tpu.enqueue_dma source(%dma_start3A_283 : memref<1x128xi32, #tpu.memory_space<hbm>>) target(%dma_start3A_281 : memref<1x128xi32, #tpu.memory_space<vmem>>) target_semaphore(%dma_start3A_277 : memref<!tpu.dma_semaphore, #tpu.memory_space<semaphore_mem>>)
        "tpu.trace_stop"() : () -> ()
      } else {
      }
      %and3A_107 = arith.constant true
      %and3A_108 = arith.andi %and3A, %and3A_107 : i1
      %add3A_109 = arith.constant 1 : i32
      %add3A_110 = arith.addi %select_n3A_62, %add3A_109 : i32
      %select_n3A_111 = arith.select %and3A_108, %add3A_110, %select_n3A_62 : i32
      %ne3A_112 = arith.cmpi ne, %add3A_72, %add3A_92 : i32
      %or3A_113 = arith.constant false
      %or3A_114 = arith.ori %or3A_113, %ne3A_112 : i1
      %or3A_115 = arith.constant false
      %or3A_116 = arith.ori %or3A_114, %or3A_115 : i1
      %ge3A_117 = arith.constant 0 : i32
      %ge3A_118 = arith.cmpi sge, %scan3A_66, %ge3A_117 : i32
      %not3A_119 = arith.constant true
      %not3A_120 = arith.xori %ge3A_118, %not3A_119 : i1
      %and3A_121 = arith.andi %or3A_116, %not3A_120 : i1
      %ne3A_122 = arith.cmpi ne, %add3A_72, %add3A_82 : i32
      %or3A_123 = arith.constant false
      %or3A_124 = arith.ori %or3A_123, %ne3A_122 : i1
      %or3A_125 = arith.ori %or3A_124, %eq3A_68 : i1
      %convert_element_type3A_126 = arith.extui %or3A_125 : i1 to i32
      %cond3A_127 = arith.constant 0 : i32
      %cond3A_128 = arith.cmpi ne, %convert_element_type3A_126, %cond3A_127 : i32
      scf.if %cond3A_128 {
        "tpu.trace_start"() <{level = 10 : i32, message = "ep_wait_in"}> : () -> ()
        %mul3A_266 = arith.constant 128 : i32
        %mul3A_267 = arith.muli %mul3A_266, %add3A_72 : i32
        %rem3A_268 = arith.constant 2 : i32
        %rem3A_269 = arith.remui %scan3A, %rem3A_268 : i32
        %dma_wait3A_270 = arith.constant 0 : i32
        %dma_wait3A_271 = arith.constant 0 : i32
        %dma_wait3A_272 = tpu.memref_slice %run_scoped3A[%rem3A_269, %dma_wait3A_270, %dma_wait3A_271] : memref<2x1x128xi32, #tpu.memory_space<vmem>> -> memref<1x1x128xi32, #tpu.memory_space<vmem>>
        %dma_wait3A_273 = tpu.memref_squeeze %dma_wait3A_272 : memref<1x1x128xi32, #tpu.memory_space<vmem>> -> memref<1x128xi32, #tpu.memory_space<vmem>>
        %dma_wait3A_274 = arith.constant 0 : i32
        %dma_wait3A_275 = tpu.memref_slice %arg3[%dma_wait3A_274, %mul3A_267] : memref<1x4096xi32, #tpu.memory_space<hbm>> -> memref<1x128xi32, #tpu.memory_space<hbm>>
        %dma_wait3A_276 = tpu.memref_slice %run_scoped3A_7[%rem3A_269] : memref<2x!tpu.dma_semaphore, #tpu.memory_space<semaphore_mem>> -> memref<1x!tpu.dma_semaphore, #tpu.memory_space<semaphore_mem>>
        %dma_wait3A_277 = tpu.memref_squeeze %dma_wait3A_276 : memref<1x!tpu.dma_semaphore, #tpu.memory_space<semaphore_mem>> -> memref<!tpu.dma_semaphore, #tpu.memory_space<semaphore_mem>>
        %dma_wait3A_278 = arith.constant 0 : i32
        %dma_wait3A_279 = arith.constant 0 : i32
        %dma_wait3A_280 = tpu.memref_slice %run_scoped3A[%rem3A_269, %dma_wait3A_278, %dma_wait3A_279] : memref<2x1x128xi32, #tpu.memory_space<vmem>> -> memref<1x1x128xi32, #tpu.memory_space<vmem>>
        %dma_wait3A_281 = tpu.memref_squeeze %dma_wait3A_280 : memref<1x1x128xi32, #tpu.memory_space<vmem>> -> memref<1x128xi32, #tpu.memory_space<vmem>>
        %dma_wait3A_282 = arith.constant 0 : i32
        %dma_wait3A_283 = tpu.memref_slice %arg3[%dma_wait3A_282, %mul3A_267] : memref<1x4096xi32, #tpu.memory_space<hbm>> -> memref<1x128xi32, #tpu.memory_space<hbm>>
        tpu.wait_dma2 semaphore(%dma_wait3A_277 : memref<!tpu.dma_semaphore, #tpu.memory_space<semaphore_mem>>) src(%dma_wait3A_283 : memref<1x128xi32, #tpu.memory_space<hbm>>) dst(%dma_wait3A_281 : memref<1x128xi32, #tpu.memory_space<vmem>>)
        "tpu.trace_stop"() : () -> ()
      } else {
      }
      %ne3A_129 = arith.cmpi ne, %add3A_72, %add3A_82 : i32
      %or3A_130 = arith.constant false
      %or3A_131 = arith.ori %or3A_130, %ne3A_129 : i1
      %or3A_132 = arith.constant false
      %or3A_133 = arith.ori %or3A_131, %or3A_132 : i1
      %or3A_134 = arith.ori %or3A_133, %eq3A_68 : i1
      %convert_element_type3A_135 = arith.extui %or3A_134 : i1 to i32
      %cond3A_136 = arith.constant 0 : i32
      %cond3A_137 = arith.cmpi ne, %convert_element_type3A_135, %cond3A_136 : i32
      scf.if %cond3A_137 {
      } else {
      }
      %rem3A_138 = arith.constant 2 : i32
      %rem3A_139 = arith.remui %scan3A, %rem3A_138 : i32
      %rem3A_140 = arith.constant 2 : i32
      %rem3A_141 = arith.remui %scan3A_63, %rem3A_140 : i32
      %run_scoped3A_142 = arith.constant 0 : i32
      "tpu.trace_start"() <{level = 10 : i32, message = "ep_run_kernel"}> : () -> ()
      "tpu.region"() ({
        %run_scoped3A_266 = tpu.sem_alloc : memref<!tpu.dma_semaphore, #tpu.memory_space<semaphore_mem>>
        %dma_start3A_267 = arith.constant 0 : i32
        %dma_start3A_268 = arith.constant 0 : i32
        %dma_start3A_269 = tpu.memref_slice %run_scoped3A_8[%rem3A_141, %dma_start3A_267, %dma_start3A_268] : memref<2x128x256xf32, #tpu.memory_space<vmem>> -> memref<1x128x256xf32, #tpu.memory_space<vmem>>
        %dma_start3A_270 = tpu.memref_squeeze %dma_start3A_269 : memref<1x128x256xf32, #tpu.memory_space<vmem>> -> memref<128x256xf32, #tpu.memory_space<vmem>>
        %dma_start3A_271 = arith.constant 0 : i32
        %dma_start3A_272 = arith.constant 0 : i32
        %dma_start3A_273 = tpu.memref_slice %run_scoped3A[%rem3A_139, %dma_start3A_271, %dma_start3A_272] : memref<2x1x128xi32, #tpu.memory_space<vmem>> -> memref<1x1x128xi32, #tpu.memory_space<vmem>>
        %dma_start3A_274 = tpu.memref_squeeze %dma_start3A_273 : memref<1x1x128xi32, #tpu.memory_space<vmem>> -> memref<1x128xi32, #tpu.memory_space<vmem>>
        %dma_start3A_275 = arith.constant 0 : i32
        %dma_start3A_276 = tpu.memref_slice %dma_start3A_274[%run_scoped3A_142, %dma_start3A_275] : memref<1x128xi32, #tpu.memory_space<vmem>> -> memref<1x128xi32, #tpu.memory_space<vmem>>
        %dma_start3A_277 = tpu.memref_squeeze %dma_start3A_276 : memref<1x128xi32, #tpu.memory_space<vmem>> -> memref<128xi32, #tpu.memory_space<vmem>>
        %dma_start3A_278 = arith.constant 0 : i32
        %dma_start3A_279 = arith.constant 0 : i32
        %dma_start3A_280 = tpu.memref_slice %arg2[%dma_start3A_278, %dma_start3A_279] : memref<65536x256xf32, #tpu.memory_space<hbm>> -> memref<65536x256xf32, #tpu.memory_space<hbm>>
        tpu.enqueue_indirect_dma source(%dma_start3A_280 : memref<65536x256xf32, #tpu.memory_space<hbm>>) target(%dma_start3A_270 : memref<128x256xf32, #tpu.memory_space<vmem>>) offsets(%dma_start3A_277 : memref<128xi32, #tpu.memory_space<vmem>>) semaphore(%run_scoped3A_266 : memref<!tpu.dma_semaphore, #tpu.memory_space<semaphore_mem>>)
        %dma_wait3A_281 = arith.constant 0 : i32
        %dma_wait3A_282 = arith.constant 0 : i32
        %dma_wait3A_283 = tpu.memref_slice %run_scoped3A_8[%rem3A_141, %dma_wait3A_281, %dma_wait3A_282] : memref<2x128x256xf32, #tpu.memory_space<vmem>> -> memref<1x128x256xf32, #tpu.memory_space<vmem>>
        %dma_wait3A_284 = tpu.memref_squeeze %dma_wait3A_283 : memref<1x128x256xf32, #tpu.memory_space<vmem>> -> memref<128x256xf32, #tpu.memory_space<vmem>>
        %dma_wait3A_285 = arith.constant 0 : i32
        %dma_wait3A_286 = arith.constant 0 : i32
        %dma_wait3A_287 = tpu.memref_slice %run_scoped3A[%rem3A_139, %dma_wait3A_285, %dma_wait3A_286] : memref<2x1x128xi32, #tpu.memory_space<vmem>> -> memref<1x1x128xi32, #tpu.memory_space<vmem>>
        %dma_wait3A_288 = tpu.memref_squeeze %dma_wait3A_287 : memref<1x1x128xi32, #tpu.memory_space<vmem>> -> memref<1x128xi32, #tpu.memory_space<vmem>>
        %dma_wait3A_289 = arith.constant 0 : i32
        %dma_wait3A_290 = tpu.memref_slice %dma_wait3A_288[%run_scoped3A_142, %dma_wait3A_289] : memref<1x128xi32, #tpu.memory_space<vmem>> -> memref<1x128xi32, #tpu.memory_space<vmem>>
        %dma_wait3A_291 = tpu.memref_squeeze %dma_wait3A_290 : memref<1x128xi32, #tpu.memory_space<vmem>> -> memref<128xi32, #tpu.memory_space<vmem>>
        %dma_wait3A_292 = arith.constant 0 : i32
        %dma_wait3A_293 = arith.constant 0 : i32
        %dma_wait3A_294 = tpu.memref_slice %arg2[%dma_wait3A_292, %dma_wait3A_293] : memref<65536x256xf32, #tpu.memory_space<hbm>> -> memref<65536x256xf32, #tpu.memory_space<hbm>>
        tpu.wait_indirect_dma semaphore(%run_scoped3A_266 : memref<!tpu.dma_semaphore, #tpu.memory_space<semaphore_mem>>) src(%dma_wait3A_294 : memref<65536x256xf32, #tpu.memory_space<hbm>>) dst(%dma_wait3A_284 : memref<128x256xf32, #tpu.memory_space<vmem>>)
        tpu.yield
      }) : () -> ()
      "tpu.trace_stop"() : () -> ()
      %ne3A_143 = arith.cmpi ne, %add3A_72, %add3A_92 : i32
      %or3A_144 = arith.constant false
      %or3A_145 = arith.ori %or3A_144, %ne3A_143 : i1
      %or3A_146 = arith.ori %or3A_145, %eq3A_70 : i1
      %convert_element_type3A_147 = arith.extui %or3A_146 : i1 to i32
      %cond3A_148 = arith.constant 0 : i32
      %cond3A_149 = arith.cmpi ne, %convert_element_type3A_147, %cond3A_148 : i32
      scf.if %cond3A_149 {
      } else {
      }
      %and3A_150 = arith.constant false
      %and3A_151 = arith.andi %or3A_146, %and3A_150 : i1
      %ne3A_152 = arith.cmpi ne, %add3A_72, %add3A_92 : i32
      %or3A_153 = arith.constant false
      %or3A_154 = arith.ori %or3A_153, %ne3A_152 : i1
      %or3A_155 = arith.constant false
      %or3A_156 = arith.ori %or3A_154, %or3A_155 : i1
      %or3A_157 = arith.ori %or3A_156, %eq3A_70 : i1
      %convert_element_type3A_158 = arith.extui %or3A_157 : i1 to i32
      %cond3A_159 = arith.constant 0 : i32
      %cond3A_160 = arith.cmpi ne, %convert_element_type3A_158, %cond3A_159 : i32
      scf.if %cond3A_160 {
        "tpu.trace_start"() <{level = 10 : i32, message = "ep_copy_out"}> : () -> ()
        %rem3A_266 = arith.constant 2 : i32
        %rem3A_267 = arith.remui %scan3A_63, %rem3A_266 : i32
        %mul3A_268 = arith.constant 128 : i32
        %mul3A_269 = arith.muli %mul3A_268, %add3A_72 : i32
        %dma_start3A_270 = arith.constant 0 : i32
        %dma_start3A_271 = arith.constant 0 : i32
        %dma_start3A_272 = tpu.memref_slice %run_scoped3A_8[%rem3A_267, %dma_start3A_270, %dma_start3A_271] : memref<2x128x256xf32, #tpu.memory_space<vmem>> -> memref<1x128x256xf32, #tpu.memory_space<vmem>>
        %dma_start3A_273 = tpu.memref_squeeze %dma_start3A_272 : memref<1x128x256xf32, #tpu.memory_space<vmem>> -> memref<128x256xf32, #tpu.memory_space<vmem>>
        %dma_start3A_274 = arith.constant 0 : i32
        %dma_start3A_275 = tpu.memref_slice %arg4[%mul3A_269, %dma_start3A_274] : memref<4096x256xf32, #tpu.memory_space<hbm>> -> memref<128x256xf32, #tpu.memory_space<hbm>>
        %dma_start3A_276 = tpu.memref_slice %run_scoped3A_9[%rem3A_267] : memref<2x!tpu.dma_semaphore, #tpu.memory_space<semaphore_mem>> -> memref<1x!tpu.dma_semaphore, #tpu.memory_space<semaphore_mem>>
        %dma_start3A_277 = tpu.memref_squeeze %dma_start3A_276 : memref<1x!tpu.dma_semaphore, #tpu.memory_space<semaphore_mem>> -> memref<!tpu.dma_semaphore, #tpu.memory_space<semaphore_mem>>
        %dma_start3A_278 = arith.constant 0 : i32
        %dma_start3A_279 = tpu.memref_slice %arg4[%mul3A_269, %dma_start3A_278] : memref<4096x256xf32, #tpu.memory_space<hbm>> -> memref<128x256xf32, #tpu.memory_space<hbm>>
        %dma_start3A_280 = arith.constant 0 : i32
        %dma_start3A_281 = arith.constant 0 : i32
        %dma_start3A_282 = tpu.memref_slice %run_scoped3A_8[%rem3A_267, %dma_start3A_280, %dma_start3A_281] : memref<2x128x256xf32, #tpu.memory_space<vmem>> -> memref<1x128x256xf32, #tpu.memory_space<vmem>>
        %dma_start3A_283 = tpu.memref_squeeze %dma_start3A_282 : memref<1x128x256xf32, #tpu.memory_space<vmem>> -> memref<128x256xf32, #tpu.memory_space<vmem>>
        tpu.enqueue_dma source(%dma_start3A_283 : memref<128x256xf32, #tpu.memory_space<vmem>>) target(%dma_start3A_279 : memref<128x256xf32, #tpu.memory_space<hbm>>) target_semaphore(%dma_start3A_277 : memref<!tpu.dma_semaphore, #tpu.memory_space<semaphore_mem>>)
        "tpu.trace_stop"() : () -> ()
      } else {
      }
      %and3A_161 = arith.constant true
      %and3A_162 = arith.andi %or3A_157, %and3A_161 : i1
      %add3A_163 = arith.constant 1 : i32
      %add3A_164 = arith.addi %scan3A_63, %add3A_163 : i32
      %select_n3A_165 = arith.select %and3A_162, %add3A_164, %scan3A_63 : i32
      %ne3A_166 = arith.cmpi ne, %add3A_72, %add3A_82 : i32
      %or3A_167 = arith.constant false
      %or3A_168 = arith.ori %or3A_167, %ne3A_166 : i1
      %not3A_169 = arith.constant true
      %not3A_170 = arith.xori %eq3A_68, %not3A_169 : i1
      %and3A_171 = arith.andi %or3A_168, %not3A_170 : i1
      %convert_element_type3A_172 = arith.extui %and3A_171 : i1 to i32
      %cond3A_173 = arith.constant 0 : i32
      %cond3A_174 = arith.cmpi ne, %convert_element_type3A_172, %cond3A_173 : i32
      scf.if %cond3A_174 {
      } else {
      }
      %and3A_175 = arith.constant false
      %and3A_176 = arith.andi %and3A_171, %and3A_175 : i1
      %ne3A_177 = arith.cmpi ne, %add3A_72, %add3A_82 : i32
      %or3A_178 = arith.constant false
      %or3A_179 = arith.ori %or3A_178, %ne3A_177 : i1
      %or3A_180 = arith.constant false
      %or3A_181 = arith.ori %or3A_179, %or3A_180 : i1
      %not3A_182 = arith.constant true
      %not3A_183 = arith.xori %eq3A_68, %not3A_182 : i1
      %and3A_184 = arith.andi %or3A_181, %not3A_183 : i1
      %convert_element_type3A_185 = arith.extui %and3A_184 : i1 to i32
      %cond3A_186 = arith.constant 0 : i32
      %cond3A_187 = arith.cmpi ne, %convert_element_type3A_185, %cond3A_186 : i32
      scf.if %cond3A_187 {
        "tpu.trace_start"() <{level = 10 : i32, message = "ep_wait_out"}> : () -> ()
        %rem3A_266 = arith.constant 2 : i32
        %rem3A_267 = arith.remui %scan3A_64, %rem3A_266 : i32
        %mul3A_268 = arith.constant 128 : i32
        %mul3A_269 = arith.muli %mul3A_268, %add3A_82 : i32
        %dma_wait3A_270 = arith.constant 0 : i32
        %dma_wait3A_271 = arith.constant 0 : i32
        %dma_wait3A_272 = tpu.memref_slice %run_scoped3A_8[%rem3A_267, %dma_wait3A_270, %dma_wait3A_271] : memref<2x128x256xf32, #tpu.memory_space<vmem>> -> memref<1x128x256xf32, #tpu.memory_space<vmem>>
        %dma_wait3A_273 = tpu.memref_squeeze %dma_wait3A_272 : memref<1x128x256xf32, #tpu.memory_space<vmem>> -> memref<128x256xf32, #tpu.memory_space<vmem>>
        %dma_wait3A_274 = arith.constant 0 : i32
        %dma_wait3A_275 = tpu.memref_slice %arg4[%mul3A_269, %dma_wait3A_274] : memref<4096x256xf32, #tpu.memory_space<hbm>> -> memref<128x256xf32, #tpu.memory_space<hbm>>
        %dma_wait3A_276 = tpu.memref_slice %run_scoped3A_9[%rem3A_267] : memref<2x!tpu.dma_semaphore, #tpu.memory_space<semaphore_mem>> -> memref<1x!tpu.dma_semaphore, #tpu.memory_space<semaphore_mem>>
        %dma_wait3A_277 = tpu.memref_squeeze %dma_wait3A_276 : memref<1x!tpu.dma_semaphore, #tpu.memory_space<semaphore_mem>> -> memref<!tpu.dma_semaphore, #tpu.memory_space<semaphore_mem>>
        %dma_wait3A_278 = arith.constant 0 : i32
        %dma_wait3A_279 = tpu.memref_slice %arg4[%mul3A_269, %dma_wait3A_278] : memref<4096x256xf32, #tpu.memory_space<hbm>> -> memref<128x256xf32, #tpu.memory_space<hbm>>
        %dma_wait3A_280 = arith.constant 0 : i32
        %dma_wait3A_281 = arith.constant 0 : i32
        %dma_wait3A_282 = tpu.memref_slice %run_scoped3A_8[%rem3A_267, %dma_wait3A_280, %dma_wait3A_281] : memref<2x128x256xf32, #tpu.memory_space<vmem>> -> memref<1x128x256xf32, #tpu.memory_space<vmem>>
        %dma_wait3A_283 = tpu.memref_squeeze %dma_wait3A_282 : memref<1x128x256xf32, #tpu.memory_space<vmem>> -> memref<128x256xf32, #tpu.memory_space<vmem>>
        tpu.wait_dma2 semaphore(%dma_wait3A_277 : memref<!tpu.dma_semaphore, #tpu.memory_space<semaphore_mem>>) src(%dma_wait3A_283 : memref<128x256xf32, #tpu.memory_space<vmem>>) dst(%dma_wait3A_279 : memref<128x256xf32, #tpu.memory_space<hbm>>)
        "tpu.trace_stop"() : () -> ()
      } else {
      }
      %and3A_188 = arith.constant true
      %and3A_189 = arith.andi %and3A_184, %and3A_188 : i1
      %add3A_190 = arith.constant 1 : i32
      %add3A_191 = arith.addi %scan3A_64, %add3A_190 : i32
      %select_n3A_192 = arith.select %and3A_189, %add3A_191, %scan3A_64 : i32
      %ne3A_193 = arith.cmpi ne, %add3A_72, %add3A_92 : i32
      %or3A_194 = arith.constant false
      %or3A_195 = arith.ori %or3A_194, %ne3A_193 : i1
      %or3A_196 = arith.ori %or3A_195, %eq3A_70 : i1
      %add3A_197 = arith.constant 1 : i32
      %add3A_198 = arith.addi %scan3A, %add3A_197 : i32
      %select_n3A_199 = arith.select %or3A_196, %add3A_198, %scan3A : i32
      %select_n3A_200 = arith.constant true
      %select_n3A_201 = arith.constant 0 : i32
      %select_n3A_202 = arith.constant 1 : i32
      %select_n3A_203 = arith.select %select_n3A_200, %select_n3A_202, %select_n3A_201 : i32
      %eq3A_204 = arith.constant 1 : i32
      %eq3A_205 = arith.cmpi eq, %select_n3A_203, %eq3A_204 : i32
      %select_n3A_206 = arith.constant 0 : i32
      %select_n3A_207 = arith.select %eq3A_205, %select_n3A_206, %select_n3A_203 : i32
      %scan3A_208 = arith.constant 0 : i32
      %scan3A_209 = arith.constant 1 : i32
      %sub3A = arith.constant 1 : i32
      %sub3A_210 = arith.subi %scan3A_208, %sub3A : i32
      %select_n3A_211 = arith.constant true
      %select_n3A_212 = arith.select %select_n3A_211, %sub3A_210, %scan3A_208 : i32
      %eq3A_213 = arith.constant -1 : i32
      %eq3A_214 = arith.cmpi eq, %select_n3A_212, %eq3A_213 : i32
      %select_n3A_215 = arith.constant 0 : i32
      %select_n3A_216 = arith.select %eq3A_214, %select_n3A_215, %select_n3A_212 : i32
      %add3A_217 = arith.constant 0 : i32
      %add3A_218 = arith.addi %add3A_217, %mul3A_6 : i32
      %select_n3A_219 = arith.constant true
      %select_n3A_220 = arith.constant 0 : i32
      %select_n3A_221 = arith.constant -1 : i32
      %select_n3A_222 = arith.select %select_n3A_219, %select_n3A_221, %select_n3A_220 : i32
      %eq3A_223 = arith.constant -1 : i32
      %eq3A_224 = arith.cmpi eq, %select_n3A_222, %eq3A_223 : i32
      %select_n3A_225 = arith.constant 0 : i32
      %select_n3A_226 = arith.select %eq3A_224, %select_n3A_225, %select_n3A_222 : i32
      %add3A_227 = arith.constant 0 : i32
      %add3A_228 = arith.addi %add3A_227, %mul3A_6 : i32
      %select_n3A_229 = arith.constant true
      %select_n3A_230 = arith.constant 0 : i32
      %select_n3A_231 = arith.constant 1 : i32
      %select_n3A_232 = arith.select %select_n3A_229, %select_n3A_231, %select_n3A_230 : i32
      %eq3A_233 = arith.constant 1 : i32
      %eq3A_234 = arith.cmpi eq, %select_n3A_232, %eq3A_233 : i32
      %select_n3A_235 = arith.constant 0 : i32
      %select_n3A_236 = arith.select %eq3A_234, %select_n3A_235, %select_n3A_232 : i32
      %add3A_237 = arith.constant 0 : i32
      %add3A_238 = arith.addi %add3A_237, %mul3A_6 : i32
      %select_n3A_239 = arith.constant true
      %select_n3A_240 = arith.constant 0 : i32
      %select_n3A_241 = arith.constant 1 : i32
      %select_n3A_242 = arith.select %select_n3A_239, %select_n3A_241, %select_n3A_240 : i32
      %eq3A_243 = arith.constant 1 : i32
      %eq3A_244 = arith.cmpi eq, %select_n3A_242, %eq3A_243 : i32
      %select_n3A_245 = arith.constant 0 : i32
      %select_n3A_246 = arith.select %eq3A_244, %select_n3A_245, %select_n3A_242 : i32
      %add3A_247 = arith.constant 0 : i32
      %add3A_248 = arith.addi %add3A_247, %mul3A_6 : i32
      "tpu.trace_start"() <{level = 10 : i32, message = "ep_finalize"}> : () -> ()
      %rem3A_249 = arith.constant 2 : i32
      %rem3A_250 = arith.remui %select_n3A_192, %rem3A_249 : i32
      %mul3A_251 = arith.constant 128 : i32
      %mul3A_252 = arith.muli %mul3A_251, %add3A_218 : i32
      %dma_wait3A = arith.constant 0 : i32
      %dma_wait3A_253 = arith.constant 0 : i32
      %dma_wait3A_254 = tpu.memref_slice %run_scoped3A_8[%rem3A_250, %dma_wait3A, %dma_wait3A_253] : memref<2x128x256xf32, #tpu.memory_space<vmem>> -> memref<1x128x256xf32, #tpu.memory_space<vmem>>
      %dma_wait3A_255 = tpu.memref_squeeze %dma_wait3A_254 : memref<1x128x256xf32, #tpu.memory_space<vmem>> -> memref<128x256xf32, #tpu.memory_space<vmem>>
      %dma_wait3A_256 = arith.constant 0 : i32
      %dma_wait3A_257 = tpu.memref_slice %arg4[%mul3A_252, %dma_wait3A_256] : memref<4096x256xf32, #tpu.memory_space<hbm>> -> memref<128x256xf32, #tpu.memory_space<hbm>>
      %dma_wait3A_258 = tpu.memref_slice %run_scoped3A_9[%rem3A_250] : memref<2x!tpu.dma_semaphore, #tpu.memory_space<semaphore_mem>> -> memref<1x!tpu.dma_semaphore, #tpu.memory_space<semaphore_mem>>
      %dma_wait3A_259 = tpu.memref_squeeze %dma_wait3A_258 : memref<1x!tpu.dma_semaphore, #tpu.memory_space<semaphore_mem>> -> memref<!tpu.dma_semaphore, #tpu.memory_space<semaphore_mem>>
      %dma_wait3A_260 = arith.constant 0 : i32
      %dma_wait3A_261 = tpu.memref_slice %arg4[%mul3A_252, %dma_wait3A_260] : memref<4096x256xf32, #tpu.memory_space<hbm>> -> memref<128x256xf32, #tpu.memory_space<hbm>>
      %dma_wait3A_262 = arith.constant 0 : i32
      %dma_wait3A_263 = arith.constant 0 : i32
      %dma_wait3A_264 = tpu.memref_slice %run_scoped3A_8[%rem3A_250, %dma_wait3A_262, %dma_wait3A_263] : memref<2x128x256xf32, #tpu.memory_space<vmem>> -> memref<1x128x256xf32, #tpu.memory_space<vmem>>
      %dma_wait3A_265 = tpu.memref_squeeze %dma_wait3A_264 : memref<1x128x256xf32, #tpu.memory_space<vmem>> -> memref<128x256xf32, #tpu.memory_space<vmem>>
      tpu.wait_dma2 semaphore(%dma_wait3A_259 : memref<!tpu.dma_semaphore, #tpu.memory_space<semaphore_mem>>) src(%dma_wait3A_265 : memref<128x256xf32, #tpu.memory_space<vmem>>) dst(%dma_wait3A_261 : memref<128x256xf32, #tpu.memory_space<hbm>>)
      "tpu.trace_stop"() : () -> ()
      tpu.yield
    }) : () -> ()
    return
  }
}

module attributes {stable_mosaic.version = 14 : i64} {
  func.func @_score_select_body(%arg0: i32, %arg1: memref<1x2048x512xf32, #tpu.memory_space<vmem>>, %arg2: memref<1x2048x1xf32, #tpu.memory_space<vmem>>, %arg3: memref<512x256xf32, #tpu.memory_space<vmem>>, %arg4: memref<1x256xf32, #tpu.memory_space<vmem>>, %arg5: memref<1x256xf32, #tpu.memory_space<vmem>>, %arg6: memref<1x256xf32, #tpu.memory_space<vmem>>, %arg7: memref<1x256xf32, #tpu.memory_space<vmem>>, %arg8: memref<256x128xf32, #tpu.memory_space<vmem>>, %arg9: memref<1x128xf32, #tpu.memory_space<vmem>>, %arg10: memref<1x128xf32, #tpu.memory_space<vmem>>, %arg11: memref<1x128xf32, #tpu.memory_space<vmem>>, %arg12: memref<128x64xf32, #tpu.memory_space<vmem>>, %arg13: memref<1x64xf32, #tpu.memory_space<vmem>>, %arg14: memref<1x64xf32, #tpu.memory_space<vmem>>, %arg15: memref<1x64xf32, #tpu.memory_space<vmem>>, %arg16: memref<1x64xf32, #tpu.memory_space<vmem>>, %arg17: memref<1x1xf32, #tpu.memory_space<vmem>>, %arg18: memref<16x2048xf32, #tpu.memory_space<vmem>>, %arg19: memref<2048x2048xbf16, #tpu.memory_space<vmem>>, %arg20: memref<16x128xi32, #tpu.memory_space<vmem>>, %arg21: memref<16x128xf32, #tpu.memory_space<vmem>>, %arg22: memref<2048x16xf32, #tpu.memory_space<vmem>>) attributes {dimension_semantics = [#tpu.dimension_semantics<arbitrary>], iteration_bounds = array<i64: 16>, scalar_prefetch = 0 : i64, scratch_operands = 1 : i64, tpu.core_type = #tpu.core_type<tc>, window_params = [{transform_indices = @transform_0, window_bounds = array<i64: 1, 2048, 512>}, {transform_indices = @transform_1, window_bounds = array<i64: 1, 2048, 1>}, {pipeline_mode = #tpu.pipeline_mode<synchronous>, transform_indices = @transform_2, window_bounds = array<i64: 512, 256>}, {pipeline_mode = #tpu.pipeline_mode<synchronous>, transform_indices = @transform_3, window_bounds = array<i64: 1, 256>}, {pipeline_mode = #tpu.pipeline_mode<synchronous>, transform_indices = @transform_4, window_bounds = array<i64: 1, 256>}, {pipeline_mode = #tpu.pipeline_mode<synchronous>, transform_indices = @transform_5, window_bounds = array<i64: 1, 256>}, {pipeline_mode = #tpu.pipeline_mode<synchronous>, transform_indices = @transform_6, window_bounds = array<i64: 1, 256>}, {pipeline_mode = #tpu.pipeline_mode<synchronous>, transform_indices = @transform_7, window_bounds = array<i64: 256, 128>}, {pipeline_mode = #tpu.pipeline_mode<synchronous>, transform_indices = @transform_8, window_bounds = array<i64: 1, 128>}, {pipeline_mode = #tpu.pipeline_mode<synchronous>, transform_indices = @transform_9, window_bounds = array<i64: 1, 128>}, {pipeline_mode = #tpu.pipeline_mode<synchronous>, transform_indices = @transform_10, window_bounds = array<i64: 1, 128>}, {pipeline_mode = #tpu.pipeline_mode<synchronous>, transform_indices = @transform_11, window_bounds = array<i64: 128, 64>}, {pipeline_mode = #tpu.pipeline_mode<synchronous>, transform_indices = @transform_12, window_bounds = array<i64: 1, 64>}, {pipeline_mode = #tpu.pipeline_mode<synchronous>, transform_indices = @transform_13, window_bounds = array<i64: 1, 64>}, {pipeline_mode = #tpu.pipeline_mode<synchronous>, transform_indices = @transform_14, window_bounds = array<i64: 1, 64>}, {pipeline_mode = #tpu.pipeline_mode<synchronous>, transform_indices = @transform_15, window_bounds = array<i64: 1, 64>}, {pipeline_mode = #tpu.pipeline_mode<synchronous>, transform_indices = @transform_16, window_bounds = array<i64: 1, 1>}, {pipeline_mode = #tpu.pipeline_mode<synchronous>, transform_indices = @transform_17, window_bounds = array<i64: 16, 2048>}, {pipeline_mode = #tpu.pipeline_mode<synchronous>, transform_indices = @transform_18, window_bounds = array<i64: 2048, 2048>}, {pipeline_mode = #tpu.pipeline_mode<synchronous>, transform_indices = @transform_19, window_bounds = array<i64: 16, 128>}, {pipeline_mode = #tpu.pipeline_mode<synchronous>, transform_indices = @transform_20, window_bounds = array<i64: 16, 128>}]} {
    %get3A = arith.constant 0 : index
    %get3A_0 = arith.constant 0 : index
    %get3A_1 = arith.constant 0 : index
    %get3A_2 = vector.load %arg1[%get3A, %get3A_0, %get3A_1] : memref<1x2048x512xf32, #tpu.memory_space<vmem>>, vector<1x2048x512xf32>
    %get3A_3 = vector.shape_cast %get3A_2 : vector<1x2048x512xf32> to vector<2048x512xf32>
    %get3A_4 = arith.constant 0 : index
    %get3A_5 = arith.constant 0 : index
    %get3A_6 = arith.constant 0 : index
    %get3A_7 = vector.load %arg2[%get3A_4, %get3A_5, %get3A_6] : memref<1x2048x1xf32, #tpu.memory_space<vmem>>, vector<1x2048x1xf32>
    %get3A_8 = vector.shape_cast %get3A_7 : vector<1x2048x1xf32> to vector<2048x1xf32>
    %get3A_9 = arith.constant 0 : index
    %get3A_10 = arith.constant 0 : index
    %get3A_11 = vector.load %arg3[%get3A_9, %get3A_10] : memref<512x256xf32, #tpu.memory_space<vmem>>, vector<512x256xf32>
    %dot_general3A = arith.constant dense<0.000000e+00> : vector<2048x256xf32>
    %dot_general3A_12 = tpu.matmul %get3A_3, %get3A_11, %dot_general3A {dimension_numbers = #tpu.dot_dimension_numbers<[1], [0], [0], [1], [0, 0, 1, 1], [], []>, transpose_lhs_hint = false} : vector<2048x512xf32>, vector<512x256xf32>, vector<2048x256xf32> -> vector<2048x256xf32>
    %get3A_13 = arith.constant 0 : index
    %get3A_14 = arith.constant 0 : index
    %get3A_15 = vector.load %arg4[%get3A_13, %get3A_14] : memref<1x256xf32, #tpu.memory_space<vmem>>, vector<1x256xf32>
    %mul3A = vector.broadcast %get3A_8 : vector<2048x1xf32> to vector<2048x256xf32>
    %mul3A_16 = vector.broadcast %get3A_15 : vector<1x256xf32> to vector<2048x256xf32>
    %mul3A_17 = arith.mulf %mul3A, %mul3A_16 : vector<2048x256xf32>
    %add3A = arith.addf %dot_general3A_12, %mul3A_17 : vector<2048x256xf32>
    %get3A_18 = arith.constant 0 : index
    %get3A_19 = arith.constant 0 : index
    %get3A_20 = vector.load %arg5[%get3A_18, %get3A_19] : memref<1x256xf32, #tpu.memory_space<vmem>>, vector<1x256xf32>
    %add3A_21 = vector.broadcast %get3A_20 : vector<1x256xf32> to vector<2048x256xf32>
    %add3A_22 = arith.addf %add3A, %add3A_21 : vector<2048x256xf32>
    %get3A_23 = arith.constant 0 : index
    %get3A_24 = arith.constant 0 : index
    %get3A_25 = vector.load %arg6[%get3A_23, %get3A_24] : memref<1x256xf32, #tpu.memory_space<vmem>>, vector<1x256xf32>
    %get3A_26 = arith.constant 0 : index
    %get3A_27 = arith.constant 0 : index
    %get3A_28 = vector.load %arg7[%get3A_26, %get3A_27] : memref<1x256xf32, #tpu.memory_space<vmem>>, vector<1x256xf32>
    %reduce_sum3A = arith.constant dense<0.000000e+00> : vector<2048xf32>
    %reduce_sum3A_29 = vector.multi_reduction <add>, %add3A_22, %reduce_sum3A [1] : vector<2048x256xf32> to vector<2048xf32>
    %broadcast_in_dim3A = vector.shape_cast %reduce_sum3A_29 : vector<2048xf32> to vector<2048x1xf32>
    %div3A = arith.constant 2.560000e+02 : f32
    %div3A_30 = vector.broadcast %div3A : f32 to vector<2048x1xf32>
    %div3A_31 = arith.divf %broadcast_in_dim3A, %div3A_30 : vector<2048x1xf32>
    %sub3A = vector.broadcast %div3A_31 : vector<2048x1xf32> to vector<2048x256xf32>
    %sub3A_32 = arith.subf %add3A_22, %sub3A : vector<2048x256xf32>
    %integer_pow3A = arith.mulf %sub3A_32, %sub3A_32 : vector<2048x256xf32>
    %reduce_sum3A_33 = arith.constant dense<0.000000e+00> : vector<2048xf32>
    %reduce_sum3A_34 = vector.multi_reduction <add>, %integer_pow3A, %reduce_sum3A_33 [1] : vector<2048x256xf32> to vector<2048xf32>
    %broadcast_in_dim3A_35 = vector.shape_cast %reduce_sum3A_34 : vector<2048xf32> to vector<2048x1xf32>
    %div3A_36 = arith.constant 2.560000e+02 : f32
    %div3A_37 = vector.broadcast %div3A_36 : f32 to vector<2048x1xf32>
    %div3A_38 = arith.divf %broadcast_in_dim3A_35, %div3A_37 : vector<2048x1xf32>
    %sub3A_39 = vector.broadcast %div3A_31 : vector<2048x1xf32> to vector<2048x256xf32>
    %sub3A_40 = arith.subf %add3A_22, %sub3A_39 : vector<2048x256xf32>
    %add3A_41 = arith.constant 9.99999974E-6 : f32
    %add3A_42 = vector.broadcast %add3A_41 : f32 to vector<2048x1xf32>
    %add3A_43 = arith.addf %div3A_38, %add3A_42 : vector<2048x1xf32>
    %sqrt3A = math.sqrt %add3A_43 : vector<2048x1xf32>
    %div3A_44 = vector.broadcast %sqrt3A : vector<2048x1xf32> to vector<2048x256xf32>
    %div3A_45 = arith.divf %sub3A_40, %div3A_44 : vector<2048x256xf32>
    %mul3A_46 = vector.broadcast %get3A_25 : vector<1x256xf32> to vector<2048x256xf32>
    %mul3A_47 = arith.mulf %div3A_45, %mul3A_46 : vector<2048x256xf32>
    %add3A_48 = vector.broadcast %get3A_28 : vector<1x256xf32> to vector<2048x256xf32>
    %add3A_49 = arith.addf %mul3A_47, %add3A_48 : vector<2048x256xf32>
    %max3A = arith.constant 0.000000e+00 : f32
    %max3A_50 = vector.broadcast %max3A : f32 to vector<2048x256xf32>
    %max3A_51 = arith.maximumf %add3A_49, %max3A_50 : vector<2048x256xf32>
    %get3A_52 = arith.constant 0 : index
    %get3A_53 = arith.constant 0 : index
    %get3A_54 = vector.load %arg8[%get3A_52, %get3A_53] : memref<256x128xf32, #tpu.memory_space<vmem>>, vector<256x128xf32>
    %dot_general3A_55 = arith.constant dense<0.000000e+00> : vector<2048x128xf32>
    %dot_general3A_56 = tpu.matmul %max3A_51, %get3A_54, %dot_general3A_55 {dimension_numbers = #tpu.dot_dimension_numbers<[1], [0], [0], [1], [0, 0, 1, 1], [], []>, transpose_lhs_hint = false} : vector<2048x256xf32>, vector<256x128xf32>, vector<2048x128xf32> -> vector<2048x128xf32>
    %get3A_57 = arith.constant 0 : index
    %get3A_58 = arith.constant 0 : index
    %get3A_59 = vector.load %arg9[%get3A_57, %get3A_58] : memref<1x128xf32, #tpu.memory_space<vmem>>, vector<1x128xf32>
    %add3A_60 = vector.broadcast %get3A_59 : vector<1x128xf32> to vector<2048x128xf32>
    %add3A_61 = arith.addf %dot_general3A_56, %add3A_60 : vector<2048x128xf32>
    %get3A_62 = arith.constant 0 : index
    %get3A_63 = arith.constant 0 : index
    %get3A_64 = vector.load %arg10[%get3A_62, %get3A_63] : memref<1x128xf32, #tpu.memory_space<vmem>>, vector<1x128xf32>
    %get3A_65 = arith.constant 0 : index
    %get3A_66 = arith.constant 0 : index
    %get3A_67 = vector.load %arg11[%get3A_65, %get3A_66] : memref<1x128xf32, #tpu.memory_space<vmem>>, vector<1x128xf32>
    %reduce_sum3A_68 = arith.constant dense<0.000000e+00> : vector<2048xf32>
    %reduce_sum3A_69 = vector.multi_reduction <add>, %add3A_61, %reduce_sum3A_68 [1] : vector<2048x128xf32> to vector<2048xf32>
    %broadcast_in_dim3A_70 = vector.shape_cast %reduce_sum3A_69 : vector<2048xf32> to vector<2048x1xf32>
    %div3A_71 = arith.constant 1.280000e+02 : f32
    %div3A_72 = vector.broadcast %div3A_71 : f32 to vector<2048x1xf32>
    %div3A_73 = arith.divf %broadcast_in_dim3A_70, %div3A_72 : vector<2048x1xf32>
    %sub3A_74 = vector.broadcast %div3A_73 : vector<2048x1xf32> to vector<2048x128xf32>
    %sub3A_75 = arith.subf %add3A_61, %sub3A_74 : vector<2048x128xf32>
    %integer_pow3A_76 = arith.mulf %sub3A_75, %sub3A_75 : vector<2048x128xf32>
    %reduce_sum3A_77 = arith.constant dense<0.000000e+00> : vector<2048xf32>
    %reduce_sum3A_78 = vector.multi_reduction <add>, %integer_pow3A_76, %reduce_sum3A_77 [1] : vector<2048x128xf32> to vector<2048xf32>
    %broadcast_in_dim3A_79 = vector.shape_cast %reduce_sum3A_78 : vector<2048xf32> to vector<2048x1xf32>
    %div3A_80 = arith.constant 1.280000e+02 : f32
    %div3A_81 = vector.broadcast %div3A_80 : f32 to vector<2048x1xf32>
    %div3A_82 = arith.divf %broadcast_in_dim3A_79, %div3A_81 : vector<2048x1xf32>
    %sub3A_83 = vector.broadcast %div3A_73 : vector<2048x1xf32> to vector<2048x128xf32>
    %sub3A_84 = arith.subf %add3A_61, %sub3A_83 : vector<2048x128xf32>
    %add3A_85 = arith.constant 9.99999974E-6 : f32
    %add3A_86 = vector.broadcast %add3A_85 : f32 to vector<2048x1xf32>
    %add3A_87 = arith.addf %div3A_82, %add3A_86 : vector<2048x1xf32>
    %sqrt3A_88 = math.sqrt %add3A_87 : vector<2048x1xf32>
    %div3A_89 = vector.broadcast %sqrt3A_88 : vector<2048x1xf32> to vector<2048x128xf32>
    %div3A_90 = arith.divf %sub3A_84, %div3A_89 : vector<2048x128xf32>
    %mul3A_91 = vector.broadcast %get3A_64 : vector<1x128xf32> to vector<2048x128xf32>
    %mul3A_92 = arith.mulf %div3A_90, %mul3A_91 : vector<2048x128xf32>
    %add3A_93 = vector.broadcast %get3A_67 : vector<1x128xf32> to vector<2048x128xf32>
    %add3A_94 = arith.addf %mul3A_92, %add3A_93 : vector<2048x128xf32>
    %max3A_95 = arith.constant 0.000000e+00 : f32
    %max3A_96 = vector.broadcast %max3A_95 : f32 to vector<2048x128xf32>
    %max3A_97 = arith.maximumf %add3A_94, %max3A_96 : vector<2048x128xf32>
    %get3A_98 = arith.constant 0 : index
    %get3A_99 = arith.constant 0 : index
    %get3A_100 = vector.load %arg12[%get3A_98, %get3A_99] : memref<128x64xf32, #tpu.memory_space<vmem>>, vector<128x64xf32>
    %dot_general3A_101 = arith.constant dense<0.000000e+00> : vector<2048x64xf32>
    %dot_general3A_102 = tpu.matmul %max3A_97, %get3A_100, %dot_general3A_101 {dimension_numbers = #tpu.dot_dimension_numbers<[1], [0], [0], [1], [0, 0, 1, 1], [], []>, transpose_lhs_hint = false} : vector<2048x128xf32>, vector<128x64xf32>, vector<2048x64xf32> -> vector<2048x64xf32>
    %get3A_103 = arith.constant 0 : index
    %get3A_104 = arith.constant 0 : index
    %get3A_105 = vector.load %arg13[%get3A_103, %get3A_104] : memref<1x64xf32, #tpu.memory_space<vmem>>, vector<1x64xf32>
    %add3A_106 = vector.broadcast %get3A_105 : vector<1x64xf32> to vector<2048x64xf32>
    %add3A_107 = arith.addf %dot_general3A_102, %add3A_106 : vector<2048x64xf32>
    %get3A_108 = arith.constant 0 : index
    %get3A_109 = arith.constant 0 : index
    %get3A_110 = vector.load %arg14[%get3A_108, %get3A_109] : memref<1x64xf32, #tpu.memory_space<vmem>>, vector<1x64xf32>
    %get3A_111 = arith.constant 0 : index
    %get3A_112 = arith.constant 0 : index
    %get3A_113 = vector.load %arg15[%get3A_111, %get3A_112] : memref<1x64xf32, #tpu.memory_space<vmem>>, vector<1x64xf32>
    %reduce_sum3A_114 = arith.constant dense<0.000000e+00> : vector<2048xf32>
    %reduce_sum3A_115 = vector.multi_reduction <add>, %add3A_107, %reduce_sum3A_114 [1] : vector<2048x64xf32> to vector<2048xf32>
    %broadcast_in_dim3A_116 = vector.shape_cast %reduce_sum3A_115 : vector<2048xf32> to vector<2048x1xf32>
    %div3A_117 = arith.constant 6.400000e+01 : f32
    %div3A_118 = vector.broadcast %div3A_117 : f32 to vector<2048x1xf32>
    %div3A_119 = arith.divf %broadcast_in_dim3A_116, %div3A_118 : vector<2048x1xf32>
    %sub3A_120 = vector.broadcast %div3A_119 : vector<2048x1xf32> to vector<2048x64xf32>
    %sub3A_121 = arith.subf %add3A_107, %sub3A_120 : vector<2048x64xf32>
    %integer_pow3A_122 = arith.mulf %sub3A_121, %sub3A_121 : vector<2048x64xf32>
    %reduce_sum3A_123 = arith.constant dense<0.000000e+00> : vector<2048xf32>
    %reduce_sum3A_124 = vector.multi_reduction <add>, %integer_pow3A_122, %reduce_sum3A_123 [1] : vector<2048x64xf32> to vector<2048xf32>
    %broadcast_in_dim3A_125 = vector.shape_cast %reduce_sum3A_124 : vector<2048xf32> to vector<2048x1xf32>
    %div3A_126 = arith.constant 6.400000e+01 : f32
    %div3A_127 = vector.broadcast %div3A_126 : f32 to vector<2048x1xf32>
    %div3A_128 = arith.divf %broadcast_in_dim3A_125, %div3A_127 : vector<2048x1xf32>
    %sub3A_129 = vector.broadcast %div3A_119 : vector<2048x1xf32> to vector<2048x64xf32>
    %sub3A_130 = arith.subf %add3A_107, %sub3A_129 : vector<2048x64xf32>
    %add3A_131 = arith.constant 9.99999974E-6 : f32
    %add3A_132 = vector.broadcast %add3A_131 : f32 to vector<2048x1xf32>
    %add3A_133 = arith.addf %div3A_128, %add3A_132 : vector<2048x1xf32>
    %sqrt3A_134 = math.sqrt %add3A_133 : vector<2048x1xf32>
    %div3A_135 = vector.broadcast %sqrt3A_134 : vector<2048x1xf32> to vector<2048x64xf32>
    %div3A_136 = arith.divf %sub3A_130, %div3A_135 : vector<2048x64xf32>
    %mul3A_137 = vector.broadcast %get3A_110 : vector<1x64xf32> to vector<2048x64xf32>
    %mul3A_138 = arith.mulf %div3A_136, %mul3A_137 : vector<2048x64xf32>
    %add3A_139 = vector.broadcast %get3A_113 : vector<1x64xf32> to vector<2048x64xf32>
    %add3A_140 = arith.addf %mul3A_138, %add3A_139 : vector<2048x64xf32>
    %max3A_141 = arith.constant 0.000000e+00 : f32
    %max3A_142 = vector.broadcast %max3A_141 : f32 to vector<2048x64xf32>
    %max3A_143 = arith.maximumf %add3A_140, %max3A_142 : vector<2048x64xf32>
    %get3A_144 = arith.constant 0 : index
    %get3A_145 = arith.constant 0 : index
    %get3A_146 = vector.load %arg16[%get3A_144, %get3A_145] : memref<1x64xf32, #tpu.memory_space<vmem>>, vector<1x64xf32>
    %mul3A_147 = vector.broadcast %get3A_146 : vector<1x64xf32> to vector<2048x64xf32>
    %mul3A_148 = arith.mulf %max3A_143, %mul3A_147 : vector<2048x64xf32>
    %reduce_sum3A_149 = arith.constant dense<0.000000e+00> : vector<2048xf32>
    %reduce_sum3A_150 = vector.multi_reduction <add>, %mul3A_148, %reduce_sum3A_149 [1] : vector<2048x64xf32> to vector<2048xf32>
    %broadcast_in_dim3A_151 = vector.shape_cast %reduce_sum3A_150 : vector<2048xf32> to vector<2048x1xf32>
    %get3A_152 = arith.constant 0 : index
    %get3A_153 = arith.constant 0 : index
    %get3A_154 = vector.load %arg17[%get3A_152, %get3A_153] : memref<1x1xf32, #tpu.memory_space<vmem>>, vector<1x1xf32>
    %get3A_155 = vector.extract %get3A_154[0, 0] : f32 from vector<1x1xf32>
    %add3A_156 = vector.broadcast %get3A_155 : f32 to vector<2048x1xf32>
    %add3A_157 = arith.addf %broadcast_in_dim3A_151, %add3A_156 : vector<2048x1xf32>
    %logistic3A = arith.negf %add3A_157 : vector<2048x1xf32>
    %logistic3A_158 = math.exp %logistic3A : vector<2048x1xf32>
    %logistic3A_159 = arith.constant 1.000000e+00 : f32
    %logistic3A_160 = vector.broadcast %logistic3A_159 : f32 to vector<2048x1xf32>
    %logistic3A_161 = arith.addf %logistic3A_160, %logistic3A_158 : vector<2048x1xf32>
    %logistic3A_162 = arith.divf %logistic3A_160, %logistic3A_161 : vector<2048x1xf32>
    %eq3A = arith.constant 0 : i32
    %eq3A_163 = arith.cmpi eq, %arg0, %eq3A : i32
    %convert_element_type3A = arith.extui %eq3A_163 : i1 to i32
    %cond3A = arith.constant 0 : i32
    %cond3A_164 = arith.cmpi ne, %convert_element_type3A, %cond3A : i32
    scf.if %cond3A_164 {
      %swap3A = arith.constant 0 : index
      %swap3A_245 = arith.constant 0 : index
      %swap3A_246 = vector.load %arg22[%swap3A, %swap3A_245] : memref<2048x16xf32, #tpu.memory_space<vmem>>, vector<2048x1xf32>
      tpu.vector_store %arg22[%swap3A, %swap3A_245], %logistic3A_162 {strides = array<i32>} : memref<2048x16xf32, #tpu.memory_space<vmem>>, vector<2048x1xf32>,
    } else {
    }
    %eq3A_165 = arith.constant 1 : i32
    %eq3A_166 = arith.cmpi eq, %arg0, %eq3A_165 : i32
    %convert_element_type3A_167 = arith.extui %eq3A_166 : i1 to i32
    %cond3A_168 = arith.constant 0 : i32
    %cond3A_169 = arith.cmpi ne, %convert_element_type3A_167, %cond3A_168 : i32
    scf.if %cond3A_169 {
      %swap3A = arith.constant 0 : index
      %swap3A_245 = arith.constant 1 : index
      %swap3A_246 = vector.load %arg22[%swap3A, %swap3A_245] : memref<2048x16xf32, #tpu.memory_space<vmem>>, vector<2048x1xf32>
      tpu.vector_store %arg22[%swap3A, %swap3A_245], %logistic3A_162 {strides = array<i32>} : memref<2048x16xf32, #tpu.memory_space<vmem>>, vector<2048x1xf32>,
    } else {
    }
    %eq3A_170 = arith.constant 2 : i32
    %eq3A_171 = arith.cmpi eq, %arg0, %eq3A_170 : i32
    %convert_element_type3A_172 = arith.extui %eq3A_171 : i1 to i32
    %cond3A_173 = arith.constant 0 : i32
    %cond3A_174 = arith.cmpi ne, %convert_element_type3A_172, %cond3A_173 : i32
    scf.if %cond3A_174 {
      %swap3A = arith.constant 0 : index
      %swap3A_245 = arith.constant 2 : index
      %swap3A_246 = vector.load %arg22[%swap3A, %swap3A_245] : memref<2048x16xf32, #tpu.memory_space<vmem>>, vector<2048x1xf32>
      tpu.vector_store %arg22[%swap3A, %swap3A_245], %logistic3A_162 {strides = array<i32>} : memref<2048x16xf32, #tpu.memory_space<vmem>>, vector<2048x1xf32>,
    } else {
    }
    %eq3A_175 = arith.constant 3 : i32
    %eq3A_176 = arith.cmpi eq, %arg0, %eq3A_175 : i32
    %convert_element_type3A_177 = arith.extui %eq3A_176 : i1 to i32
    %cond3A_178 = arith.constant 0 : i32
    %cond3A_179 = arith.cmpi ne, %convert_element_type3A_177, %cond3A_178 : i32
    scf.if %cond3A_179 {
      %swap3A = arith.constant 0 : index
      %swap3A_245 = arith.constant 3 : index
      %swap3A_246 = vector.load %arg22[%swap3A, %swap3A_245] : memref<2048x16xf32, #tpu.memory_space<vmem>>, vector<2048x1xf32>
      tpu.vector_store %arg22[%swap3A, %swap3A_245], %logistic3A_162 {strides = array<i32>} : memref<2048x16xf32, #tpu.memory_space<vmem>>, vector<2048x1xf32>,
    } else {
    }
    %eq3A_180 = arith.constant 4 : i32
    %eq3A_181 = arith.cmpi eq, %arg0, %eq3A_180 : i32
    %convert_element_type3A_182 = arith.extui %eq3A_181 : i1 to i32
    %cond3A_183 = arith.constant 0 : i32
    %cond3A_184 = arith.cmpi ne, %convert_element_type3A_182, %cond3A_183 : i32
    scf.if %cond3A_184 {
      %swap3A = arith.constant 0 : index
      %swap3A_245 = arith.constant 4 : index
      %swap3A_246 = vector.load %arg22[%swap3A, %swap3A_245] : memref<2048x16xf32, #tpu.memory_space<vmem>>, vector<2048x1xf32>
      tpu.vector_store %arg22[%swap3A, %swap3A_245], %logistic3A_162 {strides = array<i32>} : memref<2048x16xf32, #tpu.memory_space<vmem>>, vector<2048x1xf32>,
    } else {
    }
    %eq3A_185 = arith.constant 5 : i32
    %eq3A_186 = arith.cmpi eq, %arg0, %eq3A_185 : i32
    %convert_element_type3A_187 = arith.extui %eq3A_186 : i1 to i32
    %cond3A_188 = arith.constant 0 : i32
    %cond3A_189 = arith.cmpi ne, %convert_element_type3A_187, %cond3A_188 : i32
    scf.if %cond3A_189 {
      %swap3A = arith.constant 0 : index
      %swap3A_245 = arith.constant 5 : index
      %swap3A_246 = vector.load %arg22[%swap3A, %swap3A_245] : memref<2048x16xf32, #tpu.memory_space<vmem>>, vector<2048x1xf32>
      tpu.vector_store %arg22[%swap3A, %swap3A_245], %logistic3A_162 {strides = array<i32>} : memref<2048x16xf32, #tpu.memory_space<vmem>>, vector<2048x1xf32>,
    } else {
    }
    %eq3A_190 = arith.constant 6 : i32
    %eq3A_191 = arith.cmpi eq, %arg0, %eq3A_190 : i32
    %convert_element_type3A_192 = arith.extui %eq3A_191 : i1 to i32
    %cond3A_193 = arith.constant 0 : i32
    %cond3A_194 = arith.cmpi ne, %convert_element_type3A_192, %cond3A_193 : i32
    scf.if %cond3A_194 {
      %swap3A = arith.constant 0 : index
      %swap3A_245 = arith.constant 6 : index
      %swap3A_246 = vector.load %arg22[%swap3A, %swap3A_245] : memref<2048x16xf32, #tpu.memory_space<vmem>>, vector<2048x1xf32>
      tpu.vector_store %arg22[%swap3A, %swap3A_245], %logistic3A_162 {strides = array<i32>} : memref<2048x16xf32, #tpu.memory_space<vmem>>, vector<2048x1xf32>,
    } else {
    }
    %eq3A_195 = arith.constant 7 : i32
    %eq3A_196 = arith.cmpi eq, %arg0, %eq3A_195 : i32
    %convert_element_type3A_197 = arith.extui %eq3A_196 : i1 to i32
    %cond3A_198 = arith.constant 0 : i32
    %cond3A_199 = arith.cmpi ne, %convert_element_type3A_197, %cond3A_198 : i32
    scf.if %cond3A_199 {
      %swap3A = arith.constant 0 : index
      %swap3A_245 = arith.constant 7 : index
      %swap3A_246 = vector.load %arg22[%swap3A, %swap3A_245] : memref<2048x16xf32, #tpu.memory_space<vmem>>, vector<2048x1xf32>
      tpu.vector_store %arg22[%swap3A, %swap3A_245], %logistic3A_162 {strides = array<i32>} : memref<2048x16xf32, #tpu.memory_space<vmem>>, vector<2048x1xf32>,
    } else {
    }
    %eq3A_200 = arith.constant 8 : i32
    %eq3A_201 = arith.cmpi eq, %arg0, %eq3A_200 : i32
    %convert_element_type3A_202 = arith.extui %eq3A_201 : i1 to i32
    %cond3A_203 = arith.constant 0 : i32
    %cond3A_204 = arith.cmpi ne, %convert_element_type3A_202, %cond3A_203 : i32
    scf.if %cond3A_204 {
      %swap3A = arith.constant 0 : index
      %swap3A_245 = arith.constant 8 : index
      %swap3A_246 = vector.load %arg22[%swap3A, %swap3A_245] : memref<2048x16xf32, #tpu.memory_space<vmem>>, vector<2048x1xf32>
      tpu.vector_store %arg22[%swap3A, %swap3A_245], %logistic3A_162 {strides = array<i32>} : memref<2048x16xf32, #tpu.memory_space<vmem>>, vector<2048x1xf32>,
    } else {
    }
    %eq3A_205 = arith.constant 9 : i32
    %eq3A_206 = arith.cmpi eq, %arg0, %eq3A_205 : i32
    %convert_element_type3A_207 = arith.extui %eq3A_206 : i1 to i32
    %cond3A_208 = arith.constant 0 : i32
    %cond3A_209 = arith.cmpi ne, %convert_element_type3A_207, %cond3A_208 : i32
    scf.if %cond3A_209 {
      %swap3A = arith.constant 0 : index
      %swap3A_245 = arith.constant 9 : index
      %swap3A_246 = vector.load %arg22[%swap3A, %swap3A_245] : memref<2048x16xf32, #tpu.memory_space<vmem>>, vector<2048x1xf32>
      tpu.vector_store %arg22[%swap3A, %swap3A_245], %logistic3A_162 {strides = array<i32>} : memref<2048x16xf32, #tpu.memory_space<vmem>>, vector<2048x1xf32>,
    } else {
    }
    %eq3A_210 = arith.constant 10 : i32
    %eq3A_211 = arith.cmpi eq, %arg0, %eq3A_210 : i32
    %convert_element_type3A_212 = arith.extui %eq3A_211 : i1 to i32
    %cond3A_213 = arith.constant 0 : i32
    %cond3A_214 = arith.cmpi ne, %convert_element_type3A_212, %cond3A_213 : i32
    scf.if %cond3A_214 {
      %swap3A = arith.constant 0 : index
      %swap3A_245 = arith.constant 10 : index
      %swap3A_246 = vector.load %arg22[%swap3A, %swap3A_245] : memref<2048x16xf32, #tpu.memory_space<vmem>>, vector<2048x1xf32>
      tpu.vector_store %arg22[%swap3A, %swap3A_245], %logistic3A_162 {strides = array<i32>} : memref<2048x16xf32, #tpu.memory_space<vmem>>, vector<2048x1xf32>,
    } else {
    }
    %eq3A_215 = arith.constant 11 : i32
    %eq3A_216 = arith.cmpi eq, %arg0, %eq3A_215 : i32
    %convert_element_type3A_217 = arith.extui %eq3A_216 : i1 to i32
    %cond3A_218 = arith.constant 0 : i32
    %cond3A_219 = arith.cmpi ne, %convert_element_type3A_217, %cond3A_218 : i32
    scf.if %cond3A_219 {
      %swap3A = arith.constant 0 : index
      %swap3A_245 = arith.constant 11 : index
      %swap3A_246 = vector.load %arg22[%swap3A, %swap3A_245] : memref<2048x16xf32, #tpu.memory_space<vmem>>, vector<2048x1xf32>
      tpu.vector_store %arg22[%swap3A, %swap3A_245], %logistic3A_162 {strides = array<i32>} : memref<2048x16xf32, #tpu.memory_space<vmem>>, vector<2048x1xf32>,
    } else {
    }
    %eq3A_220 = arith.constant 12 : i32
    %eq3A_221 = arith.cmpi eq, %arg0, %eq3A_220 : i32
    %convert_element_type3A_222 = arith.extui %eq3A_221 : i1 to i32
    %cond3A_223 = arith.constant 0 : i32
    %cond3A_224 = arith.cmpi ne, %convert_element_type3A_222, %cond3A_223 : i32
    scf.if %cond3A_224 {
      %swap3A = arith.constant 0 : index
      %swap3A_245 = arith.constant 12 : index
      %swap3A_246 = vector.load %arg22[%swap3A, %swap3A_245] : memref<2048x16xf32, #tpu.memory_space<vmem>>, vector<2048x1xf32>
      tpu.vector_store %arg22[%swap3A, %swap3A_245], %logistic3A_162 {strides = array<i32>} : memref<2048x16xf32, #tpu.memory_space<vmem>>, vector<2048x1xf32>,
    } else {
    }
    %eq3A_225 = arith.constant 13 : i32
    %eq3A_226 = arith.cmpi eq, %arg0, %eq3A_225 : i32
    %convert_element_type3A_227 = arith.extui %eq3A_226 : i1 to i32
    %cond3A_228 = arith.constant 0 : i32
    %cond3A_229 = arith.cmpi ne, %convert_element_type3A_227, %cond3A_228 : i32
    scf.if %cond3A_229 {
      %swap3A = arith.constant 0 : index
      %swap3A_245 = arith.constant 13 : index
      %swap3A_246 = vector.load %arg22[%swap3A, %swap3A_245] : memref<2048x16xf32, #tpu.memory_space<vmem>>, vector<2048x1xf32>
      tpu.vector_store %arg22[%swap3A, %swap3A_245], %logistic3A_162 {strides = array<i32>} : memref<2048x16xf32, #tpu.memory_space<vmem>>, vector<2048x1xf32>,
    } else {
    }
    %eq3A_230 = arith.constant 14 : i32
    %eq3A_231 = arith.cmpi eq, %arg0, %eq3A_230 : i32
    %convert_element_type3A_232 = arith.extui %eq3A_231 : i1 to i32
    %cond3A_233 = arith.constant 0 : i32
    %cond3A_234 = arith.cmpi ne, %convert_element_type3A_232, %cond3A_233 : i32
    scf.if %cond3A_234 {
      %swap3A = arith.constant 0 : index
      %swap3A_245 = arith.constant 14 : index
      %swap3A_246 = vector.load %arg22[%swap3A, %swap3A_245] : memref<2048x16xf32, #tpu.memory_space<vmem>>, vector<2048x1xf32>
      tpu.vector_store %arg22[%swap3A, %swap3A_245], %logistic3A_162 {strides = array<i32>} : memref<2048x16xf32, #tpu.memory_space<vmem>>, vector<2048x1xf32>,
    } else {
    }
    %eq3A_235 = arith.constant 15 : i32
    %eq3A_236 = arith.cmpi eq, %arg0, %eq3A_235 : i32
    %convert_element_type3A_237 = arith.extui %eq3A_236 : i1 to i32
    %cond3A_238 = arith.constant 0 : i32
    %cond3A_239 = arith.cmpi ne, %convert_element_type3A_237, %cond3A_238 : i32
    scf.if %cond3A_239 {
      %swap3A = arith.constant 0 : index
      %swap3A_245 = arith.constant 15 : index
      %swap3A_246 = vector.load %arg22[%swap3A, %swap3A_245] : memref<2048x16xf32, #tpu.memory_space<vmem>>, vector<2048x1xf32>
      tpu.vector_store %arg22[%swap3A, %swap3A_245], %logistic3A_162 {strides = array<i32>} : memref<2048x16xf32, #tpu.memory_space<vmem>>, vector<2048x1xf32>,
    } else {
    }
    %eq3A_240 = arith.constant 15 : i32
    %eq3A_241 = arith.cmpi eq, %arg0, %eq3A_240 : i32
    %convert_element_type3A_242 = arith.extui %eq3A_241 : i1 to i32
    %cond3A_243 = arith.constant 0 : i32
    %cond3A_244 = arith.cmpi ne, %convert_element_type3A_242, %cond3A_243 : i32
    scf.if %cond3A_244 {
      %get3A_245 = arith.constant 0 : index
      %get3A_246 = arith.constant 0 : index
      %get3A_247 = vector.load %arg22[%get3A_245, %get3A_246] : memref<2048x16xf32, #tpu.memory_space<vmem>>, vector<2048x16xf32>
      %transpose3A = tpu.transpose %get3A_247, [1, 0] : vector<2048x16xf32> -> vector<16x2048xf32>
      %get3A_248 = arith.constant 0 : index
      %get3A_249 = arith.constant 0 : index
      %get3A_250 = vector.load %arg18[%get3A_248, %get3A_249] : memref<16x2048xf32, #tpu.memory_space<vmem>>, vector<16x2048xf32>
      %bitcast_convert_type3A = tpu.bitcast %transpose3A : vector<16x2048xf32> -> vector<16x2048xi32>
      %lt3A = arith.constant 0 : i32
      %lt3A_251 = vector.broadcast %lt3A : i32 to vector<16x2048xi32>
      %lt3A_252 = arith.cmpi slt, %bitcast_convert_type3A, %lt3A_251 : vector<16x2048xi32>
      %jit3A = arith.constant 2147483647 : i32
      %jit3A_253 = arith.constant 0 : i32
      %broadcast_in_dim3A_254 = vector.broadcast %jit3A : i32 to vector<16x2048xi32>
      %broadcast_in_dim3A_255 = vector.broadcast %jit3A_253 : i32 to vector<16x2048xi32>
      %select_n3A = arith.select %lt3A_252, %broadcast_in_dim3A_254, %broadcast_in_dim3A_255 : vector<16x2048xi1>, vector<16x2048xi32>
      %xor3A = arith.xori %bitcast_convert_type3A, %select_n3A : vector<16x2048xi32>
      %ge3A = arith.constant 0 : i32
      %ge3A_256 = vector.broadcast %ge3A : i32 to vector<16x2048xi32>
      %ge3A_257 = arith.cmpi sge, %xor3A, %ge3A_256 : vector<16x2048xi32>
      %convert_element_type3A_258 = arith.extui %ge3A_257 : vector<16x2048xi1> to vector<16x2048xi32>
      %reduce_sum3A_259 = arith.constant dense<0> : vector<16xi32>
      %reduce_sum3A_260 = vector.multi_reduction <add>, %convert_element_type3A_258, %reduce_sum3A_259 [1] : vector<16x2048xi32> to vector<16xi32>
      %broadcast_in_dim3A_261 = vector.shape_cast %reduce_sum3A_260 : vector<16xi32> to vector<16x1xi32>
      %ge3A_262 = arith.constant 128 : i32
      %ge3A_263 = vector.broadcast %ge3A_262 : i32 to vector<16x1xi32>
      %ge3A_264 = arith.cmpi sge, %broadcast_in_dim3A_261, %ge3A_263 : vector<16x1xi32>
      %jit3A_265 = arith.constant 0 : i32
      %jit3A_266 = arith.constant -2147483648 : i32
      %broadcast_in_dim3A_267 = vector.broadcast %jit3A_265 : i32 to vector<16x1xi32>
      %broadcast_in_dim3A_268 = vector.broadcast %jit3A_266 : i32 to vector<16x1xi32>
      %select_n3A_269 = arith.select %ge3A_264, %broadcast_in_dim3A_267, %broadcast_in_dim3A_268 : vector<16x1xi1>, vector<16x1xi32>
      %jit3A_270 = arith.constant 2147483647 : i32
      %jit3A_271 = arith.constant -1 : i32
      %broadcast_in_dim3A_272 = vector.broadcast %jit3A_270 : i32 to vector<16x1xi32>
      %broadcast_in_dim3A_273 = vector.broadcast %jit3A_271 : i32 to vector<16x1xi32>
      %select_n3A_274 = arith.select %ge3A_264, %broadcast_in_dim3A_272, %broadcast_in_dim3A_273 : vector<16x1xi1>, vector<16x1xi32>
      %scan3A = arith.constant 0 : i32
      %scan3A_275 = arith.constant 31 : i32
      %scan3A_276 = arith.addi %scan3A, %scan3A_275 : i32
      %scan3A_277 = arith.constant 1 : i32
      %scan3A_278:2 = scf.for %scan3A_1450 = %scan3A to %scan3A_276 step %scan3A_277 iter_args(%scan3A_1451 = %select_n3A_269, %scan3A_1452 = %select_n3A_274) -> (vector<16x1xi32>, vector<16x1xi32>)  : i32 {
        %sub3A_1453 = arith.subi %scan3A_1452, %scan3A_1451 : vector<16x1xi32>
        %shift_right_arithmetic3A = arith.constant 1 : i32
        %shift_right_arithmetic3A_1454 = vector.broadcast %shift_right_arithmetic3A : i32 to vector<16x1xi32>
        %shift_right_arithmetic3A_1455 = arith.shrsi %sub3A_1453, %shift_right_arithmetic3A_1454 : vector<16x1xi32>
        %add3A_1456 = arith.addi %scan3A_1451, %shift_right_arithmetic3A_1455 : vector<16x1xi32>
        %and3A_1457 = arith.constant 1 : i32
        %and3A_1458 = vector.broadcast %and3A_1457 : i32 to vector<16x1xi32>
        %and3A_1459 = arith.andi %sub3A_1453, %and3A_1458 : vector<16x1xi32>
        %add3A_1460 = arith.addi %add3A_1456, %and3A_1459 : vector<16x1xi32>
        %ge3A_1461 = vector.broadcast %add3A_1460 : vector<16x1xi32> to vector<16x2048xi32>
        %ge3A_1462 = arith.cmpi sge, %xor3A, %ge3A_1461 : vector<16x2048xi32>
        %convert_element_type3A_1463 = arith.extui %ge3A_1462 : vector<16x2048xi1> to vector<16x2048xi32>
        %reduce_sum3A_1464 = arith.constant dense<0> : vector<16xi32>
        %reduce_sum3A_1465 = vector.multi_reduction <add>, %convert_element_type3A_1463, %reduce_sum3A_1464 [1] : vector<16x2048xi32> to vector<16xi32>
        %broadcast_in_dim3A_1466 = vector.shape_cast %reduce_sum3A_1465 : vector<16xi32> to vector<16x1xi32>
        %ge3A_1467 = arith.constant 128 : i32
        %ge3A_1468 = vector.broadcast %ge3A_1467 : i32 to vector<16x1xi32>
        %ge3A_1469 = arith.cmpi sge, %broadcast_in_dim3A_1466, %ge3A_1468 : vector<16x1xi32>
        %select_n3A_1470 = arith.select %ge3A_1469, %add3A_1460, %scan3A_1451 : vector<16x1xi1>, vector<16x1xi32>
        %sub3A_1471 = arith.constant 1 : i32
        %sub3A_1472 = vector.broadcast %sub3A_1471 : i32 to vector<16x1xi32>
        %sub3A_1473 = arith.subi %add3A_1460, %sub3A_1472 : vector<16x1xi32>
        %select_n3A_1474 = arith.select %ge3A_1469, %scan3A_1452, %sub3A_1473 : vector<16x1xi1>, vector<16x1xi32>
        scf.yield %select_n3A_1470, %select_n3A_1474 : vector<16x1xi32>, vector<16x1xi32>
      }
      %gt3A = vector.broadcast %scan3A_278#0 : vector<16x1xi32> to vector<16x2048xi32>
      %gt3A_279 = arith.cmpi sgt, %xor3A, %gt3A : vector<16x2048xi32>
      %eq3A_280 = vector.broadcast %scan3A_278#0 : vector<16x1xi32> to vector<16x2048xi32>
      %eq3A_281 = arith.cmpi eq, %xor3A, %eq3A_280 : vector<16x2048xi32>
      %convert_element_type3A_282 = arith.extui %gt3A_279 : vector<16x2048xi1> to vector<16x2048xi32>
      %reduce_sum3A_283 = arith.constant dense<0> : vector<16xi32>
      %reduce_sum3A_284 = vector.multi_reduction <add>, %convert_element_type3A_282, %reduce_sum3A_283 [1] : vector<16x2048xi32> to vector<16xi32>
      %broadcast_in_dim3A_285 = vector.shape_cast %reduce_sum3A_284 : vector<16xi32> to vector<16x1xi32>
      %sub3A_286 = arith.constant 128 : i32
      %sub3A_287 = vector.broadcast %sub3A_286 : i32 to vector<16x1xi32>
      %sub3A_288 = arith.subi %sub3A_287, %broadcast_in_dim3A_285 : vector<16x1xi32>
      %convert_element_type3A_289 = arith.sitofp %sub3A_288 : vector<16x1xi32> to vector<16x1xf32>
      %get3A_290 = arith.constant 0 : index
      %get3A_291 = arith.constant 0 : index
      %get3A_292 = vector.load %arg19[%get3A_290, %get3A_291] : memref<2048x2048xbf16, #tpu.memory_space<vmem>>, vector<2048x2048xbf16>
      %convert_element_type3A_293 = arith.extui %eq3A_281 : vector<16x2048xi1> to vector<16x2048xi32>
      %convert_element_type3A_294 = arith.sitofp %convert_element_type3A_293 : vector<16x2048xi32> to vector<16x2048xf32>
      %convert_element_type3A_295 = arith.truncf %convert_element_type3A_294 : vector<16x2048xf32> to vector<16x2048xbf16>
      %dot_general3A_296 = arith.constant dense<0.000000e+00> : vector<16x2048xf32>
      %dot_general3A_297 = tpu.matmul %convert_element_type3A_295, %get3A_292, %dot_general3A_296 {dimension_numbers = #tpu.dot_dimension_numbers<[1], [0], [0], [1], [0, 0, 1, 1], [], []>, transpose_lhs_hint = false} : vector<16x2048xbf16>, vector<2048x2048xbf16>, vector<16x2048xf32> -> vector<16x2048xf32>
      %lt3A_298 = vector.broadcast %convert_element_type3A_289 : vector<16x1xf32> to vector<16x2048xf32>
      %lt3A_299 = arith.cmpf olt, %dot_general3A_297, %lt3A_298 : vector<16x2048xf32>
      %and3A = arith.andi %eq3A_281, %lt3A_299 : vector<16x2048xi1>
      %or3A = arith.ori %gt3A_279, %and3A : vector<16x2048xi1>
      %convert_element_type3A_300 = arith.extui %or3A : vector<16x2048xi1> to vector<16x2048xi32>
      %convert_element_type3A_301 = arith.sitofp %convert_element_type3A_300 : vector<16x2048xi32> to vector<16x2048xf32>
      %convert_element_type3A_302 = arith.truncf %convert_element_type3A_301 : vector<16x2048xf32> to vector<16x2048xbf16>
      %dot_general3A_303 = arith.constant dense<0.000000e+00> : vector<16x2048xf32>
      %dot_general3A_304 = tpu.matmul %convert_element_type3A_302, %get3A_292, %dot_general3A_303 {dimension_numbers = #tpu.dot_dimension_numbers<[1], [0], [0], [1], [0, 0, 1, 1], [], []>, transpose_lhs_hint = false} : vector<16x2048xbf16>, vector<2048x2048xbf16>, vector<16x2048xf32> -> vector<16x2048xf32>
      %iota3A = tpu.iota {dimensions = array<i32: 1>} : vector<2048x128xi32>
      %convert_element_type3A_305 = arith.sitofp %iota3A : vector<2048x128xi32> to vector<2048x128xf32>
      %iota3A_306 = tpu.iota {dimensions = array<i32: 1>} : vector<1x2048xi32>
      %convert_element_type3A_307 = arith.sitofp %iota3A_306 : vector<1x2048xi32> to vector<1x2048xf32>
      %iota3A_308 = tpu.iota {dimensions = array<i32: 1>} : vector<128x128xi32>
      %convert_element_type3A_309 = arith.sitofp %iota3A_308 : vector<128x128xi32> to vector<128x128xf32>
      %iota3A_310 = tpu.iota {dimensions = array<i32: 0>} : vector<128x1xi32>
      %convert_element_type3A_311 = arith.sitofp %iota3A_310 : vector<128x1xi32> to vector<128x1xf32>
      %transpose3A_312 = tpu.transpose %dot_general3A_304, [1, 0] : vector<16x2048xf32> -> vector<2048x16xf32>
      %jit3A_313 = arith.constant 1.000000e+00 : f32
      %jit3A_314 = arith.constant 0.000000e+00 : f32
      %broadcast_in_dim3A_315 = vector.broadcast %jit3A_313 : f32 to vector<16x2048xf32>
      %broadcast_in_dim3A_316 = vector.broadcast %jit3A_314 : f32 to vector<16x2048xf32>
      %select_n3A_317 = arith.select %or3A, %broadcast_in_dim3A_315, %broadcast_in_dim3A_316 : vector<16x2048xi1>, vector<16x2048xf32>
      %transpose3A_318 = tpu.transpose %select_n3A_317, [1, 0] : vector<16x2048xf32> -> vector<2048x16xf32>
      %slice3A = vector.extract_strided_slice %transpose3A_312 {offsets = [0, 0], sizes = [2048, 1], strides = [1, 1]} : vector<2048x16xf32> to vector<2048x1xf32>
      %eq3A_319 = vector.broadcast %slice3A : vector<2048x1xf32> to vector<2048x128xf32>
      %eq3A_320 = arith.cmpf oeq, %eq3A_319, %convert_element_type3A_305 : vector<2048x128xf32>
      %slice3A_321 = vector.extract_strided_slice %transpose3A_318 {offsets = [0, 0], sizes = [2048, 1], strides = [1, 1]} : vector<2048x16xf32> to vector<2048x1xf32>
      %gt3A_322 = arith.constant 0.000000e+00 : f32
      %gt3A_323 = vector.broadcast %gt3A_322 : f32 to vector<2048x1xf32>
      %gt3A_324 = arith.cmpf ogt, %slice3A_321, %gt3A_323 : vector<2048x1xf32>
      %and3A_325 = vector.broadcast %gt3A_324 : vector<2048x1xi1> to vector<2048x128xi1>
      %and3A_326 = arith.andi %eq3A_320, %and3A_325 : vector<2048x128xi1>
      %jit3A_327 = arith.constant 1.000000e+00 : f32
      %jit3A_328 = arith.constant 0.000000e+00 : f32
      %broadcast_in_dim3A_329 = vector.broadcast %jit3A_327 : f32 to vector<2048x128xf32>
      %broadcast_in_dim3A_330 = vector.broadcast %jit3A_328 : f32 to vector<2048x128xf32>
      %select_n3A_331 = arith.select %and3A_326, %broadcast_in_dim3A_329, %broadcast_in_dim3A_330 : vector<2048x128xi1>, vector<2048x128xf32>
      %slice3A_332 = vector.extract_strided_slice %get3A_250 {offsets = [0, 0], sizes = [1, 2048], strides = [1, 1]} : vector<16x2048xf32> to vector<1x2048xf32>
      %slice3A_333 = vector.extract_strided_slice %transpose3A {offsets = [0, 0], sizes = [1, 2048], strides = [1, 1]} : vector<16x2048xf32> to vector<1x2048xf32>
      %concatenate3A = tpu.concatenate %slice3A_332, %slice3A_333, %convert_element_type3A_307 in 0 : vector<1x2048xf32>, vector<1x2048xf32>, vector<1x2048xf32> -> vector<3x2048xf32>
      %dot_general3A_334 = arith.constant dense<0.000000e+00> : vector<3x128xf32>
      %dot_general3A_335 = tpu.matmul %concatenate3A, %select_n3A_331, %dot_general3A_334 {dimension_numbers = #tpu.dot_dimension_numbers<[1], [0], [0], [1], [0, 0, 1, 1], [], []>, precision = #tpu.contract_precision<fp32>, transpose_lhs_hint = false} : vector<3x2048xf32>, vector<2048x128xf32>, vector<3x128xf32> -> vector<3x128xf32>
      %slice3A_336 = vector.extract_strided_slice %dot_general3A_335 {offsets = [0, 0], sizes = [1, 128], strides = [1, 1]} : vector<3x128xf32> to vector<1x128xf32>
      %slice3A_337 = vector.extract_strided_slice %dot_general3A_335 {offsets = [1, 0], sizes = [1, 128], strides = [1, 1]} : vector<3x128xf32> to vector<1x128xf32>
      %slice3A_338 = vector.extract_strided_slice %dot_general3A_335 {offsets = [2, 0], sizes = [1, 128], strides = [1, 1]} : vector<3x128xf32> to vector<1x128xf32>
      %reshape3A = vector.shape_cast %slice3A_336 : vector<1x128xf32> to vector<128x1xf32>
      %reshape3A_339 = vector.shape_cast %slice3A_337 : vector<1x128xf32> to vector<128x1xf32>
      %reshape3A_340 = vector.shape_cast %slice3A_338 : vector<1x128xf32> to vector<128x1xf32>
      %lt3A_341 = vector.broadcast %slice3A_336 : vector<1x128xf32> to vector<128x128xf32>
      %lt3A_342 = vector.broadcast %reshape3A : vector<128x1xf32> to vector<128x128xf32>
      %lt3A_343 = arith.cmpf olt, %lt3A_341, %lt3A_342 : vector<128x128xf32>
      %eq3A_344 = vector.broadcast %slice3A_336 : vector<1x128xf32> to vector<128x128xf32>
      %eq3A_345 = vector.broadcast %reshape3A : vector<128x1xf32> to vector<128x128xf32>
      %eq3A_346 = arith.cmpf oeq, %eq3A_344, %eq3A_345 : vector<128x128xf32>
      %gt3A_347 = vector.broadcast %slice3A_337 : vector<1x128xf32> to vector<128x128xf32>
      %gt3A_348 = vector.broadcast %reshape3A_339 : vector<128x1xf32> to vector<128x128xf32>
      %gt3A_349 = arith.cmpf ogt, %gt3A_347, %gt3A_348 : vector<128x128xf32>
      %eq3A_350 = vector.broadcast %slice3A_337 : vector<1x128xf32> to vector<128x128xf32>
      %eq3A_351 = vector.broadcast %reshape3A_339 : vector<128x1xf32> to vector<128x128xf32>
      %eq3A_352 = arith.cmpf oeq, %eq3A_350, %eq3A_351 : vector<128x128xf32>
      %lt3A_353 = vector.broadcast %convert_element_type3A_311 : vector<128x1xf32> to vector<128x128xf32>
      %lt3A_354 = arith.cmpf olt, %convert_element_type3A_309, %lt3A_353 : vector<128x128xf32>
      %and3A_355 = arith.andi %eq3A_352, %lt3A_354 : vector<128x128xi1>
      %or3A_356 = arith.ori %gt3A_349, %and3A_355 : vector<128x128xi1>
      %and3A_357 = arith.andi %eq3A_346, %or3A_356 : vector<128x128xi1>
      %or3A_358 = arith.ori %lt3A_343, %and3A_357 : vector<128x128xi1>
      %convert_element_type3A_359 = arith.extui %or3A_358 : vector<128x128xi1> to vector<128x128xi32>
      %convert_element_type3A_360 = arith.sitofp %convert_element_type3A_359 : vector<128x128xi32> to vector<128x128xf32>
      %reduce_sum3A_361 = arith.constant dense<0.000000e+00> : vector<128xf32>
      %reduce_sum3A_362 = vector.multi_reduction <add>, %convert_element_type3A_360, %reduce_sum3A_361 [1] : vector<128x128xf32> to vector<128xf32>
      %broadcast_in_dim3A_363 = vector.shape_cast %reduce_sum3A_362 : vector<128xf32> to vector<128x1xf32>
      %eq3A_364 = vector.broadcast %broadcast_in_dim3A_363 : vector<128x1xf32> to vector<128x128xf32>
      %eq3A_365 = arith.cmpf oeq, %eq3A_364, %convert_element_type3A_309 : vector<128x128xf32>
      %jit3A_366 = arith.constant 1.000000e+00 : f32
      %jit3A_367 = arith.constant 0.000000e+00 : f32
      %broadcast_in_dim3A_368 = vector.broadcast %jit3A_366 : f32 to vector<128x128xf32>
      %broadcast_in_dim3A_369 = vector.broadcast %jit3A_367 : f32 to vector<128x128xf32>
      %select_n3A_370 = arith.select %eq3A_365, %broadcast_in_dim3A_368, %broadcast_in_dim3A_369 : vector<128x128xi1>, vector<128x128xf32>
      %concatenate3A_371 = tpu.concatenate %reshape3A_340, %reshape3A in 1 : vector<128x1xf32>, vector<128x1xf32> -> vector<128x2xf32>
      %dot_general3A_372 = arith.constant dense<0.000000e+00> : vector<2x128xf32>
      %dot_general3A_373 = tpu.matmul %concatenate3A_371, %select_n3A_370, %dot_general3A_372 {dimension_numbers = #tpu.dot_dimension_numbers<[0], [0], [1], [1], [0, 1, 1, 1], [], []>, precision = #tpu.contract_precision<fp32>, transpose_lhs_hint = false} : vector<128x2xf32>, vector<128x128xf32>, vector<2x128xf32> -> vector<2x128xf32>
      %slice3A_374 = vector.extract_strided_slice %dot_general3A_373 {offsets = [0, 0], sizes = [1, 128], strides = [1, 1]} : vector<2x128xf32> to vector<1x128xf32>
      %add3A_375 = arith.constant 5.000000e-01 : f32
      %add3A_376 = vector.broadcast %add3A_375 : f32 to vector<1x128xf32>
      %add3A_377 = arith.addf %slice3A_374, %add3A_376 : vector<1x128xf32>
      %floor3A = math.floor %add3A_377 : vector<1x128xf32>
      %convert_element_type3A_378 = arith.fptosi %floor3A : vector<1x128xf32> to vector<1x128xi32>
      %swap3A = arith.constant 0 : index
      %swap3A_379 = arith.constant 0 : index
      %swap3A_380 = vector.load %arg20[%swap3A, %swap3A_379] : memref<16x128xi32, #tpu.memory_space<vmem>>, vector<1x128xi32>
      tpu.vector_store %arg20[%swap3A, %swap3A_379], %convert_element_type3A_378 {strides = array<i32>} : memref<16x128xi32, #tpu.memory_space<vmem>>, vector<1x128xi32>,
      %slice3A_381 = vector.extract_strided_slice %dot_general3A_373 {offsets = [1, 0], sizes = [1, 128], strides = [1, 1]} : vector<2x128xf32> to vector<1x128xf32>
      %swap3A_382 = arith.constant 0 : index
      %swap3A_383 = arith.constant 0 : index
      %swap3A_384 = vector.load %arg21[%swap3A_382, %swap3A_383] : memref<16x128xf32, #tpu.memory_space<vmem>>, vector<1x128xf32>
      tpu.vector_store %arg21[%swap3A_382, %swap3A_383], %slice3A_381 {strides = array<i32>} : memref<16x128xf32, #tpu.memory_space<vmem>>, vector<1x128xf32>,
      %slice3A_385 = vector.extract_strided_slice %transpose3A_312 {offsets = [0, 1], sizes = [2048, 1], strides = [1, 1]} : vector<2048x16xf32> to vector<2048x1xf32>
      %eq3A_386 = vector.broadcast %slice3A_385 : vector<2048x1xf32> to vector<2048x128xf32>
      %eq3A_387 = arith.cmpf oeq, %eq3A_386, %convert_element_type3A_305 : vector<2048x128xf32>
      %slice3A_388 = vector.extract_strided_slice %transpose3A_318 {offsets = [0, 1], sizes = [2048, 1], strides = [1, 1]} : vector<2048x16xf32> to vector<2048x1xf32>
      %gt3A_389 = arith.constant 0.000000e+00 : f32
      %gt3A_390 = vector.broadcast %gt3A_389 : f32 to vector<2048x1xf32>
      %gt3A_391 = arith.cmpf ogt, %slice3A_388, %gt3A_390 : vector<2048x1xf32>
      %and3A_392 = vector.broadcast %gt3A_391 : vector<2048x1xi1> to vector<2048x128xi1>
      %and3A_393 = arith.andi %eq3A_387, %and3A_392 : vector<2048x128xi1>
      %jit3A_394 = arith.constant 1.000000e+00 : f32
      %jit3A_395 = arith.constant 0.000000e+00 : f32
      %broadcast_in_dim3A_396 = vector.broadcast %jit3A_394 : f32 to vector<2048x128xf32>
      %broadcast_in_dim3A_397 = vector.broadcast %jit3A_395 : f32 to vector<2048x128xf32>
      %select_n3A_398 = arith.select %and3A_393, %broadcast_in_dim3A_396, %broadcast_in_dim3A_397 : vector<2048x128xi1>, vector<2048x128xf32>
      %slice3A_399 = vector.extract_strided_slice %get3A_250 {offsets = [1, 0], sizes = [1, 2048], strides = [1, 1]} : vector<16x2048xf32> to vector<1x2048xf32>
      %slice3A_400 = vector.extract_strided_slice %transpose3A {offsets = [1, 0], sizes = [1, 2048], strides = [1, 1]} : vector<16x2048xf32> to vector<1x2048xf32>
      %concatenate3A_401 = tpu.concatenate %slice3A_399, %slice3A_400, %convert_element_type3A_307 in 0 : vector<1x2048xf32>, vector<1x2048xf32>, vector<1x2048xf32> -> vector<3x2048xf32>
      %dot_general3A_402 = arith.constant dense<0.000000e+00> : vector<3x128xf32>
      %dot_general3A_403 = tpu.matmul %concatenate3A_401, %select_n3A_398, %dot_general3A_402 {dimension_numbers = #tpu.dot_dimension_numbers<[1], [0], [0], [1], [0, 0, 1, 1], [], []>, precision = #tpu.contract_precision<fp32>, transpose_lhs_hint = false} : vector<3x2048xf32>, vector<2048x128xf32>, vector<3x128xf32> -> vector<3x128xf32>
      %slice3A_404 = vector.extract_strided_slice %dot_general3A_403 {offsets = [0, 0], sizes = [1, 128], strides = [1, 1]} : vector<3x128xf32> to vector<1x128xf32>
      %slice3A_405 = vector.extract_strided_slice %dot_general3A_403 {offsets = [1, 0], sizes = [1, 128], strides = [1, 1]} : vector<3x128xf32> to vector<1x128xf32>
      %slice3A_406 = vector.extract_strided_slice %dot_general3A_403 {offsets = [2, 0], sizes = [1, 128], strides = [1, 1]} : vector<3x128xf32> to vector<1x128xf32>
      %reshape3A_407 = vector.shape_cast %slice3A_404 : vector<1x128xf32> to vector<128x1xf32>
      %reshape3A_408 = vector.shape_cast %slice3A_405 : vector<1x128xf32> to vector<128x1xf32>
      %reshape3A_409 = vector.shape_cast %slice3A_406 : vector<1x128xf32> to vector<128x1xf32>
      %lt3A_410 = vector.broadcast %slice3A_404 : vector<1x128xf32> to vector<128x128xf32>
      %lt3A_411 = vector.broadcast %reshape3A_407 : vector<128x1xf32> to vector<128x128xf32>
      %lt3A_412 = arith.cmpf olt, %lt3A_410, %lt3A_411 : vector<128x128xf32>
      %eq3A_413 = vector.broadcast %slice3A_404 : vector<1x128xf32> to vector<128x128xf32>
      %eq3A_414 = vector.broadcast %reshape3A_407 : vector<128x1xf32> to vector<128x128xf32>
      %eq3A_415 = arith.cmpf oeq, %eq3A_413, %eq3A_414 : vector<128x128xf32>
      %gt3A_416 = vector.broadcast %slice3A_405 : vector<1x128xf32> to vector<128x128xf32>
      %gt3A_417 = vector.broadcast %reshape3A_408 : vector<128x1xf32> to vector<128x128xf32>
      %gt3A_418 = arith.cmpf ogt, %gt3A_416, %gt3A_417 : vector<128x128xf32>
      %eq3A_419 = vector.broadcast %slice3A_405 : vector<1x128xf32> to vector<128x128xf32>
      %eq3A_420 = vector.broadcast %reshape3A_408 : vector<128x1xf32> to vector<128x128xf32>
      %eq3A_421 = arith.cmpf oeq, %eq3A_419, %eq3A_420 : vector<128x128xf32>
      %lt3A_422 = vector.broadcast %convert_element_type3A_311 : vector<128x1xf32> to vector<128x128xf32>
      %lt3A_423 = arith.cmpf olt, %convert_element_type3A_309, %lt3A_422 : vector<128x128xf32>
      %and3A_424 = arith.andi %eq3A_421, %lt3A_423 : vector<128x128xi1>
      %or3A_425 = arith.ori %gt3A_418, %and3A_424 : vector<128x128xi1>
      %and3A_426 = arith.andi %eq3A_415, %or3A_425 : vector<128x128xi1>
      %or3A_427 = arith.ori %lt3A_412, %and3A_426 : vector<128x128xi1>
      %convert_element_type3A_428 = arith.extui %or3A_427 : vector<128x128xi1> to vector<128x128xi32>
      %convert_element_type3A_429 = arith.sitofp %convert_element_type3A_428 : vector<128x128xi32> to vector<128x128xf32>
      %reduce_sum3A_430 = arith.constant dense<0.000000e+00> : vector<128xf32>
      %reduce_sum3A_431 = vector.multi_reduction <add>, %convert_element_type3A_429, %reduce_sum3A_430 [1] : vector<128x128xf32> to vector<128xf32>
      %broadcast_in_dim3A_432 = vector.shape_cast %reduce_sum3A_431 : vector<128xf32> to vector<128x1xf32>
      %eq3A_433 = vector.broadcast %broadcast_in_dim3A_432 : vector<128x1xf32> to vector<128x128xf32>
      %eq3A_434 = arith.cmpf oeq, %eq3A_433, %convert_element_type3A_309 : vector<128x128xf32>
      %jit3A_435 = arith.constant 1.000000e+00 : f32
      %jit3A_436 = arith.constant 0.000000e+00 : f32
      %broadcast_in_dim3A_437 = vector.broadcast %jit3A_435 : f32 to vector<128x128xf32>
      %broadcast_in_dim3A_438 = vector.broadcast %jit3A_436 : f32 to vector<128x128xf32>
      %select_n3A_439 = arith.select %eq3A_434, %broadcast_in_dim3A_437, %broadcast_in_dim3A_438 : vector<128x128xi1>, vector<128x128xf32>
      %concatenate3A_440 = tpu.concatenate %reshape3A_409, %reshape3A_407 in 1 : vector<128x1xf32>, vector<128x1xf32> -> vector<128x2xf32>
      %dot_general3A_441 = arith.constant dense<0.000000e+00> : vector<2x128xf32>
      %dot_general3A_442 = tpu.matmul %concatenate3A_440, %select_n3A_439, %dot_general3A_441 {dimension_numbers = #tpu.dot_dimension_numbers<[0], [0], [1], [1], [0, 1, 1, 1], [], []>, precision = #tpu.contract_precision<fp32>, transpose_lhs_hint = false} : vector<128x2xf32>, vector<128x128xf32>, vector<2x128xf32> -> vector<2x128xf32>
      %slice3A_443 = vector.extract_strided_slice %dot_general3A_442 {offsets = [0, 0], sizes = [1, 128], strides = [1, 1]} : vector<2x128xf32> to vector<1x128xf32>
      %add3A_444 = arith.constant 5.000000e-01 : f32
      %add3A_445 = vector.broadcast %add3A_444 : f32 to vector<1x128xf32>
      %add3A_446 = arith.addf %slice3A_443, %add3A_445 : vector<1x128xf32>
      %floor3A_447 = math.floor %add3A_446 : vector<1x128xf32>
      %convert_element_type3A_448 = arith.fptosi %floor3A_447 : vector<1x128xf32> to vector<1x128xi32>
      %swap3A_449 = arith.constant 1 : index
      %swap3A_450 = arith.constant 0 : index
      %swap3A_451 = vector.load %arg20[%swap3A_449, %swap3A_450] : memref<16x128xi32, #tpu.memory_space<vmem>>, vector<1x128xi32>
      tpu.vector_store %arg20[%swap3A_449, %swap3A_450], %convert_element_type3A_448 {strides = array<i32>} : memref<16x128xi32, #tpu.memory_space<vmem>>, vector<1x128xi32>,
      %slice3A_452 = vector.extract_strided_slice %dot_general3A_442 {offsets = [1, 0], sizes = [1, 128], strides = [1, 1]} : vector<2x128xf32> to vector<1x128xf32>
      %swap3A_453 = arith.constant 1 : index
      %swap3A_454 = arith.constant 0 : index
      %swap3A_455 = vector.load %arg21[%swap3A_453, %swap3A_454] : memref<16x128xf32, #tpu.memory_space<vmem>>, vector<1x128xf32>
      tpu.vector_store %arg21[%swap3A_453, %swap3A_454], %slice3A_452 {strides = array<i32>} : memref<16x128xf32, #tpu.memory_space<vmem>>, vector<1x128xf32>,
      %slice3A_456 = vector.extract_strided_slice %transpose3A_312 {offsets = [0, 2], sizes = [2048, 1], strides = [1, 1]} : vector<2048x16xf32> to vector<2048x1xf32>
      %eq3A_457 = vector.broadcast %slice3A_456 : vector<2048x1xf32> to vector<2048x128xf32>
      %eq3A_458 = arith.cmpf oeq, %eq3A_457, %convert_element_type3A_305 : vector<2048x128xf32>
      %slice3A_459 = vector.extract_strided_slice %transpose3A_318 {offsets = [0, 2], sizes = [2048, 1], strides = [1, 1]} : vector<2048x16xf32> to vector<2048x1xf32>
      %gt3A_460 = arith.constant 0.000000e+00 : f32
      %gt3A_461 = vector.broadcast %gt3A_460 : f32 to vector<2048x1xf32>
      %gt3A_462 = arith.cmpf ogt, %slice3A_459, %gt3A_461 : vector<2048x1xf32>
      %and3A_463 = vector.broadcast %gt3A_462 : vector<2048x1xi1> to vector<2048x128xi1>
      %and3A_464 = arith.andi %eq3A_458, %and3A_463 : vector<2048x128xi1>
      %jit3A_465 = arith.constant 1.000000e+00 : f32
      %jit3A_466 = arith.constant 0.000000e+00 : f32
      %broadcast_in_dim3A_467 = vector.broadcast %jit3A_465 : f32 to vector<2048x128xf32>
      %broadcast_in_dim3A_468 = vector.broadcast %jit3A_466 : f32 to vector<2048x128xf32>
      %select_n3A_469 = arith.select %and3A_464, %broadcast_in_dim3A_467, %broadcast_in_dim3A_468 : vector<2048x128xi1>, vector<2048x128xf32>
      %slice3A_470 = vector.extract_strided_slice %get3A_250 {offsets = [2, 0], sizes = [1, 2048], strides = [1, 1]} : vector<16x2048xf32> to vector<1x2048xf32>
      %slice3A_471 = vector.extract_strided_slice %transpose3A {offsets = [2, 0], sizes = [1, 2048], strides = [1, 1]} : vector<16x2048xf32> to vector<1x2048xf32>
      %concatenate3A_472 = tpu.concatenate %slice3A_470, %slice3A_471, %convert_element_type3A_307 in 0 : vector<1x2048xf32>, vector<1x2048xf32>, vector<1x2048xf32> -> vector<3x2048xf32>
      %dot_general3A_473 = arith.constant dense<0.000000e+00> : vector<3x128xf32>
      %dot_general3A_474 = tpu.matmul %concatenate3A_472, %select_n3A_469, %dot_general3A_473 {dimension_numbers = #tpu.dot_dimension_numbers<[1], [0], [0], [1], [0, 0, 1, 1], [], []>, precision = #tpu.contract_precision<fp32>, transpose_lhs_hint = false} : vector<3x2048xf32>, vector<2048x128xf32>, vector<3x128xf32> -> vector<3x128xf32>
      %slice3A_475 = vector.extract_strided_slice %dot_general3A_474 {offsets = [0, 0], sizes = [1, 128], strides = [1, 1]} : vector<3x128xf32> to vector<1x128xf32>
      %slice3A_476 = vector.extract_strided_slice %dot_general3A_474 {offsets = [1, 0], sizes = [1, 128], strides = [1, 1]} : vector<3x128xf32> to vector<1x128xf32>
      %slice3A_477 = vector.extract_strided_slice %dot_general3A_474 {offsets = [2, 0], sizes = [1, 128], strides = [1, 1]} : vector<3x128xf32> to vector<1x128xf32>
      %reshape3A_478 = vector.shape_cast %slice3A_475 : vector<1x128xf32> to vector<128x1xf32>
      %reshape3A_479 = vector.shape_cast %slice3A_476 : vector<1x128xf32> to vector<128x1xf32>
      %reshape3A_480 = vector.shape_cast %slice3A_477 : vector<1x128xf32> to vector<128x1xf32>
      %lt3A_481 = vector.broadcast %slice3A_475 : vector<1x128xf32> to vector<128x128xf32>
      %lt3A_482 = vector.broadcast %reshape3A_478 : vector<128x1xf32> to vector<128x128xf32>
      %lt3A_483 = arith.cmpf olt, %lt3A_481, %lt3A_482 : vector<128x128xf32>
      %eq3A_484 = vector.broadcast %slice3A_475 : vector<1x128xf32> to vector<128x128xf32>
      %eq3A_485 = vector.broadcast %reshape3A_478 : vector<128x1xf32> to vector<128x128xf32>
      %eq3A_486 = arith.cmpf oeq, %eq3A_484, %eq3A_485 : vector<128x128xf32>
      %gt3A_487 = vector.broadcast %slice3A_476 : vector<1x128xf32> to vector<128x128xf32>
      %gt3A_488 = vector.broadcast %reshape3A_479 : vector<128x1xf32> to vector<128x128xf32>
      %gt3A_489 = arith.cmpf ogt, %gt3A_487, %gt3A_488 : vector<128x128xf32>
      %eq3A_490 = vector.broadcast %slice3A_476 : vector<1x128xf32> to vector<128x128xf32>
      %eq3A_491 = vector.broadcast %reshape3A_479 : vector<128x1xf32> to vector<128x128xf32>
      %eq3A_492 = arith.cmpf oeq, %eq3A_490, %eq3A_491 : vector<128x128xf32>
      %lt3A_493 = vector.broadcast %convert_element_type3A_311 : vector<128x1xf32> to vector<128x128xf32>
      %lt3A_494 = arith.cmpf olt, %convert_element_type3A_309, %lt3A_493 : vector<128x128xf32>
      %and3A_495 = arith.andi %eq3A_492, %lt3A_494 : vector<128x128xi1>
      %or3A_496 = arith.ori %gt3A_489, %and3A_495 : vector<128x128xi1>
      %and3A_497 = arith.andi %eq3A_486, %or3A_496 : vector<128x128xi1>
      %or3A_498 = arith.ori %lt3A_483, %and3A_497 : vector<128x128xi1>
      %convert_element_type3A_499 = arith.extui %or3A_498 : vector<128x128xi1> to vector<128x128xi32>
      %convert_element_type3A_500 = arith.sitofp %convert_element_type3A_499 : vector<128x128xi32> to vector<128x128xf32>
      %reduce_sum3A_501 = arith.constant dense<0.000000e+00> : vector<128xf32>
      %reduce_sum3A_502 = vector.multi_reduction <add>, %convert_element_type3A_500, %reduce_sum3A_501 [1] : vector<128x128xf32> to vector<128xf32>
      %broadcast_in_dim3A_503 = vector.shape_cast %reduce_sum3A_502 : vector<128xf32> to vector<128x1xf32>
      %eq3A_504 = vector.broadcast %broadcast_in_dim3A_503 : vector<128x1xf32> to vector<128x128xf32>
      %eq3A_505 = arith.cmpf oeq, %eq3A_504, %convert_element_type3A_309 : vector<128x128xf32>
      %jit3A_506 = arith.constant 1.000000e+00 : f32
      %jit3A_507 = arith.constant 0.000000e+00 : f32
      %broadcast_in_dim3A_508 = vector.broadcast %jit3A_506 : f32 to vector<128x128xf32>
      %broadcast_in_dim3A_509 = vector.broadcast %jit3A_507 : f32 to vector<128x128xf32>
      %select_n3A_510 = arith.select %eq3A_505, %broadcast_in_dim3A_508, %broadcast_in_dim3A_509 : vector<128x128xi1>, vector<128x128xf32>
      %concatenate3A_511 = tpu.concatenate %reshape3A_480, %reshape3A_478 in 1 : vector<128x1xf32>, vector<128x1xf32> -> vector<128x2xf32>
      %dot_general3A_512 = arith.constant dense<0.000000e+00> : vector<2x128xf32>
      %dot_general3A_513 = tpu.matmul %concatenate3A_511, %select_n3A_510, %dot_general3A_512 {dimension_numbers = #tpu.dot_dimension_numbers<[0], [0], [1], [1], [0, 1, 1, 1], [], []>, precision = #tpu.contract_precision<fp32>, transpose_lhs_hint = false} : vector<128x2xf32>, vector<128x128xf32>, vector<2x128xf32> -> vector<2x128xf32>
      %slice3A_514 = vector.extract_strided_slice %dot_general3A_513 {offsets = [0, 0], sizes = [1, 128], strides = [1, 1]} : vector<2x128xf32> to vector<1x128xf32>
      %add3A_515 = arith.constant 5.000000e-01 : f32
      %add3A_516 = vector.broadcast %add3A_515 : f32 to vector<1x128xf32>
      %add3A_517 = arith.addf %slice3A_514, %add3A_516 : vector<1x128xf32>
      %floor3A_518 = math.floor %add3A_517 : vector<1x128xf32>
      %convert_element_type3A_519 = arith.fptosi %floor3A_518 : vector<1x128xf32> to vector<1x128xi32>
      %swap3A_520 = arith.constant 2 : index
      %swap3A_521 = arith.constant 0 : index
      %swap3A_522 = vector.load %arg20[%swap3A_520, %swap3A_521] : memref<16x128xi32, #tpu.memory_space<vmem>>, vector<1x128xi32>
      tpu.vector_store %arg20[%swap3A_520, %swap3A_521], %convert_element_type3A_519 {strides = array<i32>} : memref<16x128xi32, #tpu.memory_space<vmem>>, vector<1x128xi32>,
      %slice3A_523 = vector.extract_strided_slice %dot_general3A_513 {offsets = [1, 0], sizes = [1, 128], strides = [1, 1]} : vector<2x128xf32> to vector<1x128xf32>
      %swap3A_524 = arith.constant 2 : index
      %swap3A_525 = arith.constant 0 : index
      %swap3A_526 = vector.load %arg21[%swap3A_524, %swap3A_525] : memref<16x128xf32, #tpu.memory_space<vmem>>, vector<1x128xf32>
      tpu.vector_store %arg21[%swap3A_524, %swap3A_525], %slice3A_523 {strides = array<i32>} : memref<16x128xf32, #tpu.memory_space<vmem>>, vector<1x128xf32>,
      %slice3A_527 = vector.extract_strided_slice %transpose3A_312 {offsets = [0, 3], sizes = [2048, 1], strides = [1, 1]} : vector<2048x16xf32> to vector<2048x1xf32>
      %eq3A_528 = vector.broadcast %slice3A_527 : vector<2048x1xf32> to vector<2048x128xf32>
      %eq3A_529 = arith.cmpf oeq, %eq3A_528, %convert_element_type3A_305 : vector<2048x128xf32>
      %slice3A_530 = vector.extract_strided_slice %transpose3A_318 {offsets = [0, 3], sizes = [2048, 1], strides = [1, 1]} : vector<2048x16xf32> to vector<2048x1xf32>
      %gt3A_531 = arith.constant 0.000000e+00 : f32
      %gt3A_532 = vector.broadcast %gt3A_531 : f32 to vector<2048x1xf32>
      %gt3A_533 = arith.cmpf ogt, %slice3A_530, %gt3A_532 : vector<2048x1xf32>
      %and3A_534 = vector.broadcast %gt3A_533 : vector<2048x1xi1> to vector<2048x128xi1>
      %and3A_535 = arith.andi %eq3A_529, %and3A_534 : vector<2048x128xi1>
      %jit3A_536 = arith.constant 1.000000e+00 : f32
      %jit3A_537 = arith.constant 0.000000e+00 : f32
      %broadcast_in_dim3A_538 = vector.broadcast %jit3A_536 : f32 to vector<2048x128xf32>
      %broadcast_in_dim3A_539 = vector.broadcast %jit3A_537 : f32 to vector<2048x128xf32>
      %select_n3A_540 = arith.select %and3A_535, %broadcast_in_dim3A_538, %broadcast_in_dim3A_539 : vector<2048x128xi1>, vector<2048x128xf32>
      %slice3A_541 = vector.extract_strided_slice %get3A_250 {offsets = [3, 0], sizes = [1, 2048], strides = [1, 1]} : vector<16x2048xf32> to vector<1x2048xf32>
      %slice3A_542 = vector.extract_strided_slice %transpose3A {offsets = [3, 0], sizes = [1, 2048], strides = [1, 1]} : vector<16x2048xf32> to vector<1x2048xf32>
      %concatenate3A_543 = tpu.concatenate %slice3A_541, %slice3A_542, %convert_element_type3A_307 in 0 : vector<1x2048xf32>, vector<1x2048xf32>, vector<1x2048xf32> -> vector<3x2048xf32>
      %dot_general3A_544 = arith.constant dense<0.000000e+00> : vector<3x128xf32>
      %dot_general3A_545 = tpu.matmul %concatenate3A_543, %select_n3A_540, %dot_general3A_544 {dimension_numbers = #tpu.dot_dimension_numbers<[1], [0], [0], [1], [0, 0, 1, 1], [], []>, precision = #tpu.contract_precision<fp32>, transpose_lhs_hint = false} : vector<3x2048xf32>, vector<2048x128xf32>, vector<3x128xf32> -> vector<3x128xf32>
      %slice3A_546 = vector.extract_strided_slice %dot_general3A_545 {offsets = [0, 0], sizes = [1, 128], strides = [1, 1]} : vector<3x128xf32> to vector<1x128xf32>
      %slice3A_547 = vector.extract_strided_slice %dot_general3A_545 {offsets = [1, 0], sizes = [1, 128], strides = [1, 1]} : vector<3x128xf32> to vector<1x128xf32>
      %slice3A_548 = vector.extract_strided_slice %dot_general3A_545 {offsets = [2, 0], sizes = [1, 128], strides = [1, 1]} : vector<3x128xf32> to vector<1x128xf32>
      %reshape3A_549 = vector.shape_cast %slice3A_546 : vector<1x128xf32> to vector<128x1xf32>
      %reshape3A_550 = vector.shape_cast %slice3A_547 : vector<1x128xf32> to vector<128x1xf32>
      %reshape3A_551 = vector.shape_cast %slice3A_548 : vector<1x128xf32> to vector<128x1xf32>
      %lt3A_552 = vector.broadcast %slice3A_546 : vector<1x128xf32> to vector<128x128xf32>
      %lt3A_553 = vector.broadcast %reshape3A_549 : vector<128x1xf32> to vector<128x128xf32>
      %lt3A_554 = arith.cmpf olt, %lt3A_552, %lt3A_553 : vector<128x128xf32>
      %eq3A_555 = vector.broadcast %slice3A_546 : vector<1x128xf32> to vector<128x128xf32>
      %eq3A_556 = vector.broadcast %reshape3A_549 : vector<128x1xf32> to vector<128x128xf32>
      %eq3A_557 = arith.cmpf oeq, %eq3A_555, %eq3A_556 : vector<128x128xf32>
      %gt3A_558 = vector.broadcast %slice3A_547 : vector<1x128xf32> to vector<128x128xf32>
      %gt3A_559 = vector.broadcast %reshape3A_550 : vector<128x1xf32> to vector<128x128xf32>
      %gt3A_560 = arith.cmpf ogt, %gt3A_558, %gt3A_559 : vector<128x128xf32>
      %eq3A_561 = vector.broadcast %slice3A_547 : vector<1x128xf32> to vector<128x128xf32>
      %eq3A_562 = vector.broadcast %reshape3A_550 : vector<128x1xf32> to vector<128x128xf32>
      %eq3A_563 = arith.cmpf oeq, %eq3A_561, %eq3A_562 : vector<128x128xf32>
      %lt3A_564 = vector.broadcast %convert_element_type3A_311 : vector<128x1xf32> to vector<128x128xf32>
      %lt3A_565 = arith.cmpf olt, %convert_element_type3A_309, %lt3A_564 : vector<128x128xf32>
      %and3A_566 = arith.andi %eq3A_563, %lt3A_565 : vector<128x128xi1>
      %or3A_567 = arith.ori %gt3A_560, %and3A_566 : vector<128x128xi1>
      %and3A_568 = arith.andi %eq3A_557, %or3A_567 : vector<128x128xi1>
      %or3A_569 = arith.ori %lt3A_554, %and3A_568 : vector<128x128xi1>
      %convert_element_type3A_570 = arith.extui %or3A_569 : vector<128x128xi1> to vector<128x128xi32>
      %convert_element_type3A_571 = arith.sitofp %convert_element_type3A_570 : vector<128x128xi32> to vector<128x128xf32>
      %reduce_sum3A_572 = arith.constant dense<0.000000e+00> : vector<128xf32>
      %reduce_sum3A_573 = vector.multi_reduction <add>, %convert_element_type3A_571, %reduce_sum3A_572 [1] : vector<128x128xf32> to vector<128xf32>
      %broadcast_in_dim3A_574 = vector.shape_cast %reduce_sum3A_573 : vector<128xf32> to vector<128x1xf32>
      %eq3A_575 = vector.broadcast %broadcast_in_dim3A_574 : vector<128x1xf32> to vector<128x128xf32>
      %eq3A_576 = arith.cmpf oeq, %eq3A_575, %convert_element_type3A_309 : vector<128x128xf32>
      %jit3A_577 = arith.constant 1.000000e+00 : f32
      %jit3A_578 = arith.constant 0.000000e+00 : f32
      %broadcast_in_dim3A_579 = vector.broadcast %jit3A_577 : f32 to vector<128x128xf32>
      %broadcast_in_dim3A_580 = vector.broadcast %jit3A_578 : f32 to vector<128x128xf32>
      %select_n3A_581 = arith.select %eq3A_576, %broadcast_in_dim3A_579, %broadcast_in_dim3A_580 : vector<128x128xi1>, vector<128x128xf32>
      %concatenate3A_582 = tpu.concatenate %reshape3A_551, %reshape3A_549 in 1 : vector<128x1xf32>, vector<128x1xf32> -> vector<128x2xf32>
      %dot_general3A_583 = arith.constant dense<0.000000e+00> : vector<2x128xf32>
      %dot_general3A_584 = tpu.matmul %concatenate3A_582, %select_n3A_581, %dot_general3A_583 {dimension_numbers = #tpu.dot_dimension_numbers<[0], [0], [1], [1], [0, 1, 1, 1], [], []>, precision = #tpu.contract_precision<fp32>, transpose_lhs_hint = false} : vector<128x2xf32>, vector<128x128xf32>, vector<2x128xf32> -> vector<2x128xf32>
      %slice3A_585 = vector.extract_strided_slice %dot_general3A_584 {offsets = [0, 0], sizes = [1, 128], strides = [1, 1]} : vector<2x128xf32> to vector<1x128xf32>
      %add3A_586 = arith.constant 5.000000e-01 : f32
      %add3A_587 = vector.broadcast %add3A_586 : f32 to vector<1x128xf32>
      %add3A_588 = arith.addf %slice3A_585, %add3A_587 : vector<1x128xf32>
      %floor3A_589 = math.floor %add3A_588 : vector<1x128xf32>
      %convert_element_type3A_590 = arith.fptosi %floor3A_589 : vector<1x128xf32> to vector<1x128xi32>
      %swap3A_591 = arith.constant 3 : index
      %swap3A_592 = arith.constant 0 : index
      %swap3A_593 = vector.load %arg20[%swap3A_591, %swap3A_592] : memref<16x128xi32, #tpu.memory_space<vmem>>, vector<1x128xi32>
      tpu.vector_store %arg20[%swap3A_591, %swap3A_592], %convert_element_type3A_590 {strides = array<i32>} : memref<16x128xi32, #tpu.memory_space<vmem>>, vector<1x128xi32>,
      %slice3A_594 = vector.extract_strided_slice %dot_general3A_584 {offsets = [1, 0], sizes = [1, 128], strides = [1, 1]} : vector<2x128xf32> to vector<1x128xf32>
      %swap3A_595 = arith.constant 3 : index
      %swap3A_596 = arith.constant 0 : index
      %swap3A_597 = vector.load %arg21[%swap3A_595, %swap3A_596] : memref<16x128xf32, #tpu.memory_space<vmem>>, vector<1x128xf32>
      tpu.vector_store %arg21[%swap3A_595, %swap3A_596], %slice3A_594 {strides = array<i32>} : memref<16x128xf32, #tpu.memory_space<vmem>>, vector<1x128xf32>,
      %slice3A_598 = vector.extract_strided_slice %transpose3A_312 {offsets = [0, 4], sizes = [2048, 1], strides = [1, 1]} : vector<2048x16xf32> to vector<2048x1xf32>
      %eq3A_599 = vector.broadcast %slice3A_598 : vector<2048x1xf32> to vector<2048x128xf32>
      %eq3A_600 = arith.cmpf oeq, %eq3A_599, %convert_element_type3A_305 : vector<2048x128xf32>
      %slice3A_601 = vector.extract_strided_slice %transpose3A_318 {offsets = [0, 4], sizes = [2048, 1], strides = [1, 1]} : vector<2048x16xf32> to vector<2048x1xf32>
      %gt3A_602 = arith.constant 0.000000e+00 : f32
      %gt3A_603 = vector.broadcast %gt3A_602 : f32 to vector<2048x1xf32>
      %gt3A_604 = arith.cmpf ogt, %slice3A_601, %gt3A_603 : vector<2048x1xf32>
      %and3A_605 = vector.broadcast %gt3A_604 : vector<2048x1xi1> to vector<2048x128xi1>
      %and3A_606 = arith.andi %eq3A_600, %and3A_605 : vector<2048x128xi1>
      %jit3A_607 = arith.constant 1.000000e+00 : f32
      %jit3A_608 = arith.constant 0.000000e+00 : f32
      %broadcast_in_dim3A_609 = vector.broadcast %jit3A_607 : f32 to vector<2048x128xf32>
      %broadcast_in_dim3A_610 = vector.broadcast %jit3A_608 : f32 to vector<2048x128xf32>
      %select_n3A_611 = arith.select %and3A_606, %broadcast_in_dim3A_609, %broadcast_in_dim3A_610 : vector<2048x128xi1>, vector<2048x128xf32>
      %slice3A_612 = vector.extract_strided_slice %get3A_250 {offsets = [4, 0], sizes = [1, 2048], strides = [1, 1]} : vector<16x2048xf32> to vector<1x2048xf32>
      %slice3A_613 = vector.extract_strided_slice %transpose3A {offsets = [4, 0], sizes = [1, 2048], strides = [1, 1]} : vector<16x2048xf32> to vector<1x2048xf32>
      %concatenate3A_614 = tpu.concatenate %slice3A_612, %slice3A_613, %convert_element_type3A_307 in 0 : vector<1x2048xf32>, vector<1x2048xf32>, vector<1x2048xf32> -> vector<3x2048xf32>
      %dot_general3A_615 = arith.constant dense<0.000000e+00> : vector<3x128xf32>
      %dot_general3A_616 = tpu.matmul %concatenate3A_614, %select_n3A_611, %dot_general3A_615 {dimension_numbers = #tpu.dot_dimension_numbers<[1], [0], [0], [1], [0, 0, 1, 1], [], []>, precision = #tpu.contract_precision<fp32>, transpose_lhs_hint = false} : vector<3x2048xf32>, vector<2048x128xf32>, vector<3x128xf32> -> vector<3x128xf32>
      %slice3A_617 = vector.extract_strided_slice %dot_general3A_616 {offsets = [0, 0], sizes = [1, 128], strides = [1, 1]} : vector<3x128xf32> to vector<1x128xf32>
      %slice3A_618 = vector.extract_strided_slice %dot_general3A_616 {offsets = [1, 0], sizes = [1, 128], strides = [1, 1]} : vector<3x128xf32> to vector<1x128xf32>
      %slice3A_619 = vector.extract_strided_slice %dot_general3A_616 {offsets = [2, 0], sizes = [1, 128], strides = [1, 1]} : vector<3x128xf32> to vector<1x128xf32>
      %reshape3A_620 = vector.shape_cast %slice3A_617 : vector<1x128xf32> to vector<128x1xf32>
      %reshape3A_621 = vector.shape_cast %slice3A_618 : vector<1x128xf32> to vector<128x1xf32>
      %reshape3A_622 = vector.shape_cast %slice3A_619 : vector<1x128xf32> to vector<128x1xf32>
      %lt3A_623 = vector.broadcast %slice3A_617 : vector<1x128xf32> to vector<128x128xf32>
      %lt3A_624 = vector.broadcast %reshape3A_620 : vector<128x1xf32> to vector<128x128xf32>
      %lt3A_625 = arith.cmpf olt, %lt3A_623, %lt3A_624 : vector<128x128xf32>
      %eq3A_626 = vector.broadcast %slice3A_617 : vector<1x128xf32> to vector<128x128xf32>
      %eq3A_627 = vector.broadcast %reshape3A_620 : vector<128x1xf32> to vector<128x128xf32>
      %eq3A_628 = arith.cmpf oeq, %eq3A_626, %eq3A_627 : vector<128x128xf32>
      %gt3A_629 = vector.broadcast %slice3A_618 : vector<1x128xf32> to vector<128x128xf32>
      %gt3A_630 = vector.broadcast %reshape3A_621 : vector<128x1xf32> to vector<128x128xf32>
      %gt3A_631 = arith.cmpf ogt, %gt3A_629, %gt3A_630 : vector<128x128xf32>
      %eq3A_632 = vector.broadcast %slice3A_618 : vector<1x128xf32> to vector<128x128xf32>
      %eq3A_633 = vector.broadcast %reshape3A_621 : vector<128x1xf32> to vector<128x128xf32>
      %eq3A_634 = arith.cmpf oeq, %eq3A_632, %eq3A_633 : vector<128x128xf32>
      %lt3A_635 = vector.broadcast %convert_element_type3A_311 : vector<128x1xf32> to vector<128x128xf32>
      %lt3A_636 = arith.cmpf olt, %convert_element_type3A_309, %lt3A_635 : vector<128x128xf32>
      %and3A_637 = arith.andi %eq3A_634, %lt3A_636 : vector<128x128xi1>
      %or3A_638 = arith.ori %gt3A_631, %and3A_637 : vector<128x128xi1>
      %and3A_639 = arith.andi %eq3A_628, %or3A_638 : vector<128x128xi1>
      %or3A_640 = arith.ori %lt3A_625, %and3A_639 : vector<128x128xi1>
      %convert_element_type3A_641 = arith.extui %or3A_640 : vector<128x128xi1> to vector<128x128xi32>
      %convert_element_type3A_642 = arith.sitofp %convert_element_type3A_641 : vector<128x128xi32> to vector<128x128xf32>
      %reduce_sum3A_643 = arith.constant dense<0.000000e+00> : vector<128xf32>
      %reduce_sum3A_644 = vector.multi_reduction <add>, %convert_element_type3A_642, %reduce_sum3A_643 [1] : vector<128x128xf32> to vector<128xf32>
      %broadcast_in_dim3A_645 = vector.shape_cast %reduce_sum3A_644 : vector<128xf32> to vector<128x1xf32>
      %eq3A_646 = vector.broadcast %broadcast_in_dim3A_645 : vector<128x1xf32> to vector<128x128xf32>
      %eq3A_647 = arith.cmpf oeq, %eq3A_646, %convert_element_type3A_309 : vector<128x128xf32>
      %jit3A_648 = arith.constant 1.000000e+00 : f32
      %jit3A_649 = arith.constant 0.000000e+00 : f32
      %broadcast_in_dim3A_650 = vector.broadcast %jit3A_648 : f32 to vector<128x128xf32>
      %broadcast_in_dim3A_651 = vector.broadcast %jit3A_649 : f32 to vector<128x128xf32>
      %select_n3A_652 = arith.select %eq3A_647, %broadcast_in_dim3A_650, %broadcast_in_dim3A_651 : vector<128x128xi1>, vector<128x128xf32>
      %concatenate3A_653 = tpu.concatenate %reshape3A_622, %reshape3A_620 in 1 : vector<128x1xf32>, vector<128x1xf32> -> vector<128x2xf32>
      %dot_general3A_654 = arith.constant dense<0.000000e+00> : vector<2x128xf32>
      %dot_general3A_655 = tpu.matmul %concatenate3A_653, %select_n3A_652, %dot_general3A_654 {dimension_numbers = #tpu.dot_dimension_numbers<[0], [0], [1], [1], [0, 1, 1, 1], [], []>, precision = #tpu.contract_precision<fp32>, transpose_lhs_hint = false} : vector<128x2xf32>, vector<128x128xf32>, vector<2x128xf32> -> vector<2x128xf32>
      %slice3A_656 = vector.extract_strided_slice %dot_general3A_655 {offsets = [0, 0], sizes = [1, 128], strides = [1, 1]} : vector<2x128xf32> to vector<1x128xf32>
      %add3A_657 = arith.constant 5.000000e-01 : f32
      %add3A_658 = vector.broadcast %add3A_657 : f32 to vector<1x128xf32>
      %add3A_659 = arith.addf %slice3A_656, %add3A_658 : vector<1x128xf32>
      %floor3A_660 = math.floor %add3A_659 : vector<1x128xf32>
      %convert_element_type3A_661 = arith.fptosi %floor3A_660 : vector<1x128xf32> to vector<1x128xi32>
      %swap3A_662 = arith.constant 4 : index
      %swap3A_663 = arith.constant 0 : index
      %swap3A_664 = vector.load %arg20[%swap3A_662, %swap3A_663] : memref<16x128xi32, #tpu.memory_space<vmem>>, vector<1x128xi32>
      tpu.vector_store %arg20[%swap3A_662, %swap3A_663], %convert_element_type3A_661 {strides = array<i32>} : memref<16x128xi32, #tpu.memory_space<vmem>>, vector<1x128xi32>,
      %slice3A_665 = vector.extract_strided_slice %dot_general3A_655 {offsets = [1, 0], sizes = [1, 128], strides = [1, 1]} : vector<2x128xf32> to vector<1x128xf32>
      %swap3A_666 = arith.constant 4 : index
      %swap3A_667 = arith.constant 0 : index
      %swap3A_668 = vector.load %arg21[%swap3A_666, %swap3A_667] : memref<16x128xf32, #tpu.memory_space<vmem>>, vector<1x128xf32>
      tpu.vector_store %arg21[%swap3A_666, %swap3A_667], %slice3A_665 {strides = array<i32>} : memref<16x128xf32, #tpu.memory_space<vmem>>, vector<1x128xf32>,
      %slice3A_669 = vector.extract_strided_slice %transpose3A_312 {offsets = [0, 5], sizes = [2048, 1], strides = [1, 1]} : vector<2048x16xf32> to vector<2048x1xf32>
      %eq3A_670 = vector.broadcast %slice3A_669 : vector<2048x1xf32> to vector<2048x128xf32>
      %eq3A_671 = arith.cmpf oeq, %eq3A_670, %convert_element_type3A_305 : vector<2048x128xf32>
      %slice3A_672 = vector.extract_strided_slice %transpose3A_318 {offsets = [0, 5], sizes = [2048, 1], strides = [1, 1]} : vector<2048x16xf32> to vector<2048x1xf32>
      %gt3A_673 = arith.constant 0.000000e+00 : f32
      %gt3A_674 = vector.broadcast %gt3A_673 : f32 to vector<2048x1xf32>
      %gt3A_675 = arith.cmpf ogt, %slice3A_672, %gt3A_674 : vector<2048x1xf32>
      %and3A_676 = vector.broadcast %gt3A_675 : vector<2048x1xi1> to vector<2048x128xi1>
      %and3A_677 = arith.andi %eq3A_671, %and3A_676 : vector<2048x128xi1>
      %jit3A_678 = arith.constant 1.000000e+00 : f32
      %jit3A_679 = arith.constant 0.000000e+00 : f32
      %broadcast_in_dim3A_680 = vector.broadcast %jit3A_678 : f32 to vector<2048x128xf32>
      %broadcast_in_dim3A_681 = vector.broadcast %jit3A_679 : f32 to vector<2048x128xf32>
      %select_n3A_682 = arith.select %and3A_677, %broadcast_in_dim3A_680, %broadcast_in_dim3A_681 : vector<2048x128xi1>, vector<2048x128xf32>
      %slice3A_683 = vector.extract_strided_slice %get3A_250 {offsets = [5, 0], sizes = [1, 2048], strides = [1, 1]} : vector<16x2048xf32> to vector<1x2048xf32>
      %slice3A_684 = vector.extract_strided_slice %transpose3A {offsets = [5, 0], sizes = [1, 2048], strides = [1, 1]} : vector<16x2048xf32> to vector<1x2048xf32>
      %concatenate3A_685 = tpu.concatenate %slice3A_683, %slice3A_684, %convert_element_type3A_307 in 0 : vector<1x2048xf32>, vector<1x2048xf32>, vector<1x2048xf32> -> vector<3x2048xf32>
      %dot_general3A_686 = arith.constant dense<0.000000e+00> : vector<3x128xf32>
      %dot_general3A_687 = tpu.matmul %concatenate3A_685, %select_n3A_682, %dot_general3A_686 {dimension_numbers = #tpu.dot_dimension_numbers<[1], [0], [0], [1], [0, 0, 1, 1], [], []>, precision = #tpu.contract_precision<fp32>, transpose_lhs_hint = false} : vector<3x2048xf32>, vector<2048x128xf32>, vector<3x128xf32> -> vector<3x128xf32>
      %slice3A_688 = vector.extract_strided_slice %dot_general3A_687 {offsets = [0, 0], sizes = [1, 128], strides = [1, 1]} : vector<3x128xf32> to vector<1x128xf32>
      %slice3A_689 = vector.extract_strided_slice %dot_general3A_687 {offsets = [1, 0], sizes = [1, 128], strides = [1, 1]} : vector<3x128xf32> to vector<1x128xf32>
      %slice3A_690 = vector.extract_strided_slice %dot_general3A_687 {offsets = [2, 0], sizes = [1, 128], strides = [1, 1]} : vector<3x128xf32> to vector<1x128xf32>
      %reshape3A_691 = vector.shape_cast %slice3A_688 : vector<1x128xf32> to vector<128x1xf32>
      %reshape3A_692 = vector.shape_cast %slice3A_689 : vector<1x128xf32> to vector<128x1xf32>
      %reshape3A_693 = vector.shape_cast %slice3A_690 : vector<1x128xf32> to vector<128x1xf32>
      %lt3A_694 = vector.broadcast %slice3A_688 : vector<1x128xf32> to vector<128x128xf32>
      %lt3A_695 = vector.broadcast %reshape3A_691 : vector<128x1xf32> to vector<128x128xf32>
      %lt3A_696 = arith.cmpf olt, %lt3A_694, %lt3A_695 : vector<128x128xf32>
      %eq3A_697 = vector.broadcast %slice3A_688 : vector<1x128xf32> to vector<128x128xf32>
      %eq3A_698 = vector.broadcast %reshape3A_691 : vector<128x1xf32> to vector<128x128xf32>
      %eq3A_699 = arith.cmpf oeq, %eq3A_697, %eq3A_698 : vector<128x128xf32>
      %gt3A_700 = vector.broadcast %slice3A_689 : vector<1x128xf32> to vector<128x128xf32>
      %gt3A_701 = vector.broadcast %reshape3A_692 : vector<128x1xf32> to vector<128x128xf32>
      %gt3A_702 = arith.cmpf ogt, %gt3A_700, %gt3A_701 : vector<128x128xf32>
      %eq3A_703 = vector.broadcast %slice3A_689 : vector<1x128xf32> to vector<128x128xf32>
      %eq3A_704 = vector.broadcast %reshape3A_692 : vector<128x1xf32> to vector<128x128xf32>
      %eq3A_705 = arith.cmpf oeq, %eq3A_703, %eq3A_704 : vector<128x128xf32>
      %lt3A_706 = vector.broadcast %convert_element_type3A_311 : vector<128x1xf32> to vector<128x128xf32>
      %lt3A_707 = arith.cmpf olt, %convert_element_type3A_309, %lt3A_706 : vector<128x128xf32>
      %and3A_708 = arith.andi %eq3A_705, %lt3A_707 : vector<128x128xi1>
      %or3A_709 = arith.ori %gt3A_702, %and3A_708 : vector<128x128xi1>
      %and3A_710 = arith.andi %eq3A_699, %or3A_709 : vector<128x128xi1>
      %or3A_711 = arith.ori %lt3A_696, %and3A_710 : vector<128x128xi1>
      %convert_element_type3A_712 = arith.extui %or3A_711 : vector<128x128xi1> to vector<128x128xi32>
      %convert_element_type3A_713 = arith.sitofp %convert_element_type3A_712 : vector<128x128xi32> to vector<128x128xf32>
      %reduce_sum3A_714 = arith.constant dense<0.000000e+00> : vector<128xf32>
      %reduce_sum3A_715 = vector.multi_reduction <add>, %convert_element_type3A_713, %reduce_sum3A_714 [1] : vector<128x128xf32> to vector<128xf32>
      %broadcast_in_dim3A_716 = vector.shape_cast %reduce_sum3A_715 : vector<128xf32> to vector<128x1xf32>
      %eq3A_717 = vector.broadcast %broadcast_in_dim3A_716 : vector<128x1xf32> to vector<128x128xf32>
      %eq3A_718 = arith.cmpf oeq, %eq3A_717, %convert_element_type3A_309 : vector<128x128xf32>
      %jit3A_719 = arith.constant 1.000000e+00 : f32
      %jit3A_720 = arith.constant 0.000000e+00 : f32
      %broadcast_in_dim3A_721 = vector.broadcast %jit3A_719 : f32 to vector<128x128xf32>
      %broadcast_in_dim3A_722 = vector.broadcast %jit3A_720 : f32 to vector<128x128xf32>
      %select_n3A_723 = arith.select %eq3A_718, %broadcast_in_dim3A_721, %broadcast_in_dim3A_722 : vector<128x128xi1>, vector<128x128xf32>
      %concatenate3A_724 = tpu.concatenate %reshape3A_693, %reshape3A_691 in 1 : vector<128x1xf32>, vector<128x1xf32> -> vector<128x2xf32>
      %dot_general3A_725 = arith.constant dense<0.000000e+00> : vector<2x128xf32>
      %dot_general3A_726 = tpu.matmul %concatenate3A_724, %select_n3A_723, %dot_general3A_725 {dimension_numbers = #tpu.dot_dimension_numbers<[0], [0], [1], [1], [0, 1, 1, 1], [], []>, precision = #tpu.contract_precision<fp32>, transpose_lhs_hint = false} : vector<128x2xf32>, vector<128x128xf32>, vector<2x128xf32> -> vector<2x128xf32>
      %slice3A_727 = vector.extract_strided_slice %dot_general3A_726 {offsets = [0, 0], sizes = [1, 128], strides = [1, 1]} : vector<2x128xf32> to vector<1x128xf32>
      %add3A_728 = arith.constant 5.000000e-01 : f32
      %add3A_729 = vector.broadcast %add3A_728 : f32 to vector<1x128xf32>
      %add3A_730 = arith.addf %slice3A_727, %add3A_729 : vector<1x128xf32>
      %floor3A_731 = math.floor %add3A_730 : vector<1x128xf32>
      %convert_element_type3A_732 = arith.fptosi %floor3A_731 : vector<1x128xf32> to vector<1x128xi32>
      %swap3A_733 = arith.constant 5 : index
      %swap3A_734 = arith.constant 0 : index
      %swap3A_735 = vector.load %arg20[%swap3A_733, %swap3A_734] : memref<16x128xi32, #tpu.memory_space<vmem>>, vector<1x128xi32>
      tpu.vector_store %arg20[%swap3A_733, %swap3A_734], %convert_element_type3A_732 {strides = array<i32>} : memref<16x128xi32, #tpu.memory_space<vmem>>, vector<1x128xi32>,
      %slice3A_736 = vector.extract_strided_slice %dot_general3A_726 {offsets = [1, 0], sizes = [1, 128], strides = [1, 1]} : vector<2x128xf32> to vector<1x128xf32>
      %swap3A_737 = arith.constant 5 : index
      %swap3A_738 = arith.constant 0 : index
      %swap3A_739 = vector.load %arg21[%swap3A_737, %swap3A_738] : memref<16x128xf32, #tpu.memory_space<vmem>>, vector<1x128xf32>
      tpu.vector_store %arg21[%swap3A_737, %swap3A_738], %slice3A_736 {strides = array<i32>} : memref<16x128xf32, #tpu.memory_space<vmem>>, vector<1x128xf32>,
      %slice3A_740 = vector.extract_strided_slice %transpose3A_312 {offsets = [0, 6], sizes = [2048, 1], strides = [1, 1]} : vector<2048x16xf32> to vector<2048x1xf32>
      %eq3A_741 = vector.broadcast %slice3A_740 : vector<2048x1xf32> to vector<2048x128xf32>
      %eq3A_742 = arith.cmpf oeq, %eq3A_741, %convert_element_type3A_305 : vector<2048x128xf32>
      %slice3A_743 = vector.extract_strided_slice %transpose3A_318 {offsets = [0, 6], sizes = [2048, 1], strides = [1, 1]} : vector<2048x16xf32> to vector<2048x1xf32>
      %gt3A_744 = arith.constant 0.000000e+00 : f32
      %gt3A_745 = vector.broadcast %gt3A_744 : f32 to vector<2048x1xf32>
      %gt3A_746 = arith.cmpf ogt, %slice3A_743, %gt3A_745 : vector<2048x1xf32>
      %and3A_747 = vector.broadcast %gt3A_746 : vector<2048x1xi1> to vector<2048x128xi1>
      %and3A_748 = arith.andi %eq3A_742, %and3A_747 : vector<2048x128xi1>
      %jit3A_749 = arith.constant 1.000000e+00 : f32
      %jit3A_750 = arith.constant 0.000000e+00 : f32
      %broadcast_in_dim3A_751 = vector.broadcast %jit3A_749 : f32 to vector<2048x128xf32>
      %broadcast_in_dim3A_752 = vector.broadcast %jit3A_750 : f32 to vector<2048x128xf32>
      %select_n3A_753 = arith.select %and3A_748, %broadcast_in_dim3A_751, %broadcast_in_dim3A_752 : vector<2048x128xi1>, vector<2048x128xf32>
      %slice3A_754 = vector.extract_strided_slice %get3A_250 {offsets = [6, 0], sizes = [1, 2048], strides = [1, 1]} : vector<16x2048xf32> to vector<1x2048xf32>
      %slice3A_755 = vector.extract_strided_slice %transpose3A {offsets = [6, 0], sizes = [1, 2048], strides = [1, 1]} : vector<16x2048xf32> to vector<1x2048xf32>
      %concatenate3A_756 = tpu.concatenate %slice3A_754, %slice3A_755, %convert_element_type3A_307 in 0 : vector<1x2048xf32>, vector<1x2048xf32>, vector<1x2048xf32> -> vector<3x2048xf32>
      %dot_general3A_757 = arith.constant dense<0.000000e+00> : vector<3x128xf32>
      %dot_general3A_758 = tpu.matmul %concatenate3A_756, %select_n3A_753, %dot_general3A_757 {dimension_numbers = #tpu.dot_dimension_numbers<[1], [0], [0], [1], [0, 0, 1, 1], [], []>, precision = #tpu.contract_precision<fp32>, transpose_lhs_hint = false} : vector<3x2048xf32>, vector<2048x128xf32>, vector<3x128xf32> -> vector<3x128xf32>
      %slice3A_759 = vector.extract_strided_slice %dot_general3A_758 {offsets = [0, 0], sizes = [1, 128], strides = [1, 1]} : vector<3x128xf32> to vector<1x128xf32>
      %slice3A_760 = vector.extract_strided_slice %dot_general3A_758 {offsets = [1, 0], sizes = [1, 128], strides = [1, 1]} : vector<3x128xf32> to vector<1x128xf32>
      %slice3A_761 = vector.extract_strided_slice %dot_general3A_758 {offsets = [2, 0], sizes = [1, 128], strides = [1, 1]} : vector<3x128xf32> to vector<1x128xf32>
      %reshape3A_762 = vector.shape_cast %slice3A_759 : vector<1x128xf32> to vector<128x1xf32>
      %reshape3A_763 = vector.shape_cast %slice3A_760 : vector<1x128xf32> to vector<128x1xf32>
      %reshape3A_764 = vector.shape_cast %slice3A_761 : vector<1x128xf32> to vector<128x1xf32>
      %lt3A_765 = vector.broadcast %slice3A_759 : vector<1x128xf32> to vector<128x128xf32>
      %lt3A_766 = vector.broadcast %reshape3A_762 : vector<128x1xf32> to vector<128x128xf32>
      %lt3A_767 = arith.cmpf olt, %lt3A_765, %lt3A_766 : vector<128x128xf32>
      %eq3A_768 = vector.broadcast %slice3A_759 : vector<1x128xf32> to vector<128x128xf32>
      %eq3A_769 = vector.broadcast %reshape3A_762 : vector<128x1xf32> to vector<128x128xf32>
      %eq3A_770 = arith.cmpf oeq, %eq3A_768, %eq3A_769 : vector<128x128xf32>
      %gt3A_771 = vector.broadcast %slice3A_760 : vector<1x128xf32> to vector<128x128xf32>
      %gt3A_772 = vector.broadcast %reshape3A_763 : vector<128x1xf32> to vector<128x128xf32>
      %gt3A_773 = arith.cmpf ogt, %gt3A_771, %gt3A_772 : vector<128x128xf32>
      %eq3A_774 = vector.broadcast %slice3A_760 : vector<1x128xf32> to vector<128x128xf32>
      %eq3A_775 = vector.broadcast %reshape3A_763 : vector<128x1xf32> to vector<128x128xf32>
      %eq3A_776 = arith.cmpf oeq, %eq3A_774, %eq3A_775 : vector<128x128xf32>
      %lt3A_777 = vector.broadcast %convert_element_type3A_311 : vector<128x1xf32> to vector<128x128xf32>
      %lt3A_778 = arith.cmpf olt, %convert_element_type3A_309, %lt3A_777 : vector<128x128xf32>
      %and3A_779 = arith.andi %eq3A_776, %lt3A_778 : vector<128x128xi1>
      %or3A_780 = arith.ori %gt3A_773, %and3A_779 : vector<128x128xi1>
      %and3A_781 = arith.andi %eq3A_770, %or3A_780 : vector<128x128xi1>
      %or3A_782 = arith.ori %lt3A_767, %and3A_781 : vector<128x128xi1>
      %convert_element_type3A_783 = arith.extui %or3A_782 : vector<128x128xi1> to vector<128x128xi32>
      %convert_element_type3A_784 = arith.sitofp %convert_element_type3A_783 : vector<128x128xi32> to vector<128x128xf32>
      %reduce_sum3A_785 = arith.constant dense<0.000000e+00> : vector<128xf32>
      %reduce_sum3A_786 = vector.multi_reduction <add>, %convert_element_type3A_784, %reduce_sum3A_785 [1] : vector<128x128xf32> to vector<128xf32>
      %broadcast_in_dim3A_787 = vector.shape_cast %reduce_sum3A_786 : vector<128xf32> to vector<128x1xf32>
      %eq3A_788 = vector.broadcast %broadcast_in_dim3A_787 : vector<128x1xf32> to vector<128x128xf32>
      %eq3A_789 = arith.cmpf oeq, %eq3A_788, %convert_element_type3A_309 : vector<128x128xf32>
      %jit3A_790 = arith.constant 1.000000e+00 : f32
      %jit3A_791 = arith.constant 0.000000e+00 : f32
      %broadcast_in_dim3A_792 = vector.broadcast %jit3A_790 : f32 to vector<128x128xf32>
      %broadcast_in_dim3A_793 = vector.broadcast %jit3A_791 : f32 to vector<128x128xf32>
      %select_n3A_794 = arith.select %eq3A_789, %broadcast_in_dim3A_792, %broadcast_in_dim3A_793 : vector<128x128xi1>, vector<128x128xf32>
      %concatenate3A_795 = tpu.concatenate %reshape3A_764, %reshape3A_762 in 1 : vector<128x1xf32>, vector<128x1xf32> -> vector<128x2xf32>
      %dot_general3A_796 = arith.constant dense<0.000000e+00> : vector<2x128xf32>
      %dot_general3A_797 = tpu.matmul %concatenate3A_795, %select_n3A_794, %dot_general3A_796 {dimension_numbers = #tpu.dot_dimension_numbers<[0], [0], [1], [1], [0, 1, 1, 1], [], []>, precision = #tpu.contract_precision<fp32>, transpose_lhs_hint = false} : vector<128x2xf32>, vector<128x128xf32>, vector<2x128xf32> -> vector<2x128xf32>
      %slice3A_798 = vector.extract_strided_slice %dot_general3A_797 {offsets = [0, 0], sizes = [1, 128], strides = [1, 1]} : vector<2x128xf32> to vector<1x128xf32>
      %add3A_799 = arith.constant 5.000000e-01 : f32
      %add3A_800 = vector.broadcast %add3A_799 : f32 to vector<1x128xf32>
      %add3A_801 = arith.addf %slice3A_798, %add3A_800 : vector<1x128xf32>
      %floor3A_802 = math.floor %add3A_801 : vector<1x128xf32>
      %convert_element_type3A_803 = arith.fptosi %floor3A_802 : vector<1x128xf32> to vector<1x128xi32>
      %swap3A_804 = arith.constant 6 : index
      %swap3A_805 = arith.constant 0 : index
      %swap3A_806 = vector.load %arg20[%swap3A_804, %swap3A_805] : memref<16x128xi32, #tpu.memory_space<vmem>>, vector<1x128xi32>
      tpu.vector_store %arg20[%swap3A_804, %swap3A_805], %convert_element_type3A_803 {strides = array<i32>} : memref<16x128xi32, #tpu.memory_space<vmem>>, vector<1x128xi32>,
      %slice3A_807 = vector.extract_strided_slice %dot_general3A_797 {offsets = [1, 0], sizes = [1, 128], strides = [1, 1]} : vector<2x128xf32> to vector<1x128xf32>
      %swap3A_808 = arith.constant 6 : index
      %swap3A_809 = arith.constant 0 : index
      %swap3A_810 = vector.load %arg21[%swap3A_808, %swap3A_809] : memref<16x128xf32, #tpu.memory_space<vmem>>, vector<1x128xf32>
      tpu.vector_store %arg21[%swap3A_808, %swap3A_809], %slice3A_807 {strides = array<i32>} : memref<16x128xf32, #tpu.memory_space<vmem>>, vector<1x128xf32>,
      %slice3A_811 = vector.extract_strided_slice %transpose3A_312 {offsets = [0, 7], sizes = [2048, 1], strides = [1, 1]} : vector<2048x16xf32> to vector<2048x1xf32>
      %eq3A_812 = vector.broadcast %slice3A_811 : vector<2048x1xf32> to vector<2048x128xf32>
      %eq3A_813 = arith.cmpf oeq, %eq3A_812, %convert_element_type3A_305 : vector<2048x128xf32>
      %slice3A_814 = vector.extract_strided_slice %transpose3A_318 {offsets = [0, 7], sizes = [2048, 1], strides = [1, 1]} : vector<2048x16xf32> to vector<2048x1xf32>
      %gt3A_815 = arith.constant 0.000000e+00 : f32
      %gt3A_816 = vector.broadcast %gt3A_815 : f32 to vector<2048x1xf32>
      %gt3A_817 = arith.cmpf ogt, %slice3A_814, %gt3A_816 : vector<2048x1xf32>
      %and3A_818 = vector.broadcast %gt3A_817 : vector<2048x1xi1> to vector<2048x128xi1>
      %and3A_819 = arith.andi %eq3A_813, %and3A_818 : vector<2048x128xi1>
      %jit3A_820 = arith.constant 1.000000e+00 : f32
      %jit3A_821 = arith.constant 0.000000e+00 : f32
      %broadcast_in_dim3A_822 = vector.broadcast %jit3A_820 : f32 to vector<2048x128xf32>
      %broadcast_in_dim3A_823 = vector.broadcast %jit3A_821 : f32 to vector<2048x128xf32>
      %select_n3A_824 = arith.select %and3A_819, %broadcast_in_dim3A_822, %broadcast_in_dim3A_823 : vector<2048x128xi1>, vector<2048x128xf32>
      %slice3A_825 = vector.extract_strided_slice %get3A_250 {offsets = [7, 0], sizes = [1, 2048], strides = [1, 1]} : vector<16x2048xf32> to vector<1x2048xf32>
      %slice3A_826 = vector.extract_strided_slice %transpose3A {offsets = [7, 0], sizes = [1, 2048], strides = [1, 1]} : vector<16x2048xf32> to vector<1x2048xf32>
      %concatenate3A_827 = tpu.concatenate %slice3A_825, %slice3A_826, %convert_element_type3A_307 in 0 : vector<1x2048xf32>, vector<1x2048xf32>, vector<1x2048xf32> -> vector<3x2048xf32>
      %dot_general3A_828 = arith.constant dense<0.000000e+00> : vector<3x128xf32>
      %dot_general3A_829 = tpu.matmul %concatenate3A_827, %select_n3A_824, %dot_general3A_828 {dimension_numbers = #tpu.dot_dimension_numbers<[1], [0], [0], [1], [0, 0, 1, 1], [], []>, precision = #tpu.contract_precision<fp32>, transpose_lhs_hint = false} : vector<3x2048xf32>, vector<2048x128xf32>, vector<3x128xf32> -> vector<3x128xf32>
      %slice3A_830 = vector.extract_strided_slice %dot_general3A_829 {offsets = [0, 0], sizes = [1, 128], strides = [1, 1]} : vector<3x128xf32> to vector<1x128xf32>
      %slice3A_831 = vector.extract_strided_slice %dot_general3A_829 {offsets = [1, 0], sizes = [1, 128], strides = [1, 1]} : vector<3x128xf32> to vector<1x128xf32>
      %slice3A_832 = vector.extract_strided_slice %dot_general3A_829 {offsets = [2, 0], sizes = [1, 128], strides = [1, 1]} : vector<3x128xf32> to vector<1x128xf32>
      %reshape3A_833 = vector.shape_cast %slice3A_830 : vector<1x128xf32> to vector<128x1xf32>
      %reshape3A_834 = vector.shape_cast %slice3A_831 : vector<1x128xf32> to vector<128x1xf32>
      %reshape3A_835 = vector.shape_cast %slice3A_832 : vector<1x128xf32> to vector<128x1xf32>
      %lt3A_836 = vector.broadcast %slice3A_830 : vector<1x128xf32> to vector<128x128xf32>
      %lt3A_837 = vector.broadcast %reshape3A_833 : vector<128x1xf32> to vector<128x128xf32>
      %lt3A_838 = arith.cmpf olt, %lt3A_836, %lt3A_837 : vector<128x128xf32>
      %eq3A_839 = vector.broadcast %slice3A_830 : vector<1x128xf32> to vector<128x128xf32>
      %eq3A_840 = vector.broadcast %reshape3A_833 : vector<128x1xf32> to vector<128x128xf32>
      %eq3A_841 = arith.cmpf oeq, %eq3A_839, %eq3A_840 : vector<128x128xf32>
      %gt3A_842 = vector.broadcast %slice3A_831 : vector<1x128xf32> to vector<128x128xf32>
      %gt3A_843 = vector.broadcast %reshape3A_834 : vector<128x1xf32> to vector<128x128xf32>
      %gt3A_844 = arith.cmpf ogt, %gt3A_842, %gt3A_843 : vector<128x128xf32>
      %eq3A_845 = vector.broadcast %slice3A_831 : vector<1x128xf32> to vector<128x128xf32>
      %eq3A_846 = vector.broadcast %reshape3A_834 : vector<128x1xf32> to vector<128x128xf32>
      %eq3A_847 = arith.cmpf oeq, %eq3A_845, %eq3A_846 : vector<128x128xf32>
      %lt3A_848 = vector.broadcast %convert_element_type3A_311 : vector<128x1xf32> to vector<128x128xf32>
      %lt3A_849 = arith.cmpf olt, %convert_element_type3A_309, %lt3A_848 : vector<128x128xf32>
      %and3A_850 = arith.andi %eq3A_847, %lt3A_849 : vector<128x128xi1>
      %or3A_851 = arith.ori %gt3A_844, %and3A_850 : vector<128x128xi1>
      %and3A_852 = arith.andi %eq3A_841, %or3A_851 : vector<128x128xi1>
      %or3A_853 = arith.ori %lt3A_838, %and3A_852 : vector<128x128xi1>
      %convert_element_type3A_854 = arith.extui %or3A_853 : vector<128x128xi1> to vector<128x128xi32>
      %convert_element_type3A_855 = arith.sitofp %convert_element_type3A_854 : vector<128x128xi32> to vector<128x128xf32>
      %reduce_sum3A_856 = arith.constant dense<0.000000e+00> : vector<128xf32>
      %reduce_sum3A_857 = vector.multi_reduction <add>, %convert_element_type3A_855, %reduce_sum3A_856 [1] : vector<128x128xf32> to vector<128xf32>
      %broadcast_in_dim3A_858 = vector.shape_cast %reduce_sum3A_857 : vector<128xf32> to vector<128x1xf32>
      %eq3A_859 = vector.broadcast %broadcast_in_dim3A_858 : vector<128x1xf32> to vector<128x128xf32>
      %eq3A_860 = arith.cmpf oeq, %eq3A_859, %convert_element_type3A_309 : vector<128x128xf32>
      %jit3A_861 = arith.constant 1.000000e+00 : f32
      %jit3A_862 = arith.constant 0.000000e+00 : f32
      %broadcast_in_dim3A_863 = vector.broadcast %jit3A_861 : f32 to vector<128x128xf32>
      %broadcast_in_dim3A_864 = vector.broadcast %jit3A_862 : f32 to vector<128x128xf32>
      %select_n3A_865 = arith.select %eq3A_860, %broadcast_in_dim3A_863, %broadcast_in_dim3A_864 : vector<128x128xi1>, vector<128x128xf32>
      %concatenate3A_866 = tpu.concatenate %reshape3A_835, %reshape3A_833 in 1 : vector<128x1xf32>, vector<128x1xf32> -> vector<128x2xf32>
      %dot_general3A_867 = arith.constant dense<0.000000e+00> : vector<2x128xf32>
      %dot_general3A_868 = tpu.matmul %concatenate3A_866, %select_n3A_865, %dot_general3A_867 {dimension_numbers = #tpu.dot_dimension_numbers<[0], [0], [1], [1], [0, 1, 1, 1], [], []>, precision = #tpu.contract_precision<fp32>, transpose_lhs_hint = false} : vector<128x2xf32>, vector<128x128xf32>, vector<2x128xf32> -> vector<2x128xf32>
      %slice3A_869 = vector.extract_strided_slice %dot_general3A_868 {offsets = [0, 0], sizes = [1, 128], strides = [1, 1]} : vector<2x128xf32> to vector<1x128xf32>
      %add3A_870 = arith.constant 5.000000e-01 : f32
      %add3A_871 = vector.broadcast %add3A_870 : f32 to vector<1x128xf32>
      %add3A_872 = arith.addf %slice3A_869, %add3A_871 : vector<1x128xf32>
      %floor3A_873 = math.floor %add3A_872 : vector<1x128xf32>
      %convert_element_type3A_874 = arith.fptosi %floor3A_873 : vector<1x128xf32> to vector<1x128xi32>
      %swap3A_875 = arith.constant 7 : index
      %swap3A_876 = arith.constant 0 : index
      %swap3A_877 = vector.load %arg20[%swap3A_875, %swap3A_876] : memref<16x128xi32, #tpu.memory_space<vmem>>, vector<1x128xi32>
      tpu.vector_store %arg20[%swap3A_875, %swap3A_876], %convert_element_type3A_874 {strides = array<i32>} : memref<16x128xi32, #tpu.memory_space<vmem>>, vector<1x128xi32>,
      %slice3A_878 = vector.extract_strided_slice %dot_general3A_868 {offsets = [1, 0], sizes = [1, 128], strides = [1, 1]} : vector<2x128xf32> to vector<1x128xf32>
      %swap3A_879 = arith.constant 7 : index
      %swap3A_880 = arith.constant 0 : index
      %swap3A_881 = vector.load %arg21[%swap3A_879, %swap3A_880] : memref<16x128xf32, #tpu.memory_space<vmem>>, vector<1x128xf32>
      tpu.vector_store %arg21[%swap3A_879, %swap3A_880], %slice3A_878 {strides = array<i32>} : memref<16x128xf32, #tpu.memory_space<vmem>>, vector<1x128xf32>,
      %slice3A_882 = vector.extract_strided_slice %transpose3A_312 {offsets = [0, 8], sizes = [2048, 1], strides = [1, 1]} : vector<2048x16xf32> to vector<2048x1xf32>
      %eq3A_883 = vector.broadcast %slice3A_882 : vector<2048x1xf32> to vector<2048x128xf32>
      %eq3A_884 = arith.cmpf oeq, %eq3A_883, %convert_element_type3A_305 : vector<2048x128xf32>
      %slice3A_885 = vector.extract_strided_slice %transpose3A_318 {offsets = [0, 8], sizes = [2048, 1], strides = [1, 1]} : vector<2048x16xf32> to vector<2048x1xf32>
      %gt3A_886 = arith.constant 0.000000e+00 : f32
      %gt3A_887 = vector.broadcast %gt3A_886 : f32 to vector<2048x1xf32>
      %gt3A_888 = arith.cmpf ogt, %slice3A_885, %gt3A_887 : vector<2048x1xf32>
      %and3A_889 = vector.broadcast %gt3A_888 : vector<2048x1xi1> to vector<2048x128xi1>
      %and3A_890 = arith.andi %eq3A_884, %and3A_889 : vector<2048x128xi1>
      %jit3A_891 = arith.constant 1.000000e+00 : f32
      %jit3A_892 = arith.constant 0.000000e+00 : f32
      %broadcast_in_dim3A_893 = vector.broadcast %jit3A_891 : f32 to vector<2048x128xf32>
      %broadcast_in_dim3A_894 = vector.broadcast %jit3A_892 : f32 to vector<2048x128xf32>
      %select_n3A_895 = arith.select %and3A_890, %broadcast_in_dim3A_893, %broadcast_in_dim3A_894 : vector<2048x128xi1>, vector<2048x128xf32>
      %slice3A_896 = vector.extract_strided_slice %get3A_250 {offsets = [8, 0], sizes = [1, 2048], strides = [1, 1]} : vector<16x2048xf32> to vector<1x2048xf32>
      %slice3A_897 = vector.extract_strided_slice %transpose3A {offsets = [8, 0], sizes = [1, 2048], strides = [1, 1]} : vector<16x2048xf32> to vector<1x2048xf32>
      %concatenate3A_898 = tpu.concatenate %slice3A_896, %slice3A_897, %convert_element_type3A_307 in 0 : vector<1x2048xf32>, vector<1x2048xf32>, vector<1x2048xf32> -> vector<3x2048xf32>
      %dot_general3A_899 = arith.constant dense<0.000000e+00> : vector<3x128xf32>
      %dot_general3A_900 = tpu.matmul %concatenate3A_898, %select_n3A_895, %dot_general3A_899 {dimension_numbers = #tpu.dot_dimension_numbers<[1], [0], [0], [1], [0, 0, 1, 1], [], []>, precision = #tpu.contract_precision<fp32>, transpose_lhs_hint = false} : vector<3x2048xf32>, vector<2048x128xf32>, vector<3x128xf32> -> vector<3x128xf32>
      %slice3A_901 = vector.extract_strided_slice %dot_general3A_900 {offsets = [0, 0], sizes = [1, 128], strides = [1, 1]} : vector<3x128xf32> to vector<1x128xf32>
      %slice3A_902 = vector.extract_strided_slice %dot_general3A_900 {offsets = [1, 0], sizes = [1, 128], strides = [1, 1]} : vector<3x128xf32> to vector<1x128xf32>
      %slice3A_903 = vector.extract_strided_slice %dot_general3A_900 {offsets = [2, 0], sizes = [1, 128], strides = [1, 1]} : vector<3x128xf32> to vector<1x128xf32>
      %reshape3A_904 = vector.shape_cast %slice3A_901 : vector<1x128xf32> to vector<128x1xf32>
      %reshape3A_905 = vector.shape_cast %slice3A_902 : vector<1x128xf32> to vector<128x1xf32>
      %reshape3A_906 = vector.shape_cast %slice3A_903 : vector<1x128xf32> to vector<128x1xf32>
      %lt3A_907 = vector.broadcast %slice3A_901 : vector<1x128xf32> to vector<128x128xf32>
      %lt3A_908 = vector.broadcast %reshape3A_904 : vector<128x1xf32> to vector<128x128xf32>
      %lt3A_909 = arith.cmpf olt, %lt3A_907, %lt3A_908 : vector<128x128xf32>
      %eq3A_910 = vector.broadcast %slice3A_901 : vector<1x128xf32> to vector<128x128xf32>
      %eq3A_911 = vector.broadcast %reshape3A_904 : vector<128x1xf32> to vector<128x128xf32>
      %eq3A_912 = arith.cmpf oeq, %eq3A_910, %eq3A_911 : vector<128x128xf32>
      %gt3A_913 = vector.broadcast %slice3A_902 : vector<1x128xf32> to vector<128x128xf32>
      %gt3A_914 = vector.broadcast %reshape3A_905 : vector<128x1xf32> to vector<128x128xf32>
      %gt3A_915 = arith.cmpf ogt, %gt3A_913, %gt3A_914 : vector<128x128xf32>
      %eq3A_916 = vector.broadcast %slice3A_902 : vector<1x128xf32> to vector<128x128xf32>
      %eq3A_917 = vector.broadcast %reshape3A_905 : vector<128x1xf32> to vector<128x128xf32>
      %eq3A_918 = arith.cmpf oeq, %eq3A_916, %eq3A_917 : vector<128x128xf32>
      %lt3A_919 = vector.broadcast %convert_element_type3A_311 : vector<128x1xf32> to vector<128x128xf32>
      %lt3A_920 = arith.cmpf olt, %convert_element_type3A_309, %lt3A_919 : vector<128x128xf32>
      %and3A_921 = arith.andi %eq3A_918, %lt3A_920 : vector<128x128xi1>
      %or3A_922 = arith.ori %gt3A_915, %and3A_921 : vector<128x128xi1>
      %and3A_923 = arith.andi %eq3A_912, %or3A_922 : vector<128x128xi1>
      %or3A_924 = arith.ori %lt3A_909, %and3A_923 : vector<128x128xi1>
      %convert_element_type3A_925 = arith.extui %or3A_924 : vector<128x128xi1> to vector<128x128xi32>
      %convert_element_type3A_926 = arith.sitofp %convert_element_type3A_925 : vector<128x128xi32> to vector<128x128xf32>
      %reduce_sum3A_927 = arith.constant dense<0.000000e+00> : vector<128xf32>
      %reduce_sum3A_928 = vector.multi_reduction <add>, %convert_element_type3A_926, %reduce_sum3A_927 [1] : vector<128x128xf32> to vector<128xf32>
      %broadcast_in_dim3A_929 = vector.shape_cast %reduce_sum3A_928 : vector<128xf32> to vector<128x1xf32>
      %eq3A_930 = vector.broadcast %broadcast_in_dim3A_929 : vector<128x1xf32> to vector<128x128xf32>
      %eq3A_931 = arith.cmpf oeq, %eq3A_930, %convert_element_type3A_309 : vector<128x128xf32>
      %jit3A_932 = arith.constant 1.000000e+00 : f32
      %jit3A_933 = arith.constant 0.000000e+00 : f32
      %broadcast_in_dim3A_934 = vector.broadcast %jit3A_932 : f32 to vector<128x128xf32>
      %broadcast_in_dim3A_935 = vector.broadcast %jit3A_933 : f32 to vector<128x128xf32>
      %select_n3A_936 = arith.select %eq3A_931, %broadcast_in_dim3A_934, %broadcast_in_dim3A_935 : vector<128x128xi1>, vector<128x128xf32>
      %concatenate3A_937 = tpu.concatenate %reshape3A_906, %reshape3A_904 in 1 : vector<128x1xf32>, vector<128x1xf32> -> vector<128x2xf32>
      %dot_general3A_938 = arith.constant dense<0.000000e+00> : vector<2x128xf32>
      %dot_general3A_939 = tpu.matmul %concatenate3A_937, %select_n3A_936, %dot_general3A_938 {dimension_numbers = #tpu.dot_dimension_numbers<[0], [0], [1], [1], [0, 1, 1, 1], [], []>, precision = #tpu.contract_precision<fp32>, transpose_lhs_hint = false} : vector<128x2xf32>, vector<128x128xf32>, vector<2x128xf32> -> vector<2x128xf32>
      %slice3A_940 = vector.extract_strided_slice %dot_general3A_939 {offsets = [0, 0], sizes = [1, 128], strides = [1, 1]} : vector<2x128xf32> to vector<1x128xf32>
      %add3A_941 = arith.constant 5.000000e-01 : f32
      %add3A_942 = vector.broadcast %add3A_941 : f32 to vector<1x128xf32>
      %add3A_943 = arith.addf %slice3A_940, %add3A_942 : vector<1x128xf32>
      %floor3A_944 = math.floor %add3A_943 : vector<1x128xf32>
      %convert_element_type3A_945 = arith.fptosi %floor3A_944 : vector<1x128xf32> to vector<1x128xi32>
      %swap3A_946 = arith.constant 8 : index
      %swap3A_947 = arith.constant 0 : index
      %swap3A_948 = vector.load %arg20[%swap3A_946, %swap3A_947] : memref<16x128xi32, #tpu.memory_space<vmem>>, vector<1x128xi32>
      tpu.vector_store %arg20[%swap3A_946, %swap3A_947], %convert_element_type3A_945 {strides = array<i32>} : memref<16x128xi32, #tpu.memory_space<vmem>>, vector<1x128xi32>,
      %slice3A_949 = vector.extract_strided_slice %dot_general3A_939 {offsets = [1, 0], sizes = [1, 128], strides = [1, 1]} : vector<2x128xf32> to vector<1x128xf32>
      %swap3A_950 = arith.constant 8 : index
      %swap3A_951 = arith.constant 0 : index
      %swap3A_952 = vector.load %arg21[%swap3A_950, %swap3A_951] : memref<16x128xf32, #tpu.memory_space<vmem>>, vector<1x128xf32>
      tpu.vector_store %arg21[%swap3A_950, %swap3A_951], %slice3A_949 {strides = array<i32>} : memref<16x128xf32, #tpu.memory_space<vmem>>, vector<1x128xf32>,
      %slice3A_953 = vector.extract_strided_slice %transpose3A_312 {offsets = [0, 9], sizes = [2048, 1], strides = [1, 1]} : vector<2048x16xf32> to vector<2048x1xf32>
      %eq3A_954 = vector.broadcast %slice3A_953 : vector<2048x1xf32> to vector<2048x128xf32>
      %eq3A_955 = arith.cmpf oeq, %eq3A_954, %convert_element_type3A_305 : vector<2048x128xf32>
      %slice3A_956 = vector.extract_strided_slice %transpose3A_318 {offsets = [0, 9], sizes = [2048, 1], strides = [1, 1]} : vector<2048x16xf32> to vector<2048x1xf32>
      %gt3A_957 = arith.constant 0.000000e+00 : f32
      %gt3A_958 = vector.broadcast %gt3A_957 : f32 to vector<2048x1xf32>
      %gt3A_959 = arith.cmpf ogt, %slice3A_956, %gt3A_958 : vector<2048x1xf32>
      %and3A_960 = vector.broadcast %gt3A_959 : vector<2048x1xi1> to vector<2048x128xi1>
      %and3A_961 = arith.andi %eq3A_955, %and3A_960 : vector<2048x128xi1>
      %jit3A_962 = arith.constant 1.000000e+00 : f32
      %jit3A_963 = arith.constant 0.000000e+00 : f32
      %broadcast_in_dim3A_964 = vector.broadcast %jit3A_962 : f32 to vector<2048x128xf32>
      %broadcast_in_dim3A_965 = vector.broadcast %jit3A_963 : f32 to vector<2048x128xf32>
      %select_n3A_966 = arith.select %and3A_961, %broadcast_in_dim3A_964, %broadcast_in_dim3A_965 : vector<2048x128xi1>, vector<2048x128xf32>
      %slice3A_967 = vector.extract_strided_slice %get3A_250 {offsets = [9, 0], sizes = [1, 2048], strides = [1, 1]} : vector<16x2048xf32> to vector<1x2048xf32>
      %slice3A_968 = vector.extract_strided_slice %transpose3A {offsets = [9, 0], sizes = [1, 2048], strides = [1, 1]} : vector<16x2048xf32> to vector<1x2048xf32>
      %concatenate3A_969 = tpu.concatenate %slice3A_967, %slice3A_968, %convert_element_type3A_307 in 0 : vector<1x2048xf32>, vector<1x2048xf32>, vector<1x2048xf32> -> vector<3x2048xf32>
      %dot_general3A_970 = arith.constant dense<0.000000e+00> : vector<3x128xf32>
      %dot_general3A_971 = tpu.matmul %concatenate3A_969, %select_n3A_966, %dot_general3A_970 {dimension_numbers = #tpu.dot_dimension_numbers<[1], [0], [0], [1], [0, 0, 1, 1], [], []>, precision = #tpu.contract_precision<fp32>, transpose_lhs_hint = false} : vector<3x2048xf32>, vector<2048x128xf32>, vector<3x128xf32> -> vector<3x128xf32>
      %slice3A_972 = vector.extract_strided_slice %dot_general3A_971 {offsets = [0, 0], sizes = [1, 128], strides = [1, 1]} : vector<3x128xf32> to vector<1x128xf32>
      %slice3A_973 = vector.extract_strided_slice %dot_general3A_971 {offsets = [1, 0], sizes = [1, 128], strides = [1, 1]} : vector<3x128xf32> to vector<1x128xf32>
      %slice3A_974 = vector.extract_strided_slice %dot_general3A_971 {offsets = [2, 0], sizes = [1, 128], strides = [1, 1]} : vector<3x128xf32> to vector<1x128xf32>
      %reshape3A_975 = vector.shape_cast %slice3A_972 : vector<1x128xf32> to vector<128x1xf32>
      %reshape3A_976 = vector.shape_cast %slice3A_973 : vector<1x128xf32> to vector<128x1xf32>
      %reshape3A_977 = vector.shape_cast %slice3A_974 : vector<1x128xf32> to vector<128x1xf32>
      %lt3A_978 = vector.broadcast %slice3A_972 : vector<1x128xf32> to vector<128x128xf32>
      %lt3A_979 = vector.broadcast %reshape3A_975 : vector<128x1xf32> to vector<128x128xf32>
      %lt3A_980 = arith.cmpf olt, %lt3A_978, %lt3A_979 : vector<128x128xf32>
      %eq3A_981 = vector.broadcast %slice3A_972 : vector<1x128xf32> to vector<128x128xf32>
      %eq3A_982 = vector.broadcast %reshape3A_975 : vector<128x1xf32> to vector<128x128xf32>
      %eq3A_983 = arith.cmpf oeq, %eq3A_981, %eq3A_982 : vector<128x128xf32>
      %gt3A_984 = vector.broadcast %slice3A_973 : vector<1x128xf32> to vector<128x128xf32>
      %gt3A_985 = vector.broadcast %reshape3A_976 : vector<128x1xf32> to vector<128x128xf32>
      %gt3A_986 = arith.cmpf ogt, %gt3A_984, %gt3A_985 : vector<128x128xf32>
      %eq3A_987 = vector.broadcast %slice3A_973 : vector<1x128xf32> to vector<128x128xf32>
      %eq3A_988 = vector.broadcast %reshape3A_976 : vector<128x1xf32> to vector<128x128xf32>
      %eq3A_989 = arith.cmpf oeq, %eq3A_987, %eq3A_988 : vector<128x128xf32>
      %lt3A_990 = vector.broadcast %convert_element_type3A_311 : vector<128x1xf32> to vector<128x128xf32>
      %lt3A_991 = arith.cmpf olt, %convert_element_type3A_309, %lt3A_990 : vector<128x128xf32>
      %and3A_992 = arith.andi %eq3A_989, %lt3A_991 : vector<128x128xi1>
      %or3A_993 = arith.ori %gt3A_986, %and3A_992 : vector<128x128xi1>
      %and3A_994 = arith.andi %eq3A_983, %or3A_993 : vector<128x128xi1>
      %or3A_995 = arith.ori %lt3A_980, %and3A_994 : vector<128x128xi1>
      %convert_element_type3A_996 = arith.extui %or3A_995 : vector<128x128xi1> to vector<128x128xi32>
      %convert_element_type3A_997 = arith.sitofp %convert_element_type3A_996 : vector<128x128xi32> to vector<128x128xf32>
      %reduce_sum3A_998 = arith.constant dense<0.000000e+00> : vector<128xf32>
      %reduce_sum3A_999 = vector.multi_reduction <add>, %convert_element_type3A_997, %reduce_sum3A_998 [1] : vector<128x128xf32> to vector<128xf32>
      %broadcast_in_dim3A_1000 = vector.shape_cast %reduce_sum3A_999 : vector<128xf32> to vector<128x1xf32>
      %eq3A_1001 = vector.broadcast %broadcast_in_dim3A_1000 : vector<128x1xf32> to vector<128x128xf32>
      %eq3A_1002 = arith.cmpf oeq, %eq3A_1001, %convert_element_type3A_309 : vector<128x128xf32>
      %jit3A_1003 = arith.constant 1.000000e+00 : f32
      %jit3A_1004 = arith.constant 0.000000e+00 : f32
      %broadcast_in_dim3A_1005 = vector.broadcast %jit3A_1003 : f32 to vector<128x128xf32>
      %broadcast_in_dim3A_1006 = vector.broadcast %jit3A_1004 : f32 to vector<128x128xf32>
      %select_n3A_1007 = arith.select %eq3A_1002, %broadcast_in_dim3A_1005, %broadcast_in_dim3A_1006 : vector<128x128xi1>, vector<128x128xf32>
      %concatenate3A_1008 = tpu.concatenate %reshape3A_977, %reshape3A_975 in 1 : vector<128x1xf32>, vector<128x1xf32> -> vector<128x2xf32>
      %dot_general3A_1009 = arith.constant dense<0.000000e+00> : vector<2x128xf32>
      %dot_general3A_1010 = tpu.matmul %concatenate3A_1008, %select_n3A_1007, %dot_general3A_1009 {dimension_numbers = #tpu.dot_dimension_numbers<[0], [0], [1], [1], [0, 1, 1, 1], [], []>, precision = #tpu.contract_precision<fp32>, transpose_lhs_hint = false} : vector<128x2xf32>, vector<128x128xf32>, vector<2x128xf32> -> vector<2x128xf32>
      %slice3A_1011 = vector.extract_strided_slice %dot_general3A_1010 {offsets = [0, 0], sizes = [1, 128], strides = [1, 1]} : vector<2x128xf32> to vector<1x128xf32>
      %add3A_1012 = arith.constant 5.000000e-01 : f32
      %add3A_1013 = vector.broadcast %add3A_1012 : f32 to vector<1x128xf32>
      %add3A_1014 = arith.addf %slice3A_1011, %add3A_1013 : vector<1x128xf32>
      %floor3A_1015 = math.floor %add3A_1014 : vector<1x128xf32>
      %convert_element_type3A_1016 = arith.fptosi %floor3A_1015 : vector<1x128xf32> to vector<1x128xi32>
      %swap3A_1017 = arith.constant 9 : index
      %swap3A_1018 = arith.constant 0 : index
      %swap3A_1019 = vector.load %arg20[%swap3A_1017, %swap3A_1018] : memref<16x128xi32, #tpu.memory_space<vmem>>, vector<1x128xi32>
      tpu.vector_store %arg20[%swap3A_1017, %swap3A_1018], %convert_element_type3A_1016 {strides = array<i32>} : memref<16x128xi32, #tpu.memory_space<vmem>>, vector<1x128xi32>,
      %slice3A_1020 = vector.extract_strided_slice %dot_general3A_1010 {offsets = [1, 0], sizes = [1, 128], strides = [1, 1]} : vector<2x128xf32> to vector<1x128xf32>
      %swap3A_1021 = arith.constant 9 : index
      %swap3A_1022 = arith.constant 0 : index
      %swap3A_1023 = vector.load %arg21[%swap3A_1021, %swap3A_1022] : memref<16x128xf32, #tpu.memory_space<vmem>>, vector<1x128xf32>
      tpu.vector_store %arg21[%swap3A_1021, %swap3A_1022], %slice3A_1020 {strides = array<i32>} : memref<16x128xf32, #tpu.memory_space<vmem>>, vector<1x128xf32>,
      %slice3A_1024 = vector.extract_strided_slice %transpose3A_312 {offsets = [0, 10], sizes = [2048, 1], strides = [1, 1]} : vector<2048x16xf32> to vector<2048x1xf32>
      %eq3A_1025 = vector.broadcast %slice3A_1024 : vector<2048x1xf32> to vector<2048x128xf32>
      %eq3A_1026 = arith.cmpf oeq, %eq3A_1025, %convert_element_type3A_305 : vector<2048x128xf32>
      %slice3A_1027 = vector.extract_strided_slice %transpose3A_318 {offsets = [0, 10], sizes = [2048, 1], strides = [1, 1]} : vector<2048x16xf32> to vector<2048x1xf32>
      %gt3A_1028 = arith.constant 0.000000e+00 : f32
      %gt3A_1029 = vector.broadcast %gt3A_1028 : f32 to vector<2048x1xf32>
      %gt3A_1030 = arith.cmpf ogt, %slice3A_1027, %gt3A_1029 : vector<2048x1xf32>
      %and3A_1031 = vector.broadcast %gt3A_1030 : vector<2048x1xi1> to vector<2048x128xi1>
      %and3A_1032 = arith.andi %eq3A_1026, %and3A_1031 : vector<2048x128xi1>
      %jit3A_1033 = arith.constant 1.000000e+00 : f32
      %jit3A_1034 = arith.constant 0.000000e+00 : f32
      %broadcast_in_dim3A_1035 = vector.broadcast %jit3A_1033 : f32 to vector<2048x128xf32>
      %broadcast_in_dim3A_1036 = vector.broadcast %jit3A_1034 : f32 to vector<2048x128xf32>
      %select_n3A_1037 = arith.select %and3A_1032, %broadcast_in_dim3A_1035, %broadcast_in_dim3A_1036 : vector<2048x128xi1>, vector<2048x128xf32>
      %slice3A_1038 = vector.extract_strided_slice %get3A_250 {offsets = [10, 0], sizes = [1, 2048], strides = [1, 1]} : vector<16x2048xf32> to vector<1x2048xf32>
      %slice3A_1039 = vector.extract_strided_slice %transpose3A {offsets = [10, 0], sizes = [1, 2048], strides = [1, 1]} : vector<16x2048xf32> to vector<1x2048xf32>
      %concatenate3A_1040 = tpu.concatenate %slice3A_1038, %slice3A_1039, %convert_element_type3A_307 in 0 : vector<1x2048xf32>, vector<1x2048xf32>, vector<1x2048xf32> -> vector<3x2048xf32>
      %dot_general3A_1041 = arith.constant dense<0.000000e+00> : vector<3x128xf32>
      %dot_general3A_1042 = tpu.matmul %concatenate3A_1040, %select_n3A_1037, %dot_general3A_1041 {dimension_numbers = #tpu.dot_dimension_numbers<[1], [0], [0], [1], [0, 0, 1, 1], [], []>, precision = #tpu.contract_precision<fp32>, transpose_lhs_hint = false} : vector<3x2048xf32>, vector<2048x128xf32>, vector<3x128xf32> -> vector<3x128xf32>
      %slice3A_1043 = vector.extract_strided_slice %dot_general3A_1042 {offsets = [0, 0], sizes = [1, 128], strides = [1, 1]} : vector<3x128xf32> to vector<1x128xf32>
      %slice3A_1044 = vector.extract_strided_slice %dot_general3A_1042 {offsets = [1, 0], sizes = [1, 128], strides = [1, 1]} : vector<3x128xf32> to vector<1x128xf32>
      %slice3A_1045 = vector.extract_strided_slice %dot_general3A_1042 {offsets = [2, 0], sizes = [1, 128], strides = [1, 1]} : vector<3x128xf32> to vector<1x128xf32>
      %reshape3A_1046 = vector.shape_cast %slice3A_1043 : vector<1x128xf32> to vector<128x1xf32>
      %reshape3A_1047 = vector.shape_cast %slice3A_1044 : vector<1x128xf32> to vector<128x1xf32>
      %reshape3A_1048 = vector.shape_cast %slice3A_1045 : vector<1x128xf32> to vector<128x1xf32>
      %lt3A_1049 = vector.broadcast %slice3A_1043 : vector<1x128xf32> to vector<128x128xf32>
      %lt3A_1050 = vector.broadcast %reshape3A_1046 : vector<128x1xf32> to vector<128x128xf32>
      %lt3A_1051 = arith.cmpf olt, %lt3A_1049, %lt3A_1050 : vector<128x128xf32>
      %eq3A_1052 = vector.broadcast %slice3A_1043 : vector<1x128xf32> to vector<128x128xf32>
      %eq3A_1053 = vector.broadcast %reshape3A_1046 : vector<128x1xf32> to vector<128x128xf32>
      %eq3A_1054 = arith.cmpf oeq, %eq3A_1052, %eq3A_1053 : vector<128x128xf32>
      %gt3A_1055 = vector.broadcast %slice3A_1044 : vector<1x128xf32> to vector<128x128xf32>
      %gt3A_1056 = vector.broadcast %reshape3A_1047 : vector<128x1xf32> to vector<128x128xf32>
      %gt3A_1057 = arith.cmpf ogt, %gt3A_1055, %gt3A_1056 : vector<128x128xf32>
      %eq3A_1058 = vector.broadcast %slice3A_1044 : vector<1x128xf32> to vector<128x128xf32>
      %eq3A_1059 = vector.broadcast %reshape3A_1047 : vector<128x1xf32> to vector<128x128xf32>
      %eq3A_1060 = arith.cmpf oeq, %eq3A_1058, %eq3A_1059 : vector<128x128xf32>
      %lt3A_1061 = vector.broadcast %convert_element_type3A_311 : vector<128x1xf32> to vector<128x128xf32>
      %lt3A_1062 = arith.cmpf olt, %convert_element_type3A_309, %lt3A_1061 : vector<128x128xf32>
      %and3A_1063 = arith.andi %eq3A_1060, %lt3A_1062 : vector<128x128xi1>
      %or3A_1064 = arith.ori %gt3A_1057, %and3A_1063 : vector<128x128xi1>
      %and3A_1065 = arith.andi %eq3A_1054, %or3A_1064 : vector<128x128xi1>
      %or3A_1066 = arith.ori %lt3A_1051, %and3A_1065 : vector<128x128xi1>
      %convert_element_type3A_1067 = arith.extui %or3A_1066 : vector<128x128xi1> to vector<128x128xi32>
      %convert_element_type3A_1068 = arith.sitofp %convert_element_type3A_1067 : vector<128x128xi32> to vector<128x128xf32>
      %reduce_sum3A_1069 = arith.constant dense<0.000000e+00> : vector<128xf32>
      %reduce_sum3A_1070 = vector.multi_reduction <add>, %convert_element_type3A_1068, %reduce_sum3A_1069 [1] : vector<128x128xf32> to vector<128xf32>
      %broadcast_in_dim3A_1071 = vector.shape_cast %reduce_sum3A_1070 : vector<128xf32> to vector<128x1xf32>
      %eq3A_1072 = vector.broadcast %broadcast_in_dim3A_1071 : vector<128x1xf32> to vector<128x128xf32>
      %eq3A_1073 = arith.cmpf oeq, %eq3A_1072, %convert_element_type3A_309 : vector<128x128xf32>
      %jit3A_1074 = arith.constant 1.000000e+00 : f32
      %jit3A_1075 = arith.constant 0.000000e+00 : f32
      %broadcast_in_dim3A_1076 = vector.broadcast %jit3A_1074 : f32 to vector<128x128xf32>
      %broadcast_in_dim3A_1077 = vector.broadcast %jit3A_1075 : f32 to vector<128x128xf32>
      %select_n3A_1078 = arith.select %eq3A_1073, %broadcast_in_dim3A_1076, %broadcast_in_dim3A_1077 : vector<128x128xi1>, vector<128x128xf32>
      %concatenate3A_1079 = tpu.concatenate %reshape3A_1048, %reshape3A_1046 in 1 : vector<128x1xf32>, vector<128x1xf32> -> vector<128x2xf32>
      %dot_general3A_1080 = arith.constant dense<0.000000e+00> : vector<2x128xf32>
      %dot_general3A_1081 = tpu.matmul %concatenate3A_1079, %select_n3A_1078, %dot_general3A_1080 {dimension_numbers = #tpu.dot_dimension_numbers<[0], [0], [1], [1], [0, 1, 1, 1], [], []>, precision = #tpu.contract_precision<fp32>, transpose_lhs_hint = false} : vector<128x2xf32>, vector<128x128xf32>, vector<2x128xf32> -> vector<2x128xf32>
      %slice3A_1082 = vector.extract_strided_slice %dot_general3A_1081 {offsets = [0, 0], sizes = [1, 128], strides = [1, 1]} : vector<2x128xf32> to vector<1x128xf32>
      %add3A_1083 = arith.constant 5.000000e-01 : f32
      %add3A_1084 = vector.broadcast %add3A_1083 : f32 to vector<1x128xf32>
      %add3A_1085 = arith.addf %slice3A_1082, %add3A_1084 : vector<1x128xf32>
      %floor3A_1086 = math.floor %add3A_1085 : vector<1x128xf32>
      %convert_element_type3A_1087 = arith.fptosi %floor3A_1086 : vector<1x128xf32> to vector<1x128xi32>
      %swap3A_1088 = arith.constant 10 : index
      %swap3A_1089 = arith.constant 0 : index
      %swap3A_1090 = vector.load %arg20[%swap3A_1088, %swap3A_1089] : memref<16x128xi32, #tpu.memory_space<vmem>>, vector<1x128xi32>
      tpu.vector_store %arg20[%swap3A_1088, %swap3A_1089], %convert_element_type3A_1087 {strides = array<i32>} : memref<16x128xi32, #tpu.memory_space<vmem>>, vector<1x128xi32>,
      %slice3A_1091 = vector.extract_strided_slice %dot_general3A_1081 {offsets = [1, 0], sizes = [1, 128], strides = [1, 1]} : vector<2x128xf32> to vector<1x128xf32>
      %swap3A_1092 = arith.constant 10 : index
      %swap3A_1093 = arith.constant 0 : index
      %swap3A_1094 = vector.load %arg21[%swap3A_1092, %swap3A_1093] : memref<16x128xf32, #tpu.memory_space<vmem>>, vector<1x128xf32>
      tpu.vector_store %arg21[%swap3A_1092, %swap3A_1093], %slice3A_1091 {strides = array<i32>} : memref<16x128xf32, #tpu.memory_space<vmem>>, vector<1x128xf32>,
      %slice3A_1095 = vector.extract_strided_slice %transpose3A_312 {offsets = [0, 11], sizes = [2048, 1], strides = [1, 1]} : vector<2048x16xf32> to vector<2048x1xf32>
      %eq3A_1096 = vector.broadcast %slice3A_1095 : vector<2048x1xf32> to vector<2048x128xf32>
      %eq3A_1097 = arith.cmpf oeq, %eq3A_1096, %convert_element_type3A_305 : vector<2048x128xf32>
      %slice3A_1098 = vector.extract_strided_slice %transpose3A_318 {offsets = [0, 11], sizes = [2048, 1], strides = [1, 1]} : vector<2048x16xf32> to vector<2048x1xf32>
      %gt3A_1099 = arith.constant 0.000000e+00 : f32
      %gt3A_1100 = vector.broadcast %gt3A_1099 : f32 to vector<2048x1xf32>
      %gt3A_1101 = arith.cmpf ogt, %slice3A_1098, %gt3A_1100 : vector<2048x1xf32>
      %and3A_1102 = vector.broadcast %gt3A_1101 : vector<2048x1xi1> to vector<2048x128xi1>
      %and3A_1103 = arith.andi %eq3A_1097, %and3A_1102 : vector<2048x128xi1>
      %jit3A_1104 = arith.constant 1.000000e+00 : f32
      %jit3A_1105 = arith.constant 0.000000e+00 : f32
      %broadcast_in_dim3A_1106 = vector.broadcast %jit3A_1104 : f32 to vector<2048x128xf32>
      %broadcast_in_dim3A_1107 = vector.broadcast %jit3A_1105 : f32 to vector<2048x128xf32>
      %select_n3A_1108 = arith.select %and3A_1103, %broadcast_in_dim3A_1106, %broadcast_in_dim3A_1107 : vector<2048x128xi1>, vector<2048x128xf32>
      %slice3A_1109 = vector.extract_strided_slice %get3A_250 {offsets = [11, 0], sizes = [1, 2048], strides = [1, 1]} : vector<16x2048xf32> to vector<1x2048xf32>
      %slice3A_1110 = vector.extract_strided_slice %transpose3A {offsets = [11, 0], sizes = [1, 2048], strides = [1, 1]} : vector<16x2048xf32> to vector<1x2048xf32>
      %concatenate3A_1111 = tpu.concatenate %slice3A_1109, %slice3A_1110, %convert_element_type3A_307 in 0 : vector<1x2048xf32>, vector<1x2048xf32>, vector<1x2048xf32> -> vector<3x2048xf32>
      %dot_general3A_1112 = arith.constant dense<0.000000e+00> : vector<3x128xf32>
      %dot_general3A_1113 = tpu.matmul %concatenate3A_1111, %select_n3A_1108, %dot_general3A_1112 {dimension_numbers = #tpu.dot_dimension_numbers<[1], [0], [0], [1], [0, 0, 1, 1], [], []>, precision = #tpu.contract_precision<fp32>, transpose_lhs_hint = false} : vector<3x2048xf32>, vector<2048x128xf32>, vector<3x128xf32> -> vector<3x128xf32>
      %slice3A_1114 = vector.extract_strided_slice %dot_general3A_1113 {offsets = [0, 0], sizes = [1, 128], strides = [1, 1]} : vector<3x128xf32> to vector<1x128xf32>
      %slice3A_1115 = vector.extract_strided_slice %dot_general3A_1113 {offsets = [1, 0], sizes = [1, 128], strides = [1, 1]} : vector<3x128xf32> to vector<1x128xf32>
      %slice3A_1116 = vector.extract_strided_slice %dot_general3A_1113 {offsets = [2, 0], sizes = [1, 128], strides = [1, 1]} : vector<3x128xf32> to vector<1x128xf32>
      %reshape3A_1117 = vector.shape_cast %slice3A_1114 : vector<1x128xf32> to vector<128x1xf32>
      %reshape3A_1118 = vector.shape_cast %slice3A_1115 : vector<1x128xf32> to vector<128x1xf32>
      %reshape3A_1119 = vector.shape_cast %slice3A_1116 : vector<1x128xf32> to vector<128x1xf32>
      %lt3A_1120 = vector.broadcast %slice3A_1114 : vector<1x128xf32> to vector<128x128xf32>
      %lt3A_1121 = vector.broadcast %reshape3A_1117 : vector<128x1xf32> to vector<128x128xf32>
      %lt3A_1122 = arith.cmpf olt, %lt3A_1120, %lt3A_1121 : vector<128x128xf32>
      %eq3A_1123 = vector.broadcast %slice3A_1114 : vector<1x128xf32> to vector<128x128xf32>
      %eq3A_1124 = vector.broadcast %reshape3A_1117 : vector<128x1xf32> to vector<128x128xf32>
      %eq3A_1125 = arith.cmpf oeq, %eq3A_1123, %eq3A_1124 : vector<128x128xf32>
      %gt3A_1126 = vector.broadcast %slice3A_1115 : vector<1x128xf32> to vector<128x128xf32>
      %gt3A_1127 = vector.broadcast %reshape3A_1118 : vector<128x1xf32> to vector<128x128xf32>
      %gt3A_1128 = arith.cmpf ogt, %gt3A_1126, %gt3A_1127 : vector<128x128xf32>
      %eq3A_1129 = vector.broadcast %slice3A_1115 : vector<1x128xf32> to vector<128x128xf32>
      %eq3A_1130 = vector.broadcast %reshape3A_1118 : vector<128x1xf32> to vector<128x128xf32>
      %eq3A_1131 = arith.cmpf oeq, %eq3A_1129, %eq3A_1130 : vector<128x128xf32>
      %lt3A_1132 = vector.broadcast %convert_element_type3A_311 : vector<128x1xf32> to vector<128x128xf32>
      %lt3A_1133 = arith.cmpf olt, %convert_element_type3A_309, %lt3A_1132 : vector<128x128xf32>
      %and3A_1134 = arith.andi %eq3A_1131, %lt3A_1133 : vector<128x128xi1>
      %or3A_1135 = arith.ori %gt3A_1128, %and3A_1134 : vector<128x128xi1>
      %and3A_1136 = arith.andi %eq3A_1125, %or3A_1135 : vector<128x128xi1>
      %or3A_1137 = arith.ori %lt3A_1122, %and3A_1136 : vector<128x128xi1>
      %convert_element_type3A_1138 = arith.extui %or3A_1137 : vector<128x128xi1> to vector<128x128xi32>
      %convert_element_type3A_1139 = arith.sitofp %convert_element_type3A_1138 : vector<128x128xi32> to vector<128x128xf32>
      %reduce_sum3A_1140 = arith.constant dense<0.000000e+00> : vector<128xf32>
      %reduce_sum3A_1141 = vector.multi_reduction <add>, %convert_element_type3A_1139, %reduce_sum3A_1140 [1] : vector<128x128xf32> to vector<128xf32>
      %broadcast_in_dim3A_1142 = vector.shape_cast %reduce_sum3A_1141 : vector<128xf32> to vector<128x1xf32>
      %eq3A_1143 = vector.broadcast %broadcast_in_dim3A_1142 : vector<128x1xf32> to vector<128x128xf32>
      %eq3A_1144 = arith.cmpf oeq, %eq3A_1143, %convert_element_type3A_309 : vector<128x128xf32>
      %jit3A_1145 = arith.constant 1.000000e+00 : f32
      %jit3A_1146 = arith.constant 0.000000e+00 : f32
      %broadcast_in_dim3A_1147 = vector.broadcast %jit3A_1145 : f32 to vector<128x128xf32>
      %broadcast_in_dim3A_1148 = vector.broadcast %jit3A_1146 : f32 to vector<128x128xf32>
      %select_n3A_1149 = arith.select %eq3A_1144, %broadcast_in_dim3A_1147, %broadcast_in_dim3A_1148 : vector<128x128xi1>, vector<128x128xf32>
      %concatenate3A_1150 = tpu.concatenate %reshape3A_1119, %reshape3A_1117 in 1 : vector<128x1xf32>, vector<128x1xf32> -> vector<128x2xf32>
      %dot_general3A_1151 = arith.constant dense<0.000000e+00> : vector<2x128xf32>
      %dot_general3A_1152 = tpu.matmul %concatenate3A_1150, %select_n3A_1149, %dot_general3A_1151 {dimension_numbers = #tpu.dot_dimension_numbers<[0], [0], [1], [1], [0, 1, 1, 1], [], []>, precision = #tpu.contract_precision<fp32>, transpose_lhs_hint = false} : vector<128x2xf32>, vector<128x128xf32>, vector<2x128xf32> -> vector<2x128xf32>
      %slice3A_1153 = vector.extract_strided_slice %dot_general3A_1152 {offsets = [0, 0], sizes = [1, 128], strides = [1, 1]} : vector<2x128xf32> to vector<1x128xf32>
      %add3A_1154 = arith.constant 5.000000e-01 : f32
      %add3A_1155 = vector.broadcast %add3A_1154 : f32 to vector<1x128xf32>
      %add3A_1156 = arith.addf %slice3A_1153, %add3A_1155 : vector<1x128xf32>
      %floor3A_1157 = math.floor %add3A_1156 : vector<1x128xf32>
      %convert_element_type3A_1158 = arith.fptosi %floor3A_1157 : vector<1x128xf32> to vector<1x128xi32>
      %swap3A_1159 = arith.constant 11 : index
      %swap3A_1160 = arith.constant 0 : index
      %swap3A_1161 = vector.load %arg20[%swap3A_1159, %swap3A_1160] : memref<16x128xi32, #tpu.memory_space<vmem>>, vector<1x128xi32>
      tpu.vector_store %arg20[%swap3A_1159, %swap3A_1160], %convert_element_type3A_1158 {strides = array<i32>} : memref<16x128xi32, #tpu.memory_space<vmem>>, vector<1x128xi32>,
      %slice3A_1162 = vector.extract_strided_slice %dot_general3A_1152 {offsets = [1, 0], sizes = [1, 128], strides = [1, 1]} : vector<2x128xf32> to vector<1x128xf32>
      %swap3A_1163 = arith.constant 11 : index
      %swap3A_1164 = arith.constant 0 : index
      %swap3A_1165 = vector.load %arg21[%swap3A_1163, %swap3A_1164] : memref<16x128xf32, #tpu.memory_space<vmem>>, vector<1x128xf32>
      tpu.vector_store %arg21[%swap3A_1163, %swap3A_1164], %slice3A_1162 {strides = array<i32>} : memref<16x128xf32, #tpu.memory_space<vmem>>, vector<1x128xf32>,
      %slice3A_1166 = vector.extract_strided_slice %transpose3A_312 {offsets = [0, 12], sizes = [2048, 1], strides = [1, 1]} : vector<2048x16xf32> to vector<2048x1xf32>
      %eq3A_1167 = vector.broadcast %slice3A_1166 : vector<2048x1xf32> to vector<2048x128xf32>
      %eq3A_1168 = arith.cmpf oeq, %eq3A_1167, %convert_element_type3A_305 : vector<2048x128xf32>
      %slice3A_1169 = vector.extract_strided_slice %transpose3A_318 {offsets = [0, 12], sizes = [2048, 1], strides = [1, 1]} : vector<2048x16xf32> to vector<2048x1xf32>
      %gt3A_1170 = arith.constant 0.000000e+00 : f32
      %gt3A_1171 = vector.broadcast %gt3A_1170 : f32 to vector<2048x1xf32>
      %gt3A_1172 = arith.cmpf ogt, %slice3A_1169, %gt3A_1171 : vector<2048x1xf32>
      %and3A_1173 = vector.broadcast %gt3A_1172 : vector<2048x1xi1> to vector<2048x128xi1>
      %and3A_1174 = arith.andi %eq3A_1168, %and3A_1173 : vector<2048x128xi1>
      %jit3A_1175 = arith.constant 1.000000e+00 : f32
      %jit3A_1176 = arith.constant 0.000000e+00 : f32
      %broadcast_in_dim3A_1177 = vector.broadcast %jit3A_1175 : f32 to vector<2048x128xf32>
      %broadcast_in_dim3A_1178 = vector.broadcast %jit3A_1176 : f32 to vector<2048x128xf32>
      %select_n3A_1179 = arith.select %and3A_1174, %broadcast_in_dim3A_1177, %broadcast_in_dim3A_1178 : vector<2048x128xi1>, vector<2048x128xf32>
      %slice3A_1180 = vector.extract_strided_slice %get3A_250 {offsets = [12, 0], sizes = [1, 2048], strides = [1, 1]} : vector<16x2048xf32> to vector<1x2048xf32>
      %slice3A_1181 = vector.extract_strided_slice %transpose3A {offsets = [12, 0], sizes = [1, 2048], strides = [1, 1]} : vector<16x2048xf32> to vector<1x2048xf32>
      %concatenate3A_1182 = tpu.concatenate %slice3A_1180, %slice3A_1181, %convert_element_type3A_307 in 0 : vector<1x2048xf32>, vector<1x2048xf32>, vector<1x2048xf32> -> vector<3x2048xf32>
      %dot_general3A_1183 = arith.constant dense<0.000000e+00> : vector<3x128xf32>
      %dot_general3A_1184 = tpu.matmul %concatenate3A_1182, %select_n3A_1179, %dot_general3A_1183 {dimension_numbers = #tpu.dot_dimension_numbers<[1], [0], [0], [1], [0, 0, 1, 1], [], []>, precision = #tpu.contract_precision<fp32>, transpose_lhs_hint = false} : vector<3x2048xf32>, vector<2048x128xf32>, vector<3x128xf32> -> vector<3x128xf32>
      %slice3A_1185 = vector.extract_strided_slice %dot_general3A_1184 {offsets = [0, 0], sizes = [1, 128], strides = [1, 1]} : vector<3x128xf32> to vector<1x128xf32>
      %slice3A_1186 = vector.extract_strided_slice %dot_general3A_1184 {offsets = [1, 0], sizes = [1, 128], strides = [1, 1]} : vector<3x128xf32> to vector<1x128xf32>
      %slice3A_1187 = vector.extract_strided_slice %dot_general3A_1184 {offsets = [2, 0], sizes = [1, 128], strides = [1, 1]} : vector<3x128xf32> to vector<1x128xf32>
      %reshape3A_1188 = vector.shape_cast %slice3A_1185 : vector<1x128xf32> to vector<128x1xf32>
      %reshape3A_1189 = vector.shape_cast %slice3A_1186 : vector<1x128xf32> to vector<128x1xf32>
      %reshape3A_1190 = vector.shape_cast %slice3A_1187 : vector<1x128xf32> to vector<128x1xf32>
      %lt3A_1191 = vector.broadcast %slice3A_1185 : vector<1x128xf32> to vector<128x128xf32>
      %lt3A_1192 = vector.broadcast %reshape3A_1188 : vector<128x1xf32> to vector<128x128xf32>
      %lt3A_1193 = arith.cmpf olt, %lt3A_1191, %lt3A_1192 : vector<128x128xf32>
      %eq3A_1194 = vector.broadcast %slice3A_1185 : vector<1x128xf32> to vector<128x128xf32>
      %eq3A_1195 = vector.broadcast %reshape3A_1188 : vector<128x1xf32> to vector<128x128xf32>
      %eq3A_1196 = arith.cmpf oeq, %eq3A_1194, %eq3A_1195 : vector<128x128xf32>
      %gt3A_1197 = vector.broadcast %slice3A_1186 : vector<1x128xf32> to vector<128x128xf32>
      %gt3A_1198 = vector.broadcast %reshape3A_1189 : vector<128x1xf32> to vector<128x128xf32>
      %gt3A_1199 = arith.cmpf ogt, %gt3A_1197, %gt3A_1198 : vector<128x128xf32>
      %eq3A_1200 = vector.broadcast %slice3A_1186 : vector<1x128xf32> to vector<128x128xf32>
      %eq3A_1201 = vector.broadcast %reshape3A_1189 : vector<128x1xf32> to vector<128x128xf32>
      %eq3A_1202 = arith.cmpf oeq, %eq3A_1200, %eq3A_1201 : vector<128x128xf32>
      %lt3A_1203 = vector.broadcast %convert_element_type3A_311 : vector<128x1xf32> to vector<128x128xf32>
      %lt3A_1204 = arith.cmpf olt, %convert_element_type3A_309, %lt3A_1203 : vector<128x128xf32>
      %and3A_1205 = arith.andi %eq3A_1202, %lt3A_1204 : vector<128x128xi1>
      %or3A_1206 = arith.ori %gt3A_1199, %and3A_1205 : vector<128x128xi1>
      %and3A_1207 = arith.andi %eq3A_1196, %or3A_1206 : vector<128x128xi1>
      %or3A_1208 = arith.ori %lt3A_1193, %and3A_1207 : vector<128x128xi1>
      %convert_element_type3A_1209 = arith.extui %or3A_1208 : vector<128x128xi1> to vector<128x128xi32>
      %convert_element_type3A_1210 = arith.sitofp %convert_element_type3A_1209 : vector<128x128xi32> to vector<128x128xf32>
      %reduce_sum3A_1211 = arith.constant dense<0.000000e+00> : vector<128xf32>
      %reduce_sum3A_1212 = vector.multi_reduction <add>, %convert_element_type3A_1210, %reduce_sum3A_1211 [1] : vector<128x128xf32> to vector<128xf32>
      %broadcast_in_dim3A_1213 = vector.shape_cast %reduce_sum3A_1212 : vector<128xf32> to vector<128x1xf32>
      %eq3A_1214 = vector.broadcast %broadcast_in_dim3A_1213 : vector<128x1xf32> to vector<128x128xf32>
      %eq3A_1215 = arith.cmpf oeq, %eq3A_1214, %convert_element_type3A_309 : vector<128x128xf32>
      %jit3A_1216 = arith.constant 1.000000e+00 : f32
      %jit3A_1217 = arith.constant 0.000000e+00 : f32
      %broadcast_in_dim3A_1218 = vector.broadcast %jit3A_1216 : f32 to vector<128x128xf32>
      %broadcast_in_dim3A_1219 = vector.broadcast %jit3A_1217 : f32 to vector<128x128xf32>
      %select_n3A_1220 = arith.select %eq3A_1215, %broadcast_in_dim3A_1218, %broadcast_in_dim3A_1219 : vector<128x128xi1>, vector<128x128xf32>
      %concatenate3A_1221 = tpu.concatenate %reshape3A_1190, %reshape3A_1188 in 1 : vector<128x1xf32>, vector<128x1xf32> -> vector<128x2xf32>
      %dot_general3A_1222 = arith.constant dense<0.000000e+00> : vector<2x128xf32>
      %dot_general3A_1223 = tpu.matmul %concatenate3A_1221, %select_n3A_1220, %dot_general3A_1222 {dimension_numbers = #tpu.dot_dimension_numbers<[0], [0], [1], [1], [0, 1, 1, 1], [], []>, precision = #tpu.contract_precision<fp32>, transpose_lhs_hint = false} : vector<128x2xf32>, vector<128x128xf32>, vector<2x128xf32> -> vector<2x128xf32>
      %slice3A_1224 = vector.extract_strided_slice %dot_general3A_1223 {offsets = [0, 0], sizes = [1, 128], strides = [1, 1]} : vector<2x128xf32> to vector<1x128xf32>
      %add3A_1225 = arith.constant 5.000000e-01 : f32
      %add3A_1226 = vector.broadcast %add3A_1225 : f32 to vector<1x128xf32>
      %add3A_1227 = arith.addf %slice3A_1224, %add3A_1226 : vector<1x128xf32>
      %floor3A_1228 = math.floor %add3A_1227 : vector<1x128xf32>
      %convert_element_type3A_1229 = arith.fptosi %floor3A_1228 : vector<1x128xf32> to vector<1x128xi32>
      %swap3A_1230 = arith.constant 12 : index
      %swap3A_1231 = arith.constant 0 : index
      %swap3A_1232 = vector.load %arg20[%swap3A_1230, %swap3A_1231] : memref<16x128xi32, #tpu.memory_space<vmem>>, vector<1x128xi32>
      tpu.vector_store %arg20[%swap3A_1230, %swap3A_1231], %convert_element_type3A_1229 {strides = array<i32>} : memref<16x128xi32, #tpu.memory_space<vmem>>, vector<1x128xi32>,
      %slice3A_1233 = vector.extract_strided_slice %dot_general3A_1223 {offsets = [1, 0], sizes = [1, 128], strides = [1, 1]} : vector<2x128xf32> to vector<1x128xf32>
      %swap3A_1234 = arith.constant 12 : index
      %swap3A_1235 = arith.constant 0 : index
      %swap3A_1236 = vector.load %arg21[%swap3A_1234, %swap3A_1235] : memref<16x128xf32, #tpu.memory_space<vmem>>, vector<1x128xf32>
      tpu.vector_store %arg21[%swap3A_1234, %swap3A_1235], %slice3A_1233 {strides = array<i32>} : memref<16x128xf32, #tpu.memory_space<vmem>>, vector<1x128xf32>,
      %slice3A_1237 = vector.extract_strided_slice %transpose3A_312 {offsets = [0, 13], sizes = [2048, 1], strides = [1, 1]} : vector<2048x16xf32> to vector<2048x1xf32>
      %eq3A_1238 = vector.broadcast %slice3A_1237 : vector<2048x1xf32> to vector<2048x128xf32>
      %eq3A_1239 = arith.cmpf oeq, %eq3A_1238, %convert_element_type3A_305 : vector<2048x128xf32>
      %slice3A_1240 = vector.extract_strided_slice %transpose3A_318 {offsets = [0, 13], sizes = [2048, 1], strides = [1, 1]} : vector<2048x16xf32> to vector<2048x1xf32>
      %gt3A_1241 = arith.constant 0.000000e+00 : f32
      %gt3A_1242 = vector.broadcast %gt3A_1241 : f32 to vector<2048x1xf32>
      %gt3A_1243 = arith.cmpf ogt, %slice3A_1240, %gt3A_1242 : vector<2048x1xf32>
      %and3A_1244 = vector.broadcast %gt3A_1243 : vector<2048x1xi1> to vector<2048x128xi1>
      %and3A_1245 = arith.andi %eq3A_1239, %and3A_1244 : vector<2048x128xi1>
      %jit3A_1246 = arith.constant 1.000000e+00 : f32
      %jit3A_1247 = arith.constant 0.000000e+00 : f32
      %broadcast_in_dim3A_1248 = vector.broadcast %jit3A_1246 : f32 to vector<2048x128xf32>
      %broadcast_in_dim3A_1249 = vector.broadcast %jit3A_1247 : f32 to vector<2048x128xf32>
      %select_n3A_1250 = arith.select %and3A_1245, %broadcast_in_dim3A_1248, %broadcast_in_dim3A_1249 : vector<2048x128xi1>, vector<2048x128xf32>
      %slice3A_1251 = vector.extract_strided_slice %get3A_250 {offsets = [13, 0], sizes = [1, 2048], strides = [1, 1]} : vector<16x2048xf32> to vector<1x2048xf32>
      %slice3A_1252 = vector.extract_strided_slice %transpose3A {offsets = [13, 0], sizes = [1, 2048], strides = [1, 1]} : vector<16x2048xf32> to vector<1x2048xf32>
      %concatenate3A_1253 = tpu.concatenate %slice3A_1251, %slice3A_1252, %convert_element_type3A_307 in 0 : vector<1x2048xf32>, vector<1x2048xf32>, vector<1x2048xf32> -> vector<3x2048xf32>
      %dot_general3A_1254 = arith.constant dense<0.000000e+00> : vector<3x128xf32>
      %dot_general3A_1255 = tpu.matmul %concatenate3A_1253, %select_n3A_1250, %dot_general3A_1254 {dimension_numbers = #tpu.dot_dimension_numbers<[1], [0], [0], [1], [0, 0, 1, 1], [], []>, precision = #tpu.contract_precision<fp32>, transpose_lhs_hint = false} : vector<3x2048xf32>, vector<2048x128xf32>, vector<3x128xf32> -> vector<3x128xf32>
      %slice3A_1256 = vector.extract_strided_slice %dot_general3A_1255 {offsets = [0, 0], sizes = [1, 128], strides = [1, 1]} : vector<3x128xf32> to vector<1x128xf32>
      %slice3A_1257 = vector.extract_strided_slice %dot_general3A_1255 {offsets = [1, 0], sizes = [1, 128], strides = [1, 1]} : vector<3x128xf32> to vector<1x128xf32>
      %slice3A_1258 = vector.extract_strided_slice %dot_general3A_1255 {offsets = [2, 0], sizes = [1, 128], strides = [1, 1]} : vector<3x128xf32> to vector<1x128xf32>
      %reshape3A_1259 = vector.shape_cast %slice3A_1256 : vector<1x128xf32> to vector<128x1xf32>
      %reshape3A_1260 = vector.shape_cast %slice3A_1257 : vector<1x128xf32> to vector<128x1xf32>
      %reshape3A_1261 = vector.shape_cast %slice3A_1258 : vector<1x128xf32> to vector<128x1xf32>
      %lt3A_1262 = vector.broadcast %slice3A_1256 : vector<1x128xf32> to vector<128x128xf32>
      %lt3A_1263 = vector.broadcast %reshape3A_1259 : vector<128x1xf32> to vector<128x128xf32>
      %lt3A_1264 = arith.cmpf olt, %lt3A_1262, %lt3A_1263 : vector<128x128xf32>
      %eq3A_1265 = vector.broadcast %slice3A_1256 : vector<1x128xf32> to vector<128x128xf32>
      %eq3A_1266 = vector.broadcast %reshape3A_1259 : vector<128x1xf32> to vector<128x128xf32>
      %eq3A_1267 = arith.cmpf oeq, %eq3A_1265, %eq3A_1266 : vector<128x128xf32>
      %gt3A_1268 = vector.broadcast %slice3A_1257 : vector<1x128xf32> to vector<128x128xf32>
      %gt3A_1269 = vector.broadcast %reshape3A_1260 : vector<128x1xf32> to vector<128x128xf32>
      %gt3A_1270 = arith.cmpf ogt, %gt3A_1268, %gt3A_1269 : vector<128x128xf32>
      %eq3A_1271 = vector.broadcast %slice3A_1257 : vector<1x128xf32> to vector<128x128xf32>
      %eq3A_1272 = vector.broadcast %reshape3A_1260 : vector<128x1xf32> to vector<128x128xf32>
      %eq3A_1273 = arith.cmpf oeq, %eq3A_1271, %eq3A_1272 : vector<128x128xf32>
      %lt3A_1274 = vector.broadcast %convert_element_type3A_311 : vector<128x1xf32> to vector<128x128xf32>
      %lt3A_1275 = arith.cmpf olt, %convert_element_type3A_309, %lt3A_1274 : vector<128x128xf32>
      %and3A_1276 = arith.andi %eq3A_1273, %lt3A_1275 : vector<128x128xi1>
      %or3A_1277 = arith.ori %gt3A_1270, %and3A_1276 : vector<128x128xi1>
      %and3A_1278 = arith.andi %eq3A_1267, %or3A_1277 : vector<128x128xi1>
      %or3A_1279 = arith.ori %lt3A_1264, %and3A_1278 : vector<128x128xi1>
      %convert_element_type3A_1280 = arith.extui %or3A_1279 : vector<128x128xi1> to vector<128x128xi32>
      %convert_element_type3A_1281 = arith.sitofp %convert_element_type3A_1280 : vector<128x128xi32> to vector<128x128xf32>
      %reduce_sum3A_1282 = arith.constant dense<0.000000e+00> : vector<128xf32>
      %reduce_sum3A_1283 = vector.multi_reduction <add>, %convert_element_type3A_1281, %reduce_sum3A_1282 [1] : vector<128x128xf32> to vector<128xf32>
      %broadcast_in_dim3A_1284 = vector.shape_cast %reduce_sum3A_1283 : vector<128xf32> to vector<128x1xf32>
      %eq3A_1285 = vector.broadcast %broadcast_in_dim3A_1284 : vector<128x1xf32> to vector<128x128xf32>
      %eq3A_1286 = arith.cmpf oeq, %eq3A_1285, %convert_element_type3A_309 : vector<128x128xf32>
      %jit3A_1287 = arith.constant 1.000000e+00 : f32
      %jit3A_1288 = arith.constant 0.000000e+00 : f32
      %broadcast_in_dim3A_1289 = vector.broadcast %jit3A_1287 : f32 to vector<128x128xf32>
      %broadcast_in_dim3A_1290 = vector.broadcast %jit3A_1288 : f32 to vector<128x128xf32>
      %select_n3A_1291 = arith.select %eq3A_1286, %broadcast_in_dim3A_1289, %broadcast_in_dim3A_1290 : vector<128x128xi1>, vector<128x128xf32>
      %concatenate3A_1292 = tpu.concatenate %reshape3A_1261, %reshape3A_1259 in 1 : vector<128x1xf32>, vector<128x1xf32> -> vector<128x2xf32>
      %dot_general3A_1293 = arith.constant dense<0.000000e+00> : vector<2x128xf32>
      %dot_general3A_1294 = tpu.matmul %concatenate3A_1292, %select_n3A_1291, %dot_general3A_1293 {dimension_numbers = #tpu.dot_dimension_numbers<[0], [0], [1], [1], [0, 1, 1, 1], [], []>, precision = #tpu.contract_precision<fp32>, transpose_lhs_hint = false} : vector<128x2xf32>, vector<128x128xf32>, vector<2x128xf32> -> vector<2x128xf32>
      %slice3A_1295 = vector.extract_strided_slice %dot_general3A_1294 {offsets = [0, 0], sizes = [1, 128], strides = [1, 1]} : vector<2x128xf32> to vector<1x128xf32>
      %add3A_1296 = arith.constant 5.000000e-01 : f32
      %add3A_1297 = vector.broadcast %add3A_1296 : f32 to vector<1x128xf32>
      %add3A_1298 = arith.addf %slice3A_1295, %add3A_1297 : vector<1x128xf32>
      %floor3A_1299 = math.floor %add3A_1298 : vector<1x128xf32>
      %convert_element_type3A_1300 = arith.fptosi %floor3A_1299 : vector<1x128xf32> to vector<1x128xi32>
      %swap3A_1301 = arith.constant 13 : index
      %swap3A_1302 = arith.constant 0 : index
      %swap3A_1303 = vector.load %arg20[%swap3A_1301, %swap3A_1302] : memref<16x128xi32, #tpu.memory_space<vmem>>, vector<1x128xi32>
      tpu.vector_store %arg20[%swap3A_1301, %swap3A_1302], %convert_element_type3A_1300 {strides = array<i32>} : memref<16x128xi32, #tpu.memory_space<vmem>>, vector<1x128xi32>,
      %slice3A_1304 = vector.extract_strided_slice %dot_general3A_1294 {offsets = [1, 0], sizes = [1, 128], strides = [1, 1]} : vector<2x128xf32> to vector<1x128xf32>
      %swap3A_1305 = arith.constant 13 : index
      %swap3A_1306 = arith.constant 0 : index
      %swap3A_1307 = vector.load %arg21[%swap3A_1305, %swap3A_1306] : memref<16x128xf32, #tpu.memory_space<vmem>>, vector<1x128xf32>
      tpu.vector_store %arg21[%swap3A_1305, %swap3A_1306], %slice3A_1304 {strides = array<i32>} : memref<16x128xf32, #tpu.memory_space<vmem>>, vector<1x128xf32>,
      %slice3A_1308 = vector.extract_strided_slice %transpose3A_312 {offsets = [0, 14], sizes = [2048, 1], strides = [1, 1]} : vector<2048x16xf32> to vector<2048x1xf32>
      %eq3A_1309 = vector.broadcast %slice3A_1308 : vector<2048x1xf32> to vector<2048x128xf32>
      %eq3A_1310 = arith.cmpf oeq, %eq3A_1309, %convert_element_type3A_305 : vector<2048x128xf32>
      %slice3A_1311 = vector.extract_strided_slice %transpose3A_318 {offsets = [0, 14], sizes = [2048, 1], strides = [1, 1]} : vector<2048x16xf32> to vector<2048x1xf32>
      %gt3A_1312 = arith.constant 0.000000e+00 : f32
      %gt3A_1313 = vector.broadcast %gt3A_1312 : f32 to vector<2048x1xf32>
      %gt3A_1314 = arith.cmpf ogt, %slice3A_1311, %gt3A_1313 : vector<2048x1xf32>
      %and3A_1315 = vector.broadcast %gt3A_1314 : vector<2048x1xi1> to vector<2048x128xi1>
      %and3A_1316 = arith.andi %eq3A_1310, %and3A_1315 : vector<2048x128xi1>
      %jit3A_1317 = arith.constant 1.000000e+00 : f32
      %jit3A_1318 = arith.constant 0.000000e+00 : f32
      %broadcast_in_dim3A_1319 = vector.broadcast %jit3A_1317 : f32 to vector<2048x128xf32>
      %broadcast_in_dim3A_1320 = vector.broadcast %jit3A_1318 : f32 to vector<2048x128xf32>
      %select_n3A_1321 = arith.select %and3A_1316, %broadcast_in_dim3A_1319, %broadcast_in_dim3A_1320 : vector<2048x128xi1>, vector<2048x128xf32>
      %slice3A_1322 = vector.extract_strided_slice %get3A_250 {offsets = [14, 0], sizes = [1, 2048], strides = [1, 1]} : vector<16x2048xf32> to vector<1x2048xf32>
      %slice3A_1323 = vector.extract_strided_slice %transpose3A {offsets = [14, 0], sizes = [1, 2048], strides = [1, 1]} : vector<16x2048xf32> to vector<1x2048xf32>
      %concatenate3A_1324 = tpu.concatenate %slice3A_1322, %slice3A_1323, %convert_element_type3A_307 in 0 : vector<1x2048xf32>, vector<1x2048xf32>, vector<1x2048xf32> -> vector<3x2048xf32>
      %dot_general3A_1325 = arith.constant dense<0.000000e+00> : vector<3x128xf32>
      %dot_general3A_1326 = tpu.matmul %concatenate3A_1324, %select_n3A_1321, %dot_general3A_1325 {dimension_numbers = #tpu.dot_dimension_numbers<[1], [0], [0], [1], [0, 0, 1, 1], [], []>, precision = #tpu.contract_precision<fp32>, transpose_lhs_hint = false} : vector<3x2048xf32>, vector<2048x128xf32>, vector<3x128xf32> -> vector<3x128xf32>
      %slice3A_1327 = vector.extract_strided_slice %dot_general3A_1326 {offsets = [0, 0], sizes = [1, 128], strides = [1, 1]} : vector<3x128xf32> to vector<1x128xf32>
      %slice3A_1328 = vector.extract_strided_slice %dot_general3A_1326 {offsets = [1, 0], sizes = [1, 128], strides = [1, 1]} : vector<3x128xf32> to vector<1x128xf32>
      %slice3A_1329 = vector.extract_strided_slice %dot_general3A_1326 {offsets = [2, 0], sizes = [1, 128], strides = [1, 1]} : vector<3x128xf32> to vector<1x128xf32>
      %reshape3A_1330 = vector.shape_cast %slice3A_1327 : vector<1x128xf32> to vector<128x1xf32>
      %reshape3A_1331 = vector.shape_cast %slice3A_1328 : vector<1x128xf32> to vector<128x1xf32>
      %reshape3A_1332 = vector.shape_cast %slice3A_1329 : vector<1x128xf32> to vector<128x1xf32>
      %lt3A_1333 = vector.broadcast %slice3A_1327 : vector<1x128xf32> to vector<128x128xf32>
      %lt3A_1334 = vector.broadcast %reshape3A_1330 : vector<128x1xf32> to vector<128x128xf32>
      %lt3A_1335 = arith.cmpf olt, %lt3A_1333, %lt3A_1334 : vector<128x128xf32>
      %eq3A_1336 = vector.broadcast %slice3A_1327 : vector<1x128xf32> to vector<128x128xf32>
      %eq3A_1337 = vector.broadcast %reshape3A_1330 : vector<128x1xf32> to vector<128x128xf32>
      %eq3A_1338 = arith.cmpf oeq, %eq3A_1336, %eq3A_1337 : vector<128x128xf32>
      %gt3A_1339 = vector.broadcast %slice3A_1328 : vector<1x128xf32> to vector<128x128xf32>
      %gt3A_1340 = vector.broadcast %reshape3A_1331 : vector<128x1xf32> to vector<128x128xf32>
      %gt3A_1341 = arith.cmpf ogt, %gt3A_1339, %gt3A_1340 : vector<128x128xf32>
      %eq3A_1342 = vector.broadcast %slice3A_1328 : vector<1x128xf32> to vector<128x128xf32>
      %eq3A_1343 = vector.broadcast %reshape3A_1331 : vector<128x1xf32> to vector<128x128xf32>
      %eq3A_1344 = arith.cmpf oeq, %eq3A_1342, %eq3A_1343 : vector<128x128xf32>
      %lt3A_1345 = vector.broadcast %convert_element_type3A_311 : vector<128x1xf32> to vector<128x128xf32>
      %lt3A_1346 = arith.cmpf olt, %convert_element_type3A_309, %lt3A_1345 : vector<128x128xf32>
      %and3A_1347 = arith.andi %eq3A_1344, %lt3A_1346 : vector<128x128xi1>
      %or3A_1348 = arith.ori %gt3A_1341, %and3A_1347 : vector<128x128xi1>
      %and3A_1349 = arith.andi %eq3A_1338, %or3A_1348 : vector<128x128xi1>
      %or3A_1350 = arith.ori %lt3A_1335, %and3A_1349 : vector<128x128xi1>
      %convert_element_type3A_1351 = arith.extui %or3A_1350 : vector<128x128xi1> to vector<128x128xi32>
      %convert_element_type3A_1352 = arith.sitofp %convert_element_type3A_1351 : vector<128x128xi32> to vector<128x128xf32>
      %reduce_sum3A_1353 = arith.constant dense<0.000000e+00> : vector<128xf32>
      %reduce_sum3A_1354 = vector.multi_reduction <add>, %convert_element_type3A_1352, %reduce_sum3A_1353 [1] : vector<128x128xf32> to vector<128xf32>
      %broadcast_in_dim3A_1355 = vector.shape_cast %reduce_sum3A_1354 : vector<128xf32> to vector<128x1xf32>
      %eq3A_1356 = vector.broadcast %broadcast_in_dim3A_1355 : vector<128x1xf32> to vector<128x128xf32>
      %eq3A_1357 = arith.cmpf oeq, %eq3A_1356, %convert_element_type3A_309 : vector<128x128xf32>
      %jit3A_1358 = arith.constant 1.000000e+00 : f32
      %jit3A_1359 = arith.constant 0.000000e+00 : f32
      %broadcast_in_dim3A_1360 = vector.broadcast %jit3A_1358 : f32 to vector<128x128xf32>
      %broadcast_in_dim3A_1361 = vector.broadcast %jit3A_1359 : f32 to vector<128x128xf32>
      %select_n3A_1362 = arith.select %eq3A_1357, %broadcast_in_dim3A_1360, %broadcast_in_dim3A_1361 : vector<128x128xi1>, vector<128x128xf32>
      %concatenate3A_1363 = tpu.concatenate %reshape3A_1332, %reshape3A_1330 in 1 : vector<128x1xf32>, vector<128x1xf32> -> vector<128x2xf32>
      %dot_general3A_1364 = arith.constant dense<0.000000e+00> : vector<2x128xf32>
      %dot_general3A_1365 = tpu.matmul %concatenate3A_1363, %select_n3A_1362, %dot_general3A_1364 {dimension_numbers = #tpu.dot_dimension_numbers<[0], [0], [1], [1], [0, 1, 1, 1], [], []>, precision = #tpu.contract_precision<fp32>, transpose_lhs_hint = false} : vector<128x2xf32>, vector<128x128xf32>, vector<2x128xf32> -> vector<2x128xf32>
      %slice3A_1366 = vector.extract_strided_slice %dot_general3A_1365 {offsets = [0, 0], sizes = [1, 128], strides = [1, 1]} : vector<2x128xf32> to vector<1x128xf32>
      %add3A_1367 = arith.constant 5.000000e-01 : f32
      %add3A_1368 = vector.broadcast %add3A_1367 : f32 to vector<1x128xf32>
      %add3A_1369 = arith.addf %slice3A_1366, %add3A_1368 : vector<1x128xf32>
      %floor3A_1370 = math.floor %add3A_1369 : vector<1x128xf32>
      %convert_element_type3A_1371 = arith.fptosi %floor3A_1370 : vector<1x128xf32> to vector<1x128xi32>
      %swap3A_1372 = arith.constant 14 : index
      %swap3A_1373 = arith.constant 0 : index
      %swap3A_1374 = vector.load %arg20[%swap3A_1372, %swap3A_1373] : memref<16x128xi32, #tpu.memory_space<vmem>>, vector<1x128xi32>
      tpu.vector_store %arg20[%swap3A_1372, %swap3A_1373], %convert_element_type3A_1371 {strides = array<i32>} : memref<16x128xi32, #tpu.memory_space<vmem>>, vector<1x128xi32>,
      %slice3A_1375 = vector.extract_strided_slice %dot_general3A_1365 {offsets = [1, 0], sizes = [1, 128], strides = [1, 1]} : vector<2x128xf32> to vector<1x128xf32>
      %swap3A_1376 = arith.constant 14 : index
      %swap3A_1377 = arith.constant 0 : index
      %swap3A_1378 = vector.load %arg21[%swap3A_1376, %swap3A_1377] : memref<16x128xf32, #tpu.memory_space<vmem>>, vector<1x128xf32>
      tpu.vector_store %arg21[%swap3A_1376, %swap3A_1377], %slice3A_1375 {strides = array<i32>} : memref<16x128xf32, #tpu.memory_space<vmem>>, vector<1x128xf32>,
      %slice3A_1379 = vector.extract_strided_slice %transpose3A_312 {offsets = [0, 15], sizes = [2048, 1], strides = [1, 1]} : vector<2048x16xf32> to vector<2048x1xf32>
      %eq3A_1380 = vector.broadcast %slice3A_1379 : vector<2048x1xf32> to vector<2048x128xf32>
      %eq3A_1381 = arith.cmpf oeq, %eq3A_1380, %convert_element_type3A_305 : vector<2048x128xf32>
      %slice3A_1382 = vector.extract_strided_slice %transpose3A_318 {offsets = [0, 15], sizes = [2048, 1], strides = [1, 1]} : vector<2048x16xf32> to vector<2048x1xf32>
      %gt3A_1383 = arith.constant 0.000000e+00 : f32
      %gt3A_1384 = vector.broadcast %gt3A_1383 : f32 to vector<2048x1xf32>
      %gt3A_1385 = arith.cmpf ogt, %slice3A_1382, %gt3A_1384 : vector<2048x1xf32>
      %and3A_1386 = vector.broadcast %gt3A_1385 : vector<2048x1xi1> to vector<2048x128xi1>
      %and3A_1387 = arith.andi %eq3A_1381, %and3A_1386 : vector<2048x128xi1>
      %jit3A_1388 = arith.constant 1.000000e+00 : f32
      %jit3A_1389 = arith.constant 0.000000e+00 : f32
      %broadcast_in_dim3A_1390 = vector.broadcast %jit3A_1388 : f32 to vector<2048x128xf32>
      %broadcast_in_dim3A_1391 = vector.broadcast %jit3A_1389 : f32 to vector<2048x128xf32>
      %select_n3A_1392 = arith.select %and3A_1387, %broadcast_in_dim3A_1390, %broadcast_in_dim3A_1391 : vector<2048x128xi1>, vector<2048x128xf32>
      %slice3A_1393 = vector.extract_strided_slice %get3A_250 {offsets = [15, 0], sizes = [1, 2048], strides = [1, 1]} : vector<16x2048xf32> to vector<1x2048xf32>
      %slice3A_1394 = vector.extract_strided_slice %transpose3A {offsets = [15, 0], sizes = [1, 2048], strides = [1, 1]} : vector<16x2048xf32> to vector<1x2048xf32>
      %concatenate3A_1395 = tpu.concatenate %slice3A_1393, %slice3A_1394, %convert_element_type3A_307 in 0 : vector<1x2048xf32>, vector<1x2048xf32>, vector<1x2048xf32> -> vector<3x2048xf32>
      %dot_general3A_1396 = arith.constant dense<0.000000e+00> : vector<3x128xf32>
      %dot_general3A_1397 = tpu.matmul %concatenate3A_1395, %select_n3A_1392, %dot_general3A_1396 {dimension_numbers = #tpu.dot_dimension_numbers<[1], [0], [0], [1], [0, 0, 1, 1], [], []>, precision = #tpu.contract_precision<fp32>, transpose_lhs_hint = false} : vector<3x2048xf32>, vector<2048x128xf32>, vector<3x128xf32> -> vector<3x128xf32>
      %slice3A_1398 = vector.extract_strided_slice %dot_general3A_1397 {offsets = [0, 0], sizes = [1, 128], strides = [1, 1]} : vector<3x128xf32> to vector<1x128xf32>
      %slice3A_1399 = vector.extract_strided_slice %dot_general3A_1397 {offsets = [1, 0], sizes = [1, 128], strides = [1, 1]} : vector<3x128xf32> to vector<1x128xf32>
      %slice3A_1400 = vector.extract_strided_slice %dot_general3A_1397 {offsets = [2, 0], sizes = [1, 128], strides = [1, 1]} : vector<3x128xf32> to vector<1x128xf32>
      %reshape3A_1401 = vector.shape_cast %slice3A_1398 : vector<1x128xf32> to vector<128x1xf32>
      %reshape3A_1402 = vector.shape_cast %slice3A_1399 : vector<1x128xf32> to vector<128x1xf32>
      %reshape3A_1403 = vector.shape_cast %slice3A_1400 : vector<1x128xf32> to vector<128x1xf32>
      %lt3A_1404 = vector.broadcast %slice3A_1398 : vector<1x128xf32> to vector<128x128xf32>
      %lt3A_1405 = vector.broadcast %reshape3A_1401 : vector<128x1xf32> to vector<128x128xf32>
      %lt3A_1406 = arith.cmpf olt, %lt3A_1404, %lt3A_1405 : vector<128x128xf32>
      %eq3A_1407 = vector.broadcast %slice3A_1398 : vector<1x128xf32> to vector<128x128xf32>
      %eq3A_1408 = vector.broadcast %reshape3A_1401 : vector<128x1xf32> to vector<128x128xf32>
      %eq3A_1409 = arith.cmpf oeq, %eq3A_1407, %eq3A_1408 : vector<128x128xf32>
      %gt3A_1410 = vector.broadcast %slice3A_1399 : vector<1x128xf32> to vector<128x128xf32>
      %gt3A_1411 = vector.broadcast %reshape3A_1402 : vector<128x1xf32> to vector<128x128xf32>
      %gt3A_1412 = arith.cmpf ogt, %gt3A_1410, %gt3A_1411 : vector<128x128xf32>
      %eq3A_1413 = vector.broadcast %slice3A_1399 : vector<1x128xf32> to vector<128x128xf32>
      %eq3A_1414 = vector.broadcast %reshape3A_1402 : vector<128x1xf32> to vector<128x128xf32>
      %eq3A_1415 = arith.cmpf oeq, %eq3A_1413, %eq3A_1414 : vector<128x128xf32>
      %lt3A_1416 = vector.broadcast %convert_element_type3A_311 : vector<128x1xf32> to vector<128x128xf32>
      %lt3A_1417 = arith.cmpf olt, %convert_element_type3A_309, %lt3A_1416 : vector<128x128xf32>
      %and3A_1418 = arith.andi %eq3A_1415, %lt3A_1417 : vector<128x128xi1>
      %or3A_1419 = arith.ori %gt3A_1412, %and3A_1418 : vector<128x128xi1>
      %and3A_1420 = arith.andi %eq3A_1409, %or3A_1419 : vector<128x128xi1>
      %or3A_1421 = arith.ori %lt3A_1406, %and3A_1420 : vector<128x128xi1>
      %convert_element_type3A_1422 = arith.extui %or3A_1421 : vector<128x128xi1> to vector<128x128xi32>
      %convert_element_type3A_1423 = arith.sitofp %convert_element_type3A_1422 : vector<128x128xi32> to vector<128x128xf32>
      %reduce_sum3A_1424 = arith.constant dense<0.000000e+00> : vector<128xf32>
      %reduce_sum3A_1425 = vector.multi_reduction <add>, %convert_element_type3A_1423, %reduce_sum3A_1424 [1] : vector<128x128xf32> to vector<128xf32>
      %broadcast_in_dim3A_1426 = vector.shape_cast %reduce_sum3A_1425 : vector<128xf32> to vector<128x1xf32>
      %eq3A_1427 = vector.broadcast %broadcast_in_dim3A_1426 : vector<128x1xf32> to vector<128x128xf32>
      %eq3A_1428 = arith.cmpf oeq, %eq3A_1427, %convert_element_type3A_309 : vector<128x128xf32>
      %jit3A_1429 = arith.constant 1.000000e+00 : f32
      %jit3A_1430 = arith.constant 0.000000e+00 : f32
      %broadcast_in_dim3A_1431 = vector.broadcast %jit3A_1429 : f32 to vector<128x128xf32>
      %broadcast_in_dim3A_1432 = vector.broadcast %jit3A_1430 : f32 to vector<128x128xf32>
      %select_n3A_1433 = arith.select %eq3A_1428, %broadcast_in_dim3A_1431, %broadcast_in_dim3A_1432 : vector<128x128xi1>, vector<128x128xf32>
      %concatenate3A_1434 = tpu.concatenate %reshape3A_1403, %reshape3A_1401 in 1 : vector<128x1xf32>, vector<128x1xf32> -> vector<128x2xf32>
      %dot_general3A_1435 = arith.constant dense<0.000000e+00> : vector<2x128xf32>
      %dot_general3A_1436 = tpu.matmul %concatenate3A_1434, %select_n3A_1433, %dot_general3A_1435 {dimension_numbers = #tpu.dot_dimension_numbers<[0], [0], [1], [1], [0, 1, 1, 1], [], []>, precision = #tpu.contract_precision<fp32>, transpose_lhs_hint = false} : vector<128x2xf32>, vector<128x128xf32>, vector<2x128xf32> -> vector<2x128xf32>
      %slice3A_1437 = vector.extract_strided_slice %dot_general3A_1436 {offsets = [0, 0], sizes = [1, 128], strides = [1, 1]} : vector<2x128xf32> to vector<1x128xf32>
      %add3A_1438 = arith.constant 5.000000e-01 : f32
      %add3A_1439 = vector.broadcast %add3A_1438 : f32 to vector<1x128xf32>
      %add3A_1440 = arith.addf %slice3A_1437, %add3A_1439 : vector<1x128xf32>
      %floor3A_1441 = math.floor %add3A_1440 : vector<1x128xf32>
      %convert_element_type3A_1442 = arith.fptosi %floor3A_1441 : vector<1x128xf32> to vector<1x128xi32>
      %swap3A_1443 = arith.constant 15 : index
      %swap3A_1444 = arith.constant 0 : index
      %swap3A_1445 = vector.load %arg20[%swap3A_1443, %swap3A_1444] : memref<16x128xi32, #tpu.memory_space<vmem>>, vector<1x128xi32>
      tpu.vector_store %arg20[%swap3A_1443, %swap3A_1444], %convert_element_type3A_1442 {strides = array<i32>} : memref<16x128xi32, #tpu.memory_space<vmem>>, vector<1x128xi32>,
      %slice3A_1446 = vector.extract_strided_slice %dot_general3A_1436 {offsets = [1, 0], sizes = [1, 128], strides = [1, 1]} : vector<2x128xf32> to vector<1x128xf32>
      %swap3A_1447 = arith.constant 15 : index
      %swap3A_1448 = arith.constant 0 : index
      %swap3A_1449 = vector.load %arg21[%swap3A_1447, %swap3A_1448] : memref<16x128xf32, #tpu.memory_space<vmem>>, vector<1x128xf32>
      tpu.vector_store %arg21[%swap3A_1447, %swap3A_1448], %slice3A_1446 {strides = array<i32>} : memref<16x128xf32, #tpu.memory_space<vmem>>, vector<1x128xf32>,
    } else {
    }
    return
  }
  func.func @transform_0(%arg0: i32) -> (i32, i32, i32) {
    %c0_i32 = arith.constant 0 : i32
    %c0_i32_0 = arith.constant 0 : i32
    %c0_i32_1 = arith.constant 0 : i32
    return %arg0, %c0_i32, %c0_i32_0 : i32, i32, i32
  }
  func.func @transform_1(%arg0: i32) -> (i32, i32, i32) {
    %c0_i32 = arith.constant 0 : i32
    %c0_i32_0 = arith.constant 0 : i32
    %c0_i32_1 = arith.constant 0 : i32
    return %arg0, %c0_i32, %c0_i32_0 : i32, i32, i32
  }
  func.func @transform_2(%arg0: i32) -> (i32, i32) {
    %c0_i32 = arith.constant 0 : i32
    %c0_i32_0 = arith.constant 0 : i32
    %c0_i32_1 = arith.constant 0 : i32
    return %c0_i32, %c0_i32_0 : i32, i32
  }
  func.func @transform_3(%arg0: i32) -> (i32, i32) {
    %c0_i32 = arith.constant 0 : i32
    %c0_i32_0 = arith.constant 0 : i32
    %c0_i32_1 = arith.constant 0 : i32
    return %c0_i32, %c0_i32_0 : i32, i32
  }
  func.func @transform_4(%arg0: i32) -> (i32, i32) {
    %c0_i32 = arith.constant 0 : i32
    %c0_i32_0 = arith.constant 0 : i32
    %c0_i32_1 = arith.constant 0 : i32
    return %c0_i32, %c0_i32_0 : i32, i32
  }
  func.func @transform_5(%arg0: i32) -> (i32, i32) {
    %c0_i32 = arith.constant 0 : i32
    %c0_i32_0 = arith.constant 0 : i32
    %c0_i32_1 = arith.constant 0 : i32
    return %c0_i32, %c0_i32_0 : i32, i32
  }
  func.func @transform_6(%arg0: i32) -> (i32, i32) {
    %c0_i32 = arith.constant 0 : i32
    %c0_i32_0 = arith.constant 0 : i32
    %c0_i32_1 = arith.constant 0 : i32
    return %c0_i32, %c0_i32_0 : i32, i32
  }
  func.func @transform_7(%arg0: i32) -> (i32, i32) {
    %c0_i32 = arith.constant 0 : i32
    %c0_i32_0 = arith.constant 0 : i32
    %c0_i32_1 = arith.constant 0 : i32
    return %c0_i32, %c0_i32_0 : i32, i32
  }
  func.func @transform_8(%arg0: i32) -> (i32, i32) {
    %c0_i32 = arith.constant 0 : i32
    %c0_i32_0 = arith.constant 0 : i32
    %c0_i32_1 = arith.constant 0 : i32
    return %c0_i32, %c0_i32_0 : i32, i32
  }
  func.func @transform_9(%arg0: i32) -> (i32, i32) {
    %c0_i32 = arith.constant 0 : i32
    %c0_i32_0 = arith.constant 0 : i32
    %c0_i32_1 = arith.constant 0 : i32
    return %c0_i32, %c0_i32_0 : i32, i32
  }
  func.func @transform_10(%arg0: i32) -> (i32, i32) {
    %c0_i32 = arith.constant 0 : i32
    %c0_i32_0 = arith.constant 0 : i32
    %c0_i32_1 = arith.constant 0 : i32
    return %c0_i32, %c0_i32_0 : i32, i32
  }
  func.func @transform_11(%arg0: i32) -> (i32, i32) {
    %c0_i32 = arith.constant 0 : i32
    %c0_i32_0 = arith.constant 0 : i32
    %c0_i32_1 = arith.constant 0 : i32
    return %c0_i32, %c0_i32_0 : i32, i32
  }
  func.func @transform_12(%arg0: i32) -> (i32, i32) {
    %c0_i32 = arith.constant 0 : i32
    %c0_i32_0 = arith.constant 0 : i32
    %c0_i32_1 = arith.constant 0 : i32
    return %c0_i32, %c0_i32_0 : i32, i32
  }
  func.func @transform_13(%arg0: i32) -> (i32, i32) {
    %c0_i32 = arith.constant 0 : i32
    %c0_i32_0 = arith.constant 0 : i32
    %c0_i32_1 = arith.constant 0 : i32
    return %c0_i32, %c0_i32_0 : i32, i32
  }
  func.func @transform_14(%arg0: i32) -> (i32, i32) {
    %c0_i32 = arith.constant 0 : i32
    %c0_i32_0 = arith.constant 0 : i32
    %c0_i32_1 = arith.constant 0 : i32
    return %c0_i32, %c0_i32_0 : i32, i32
  }
  func.func @transform_15(%arg0: i32) -> (i32, i32) {
    %c0_i32 = arith.constant 0 : i32
    %c0_i32_0 = arith.constant 0 : i32
    %c0_i32_1 = arith.constant 0 : i32
    return %c0_i32, %c0_i32_0 : i32, i32
  }
  func.func @transform_16(%arg0: i32) -> (i32, i32) {
    %c0_i32 = arith.constant 0 : i32
    %c0_i32_0 = arith.constant 0 : i32
    %c0_i32_1 = arith.constant 0 : i32
    return %c0_i32, %c0_i32_0 : i32, i32
  }
  func.func @transform_17(%arg0: i32) -> (i32, i32) {
    %c0_i32 = arith.constant 0 : i32
    %c0_i32_0 = arith.constant 0 : i32
    %c0_i32_1 = arith.constant 0 : i32
    return %c0_i32, %c0_i32_0 : i32, i32
  }
  func.func @transform_18(%arg0: i32) -> (i32, i32) {
    %c0_i32 = arith.constant 0 : i32
    %c0_i32_0 = arith.constant 0 : i32
    %c0_i32_1 = arith.constant 0 : i32
    return %c0_i32, %c0_i32_0 : i32, i32
  }
  func.func @transform_19(%arg0: i32) -> (i32, i32) {
    %c0_i32 = arith.constant 0 : i32
    %c0_i32_0 = arith.constant 0 : i32
    %c0_i32_1 = arith.constant 0 : i32
    return %c0_i32, %c0_i32_0 : i32, i32
  }
  func.func @transform_20(%arg0: i32) -> (i32, i32) {
    %c0_i32 = arith.constant 0 : i32
    %c0_i32_0 = arith.constant 0 : i32
    %c0_i32_1 = arith.constant 0 : i32
    return %c0_i32, %c0_i32_0 : i32, i32
  }
}

module attributes {stable_mosaic.version = 14 : i64} {
  func.func @_pred_body(%arg0: i32, %arg1: memref<512x512xf32, #tpu.memory_space<vmem>>, %arg2: memref<1x1x512xf32, #tpu.memory_space<vmem>>, %arg3: memref<512x512xf32, #tpu.memory_space<vmem>>, %arg4: memref<512x512xf32, #tpu.memory_space<vmem>>, %arg5: memref<512x512xf32, #tpu.memory_space<vmem>>, %arg6: memref<1x512xf32, #tpu.memory_space<vmem>>, %arg7: memref<512x512xf32, #tpu.memory_space<vmem>>, %arg8: memref<1x512xf32, #tpu.memory_space<vmem>>, %arg9: memref<512x512xf32, #tpu.memory_space<vmem>>, %arg10: memref<1x512xf32, #tpu.memory_space<vmem>>, %arg11: memref<512x512xf32, #tpu.memory_space<vmem>>, %arg12: memref<1x512xf32, #tpu.memory_space<vmem>>, %arg13: memref<512x512xf32, #tpu.memory_space<vmem>>, %arg14: memref<1x512xf32, #tpu.memory_space<vmem>>, %arg15: memref<1x512xf32, #tpu.memory_space<vmem>>, %arg16: memref<1x512xf32, #tpu.memory_space<vmem>>, %arg17: memref<512x2048xf32, #tpu.memory_space<vmem>>, %arg18: memref<1x2048xf32, #tpu.memory_space<vmem>>, %arg19: memref<2048x512xf32, #tpu.memory_space<vmem>>, %arg20: memref<1x512xf32, #tpu.memory_space<vmem>>, %arg21: memref<1x512xf32, #tpu.memory_space<vmem>>, %arg22: memref<1x512xf32, #tpu.memory_space<vmem>>, %arg23: memref<512x512xf32, #tpu.memory_space<vmem>>, %arg24: memref<1x512xf32, #tpu.memory_space<vmem>>, %arg25: memref<512x512xf32, #tpu.memory_space<vmem>>, %arg26: memref<1x512xf32, #tpu.memory_space<vmem>>, %arg27: memref<512x512xf32, #tpu.memory_space<vmem>>, %arg28: memref<1x512xf32, #tpu.memory_space<vmem>>, %arg29: memref<512x512xf32, #tpu.memory_space<vmem>>, %arg30: memref<1x512xf32, #tpu.memory_space<vmem>>, %arg31: memref<1x512xf32, #tpu.memory_space<vmem>>, %arg32: memref<1x512xf32, #tpu.memory_space<vmem>>, %arg33: memref<512x2048xf32, #tpu.memory_space<vmem>>, %arg34: memref<1x2048xf32, #tpu.memory_space<vmem>>, %arg35: memref<2048x512xf32, #tpu.memory_space<vmem>>, %arg36: memref<1x512xf32, #tpu.memory_space<vmem>>, %arg37: memref<1x512xf32, #tpu.memory_space<vmem>>, %arg38: memref<1x512xf32, #tpu.memory_space<vmem>>, %arg39: memref<512x1xf32, #tpu.memory_space<vmem>>, %arg40: memref<1x1xf32, #tpu.memory_space<vmem>>, %arg41: memref<4x1x1xf32, #tpu.memory_space<vmem>>) attributes {dimension_semantics = [#tpu.dimension_semantics<arbitrary>], iteration_bounds = array<i64: 4>, scalar_prefetch = 0 : i64, scratch_operands = 0 : i64, tpu.core_type = #tpu.core_type<tc>, window_params = [{transform_indices = @transform_0, window_bounds = array<i64: 512, 512>}, {transform_indices = @transform_1, window_bounds = array<i64: 1, 1, 512>}, {pipeline_mode = #tpu.pipeline_mode<synchronous>, transform_indices = @transform_2, window_bounds = array<i64: 512, 512>}, {pipeline_mode = #tpu.pipeline_mode<synchronous>, transform_indices = @transform_3, window_bounds = array<i64: 512, 512>}, {pipeline_mode = #tpu.pipeline_mode<synchronous>, transform_indices = @transform_4, window_bounds = array<i64: 512, 512>}, {pipeline_mode = #tpu.pipeline_mode<synchronous>, transform_indices = @transform_5, window_bounds = array<i64: 1, 512>}, {pipeline_mode = #tpu.pipeline_mode<synchronous>, transform_indices = @transform_6, window_bounds = array<i64: 512, 512>}, {pipeline_mode = #tpu.pipeline_mode<synchronous>, transform_indices = @transform_7, window_bounds = array<i64: 1, 512>}, {pipeline_mode = #tpu.pipeline_mode<synchronous>, transform_indices = @transform_8, window_bounds = array<i64: 512, 512>}, {pipeline_mode = #tpu.pipeline_mode<synchronous>, transform_indices = @transform_9, window_bounds = array<i64: 1, 512>}, {pipeline_mode = #tpu.pipeline_mode<synchronous>, transform_indices = @transform_10, window_bounds = array<i64: 512, 512>}, {pipeline_mode = #tpu.pipeline_mode<synchronous>, transform_indices = @transform_11, window_bounds = array<i64: 1, 512>}, {pipeline_mode = #tpu.pipeline_mode<synchronous>, transform_indices = @transform_12, window_bounds = array<i64: 512, 512>}, {pipeline_mode = #tpu.pipeline_mode<synchronous>, transform_indices = @transform_13, window_bounds = array<i64: 1, 512>}, {pipeline_mode = #tpu.pipeline_mode<synchronous>, transform_indices = @transform_14, window_bounds = array<i64: 1, 512>}, {pipeline_mode = #tpu.pipeline_mode<synchronous>, transform_indices = @transform_15, window_bounds = array<i64: 1, 512>}, {pipeline_mode = #tpu.pipeline_mode<synchronous>, transform_indices = @transform_16, window_bounds = array<i64: 512, 2048>}, {pipeline_mode = #tpu.pipeline_mode<synchronous>, transform_indices = @transform_17, window_bounds = array<i64: 1, 2048>}, {pipeline_mode = #tpu.pipeline_mode<synchronous>, transform_indices = @transform_18, window_bounds = array<i64: 2048, 512>}, {pipeline_mode = #tpu.pipeline_mode<synchronous>, transform_indices = @transform_19, window_bounds = array<i64: 1, 512>}, {pipeline_mode = #tpu.pipeline_mode<synchronous>, transform_indices = @transform_20, window_bounds = array<i64: 1, 512>}, {pipeline_mode = #tpu.pipeline_mode<synchronous>, transform_indices = @transform_21, window_bounds = array<i64: 1, 512>}, {pipeline_mode = #tpu.pipeline_mode<synchronous>, transform_indices = @transform_22, window_bounds = array<i64: 512, 512>}, {pipeline_mode = #tpu.pipeline_mode<synchronous>, transform_indices = @transform_23, window_bounds = array<i64: 1, 512>}, {pipeline_mode = #tpu.pipeline_mode<synchronous>, transform_indices = @transform_24, window_bounds = array<i64: 512, 512>}, {pipeline_mode = #tpu.pipeline_mode<synchronous>, transform_indices = @transform_25, window_bounds = array<i64: 1, 512>}, {pipeline_mode = #tpu.pipeline_mode<synchronous>, transform_indices = @transform_26, window_bounds = array<i64: 512, 512>}, {pipeline_mode = #tpu.pipeline_mode<synchronous>, transform_indices = @transform_27, window_bounds = array<i64: 1, 512>}, {pipeline_mode = #tpu.pipeline_mode<synchronous>, transform_indices = @transform_28, window_bounds = array<i64: 512, 512>}, {pipeline_mode = #tpu.pipeline_mode<synchronous>, transform_indices = @transform_29, window_bounds = array<i64: 1, 512>}, {pipeline_mode = #tpu.pipeline_mode<synchronous>, transform_indices = @transform_30, window_bounds = array<i64: 1, 512>}, {pipeline_mode = #tpu.pipeline_mode<synchronous>, transform_indices = @transform_31, window_bounds = array<i64: 1, 512>}, {pipeline_mode = #tpu.pipeline_mode<synchronous>, transform_indices = @transform_32, window_bounds = array<i64: 512, 2048>}, {pipeline_mode = #tpu.pipeline_mode<synchronous>, transform_indices = @transform_33, window_bounds = array<i64: 1, 2048>}, {pipeline_mode = #tpu.pipeline_mode<synchronous>, transform_indices = @transform_34, window_bounds = array<i64: 2048, 512>}, {pipeline_mode = #tpu.pipeline_mode<synchronous>, transform_indices = @transform_35, window_bounds = array<i64: 1, 512>}, {pipeline_mode = #tpu.pipeline_mode<synchronous>, transform_indices = @transform_36, window_bounds = array<i64: 1, 512>}, {pipeline_mode = #tpu.pipeline_mode<synchronous>, transform_indices = @transform_37, window_bounds = array<i64: 1, 512>}, {pipeline_mode = #tpu.pipeline_mode<synchronous>, transform_indices = @transform_38, window_bounds = array<i64: 512, 1>}, {pipeline_mode = #tpu.pipeline_mode<synchronous>, transform_indices = @transform_39, window_bounds = array<i64: 1, 1>}, {transform_indices = @transform_40, window_bounds = array<i64: 4, 1, 1>}]} {
    %get3A = arith.constant 0 : index
    %get3A_0 = arith.constant 0 : index
    %get3A_1 = vector.load %arg1[%get3A, %get3A_0] : memref<512x512xf32, #tpu.memory_space<vmem>>, vector<512x512xf32>
    %get3A_2 = arith.constant 0 : index
    %get3A_3 = arith.constant 0 : index
    %get3A_4 = arith.constant 0 : index
    %get3A_5 = vector.load %arg2[%get3A_2, %get3A_3, %get3A_4] : memref<1x1x512xf32, #tpu.memory_space<vmem>>, vector<1x1x512xf32>
    %get3A_6 = vector.shape_cast %get3A_5 : vector<1x1x512xf32> to vector<1x512xf32>
    %reshape3A = vector.shape_cast %get3A_6 : vector<1x512xf32> to vector<512x1xf32>
    %sub3A = arith.constant 2.880000e+03 : f32
    %sub3A_7 = vector.broadcast %sub3A : f32 to vector<512x1xf32>
    %sub3A_8 = arith.subf %sub3A_7, %reshape3A : vector<512x1xf32>
    %get3A_9 = arith.constant 0 : index
    %get3A_10 = arith.constant 0 : index
    %get3A_11 = vector.load %arg6[%get3A_9, %get3A_10] : memref<1x512xf32, #tpu.memory_space<vmem>>, vector<1x512xf32>
    %mul3A = vector.broadcast %sub3A_8 : vector<512x1xf32> to vector<512x512xf32>
    %mul3A_12 = vector.broadcast %get3A_11 : vector<1x512xf32> to vector<512x512xf32>
    %mul3A_13 = arith.mulf %mul3A, %mul3A_12 : vector<512x512xf32>
    %iota3A = tpu.iota {dimensions = array<i32: 1>} : vector<512x512xi32>
    %jit3A = arith.constant 2 : i32
    %eq3A = arith.constant 0 : i32
    %eq3A_14 = arith.cmpi eq, %jit3A, %eq3A : i32
    %jit3A_15 = arith.constant 1 : i32
    %select_n3A = arith.select %eq3A_14, %jit3A_15, %jit3A : i32
    %rem3A = vector.broadcast %select_n3A : i32 to vector<512x512xi32>
    %rem3A_16 = arith.remsi %iota3A, %rem3A : vector<512x512xi32>
    %ne3A = arith.constant 0 : i32
    %ne3A_17 = vector.broadcast %ne3A : i32 to vector<512x512xi32>
    %ne3A_18 = arith.cmpi ne, %rem3A_16, %ne3A_17 : vector<512x512xi32>
    %lt3A = arith.constant 0 : i32
    %lt3A_19 = vector.broadcast %lt3A : i32 to vector<512x512xi32>
    %lt3A_20 = arith.cmpi slt, %rem3A_16, %lt3A_19 : vector<512x512xi32>
    %lt3A_21 = arith.constant 0 : i32
    %lt3A_22 = arith.cmpi slt, %select_n3A, %lt3A_21 : i32
    %ne3A_23 = vector.broadcast %lt3A_22 : i1 to vector<512x512xi1>
    %ne3A_24 = vector.broadcast %ne3A_23 : vector<512x512xi1> to vector<512x512xi1>
    %ne3A_25 = arith.xori %lt3A_20, %ne3A_24 : vector<512x512xi1>
    %and3A = arith.andi %ne3A_25, %ne3A_18 : vector<512x512xi1>
    %add3A = vector.broadcast %select_n3A : i32 to vector<512x512xi32>
    %add3A_26 = arith.addi %rem3A_16, %add3A : vector<512x512xi32>
    %select_n3A_27 = arith.select %and3A, %add3A_26, %rem3A_16 : vector<512x512xi1>, vector<512x512xi32>
    %eq3A_28 = arith.constant 0 : i32
    %eq3A_29 = vector.broadcast %eq3A_28 : i32 to vector<512x512xi32>
    %eq3A_30 = arith.cmpi eq, %select_n3A_27, %eq3A_29 : vector<512x512xi32>
    %sin3A = math.sin %mul3A_13 : vector<512x512xf32>
    %cos3A = math.cos %mul3A_13 : vector<512x512xf32>
    %select_n3A_31 = arith.select %eq3A_30, %sin3A, %cos3A : vector<512x512xi1>, vector<512x512xf32>
    %add3A_32 = arith.addf %get3A_1, %select_n3A_31 : vector<512x512xf32>
    %get3A_33 = arith.constant 0 : index
    %get3A_34 = arith.constant 0 : index
    %get3A_35 = vector.load %arg3[%get3A_33, %get3A_34] : memref<512x512xf32, #tpu.memory_space<vmem>>, vector<512x512xf32>
    %get3A_36 = arith.constant 0 : index
    %get3A_37 = arith.constant 0 : index
    %get3A_38 = vector.load %arg4[%get3A_36, %get3A_37] : memref<512x512xf32, #tpu.memory_space<vmem>>, vector<512x512xf32>
    %get3A_39 = arith.constant 0 : index
    %get3A_40 = arith.constant 0 : index
    %get3A_41 = vector.load %arg5[%get3A_39, %get3A_40] : memref<512x512xf32, #tpu.memory_space<vmem>>, vector<512x512xf32>
    %get3A_42 = arith.constant 0 : index
    %get3A_43 = arith.constant 0 : index
    %get3A_44 = vector.load %arg7[%get3A_42, %get3A_43] : memref<512x512xf32, #tpu.memory_space<vmem>>, vector<512x512xf32>
    %get3A_45 = arith.constant 0 : index
    %get3A_46 = arith.constant 0 : index
    %get3A_47 = vector.load %arg8[%get3A_45, %get3A_46] : memref<1x512xf32, #tpu.memory_space<vmem>>, vector<1x512xf32>
    %get3A_48 = arith.constant 0 : index
    %get3A_49 = arith.constant 0 : index
    %get3A_50 = vector.load %arg9[%get3A_48, %get3A_49] : memref<512x512xf32, #tpu.memory_space<vmem>>, vector<512x512xf32>
    %get3A_51 = arith.constant 0 : index
    %get3A_52 = arith.constant 0 : index
    %get3A_53 = vector.load %arg10[%get3A_51, %get3A_52] : memref<1x512xf32, #tpu.memory_space<vmem>>, vector<1x512xf32>
    %get3A_54 = arith.constant 0 : index
    %get3A_55 = arith.constant 0 : index
    %get3A_56 = vector.load %arg11[%get3A_54, %get3A_55] : memref<512x512xf32, #tpu.memory_space<vmem>>, vector<512x512xf32>
    %get3A_57 = arith.constant 0 : index
    %get3A_58 = arith.constant 0 : index
    %get3A_59 = vector.load %arg12[%get3A_57, %get3A_58] : memref<1x512xf32, #tpu.memory_space<vmem>>, vector<1x512xf32>
    %get3A_60 = arith.constant 0 : index
    %get3A_61 = arith.constant 0 : index
    %get3A_62 = vector.load %arg13[%get3A_60, %get3A_61] : memref<512x512xf32, #tpu.memory_space<vmem>>, vector<512x512xf32>
    %get3A_63 = arith.constant 0 : index
    %get3A_64 = arith.constant 0 : index
    %get3A_65 = vector.load %arg14[%get3A_63, %get3A_64] : memref<1x512xf32, #tpu.memory_space<vmem>>, vector<1x512xf32>
    %get3A_66 = arith.constant 0 : index
    %get3A_67 = arith.constant 0 : index
    %get3A_68 = vector.load %arg15[%get3A_66, %get3A_67] : memref<1x512xf32, #tpu.memory_space<vmem>>, vector<1x512xf32>
    %get3A_69 = arith.constant 0 : index
    %get3A_70 = arith.constant 0 : index
    %get3A_71 = vector.load %arg16[%get3A_69, %get3A_70] : memref<1x512xf32, #tpu.memory_space<vmem>>, vector<1x512xf32>
    %get3A_72 = arith.constant 0 : index
    %get3A_73 = arith.constant 0 : index
    %get3A_74 = vector.load %arg17[%get3A_72, %get3A_73] : memref<512x2048xf32, #tpu.memory_space<vmem>>, vector<512x2048xf32>
    %get3A_75 = arith.constant 0 : index
    %get3A_76 = arith.constant 0 : index
    %get3A_77 = vector.load %arg18[%get3A_75, %get3A_76] : memref<1x2048xf32, #tpu.memory_space<vmem>>, vector<1x2048xf32>
    %get3A_78 = arith.constant 0 : index
    %get3A_79 = arith.constant 0 : index
    %get3A_80 = vector.load %arg19[%get3A_78, %get3A_79] : memref<2048x512xf32, #tpu.memory_space<vmem>>, vector<2048x512xf32>
    %get3A_81 = arith.constant 0 : index
    %get3A_82 = arith.constant 0 : index
    %get3A_83 = vector.load %arg20[%get3A_81, %get3A_82] : memref<1x512xf32, #tpu.memory_space<vmem>>, vector<1x512xf32>
    %get3A_84 = arith.constant 0 : index
    %get3A_85 = arith.constant 0 : index
    %get3A_86 = vector.load %arg21[%get3A_84, %get3A_85] : memref<1x512xf32, #tpu.memory_space<vmem>>, vector<1x512xf32>
    %get3A_87 = arith.constant 0 : index
    %get3A_88 = arith.constant 0 : index
    %get3A_89 = vector.load %arg22[%get3A_87, %get3A_88] : memref<1x512xf32, #tpu.memory_space<vmem>>, vector<1x512xf32>
    %dot_general3A = arith.constant dense<0.000000e+00> : vector<512x512xf32>
    %dot_general3A_90 = tpu.matmul %add3A_32, %get3A_44, %dot_general3A {dimension_numbers = #tpu.dot_dimension_numbers<[1], [0], [0], [1], [0, 0, 1, 1], [], []>, transpose_lhs_hint = false} : vector<512x512xf32>, vector<512x512xf32>, vector<512x512xf32> -> vector<512x512xf32>
    %add3A_91 = vector.broadcast %get3A_47 : vector<1x512xf32> to vector<512x512xf32>
    %add3A_92 = arith.addf %dot_general3A_90, %add3A_91 : vector<512x512xf32>
    %dot_general3A_93 = arith.constant dense<0.000000e+00> : vector<512x512xf32>
    %dot_general3A_94 = tpu.matmul %add3A_32, %get3A_50, %dot_general3A_93 {dimension_numbers = #tpu.dot_dimension_numbers<[1], [0], [0], [1], [0, 0, 1, 1], [], []>, transpose_lhs_hint = false} : vector<512x512xf32>, vector<512x512xf32>, vector<512x512xf32> -> vector<512x512xf32>
    %add3A_95 = vector.broadcast %get3A_53 : vector<1x512xf32> to vector<512x512xf32>
    %add3A_96 = arith.addf %dot_general3A_94, %add3A_95 : vector<512x512xf32>
    %dot_general3A_97 = arith.constant dense<0.000000e+00> : vector<512x512xf32>
    %dot_general3A_98 = tpu.matmul %add3A_32, %get3A_56, %dot_general3A_97 {dimension_numbers = #tpu.dot_dimension_numbers<[1], [0], [0], [1], [0, 0, 1, 1], [], []>, transpose_lhs_hint = false} : vector<512x512xf32>, vector<512x512xf32>, vector<512x512xf32> -> vector<512x512xf32>
    %add3A_99 = vector.broadcast %get3A_59 : vector<1x512xf32> to vector<512x512xf32>
    %add3A_100 = arith.addf %dot_general3A_98, %add3A_99 : vector<512x512xf32>
    %mul3A_101 = arith.mulf %add3A_92, %get3A_38 : vector<512x512xf32>
    %dot_general3A_102 = arith.constant dense<0.000000e+00> : vector<512x512xf32>
    %dot_general3A_103 = tpu.matmul %add3A_92, %get3A_41, %dot_general3A_102 {dimension_numbers = #tpu.dot_dimension_numbers<[1], [0], [0], [1], [0, 0, 1, 1], [], []>, transpose_lhs_hint = false} : vector<512x512xf32>, vector<512x512xf32>, vector<512x512xf32> -> vector<512x512xf32>
    %mul3A_104 = arith.mulf %dot_general3A_103, %get3A_35 : vector<512x512xf32>
    %add3A_105 = arith.addf %mul3A_101, %mul3A_104 : vector<512x512xf32>
    %mul3A_106 = arith.mulf %add3A_96, %get3A_38 : vector<512x512xf32>
    %dot_general3A_107 = arith.constant dense<0.000000e+00> : vector<512x512xf32>
    %dot_general3A_108 = tpu.matmul %add3A_96, %get3A_41, %dot_general3A_107 {dimension_numbers = #tpu.dot_dimension_numbers<[1], [0], [0], [1], [0, 0, 1, 1], [], []>, transpose_lhs_hint = false} : vector<512x512xf32>, vector<512x512xf32>, vector<512x512xf32> -> vector<512x512xf32>
    %mul3A_109 = arith.mulf %dot_general3A_108, %get3A_35 : vector<512x512xf32>
    %add3A_110 = arith.addf %mul3A_106, %mul3A_109 : vector<512x512xf32>
    %slice3A = vector.extract_strided_slice %add3A_105 {offsets = [0, 0], sizes = [512, 64], strides = [1, 1]} : vector<512x512xf32> to vector<512x64xf32>
    %slice3A_111 = vector.extract_strided_slice %add3A_110 {offsets = [0, 0], sizes = [512, 64], strides = [1, 1]} : vector<512x512xf32> to vector<512x64xf32>
    %slice3A_112 = vector.extract_strided_slice %slice3A {offsets = [0, 0], sizes = [128, 64], strides = [1, 1]} : vector<512x64xf32> to vector<128x64xf32>
    %slice3A_113 = vector.extract_strided_slice %slice3A_111 {offsets = [0, 0], sizes = [128, 64], strides = [1, 1]} : vector<512x64xf32> to vector<128x64xf32>
    %dot_general3A_114 = arith.constant dense<0.000000e+00> : vector<128x128xf32>
    %dot_general3A_115 = tpu.matmul %slice3A_112, %slice3A_113, %dot_general3A_114 {dimension_numbers = #tpu.dot_dimension_numbers<[1], [1], [0], [0], [0, 0, 1, 0], [], []>, transpose_lhs_hint = false} : vector<128x64xf32>, vector<128x64xf32>, vector<128x128xf32> -> vector<128x128xf32>
    %mul3A_116 = arith.constant 1.250000e-01 : f32
    %mul3A_117 = vector.broadcast %mul3A_116 : f32 to vector<128x128xf32>
    %mul3A_118 = arith.mulf %dot_general3A_115, %mul3A_117 : vector<128x128xf32>
    %reduce_max3A = arith.constant dense<0xFF800000> : vector<128xf32>
    %reduce_max3A_119 = vector.multi_reduction <maximumf>, %mul3A_118, %reduce_max3A [1] : vector<128x128xf32> to vector<128xf32>
    %broadcast_in_dim3A = vector.shape_cast %reduce_max3A_119 : vector<128xf32> to vector<128x1xf32>
    %sub3A_120 = vector.broadcast %broadcast_in_dim3A : vector<128x1xf32> to vector<128x128xf32>
    %sub3A_121 = arith.subf %mul3A_118, %sub3A_120 : vector<128x128xf32>
    %exp3A = math.exp %sub3A_121 : vector<128x128xf32>
    %reduce_sum3A = arith.constant dense<0.000000e+00> : vector<128xf32>
    %reduce_sum3A_122 = vector.multi_reduction <add>, %exp3A, %reduce_sum3A [1] : vector<128x128xf32> to vector<128xf32>
    %broadcast_in_dim3A_123 = vector.shape_cast %reduce_sum3A_122 : vector<128xf32> to vector<128x1xf32>
    %div3A = vector.broadcast %broadcast_in_dim3A_123 : vector<128x1xf32> to vector<128x128xf32>
    %div3A_124 = arith.divf %exp3A, %div3A : vector<128x128xf32>
    %slice3A_125 = vector.extract_strided_slice %add3A_100 {offsets = [0, 0], sizes = [128, 64], strides = [1, 1]} : vector<512x512xf32> to vector<128x64xf32>
    %dot_general3A_126 = arith.constant dense<0.000000e+00> : vector<128x64xf32>
    %dot_general3A_127 = tpu.matmul %div3A_124, %slice3A_125, %dot_general3A_126 {dimension_numbers = #tpu.dot_dimension_numbers<[1], [0], [0], [1], [0, 0, 1, 1], [], []>, transpose_lhs_hint = false} : vector<128x128xf32>, vector<128x64xf32>, vector<128x64xf32> -> vector<128x64xf32>
    %slice3A_128 = vector.extract_strided_slice %slice3A {offsets = [128, 0], sizes = [128, 64], strides = [1, 1]} : vector<512x64xf32> to vector<128x64xf32>
    %slice3A_129 = vector.extract_strided_slice %slice3A_111 {offsets = [128, 0], sizes = [128, 64], strides = [1, 1]} : vector<512x64xf32> to vector<128x64xf32>
    %dot_general3A_130 = arith.constant dense<0.000000e+00> : vector<128x128xf32>
    %dot_general3A_131 = tpu.matmul %slice3A_128, %slice3A_129, %dot_general3A_130 {dimension_numbers = #tpu.dot_dimension_numbers<[1], [1], [0], [0], [0, 0, 1, 0], [], []>, transpose_lhs_hint = false} : vector<128x64xf32>, vector<128x64xf32>, vector<128x128xf32> -> vector<128x128xf32>
    %mul3A_132 = arith.constant 1.250000e-01 : f32
    %mul3A_133 = vector.broadcast %mul3A_132 : f32 to vector<128x128xf32>
    %mul3A_134 = arith.mulf %dot_general3A_131, %mul3A_133 : vector<128x128xf32>
    %reduce_max3A_135 = arith.constant dense<0xFF800000> : vector<128xf32>
    %reduce_max3A_136 = vector.multi_reduction <maximumf>, %mul3A_134, %reduce_max3A_135 [1] : vector<128x128xf32> to vector<128xf32>
    %broadcast_in_dim3A_137 = vector.shape_cast %reduce_max3A_136 : vector<128xf32> to vector<128x1xf32>
    %sub3A_138 = vector.broadcast %broadcast_in_dim3A_137 : vector<128x1xf32> to vector<128x128xf32>
    %sub3A_139 = arith.subf %mul3A_134, %sub3A_138 : vector<128x128xf32>
    %exp3A_140 = math.exp %sub3A_139 : vector<128x128xf32>
    %reduce_sum3A_141 = arith.constant dense<0.000000e+00> : vector<128xf32>
    %reduce_sum3A_142 = vector.multi_reduction <add>, %exp3A_140, %reduce_sum3A_141 [1] : vector<128x128xf32> to vector<128xf32>
    %broadcast_in_dim3A_143 = vector.shape_cast %reduce_sum3A_142 : vector<128xf32> to vector<128x1xf32>
    %div3A_144 = vector.broadcast %broadcast_in_dim3A_143 : vector<128x1xf32> to vector<128x128xf32>
    %div3A_145 = arith.divf %exp3A_140, %div3A_144 : vector<128x128xf32>
    %slice3A_146 = vector.extract_strided_slice %add3A_100 {offsets = [128, 0], sizes = [128, 64], strides = [1, 1]} : vector<512x512xf32> to vector<128x64xf32>
    %dot_general3A_147 = arith.constant dense<0.000000e+00> : vector<128x64xf32>
    %dot_general3A_148 = tpu.matmul %div3A_145, %slice3A_146, %dot_general3A_147 {dimension_numbers = #tpu.dot_dimension_numbers<[1], [0], [0], [1], [0, 0, 1, 1], [], []>, transpose_lhs_hint = false} : vector<128x128xf32>, vector<128x64xf32>, vector<128x64xf32> -> vector<128x64xf32>
    %slice3A_149 = vector.extract_strided_slice %slice3A {offsets = [256, 0], sizes = [128, 64], strides = [1, 1]} : vector<512x64xf32> to vector<128x64xf32>
    %slice3A_150 = vector.extract_strided_slice %slice3A_111 {offsets = [256, 0], sizes = [128, 64], strides = [1, 1]} : vector<512x64xf32> to vector<128x64xf32>
    %dot_general3A_151 = arith.constant dense<0.000000e+00> : vector<128x128xf32>
    %dot_general3A_152 = tpu.matmul %slice3A_149, %slice3A_150, %dot_general3A_151 {dimension_numbers = #tpu.dot_dimension_numbers<[1], [1], [0], [0], [0, 0, 1, 0], [], []>, transpose_lhs_hint = false} : vector<128x64xf32>, vector<128x64xf32>, vector<128x128xf32> -> vector<128x128xf32>
    %mul3A_153 = arith.constant 1.250000e-01 : f32
    %mul3A_154 = vector.broadcast %mul3A_153 : f32 to vector<128x128xf32>
    %mul3A_155 = arith.mulf %dot_general3A_152, %mul3A_154 : vector<128x128xf32>
    %reduce_max3A_156 = arith.constant dense<0xFF800000> : vector<128xf32>
    %reduce_max3A_157 = vector.multi_reduction <maximumf>, %mul3A_155, %reduce_max3A_156 [1] : vector<128x128xf32> to vector<128xf32>
    %broadcast_in_dim3A_158 = vector.shape_cast %reduce_max3A_157 : vector<128xf32> to vector<128x1xf32>
    %sub3A_159 = vector.broadcast %broadcast_in_dim3A_158 : vector<128x1xf32> to vector<128x128xf32>
    %sub3A_160 = arith.subf %mul3A_155, %sub3A_159 : vector<128x128xf32>
    %exp3A_161 = math.exp %sub3A_160 : vector<128x128xf32>
    %reduce_sum3A_162 = arith.constant dense<0.000000e+00> : vector<128xf32>
    %reduce_sum3A_163 = vector.multi_reduction <add>, %exp3A_161, %reduce_sum3A_162 [1] : vector<128x128xf32> to vector<128xf32>
    %broadcast_in_dim3A_164 = vector.shape_cast %reduce_sum3A_163 : vector<128xf32> to vector<128x1xf32>
    %div3A_165 = vector.broadcast %broadcast_in_dim3A_164 : vector<128x1xf32> to vector<128x128xf32>
    %div3A_166 = arith.divf %exp3A_161, %div3A_165 : vector<128x128xf32>
    %slice3A_167 = vector.extract_strided_slice %add3A_100 {offsets = [256, 0], sizes = [128, 64], strides = [1, 1]} : vector<512x512xf32> to vector<128x64xf32>
    %dot_general3A_168 = arith.constant dense<0.000000e+00> : vector<128x64xf32>
    %dot_general3A_169 = tpu.matmul %div3A_166, %slice3A_167, %dot_general3A_168 {dimension_numbers = #tpu.dot_dimension_numbers<[1], [0], [0], [1], [0, 0, 1, 1], [], []>, transpose_lhs_hint = false} : vector<128x128xf32>, vector<128x64xf32>, vector<128x64xf32> -> vector<128x64xf32>
    %slice3A_170 = vector.extract_strided_slice %slice3A {offsets = [384, 0], sizes = [128, 64], strides = [1, 1]} : vector<512x64xf32> to vector<128x64xf32>
    %slice3A_171 = vector.extract_strided_slice %slice3A_111 {offsets = [384, 0], sizes = [128, 64], strides = [1, 1]} : vector<512x64xf32> to vector<128x64xf32>
    %dot_general3A_172 = arith.constant dense<0.000000e+00> : vector<128x128xf32>
    %dot_general3A_173 = tpu.matmul %slice3A_170, %slice3A_171, %dot_general3A_172 {dimension_numbers = #tpu.dot_dimension_numbers<[1], [1], [0], [0], [0, 0, 1, 0], [], []>, transpose_lhs_hint = false} : vector<128x64xf32>, vector<128x64xf32>, vector<128x128xf32> -> vector<128x128xf32>
    %mul3A_174 = arith.constant 1.250000e-01 : f32
    %mul3A_175 = vector.broadcast %mul3A_174 : f32 to vector<128x128xf32>
    %mul3A_176 = arith.mulf %dot_general3A_173, %mul3A_175 : vector<128x128xf32>
    %reduce_max3A_177 = arith.constant dense<0xFF800000> : vector<128xf32>
    %reduce_max3A_178 = vector.multi_reduction <maximumf>, %mul3A_176, %reduce_max3A_177 [1] : vector<128x128xf32> to vector<128xf32>
    %broadcast_in_dim3A_179 = vector.shape_cast %reduce_max3A_178 : vector<128xf32> to vector<128x1xf32>
    %sub3A_180 = vector.broadcast %broadcast_in_dim3A_179 : vector<128x1xf32> to vector<128x128xf32>
    %sub3A_181 = arith.subf %mul3A_176, %sub3A_180 : vector<128x128xf32>
    %exp3A_182 = math.exp %sub3A_181 : vector<128x128xf32>
    %reduce_sum3A_183 = arith.constant dense<0.000000e+00> : vector<128xf32>
    %reduce_sum3A_184 = vector.multi_reduction <add>, %exp3A_182, %reduce_sum3A_183 [1] : vector<128x128xf32> to vector<128xf32>
    %broadcast_in_dim3A_185 = vector.shape_cast %reduce_sum3A_184 : vector<128xf32> to vector<128x1xf32>
    %div3A_186 = vector.broadcast %broadcast_in_dim3A_185 : vector<128x1xf32> to vector<128x128xf32>
    %div3A_187 = arith.divf %exp3A_182, %div3A_186 : vector<128x128xf32>
    %slice3A_188 = vector.extract_strided_slice %add3A_100 {offsets = [384, 0], sizes = [128, 64], strides = [1, 1]} : vector<512x512xf32> to vector<128x64xf32>
    %dot_general3A_189 = arith.constant dense<0.000000e+00> : vector<128x64xf32>
    %dot_general3A_190 = tpu.matmul %div3A_187, %slice3A_188, %dot_general3A_189 {dimension_numbers = #tpu.dot_dimension_numbers<[1], [0], [0], [1], [0, 0, 1, 1], [], []>, transpose_lhs_hint = false} : vector<128x128xf32>, vector<128x64xf32>, vector<128x64xf32> -> vector<128x64xf32>
    %concatenate3A = tpu.concatenate %dot_general3A_127, %dot_general3A_148, %dot_general3A_169, %dot_general3A_190 in 0 : vector<128x64xf32>, vector<128x64xf32>, vector<128x64xf32>, vector<128x64xf32> -> vector<512x64xf32>
    %slice3A_191 = vector.extract_strided_slice %add3A_105 {offsets = [0, 64], sizes = [512, 64], strides = [1, 1]} : vector<512x512xf32> to vector<512x64xf32>
    %slice3A_192 = vector.extract_strided_slice %add3A_110 {offsets = [0, 64], sizes = [512, 64], strides = [1, 1]} : vector<512x512xf32> to vector<512x64xf32>
    %slice3A_193 = vector.extract_strided_slice %slice3A_191 {offsets = [0, 0], sizes = [128, 64], strides = [1, 1]} : vector<512x64xf32> to vector<128x64xf32>
    %slice3A_194 = vector.extract_strided_slice %slice3A_192 {offsets = [0, 0], sizes = [128, 64], strides = [1, 1]} : vector<512x64xf32> to vector<128x64xf32>
    %dot_general3A_195 = arith.constant dense<0.000000e+00> : vector<128x128xf32>
    %dot_general3A_196 = tpu.matmul %slice3A_193, %slice3A_194, %dot_general3A_195 {dimension_numbers = #tpu.dot_dimension_numbers<[1], [1], [0], [0], [0, 0, 1, 0], [], []>, transpose_lhs_hint = false} : vector<128x64xf32>, vector<128x64xf32>, vector<128x128xf32> -> vector<128x128xf32>
    %mul3A_197 = arith.constant 1.250000e-01 : f32
    %mul3A_198 = vector.broadcast %mul3A_197 : f32 to vector<128x128xf32>
    %mul3A_199 = arith.mulf %dot_general3A_196, %mul3A_198 : vector<128x128xf32>
    %reduce_max3A_200 = arith.constant dense<0xFF800000> : vector<128xf32>
    %reduce_max3A_201 = vector.multi_reduction <maximumf>, %mul3A_199, %reduce_max3A_200 [1] : vector<128x128xf32> to vector<128xf32>
    %broadcast_in_dim3A_202 = vector.shape_cast %reduce_max3A_201 : vector<128xf32> to vector<128x1xf32>
    %sub3A_203 = vector.broadcast %broadcast_in_dim3A_202 : vector<128x1xf32> to vector<128x128xf32>
    %sub3A_204 = arith.subf %mul3A_199, %sub3A_203 : vector<128x128xf32>
    %exp3A_205 = math.exp %sub3A_204 : vector<128x128xf32>
    %reduce_sum3A_206 = arith.constant dense<0.000000e+00> : vector<128xf32>
    %reduce_sum3A_207 = vector.multi_reduction <add>, %exp3A_205, %reduce_sum3A_206 [1] : vector<128x128xf32> to vector<128xf32>
    %broadcast_in_dim3A_208 = vector.shape_cast %reduce_sum3A_207 : vector<128xf32> to vector<128x1xf32>
    %div3A_209 = vector.broadcast %broadcast_in_dim3A_208 : vector<128x1xf32> to vector<128x128xf32>
    %div3A_210 = arith.divf %exp3A_205, %div3A_209 : vector<128x128xf32>
    %slice3A_211 = vector.extract_strided_slice %add3A_100 {offsets = [0, 64], sizes = [128, 64], strides = [1, 1]} : vector<512x512xf32> to vector<128x64xf32>
    %dot_general3A_212 = arith.constant dense<0.000000e+00> : vector<128x64xf32>
    %dot_general3A_213 = tpu.matmul %div3A_210, %slice3A_211, %dot_general3A_212 {dimension_numbers = #tpu.dot_dimension_numbers<[1], [0], [0], [1], [0, 0, 1, 1], [], []>, transpose_lhs_hint = false} : vector<128x128xf32>, vector<128x64xf32>, vector<128x64xf32> -> vector<128x64xf32>
    %slice3A_214 = vector.extract_strided_slice %slice3A_191 {offsets = [128, 0], sizes = [128, 64], strides = [1, 1]} : vector<512x64xf32> to vector<128x64xf32>
    %slice3A_215 = vector.extract_strided_slice %slice3A_192 {offsets = [128, 0], sizes = [128, 64], strides = [1, 1]} : vector<512x64xf32> to vector<128x64xf32>
    %dot_general3A_216 = arith.constant dense<0.000000e+00> : vector<128x128xf32>
    %dot_general3A_217 = tpu.matmul %slice3A_214, %slice3A_215, %dot_general3A_216 {dimension_numbers = #tpu.dot_dimension_numbers<[1], [1], [0], [0], [0, 0, 1, 0], [], []>, transpose_lhs_hint = false} : vector<128x64xf32>, vector<128x64xf32>, vector<128x128xf32> -> vector<128x128xf32>
    %mul3A_218 = arith.constant 1.250000e-01 : f32
    %mul3A_219 = vector.broadcast %mul3A_218 : f32 to vector<128x128xf32>
    %mul3A_220 = arith.mulf %dot_general3A_217, %mul3A_219 : vector<128x128xf32>
    %reduce_max3A_221 = arith.constant dense<0xFF800000> : vector<128xf32>
    %reduce_max3A_222 = vector.multi_reduction <maximumf>, %mul3A_220, %reduce_max3A_221 [1] : vector<128x128xf32> to vector<128xf32>
    %broadcast_in_dim3A_223 = vector.shape_cast %reduce_max3A_222 : vector<128xf32> to vector<128x1xf32>
    %sub3A_224 = vector.broadcast %broadcast_in_dim3A_223 : vector<128x1xf32> to vector<128x128xf32>
    %sub3A_225 = arith.subf %mul3A_220, %sub3A_224 : vector<128x128xf32>
    %exp3A_226 = math.exp %sub3A_225 : vector<128x128xf32>
    %reduce_sum3A_227 = arith.constant dense<0.000000e+00> : vector<128xf32>
    %reduce_sum3A_228 = vector.multi_reduction <add>, %exp3A_226, %reduce_sum3A_227 [1] : vector<128x128xf32> to vector<128xf32>
    %broadcast_in_dim3A_229 = vector.shape_cast %reduce_sum3A_228 : vector<128xf32> to vector<128x1xf32>
    %div3A_230 = vector.broadcast %broadcast_in_dim3A_229 : vector<128x1xf32> to vector<128x128xf32>
    %div3A_231 = arith.divf %exp3A_226, %div3A_230 : vector<128x128xf32>
    %slice3A_232 = vector.extract_strided_slice %add3A_100 {offsets = [128, 64], sizes = [128, 64], strides = [1, 1]} : vector<512x512xf32> to vector<128x64xf32>
    %dot_general3A_233 = arith.constant dense<0.000000e+00> : vector<128x64xf32>
    %dot_general3A_234 = tpu.matmul %div3A_231, %slice3A_232, %dot_general3A_233 {dimension_numbers = #tpu.dot_dimension_numbers<[1], [0], [0], [1], [0, 0, 1, 1], [], []>, transpose_lhs_hint = false} : vector<128x128xf32>, vector<128x64xf32>, vector<128x64xf32> -> vector<128x64xf32>
    %slice3A_235 = vector.extract_strided_slice %slice3A_191 {offsets = [256, 0], sizes = [128, 64], strides = [1, 1]} : vector<512x64xf32> to vector<128x64xf32>
    %slice3A_236 = vector.extract_strided_slice %slice3A_192 {offsets = [256, 0], sizes = [128, 64], strides = [1, 1]} : vector<512x64xf32> to vector<128x64xf32>
    %dot_general3A_237 = arith.constant dense<0.000000e+00> : vector<128x128xf32>
    %dot_general3A_238 = tpu.matmul %slice3A_235, %slice3A_236, %dot_general3A_237 {dimension_numbers = #tpu.dot_dimension_numbers<[1], [1], [0], [0], [0, 0, 1, 0], [], []>, transpose_lhs_hint = false} : vector<128x64xf32>, vector<128x64xf32>, vector<128x128xf32> -> vector<128x128xf32>
    %mul3A_239 = arith.constant 1.250000e-01 : f32
    %mul3A_240 = vector.broadcast %mul3A_239 : f32 to vector<128x128xf32>
    %mul3A_241 = arith.mulf %dot_general3A_238, %mul3A_240 : vector<128x128xf32>
    %reduce_max3A_242 = arith.constant dense<0xFF800000> : vector<128xf32>
    %reduce_max3A_243 = vector.multi_reduction <maximumf>, %mul3A_241, %reduce_max3A_242 [1] : vector<128x128xf32> to vector<128xf32>
    %broadcast_in_dim3A_244 = vector.shape_cast %reduce_max3A_243 : vector<128xf32> to vector<128x1xf32>
    %sub3A_245 = vector.broadcast %broadcast_in_dim3A_244 : vector<128x1xf32> to vector<128x128xf32>
    %sub3A_246 = arith.subf %mul3A_241, %sub3A_245 : vector<128x128xf32>
    %exp3A_247 = math.exp %sub3A_246 : vector<128x128xf32>
    %reduce_sum3A_248 = arith.constant dense<0.000000e+00> : vector<128xf32>
    %reduce_sum3A_249 = vector.multi_reduction <add>, %exp3A_247, %reduce_sum3A_248 [1] : vector<128x128xf32> to vector<128xf32>
    %broadcast_in_dim3A_250 = vector.shape_cast %reduce_sum3A_249 : vector<128xf32> to vector<128x1xf32>
    %div3A_251 = vector.broadcast %broadcast_in_dim3A_250 : vector<128x1xf32> to vector<128x128xf32>
    %div3A_252 = arith.divf %exp3A_247, %div3A_251 : vector<128x128xf32>
    %slice3A_253 = vector.extract_strided_slice %add3A_100 {offsets = [256, 64], sizes = [128, 64], strides = [1, 1]} : vector<512x512xf32> to vector<128x64xf32>
    %dot_general3A_254 = arith.constant dense<0.000000e+00> : vector<128x64xf32>
    %dot_general3A_255 = tpu.matmul %div3A_252, %slice3A_253, %dot_general3A_254 {dimension_numbers = #tpu.dot_dimension_numbers<[1], [0], [0], [1], [0, 0, 1, 1], [], []>, transpose_lhs_hint = false} : vector<128x128xf32>, vector<128x64xf32>, vector<128x64xf32> -> vector<128x64xf32>
    %slice3A_256 = vector.extract_strided_slice %slice3A_191 {offsets = [384, 0], sizes = [128, 64], strides = [1, 1]} : vector<512x64xf32> to vector<128x64xf32>
    %slice3A_257 = vector.extract_strided_slice %slice3A_192 {offsets = [384, 0], sizes = [128, 64], strides = [1, 1]} : vector<512x64xf32> to vector<128x64xf32>
    %dot_general3A_258 = arith.constant dense<0.000000e+00> : vector<128x128xf32>
    %dot_general3A_259 = tpu.matmul %slice3A_256, %slice3A_257, %dot_general3A_258 {dimension_numbers = #tpu.dot_dimension_numbers<[1], [1], [0], [0], [0, 0, 1, 0], [], []>, transpose_lhs_hint = false} : vector<128x64xf32>, vector<128x64xf32>, vector<128x128xf32> -> vector<128x128xf32>
    %mul3A_260 = arith.constant 1.250000e-01 : f32
    %mul3A_261 = vector.broadcast %mul3A_260 : f32 to vector<128x128xf32>
    %mul3A_262 = arith.mulf %dot_general3A_259, %mul3A_261 : vector<128x128xf32>
    %reduce_max3A_263 = arith.constant dense<0xFF800000> : vector<128xf32>
    %reduce_max3A_264 = vector.multi_reduction <maximumf>, %mul3A_262, %reduce_max3A_263 [1] : vector<128x128xf32> to vector<128xf32>
    %broadcast_in_dim3A_265 = vector.shape_cast %reduce_max3A_264 : vector<128xf32> to vector<128x1xf32>
    %sub3A_266 = vector.broadcast %broadcast_in_dim3A_265 : vector<128x1xf32> to vector<128x128xf32>
    %sub3A_267 = arith.subf %mul3A_262, %sub3A_266 : vector<128x128xf32>
    %exp3A_268 = math.exp %sub3A_267 : vector<128x128xf32>
    %reduce_sum3A_269 = arith.constant dense<0.000000e+00> : vector<128xf32>
    %reduce_sum3A_270 = vector.multi_reduction <add>, %exp3A_268, %reduce_sum3A_269 [1] : vector<128x128xf32> to vector<128xf32>
    %broadcast_in_dim3A_271 = vector.shape_cast %reduce_sum3A_270 : vector<128xf32> to vector<128x1xf32>
    %div3A_272 = vector.broadcast %broadcast_in_dim3A_271 : vector<128x1xf32> to vector<128x128xf32>
    %div3A_273 = arith.divf %exp3A_268, %div3A_272 : vector<128x128xf32>
    %slice3A_274 = vector.extract_strided_slice %add3A_100 {offsets = [384, 64], sizes = [128, 64], strides = [1, 1]} : vector<512x512xf32> to vector<128x64xf32>
    %dot_general3A_275 = arith.constant dense<0.000000e+00> : vector<128x64xf32>
    %dot_general3A_276 = tpu.matmul %div3A_273, %slice3A_274, %dot_general3A_275 {dimension_numbers = #tpu.dot_dimension_numbers<[1], [0], [0], [1], [0, 0, 1, 1], [], []>, transpose_lhs_hint = false} : vector<128x128xf32>, vector<128x64xf32>, vector<128x64xf32> -> vector<128x64xf32>
    %concatenate3A_277 = tpu.concatenate %dot_general3A_213, %dot_general3A_234, %dot_general3A_255, %dot_general3A_276 in 0 : vector<128x64xf32>, vector<128x64xf32>, vector<128x64xf32>, vector<128x64xf32> -> vector<512x64xf32>
    %slice3A_278 = vector.extract_strided_slice %add3A_105 {offsets = [0, 128], sizes = [512, 64], strides = [1, 1]} : vector<512x512xf32> to vector<512x64xf32>
    %slice3A_279 = vector.extract_strided_slice %add3A_110 {offsets = [0, 128], sizes = [512, 64], strides = [1, 1]} : vector<512x512xf32> to vector<512x64xf32>
    %slice3A_280 = vector.extract_strided_slice %slice3A_278 {offsets = [0, 0], sizes = [128, 64], strides = [1, 1]} : vector<512x64xf32> to vector<128x64xf32>
    %slice3A_281 = vector.extract_strided_slice %slice3A_279 {offsets = [0, 0], sizes = [128, 64], strides = [1, 1]} : vector<512x64xf32> to vector<128x64xf32>
    %dot_general3A_282 = arith.constant dense<0.000000e+00> : vector<128x128xf32>
    %dot_general3A_283 = tpu.matmul %slice3A_280, %slice3A_281, %dot_general3A_282 {dimension_numbers = #tpu.dot_dimension_numbers<[1], [1], [0], [0], [0, 0, 1, 0], [], []>, transpose_lhs_hint = false} : vector<128x64xf32>, vector<128x64xf32>, vector<128x128xf32> -> vector<128x128xf32>
    %mul3A_284 = arith.constant 1.250000e-01 : f32
    %mul3A_285 = vector.broadcast %mul3A_284 : f32 to vector<128x128xf32>
    %mul3A_286 = arith.mulf %dot_general3A_283, %mul3A_285 : vector<128x128xf32>
    %reduce_max3A_287 = arith.constant dense<0xFF800000> : vector<128xf32>
    %reduce_max3A_288 = vector.multi_reduction <maximumf>, %mul3A_286, %reduce_max3A_287 [1] : vector<128x128xf32> to vector<128xf32>
    %broadcast_in_dim3A_289 = vector.shape_cast %reduce_max3A_288 : vector<128xf32> to vector<128x1xf32>
    %sub3A_290 = vector.broadcast %broadcast_in_dim3A_289 : vector<128x1xf32> to vector<128x128xf32>
    %sub3A_291 = arith.subf %mul3A_286, %sub3A_290 : vector<128x128xf32>
    %exp3A_292 = math.exp %sub3A_291 : vector<128x128xf32>
    %reduce_sum3A_293 = arith.constant dense<0.000000e+00> : vector<128xf32>
    %reduce_sum3A_294 = vector.multi_reduction <add>, %exp3A_292, %reduce_sum3A_293 [1] : vector<128x128xf32> to vector<128xf32>
    %broadcast_in_dim3A_295 = vector.shape_cast %reduce_sum3A_294 : vector<128xf32> to vector<128x1xf32>
    %div3A_296 = vector.broadcast %broadcast_in_dim3A_295 : vector<128x1xf32> to vector<128x128xf32>
    %div3A_297 = arith.divf %exp3A_292, %div3A_296 : vector<128x128xf32>
    %slice3A_298 = vector.extract_strided_slice %add3A_100 {offsets = [0, 128], sizes = [128, 64], strides = [1, 1]} : vector<512x512xf32> to vector<128x64xf32>
    %dot_general3A_299 = arith.constant dense<0.000000e+00> : vector<128x64xf32>
    %dot_general3A_300 = tpu.matmul %div3A_297, %slice3A_298, %dot_general3A_299 {dimension_numbers = #tpu.dot_dimension_numbers<[1], [0], [0], [1], [0, 0, 1, 1], [], []>, transpose_lhs_hint = false} : vector<128x128xf32>, vector<128x64xf32>, vector<128x64xf32> -> vector<128x64xf32>
    %slice3A_301 = vector.extract_strided_slice %slice3A_278 {offsets = [128, 0], sizes = [128, 64], strides = [1, 1]} : vector<512x64xf32> to vector<128x64xf32>
    %slice3A_302 = vector.extract_strided_slice %slice3A_279 {offsets = [128, 0], sizes = [128, 64], strides = [1, 1]} : vector<512x64xf32> to vector<128x64xf32>
    %dot_general3A_303 = arith.constant dense<0.000000e+00> : vector<128x128xf32>
    %dot_general3A_304 = tpu.matmul %slice3A_301, %slice3A_302, %dot_general3A_303 {dimension_numbers = #tpu.dot_dimension_numbers<[1], [1], [0], [0], [0, 0, 1, 0], [], []>, transpose_lhs_hint = false} : vector<128x64xf32>, vector<128x64xf32>, vector<128x128xf32> -> vector<128x128xf32>
    %mul3A_305 = arith.constant 1.250000e-01 : f32
    %mul3A_306 = vector.broadcast %mul3A_305 : f32 to vector<128x128xf32>
    %mul3A_307 = arith.mulf %dot_general3A_304, %mul3A_306 : vector<128x128xf32>
    %reduce_max3A_308 = arith.constant dense<0xFF800000> : vector<128xf32>
    %reduce_max3A_309 = vector.multi_reduction <maximumf>, %mul3A_307, %reduce_max3A_308 [1] : vector<128x128xf32> to vector<128xf32>
    %broadcast_in_dim3A_310 = vector.shape_cast %reduce_max3A_309 : vector<128xf32> to vector<128x1xf32>
    %sub3A_311 = vector.broadcast %broadcast_in_dim3A_310 : vector<128x1xf32> to vector<128x128xf32>
    %sub3A_312 = arith.subf %mul3A_307, %sub3A_311 : vector<128x128xf32>
    %exp3A_313 = math.exp %sub3A_312 : vector<128x128xf32>
    %reduce_sum3A_314 = arith.constant dense<0.000000e+00> : vector<128xf32>
    %reduce_sum3A_315 = vector.multi_reduction <add>, %exp3A_313, %reduce_sum3A_314 [1] : vector<128x128xf32> to vector<128xf32>
    %broadcast_in_dim3A_316 = vector.shape_cast %reduce_sum3A_315 : vector<128xf32> to vector<128x1xf32>
    %div3A_317 = vector.broadcast %broadcast_in_dim3A_316 : vector<128x1xf32> to vector<128x128xf32>
    %div3A_318 = arith.divf %exp3A_313, %div3A_317 : vector<128x128xf32>
    %slice3A_319 = vector.extract_strided_slice %add3A_100 {offsets = [128, 128], sizes = [128, 64], strides = [1, 1]} : vector<512x512xf32> to vector<128x64xf32>
    %dot_general3A_320 = arith.constant dense<0.000000e+00> : vector<128x64xf32>
    %dot_general3A_321 = tpu.matmul %div3A_318, %slice3A_319, %dot_general3A_320 {dimension_numbers = #tpu.dot_dimension_numbers<[1], [0], [0], [1], [0, 0, 1, 1], [], []>, transpose_lhs_hint = false} : vector<128x128xf32>, vector<128x64xf32>, vector<128x64xf32> -> vector<128x64xf32>
    %slice3A_322 = vector.extract_strided_slice %slice3A_278 {offsets = [256, 0], sizes = [128, 64], strides = [1, 1]} : vector<512x64xf32> to vector<128x64xf32>
    %slice3A_323 = vector.extract_strided_slice %slice3A_279 {offsets = [256, 0], sizes = [128, 64], strides = [1, 1]} : vector<512x64xf32> to vector<128x64xf32>
    %dot_general3A_324 = arith.constant dense<0.000000e+00> : vector<128x128xf32>
    %dot_general3A_325 = tpu.matmul %slice3A_322, %slice3A_323, %dot_general3A_324 {dimension_numbers = #tpu.dot_dimension_numbers<[1], [1], [0], [0], [0, 0, 1, 0], [], []>, transpose_lhs_hint = false} : vector<128x64xf32>, vector<128x64xf32>, vector<128x128xf32> -> vector<128x128xf32>
    %mul3A_326 = arith.constant 1.250000e-01 : f32
    %mul3A_327 = vector.broadcast %mul3A_326 : f32 to vector<128x128xf32>
    %mul3A_328 = arith.mulf %dot_general3A_325, %mul3A_327 : vector<128x128xf32>
    %reduce_max3A_329 = arith.constant dense<0xFF800000> : vector<128xf32>
    %reduce_max3A_330 = vector.multi_reduction <maximumf>, %mul3A_328, %reduce_max3A_329 [1] : vector<128x128xf32> to vector<128xf32>
    %broadcast_in_dim3A_331 = vector.shape_cast %reduce_max3A_330 : vector<128xf32> to vector<128x1xf32>
    %sub3A_332 = vector.broadcast %broadcast_in_dim3A_331 : vector<128x1xf32> to vector<128x128xf32>
    %sub3A_333 = arith.subf %mul3A_328, %sub3A_332 : vector<128x128xf32>
    %exp3A_334 = math.exp %sub3A_333 : vector<128x128xf32>
    %reduce_sum3A_335 = arith.constant dense<0.000000e+00> : vector<128xf32>
    %reduce_sum3A_336 = vector.multi_reduction <add>, %exp3A_334, %reduce_sum3A_335 [1] : vector<128x128xf32> to vector<128xf32>
    %broadcast_in_dim3A_337 = vector.shape_cast %reduce_sum3A_336 : vector<128xf32> to vector<128x1xf32>
    %div3A_338 = vector.broadcast %broadcast_in_dim3A_337 : vector<128x1xf32> to vector<128x128xf32>
    %div3A_339 = arith.divf %exp3A_334, %div3A_338 : vector<128x128xf32>
    %slice3A_340 = vector.extract_strided_slice %add3A_100 {offsets = [256, 128], sizes = [128, 64], strides = [1, 1]} : vector<512x512xf32> to vector<128x64xf32>
    %dot_general3A_341 = arith.constant dense<0.000000e+00> : vector<128x64xf32>
    %dot_general3A_342 = tpu.matmul %div3A_339, %slice3A_340, %dot_general3A_341 {dimension_numbers = #tpu.dot_dimension_numbers<[1], [0], [0], [1], [0, 0, 1, 1], [], []>, transpose_lhs_hint = false} : vector<128x128xf32>, vector<128x64xf32>, vector<128x64xf32> -> vector<128x64xf32>
    %slice3A_343 = vector.extract_strided_slice %slice3A_278 {offsets = [384, 0], sizes = [128, 64], strides = [1, 1]} : vector<512x64xf32> to vector<128x64xf32>
    %slice3A_344 = vector.extract_strided_slice %slice3A_279 {offsets = [384, 0], sizes = [128, 64], strides = [1, 1]} : vector<512x64xf32> to vector<128x64xf32>
    %dot_general3A_345 = arith.constant dense<0.000000e+00> : vector<128x128xf32>
    %dot_general3A_346 = tpu.matmul %slice3A_343, %slice3A_344, %dot_general3A_345 {dimension_numbers = #tpu.dot_dimension_numbers<[1], [1], [0], [0], [0, 0, 1, 0], [], []>, transpose_lhs_hint = false} : vector<128x64xf32>, vector<128x64xf32>, vector<128x128xf32> -> vector<128x128xf32>
    %mul3A_347 = arith.constant 1.250000e-01 : f32
    %mul3A_348 = vector.broadcast %mul3A_347 : f32 to vector<128x128xf32>
    %mul3A_349 = arith.mulf %dot_general3A_346, %mul3A_348 : vector<128x128xf32>
    %reduce_max3A_350 = arith.constant dense<0xFF800000> : vector<128xf32>
    %reduce_max3A_351 = vector.multi_reduction <maximumf>, %mul3A_349, %reduce_max3A_350 [1] : vector<128x128xf32> to vector<128xf32>
    %broadcast_in_dim3A_352 = vector.shape_cast %reduce_max3A_351 : vector<128xf32> to vector<128x1xf32>
    %sub3A_353 = vector.broadcast %broadcast_in_dim3A_352 : vector<128x1xf32> to vector<128x128xf32>
    %sub3A_354 = arith.subf %mul3A_349, %sub3A_353 : vector<128x128xf32>
    %exp3A_355 = math.exp %sub3A_354 : vector<128x128xf32>
    %reduce_sum3A_356 = arith.constant dense<0.000000e+00> : vector<128xf32>
    %reduce_sum3A_357 = vector.multi_reduction <add>, %exp3A_355, %reduce_sum3A_356 [1] : vector<128x128xf32> to vector<128xf32>
    %broadcast_in_dim3A_358 = vector.shape_cast %reduce_sum3A_357 : vector<128xf32> to vector<128x1xf32>
    %div3A_359 = vector.broadcast %broadcast_in_dim3A_358 : vector<128x1xf32> to vector<128x128xf32>
    %div3A_360 = arith.divf %exp3A_355, %div3A_359 : vector<128x128xf32>
    %slice3A_361 = vector.extract_strided_slice %add3A_100 {offsets = [384, 128], sizes = [128, 64], strides = [1, 1]} : vector<512x512xf32> to vector<128x64xf32>
    %dot_general3A_362 = arith.constant dense<0.000000e+00> : vector<128x64xf32>
    %dot_general3A_363 = tpu.matmul %div3A_360, %slice3A_361, %dot_general3A_362 {dimension_numbers = #tpu.dot_dimension_numbers<[1], [0], [0], [1], [0, 0, 1, 1], [], []>, transpose_lhs_hint = false} : vector<128x128xf32>, vector<128x64xf32>, vector<128x64xf32> -> vector<128x64xf32>
    %concatenate3A_364 = tpu.concatenate %dot_general3A_300, %dot_general3A_321, %dot_general3A_342, %dot_general3A_363 in 0 : vector<128x64xf32>, vector<128x64xf32>, vector<128x64xf32>, vector<128x64xf32> -> vector<512x64xf32>
    %slice3A_365 = vector.extract_strided_slice %add3A_105 {offsets = [0, 192], sizes = [512, 64], strides = [1, 1]} : vector<512x512xf32> to vector<512x64xf32>
    %slice3A_366 = vector.extract_strided_slice %add3A_110 {offsets = [0, 192], sizes = [512, 64], strides = [1, 1]} : vector<512x512xf32> to vector<512x64xf32>
    %slice3A_367 = vector.extract_strided_slice %slice3A_365 {offsets = [0, 0], sizes = [128, 64], strides = [1, 1]} : vector<512x64xf32> to vector<128x64xf32>
    %slice3A_368 = vector.extract_strided_slice %slice3A_366 {offsets = [0, 0], sizes = [128, 64], strides = [1, 1]} : vector<512x64xf32> to vector<128x64xf32>
    %dot_general3A_369 = arith.constant dense<0.000000e+00> : vector<128x128xf32>
    %dot_general3A_370 = tpu.matmul %slice3A_367, %slice3A_368, %dot_general3A_369 {dimension_numbers = #tpu.dot_dimension_numbers<[1], [1], [0], [0], [0, 0, 1, 0], [], []>, transpose_lhs_hint = false} : vector<128x64xf32>, vector<128x64xf32>, vector<128x128xf32> -> vector<128x128xf32>
    %mul3A_371 = arith.constant 1.250000e-01 : f32
    %mul3A_372 = vector.broadcast %mul3A_371 : f32 to vector<128x128xf32>
    %mul3A_373 = arith.mulf %dot_general3A_370, %mul3A_372 : vector<128x128xf32>
    %reduce_max3A_374 = arith.constant dense<0xFF800000> : vector<128xf32>
    %reduce_max3A_375 = vector.multi_reduction <maximumf>, %mul3A_373, %reduce_max3A_374 [1] : vector<128x128xf32> to vector<128xf32>
    %broadcast_in_dim3A_376 = vector.shape_cast %reduce_max3A_375 : vector<128xf32> to vector<128x1xf32>
    %sub3A_377 = vector.broadcast %broadcast_in_dim3A_376 : vector<128x1xf32> to vector<128x128xf32>
    %sub3A_378 = arith.subf %mul3A_373, %sub3A_377 : vector<128x128xf32>
    %exp3A_379 = math.exp %sub3A_378 : vector<128x128xf32>
    %reduce_sum3A_380 = arith.constant dense<0.000000e+00> : vector<128xf32>
    %reduce_sum3A_381 = vector.multi_reduction <add>, %exp3A_379, %reduce_sum3A_380 [1] : vector<128x128xf32> to vector<128xf32>
    %broadcast_in_dim3A_382 = vector.shape_cast %reduce_sum3A_381 : vector<128xf32> to vector<128x1xf32>
    %div3A_383 = vector.broadcast %broadcast_in_dim3A_382 : vector<128x1xf32> to vector<128x128xf32>
    %div3A_384 = arith.divf %exp3A_379, %div3A_383 : vector<128x128xf32>
    %slice3A_385 = vector.extract_strided_slice %add3A_100 {offsets = [0, 192], sizes = [128, 64], strides = [1, 1]} : vector<512x512xf32> to vector<128x64xf32>
    %dot_general3A_386 = arith.constant dense<0.000000e+00> : vector<128x64xf32>
    %dot_general3A_387 = tpu.matmul %div3A_384, %slice3A_385, %dot_general3A_386 {dimension_numbers = #tpu.dot_dimension_numbers<[1], [0], [0], [1], [0, 0, 1, 1], [], []>, transpose_lhs_hint = false} : vector<128x128xf32>, vector<128x64xf32>, vector<128x64xf32> -> vector<128x64xf32>
    %slice3A_388 = vector.extract_strided_slice %slice3A_365 {offsets = [128, 0], sizes = [128, 64], strides = [1, 1]} : vector<512x64xf32> to vector<128x64xf32>
    %slice3A_389 = vector.extract_strided_slice %slice3A_366 {offsets = [128, 0], sizes = [128, 64], strides = [1, 1]} : vector<512x64xf32> to vector<128x64xf32>
    %dot_general3A_390 = arith.constant dense<0.000000e+00> : vector<128x128xf32>
    %dot_general3A_391 = tpu.matmul %slice3A_388, %slice3A_389, %dot_general3A_390 {dimension_numbers = #tpu.dot_dimension_numbers<[1], [1], [0], [0], [0, 0, 1, 0], [], []>, transpose_lhs_hint = false} : vector<128x64xf32>, vector<128x64xf32>, vector<128x128xf32> -> vector<128x128xf32>
    %mul3A_392 = arith.constant 1.250000e-01 : f32
    %mul3A_393 = vector.broadcast %mul3A_392 : f32 to vector<128x128xf32>
    %mul3A_394 = arith.mulf %dot_general3A_391, %mul3A_393 : vector<128x128xf32>
    %reduce_max3A_395 = arith.constant dense<0xFF800000> : vector<128xf32>
    %reduce_max3A_396 = vector.multi_reduction <maximumf>, %mul3A_394, %reduce_max3A_395 [1] : vector<128x128xf32> to vector<128xf32>
    %broadcast_in_dim3A_397 = vector.shape_cast %reduce_max3A_396 : vector<128xf32> to vector<128x1xf32>
    %sub3A_398 = vector.broadcast %broadcast_in_dim3A_397 : vector<128x1xf32> to vector<128x128xf32>
    %sub3A_399 = arith.subf %mul3A_394, %sub3A_398 : vector<128x128xf32>
    %exp3A_400 = math.exp %sub3A_399 : vector<128x128xf32>
    %reduce_sum3A_401 = arith.constant dense<0.000000e+00> : vector<128xf32>
    %reduce_sum3A_402 = vector.multi_reduction <add>, %exp3A_400, %reduce_sum3A_401 [1] : vector<128x128xf32> to vector<128xf32>
    %broadcast_in_dim3A_403 = vector.shape_cast %reduce_sum3A_402 : vector<128xf32> to vector<128x1xf32>
    %div3A_404 = vector.broadcast %broadcast_in_dim3A_403 : vector<128x1xf32> to vector<128x128xf32>
    %div3A_405 = arith.divf %exp3A_400, %div3A_404 : vector<128x128xf32>
    %slice3A_406 = vector.extract_strided_slice %add3A_100 {offsets = [128, 192], sizes = [128, 64], strides = [1, 1]} : vector<512x512xf32> to vector<128x64xf32>
    %dot_general3A_407 = arith.constant dense<0.000000e+00> : vector<128x64xf32>
    %dot_general3A_408 = tpu.matmul %div3A_405, %slice3A_406, %dot_general3A_407 {dimension_numbers = #tpu.dot_dimension_numbers<[1], [0], [0], [1], [0, 0, 1, 1], [], []>, transpose_lhs_hint = false} : vector<128x128xf32>, vector<128x64xf32>, vector<128x64xf32> -> vector<128x64xf32>
    %slice3A_409 = vector.extract_strided_slice %slice3A_365 {offsets = [256, 0], sizes = [128, 64], strides = [1, 1]} : vector<512x64xf32> to vector<128x64xf32>
    %slice3A_410 = vector.extract_strided_slice %slice3A_366 {offsets = [256, 0], sizes = [128, 64], strides = [1, 1]} : vector<512x64xf32> to vector<128x64xf32>
    %dot_general3A_411 = arith.constant dense<0.000000e+00> : vector<128x128xf32>
    %dot_general3A_412 = tpu.matmul %slice3A_409, %slice3A_410, %dot_general3A_411 {dimension_numbers = #tpu.dot_dimension_numbers<[1], [1], [0], [0], [0, 0, 1, 0], [], []>, transpose_lhs_hint = false} : vector<128x64xf32>, vector<128x64xf32>, vector<128x128xf32> -> vector<128x128xf32>
    %mul3A_413 = arith.constant 1.250000e-01 : f32
    %mul3A_414 = vector.broadcast %mul3A_413 : f32 to vector<128x128xf32>
    %mul3A_415 = arith.mulf %dot_general3A_412, %mul3A_414 : vector<128x128xf32>
    %reduce_max3A_416 = arith.constant dense<0xFF800000> : vector<128xf32>
    %reduce_max3A_417 = vector.multi_reduction <maximumf>, %mul3A_415, %reduce_max3A_416 [1] : vector<128x128xf32> to vector<128xf32>
    %broadcast_in_dim3A_418 = vector.shape_cast %reduce_max3A_417 : vector<128xf32> to vector<128x1xf32>
    %sub3A_419 = vector.broadcast %broadcast_in_dim3A_418 : vector<128x1xf32> to vector<128x128xf32>
    %sub3A_420 = arith.subf %mul3A_415, %sub3A_419 : vector<128x128xf32>
    %exp3A_421 = math.exp %sub3A_420 : vector<128x128xf32>
    %reduce_sum3A_422 = arith.constant dense<0.000000e+00> : vector<128xf32>
    %reduce_sum3A_423 = vector.multi_reduction <add>, %exp3A_421, %reduce_sum3A_422 [1] : vector<128x128xf32> to vector<128xf32>
    %broadcast_in_dim3A_424 = vector.shape_cast %reduce_sum3A_423 : vector<128xf32> to vector<128x1xf32>
    %div3A_425 = vector.broadcast %broadcast_in_dim3A_424 : vector<128x1xf32> to vector<128x128xf32>
    %div3A_426 = arith.divf %exp3A_421, %div3A_425 : vector<128x128xf32>
    %slice3A_427 = vector.extract_strided_slice %add3A_100 {offsets = [256, 192], sizes = [128, 64], strides = [1, 1]} : vector<512x512xf32> to vector<128x64xf32>
    %dot_general3A_428 = arith.constant dense<0.000000e+00> : vector<128x64xf32>
    %dot_general3A_429 = tpu.matmul %div3A_426, %slice3A_427, %dot_general3A_428 {dimension_numbers = #tpu.dot_dimension_numbers<[1], [0], [0], [1], [0, 0, 1, 1], [], []>, transpose_lhs_hint = false} : vector<128x128xf32>, vector<128x64xf32>, vector<128x64xf32> -> vector<128x64xf32>
    %slice3A_430 = vector.extract_strided_slice %slice3A_365 {offsets = [384, 0], sizes = [128, 64], strides = [1, 1]} : vector<512x64xf32> to vector<128x64xf32>
    %slice3A_431 = vector.extract_strided_slice %slice3A_366 {offsets = [384, 0], sizes = [128, 64], strides = [1, 1]} : vector<512x64xf32> to vector<128x64xf32>
    %dot_general3A_432 = arith.constant dense<0.000000e+00> : vector<128x128xf32>
    %dot_general3A_433 = tpu.matmul %slice3A_430, %slice3A_431, %dot_general3A_432 {dimension_numbers = #tpu.dot_dimension_numbers<[1], [1], [0], [0], [0, 0, 1, 0], [], []>, transpose_lhs_hint = false} : vector<128x64xf32>, vector<128x64xf32>, vector<128x128xf32> -> vector<128x128xf32>
    %mul3A_434 = arith.constant 1.250000e-01 : f32
    %mul3A_435 = vector.broadcast %mul3A_434 : f32 to vector<128x128xf32>
    %mul3A_436 = arith.mulf %dot_general3A_433, %mul3A_435 : vector<128x128xf32>
    %reduce_max3A_437 = arith.constant dense<0xFF800000> : vector<128xf32>
    %reduce_max3A_438 = vector.multi_reduction <maximumf>, %mul3A_436, %reduce_max3A_437 [1] : vector<128x128xf32> to vector<128xf32>
    %broadcast_in_dim3A_439 = vector.shape_cast %reduce_max3A_438 : vector<128xf32> to vector<128x1xf32>
    %sub3A_440 = vector.broadcast %broadcast_in_dim3A_439 : vector<128x1xf32> to vector<128x128xf32>
    %sub3A_441 = arith.subf %mul3A_436, %sub3A_440 : vector<128x128xf32>
    %exp3A_442 = math.exp %sub3A_441 : vector<128x128xf32>
    %reduce_sum3A_443 = arith.constant dense<0.000000e+00> : vector<128xf32>
    %reduce_sum3A_444 = vector.multi_reduction <add>, %exp3A_442, %reduce_sum3A_443 [1] : vector<128x128xf32> to vector<128xf32>
    %broadcast_in_dim3A_445 = vector.shape_cast %reduce_sum3A_444 : vector<128xf32> to vector<128x1xf32>
    %div3A_446 = vector.broadcast %broadcast_in_dim3A_445 : vector<128x1xf32> to vector<128x128xf32>
    %div3A_447 = arith.divf %exp3A_442, %div3A_446 : vector<128x128xf32>
    %slice3A_448 = vector.extract_strided_slice %add3A_100 {offsets = [384, 192], sizes = [128, 64], strides = [1, 1]} : vector<512x512xf32> to vector<128x64xf32>
    %dot_general3A_449 = arith.constant dense<0.000000e+00> : vector<128x64xf32>
    %dot_general3A_450 = tpu.matmul %div3A_447, %slice3A_448, %dot_general3A_449 {dimension_numbers = #tpu.dot_dimension_numbers<[1], [0], [0], [1], [0, 0, 1, 1], [], []>, transpose_lhs_hint = false} : vector<128x128xf32>, vector<128x64xf32>, vector<128x64xf32> -> vector<128x64xf32>
    %concatenate3A_451 = tpu.concatenate %dot_general3A_387, %dot_general3A_408, %dot_general3A_429, %dot_general3A_450 in 0 : vector<128x64xf32>, vector<128x64xf32>, vector<128x64xf32>, vector<128x64xf32> -> vector<512x64xf32>
    %slice3A_452 = vector.extract_strided_slice %add3A_105 {offsets = [0, 256], sizes = [512, 64], strides = [1, 1]} : vector<512x512xf32> to vector<512x64xf32>
    %slice3A_453 = vector.extract_strided_slice %add3A_110 {offsets = [0, 256], sizes = [512, 64], strides = [1, 1]} : vector<512x512xf32> to vector<512x64xf32>
    %slice3A_454 = vector.extract_strided_slice %slice3A_452 {offsets = [0, 0], sizes = [128, 64], strides = [1, 1]} : vector<512x64xf32> to vector<128x64xf32>
    %slice3A_455 = vector.extract_strided_slice %slice3A_453 {offsets = [0, 0], sizes = [128, 64], strides = [1, 1]} : vector<512x64xf32> to vector<128x64xf32>
    %dot_general3A_456 = arith.constant dense<0.000000e+00> : vector<128x128xf32>
    %dot_general3A_457 = tpu.matmul %slice3A_454, %slice3A_455, %dot_general3A_456 {dimension_numbers = #tpu.dot_dimension_numbers<[1], [1], [0], [0], [0, 0, 1, 0], [], []>, transpose_lhs_hint = false} : vector<128x64xf32>, vector<128x64xf32>, vector<128x128xf32> -> vector<128x128xf32>
    %mul3A_458 = arith.constant 1.250000e-01 : f32
    %mul3A_459 = vector.broadcast %mul3A_458 : f32 to vector<128x128xf32>
    %mul3A_460 = arith.mulf %dot_general3A_457, %mul3A_459 : vector<128x128xf32>
    %reduce_max3A_461 = arith.constant dense<0xFF800000> : vector<128xf32>
    %reduce_max3A_462 = vector.multi_reduction <maximumf>, %mul3A_460, %reduce_max3A_461 [1] : vector<128x128xf32> to vector<128xf32>
    %broadcast_in_dim3A_463 = vector.shape_cast %reduce_max3A_462 : vector<128xf32> to vector<128x1xf32>
    %sub3A_464 = vector.broadcast %broadcast_in_dim3A_463 : vector<128x1xf32> to vector<128x128xf32>
    %sub3A_465 = arith.subf %mul3A_460, %sub3A_464 : vector<128x128xf32>
    %exp3A_466 = math.exp %sub3A_465 : vector<128x128xf32>
    %reduce_sum3A_467 = arith.constant dense<0.000000e+00> : vector<128xf32>
    %reduce_sum3A_468 = vector.multi_reduction <add>, %exp3A_466, %reduce_sum3A_467 [1] : vector<128x128xf32> to vector<128xf32>
    %broadcast_in_dim3A_469 = vector.shape_cast %reduce_sum3A_468 : vector<128xf32> to vector<128x1xf32>
    %div3A_470 = vector.broadcast %broadcast_in_dim3A_469 : vector<128x1xf32> to vector<128x128xf32>
    %div3A_471 = arith.divf %exp3A_466, %div3A_470 : vector<128x128xf32>
    %slice3A_472 = vector.extract_strided_slice %add3A_100 {offsets = [0, 256], sizes = [128, 64], strides = [1, 1]} : vector<512x512xf32> to vector<128x64xf32>
    %dot_general3A_473 = arith.constant dense<0.000000e+00> : vector<128x64xf32>
    %dot_general3A_474 = tpu.matmul %div3A_471, %slice3A_472, %dot_general3A_473 {dimension_numbers = #tpu.dot_dimension_numbers<[1], [0], [0], [1], [0, 0, 1, 1], [], []>, transpose_lhs_hint = false} : vector<128x128xf32>, vector<128x64xf32>, vector<128x64xf32> -> vector<128x64xf32>
    %slice3A_475 = vector.extract_strided_slice %slice3A_452 {offsets = [128, 0], sizes = [128, 64], strides = [1, 1]} : vector<512x64xf32> to vector<128x64xf32>
    %slice3A_476 = vector.extract_strided_slice %slice3A_453 {offsets = [128, 0], sizes = [128, 64], strides = [1, 1]} : vector<512x64xf32> to vector<128x64xf32>
    %dot_general3A_477 = arith.constant dense<0.000000e+00> : vector<128x128xf32>
    %dot_general3A_478 = tpu.matmul %slice3A_475, %slice3A_476, %dot_general3A_477 {dimension_numbers = #tpu.dot_dimension_numbers<[1], [1], [0], [0], [0, 0, 1, 0], [], []>, transpose_lhs_hint = false} : vector<128x64xf32>, vector<128x64xf32>, vector<128x128xf32> -> vector<128x128xf32>
    %mul3A_479 = arith.constant 1.250000e-01 : f32
    %mul3A_480 = vector.broadcast %mul3A_479 : f32 to vector<128x128xf32>
    %mul3A_481 = arith.mulf %dot_general3A_478, %mul3A_480 : vector<128x128xf32>
    %reduce_max3A_482 = arith.constant dense<0xFF800000> : vector<128xf32>
    %reduce_max3A_483 = vector.multi_reduction <maximumf>, %mul3A_481, %reduce_max3A_482 [1] : vector<128x128xf32> to vector<128xf32>
    %broadcast_in_dim3A_484 = vector.shape_cast %reduce_max3A_483 : vector<128xf32> to vector<128x1xf32>
    %sub3A_485 = vector.broadcast %broadcast_in_dim3A_484 : vector<128x1xf32> to vector<128x128xf32>
    %sub3A_486 = arith.subf %mul3A_481, %sub3A_485 : vector<128x128xf32>
    %exp3A_487 = math.exp %sub3A_486 : vector<128x128xf32>
    %reduce_sum3A_488 = arith.constant dense<0.000000e+00> : vector<128xf32>
    %reduce_sum3A_489 = vector.multi_reduction <add>, %exp3A_487, %reduce_sum3A_488 [1] : vector<128x128xf32> to vector<128xf32>
    %broadcast_in_dim3A_490 = vector.shape_cast %reduce_sum3A_489 : vector<128xf32> to vector<128x1xf32>
    %div3A_491 = vector.broadcast %broadcast_in_dim3A_490 : vector<128x1xf32> to vector<128x128xf32>
    %div3A_492 = arith.divf %exp3A_487, %div3A_491 : vector<128x128xf32>
    %slice3A_493 = vector.extract_strided_slice %add3A_100 {offsets = [128, 256], sizes = [128, 64], strides = [1, 1]} : vector<512x512xf32> to vector<128x64xf32>
    %dot_general3A_494 = arith.constant dense<0.000000e+00> : vector<128x64xf32>
    %dot_general3A_495 = tpu.matmul %div3A_492, %slice3A_493, %dot_general3A_494 {dimension_numbers = #tpu.dot_dimension_numbers<[1], [0], [0], [1], [0, 0, 1, 1], [], []>, transpose_lhs_hint = false} : vector<128x128xf32>, vector<128x64xf32>, vector<128x64xf32> -> vector<128x64xf32>
    %slice3A_496 = vector.extract_strided_slice %slice3A_452 {offsets = [256, 0], sizes = [128, 64], strides = [1, 1]} : vector<512x64xf32> to vector<128x64xf32>
    %slice3A_497 = vector.extract_strided_slice %slice3A_453 {offsets = [256, 0], sizes = [128, 64], strides = [1, 1]} : vector<512x64xf32> to vector<128x64xf32>
    %dot_general3A_498 = arith.constant dense<0.000000e+00> : vector<128x128xf32>
    %dot_general3A_499 = tpu.matmul %slice3A_496, %slice3A_497, %dot_general3A_498 {dimension_numbers = #tpu.dot_dimension_numbers<[1], [1], [0], [0], [0, 0, 1, 0], [], []>, transpose_lhs_hint = false} : vector<128x64xf32>, vector<128x64xf32>, vector<128x128xf32> -> vector<128x128xf32>
    %mul3A_500 = arith.constant 1.250000e-01 : f32
    %mul3A_501 = vector.broadcast %mul3A_500 : f32 to vector<128x128xf32>
    %mul3A_502 = arith.mulf %dot_general3A_499, %mul3A_501 : vector<128x128xf32>
    %reduce_max3A_503 = arith.constant dense<0xFF800000> : vector<128xf32>
    %reduce_max3A_504 = vector.multi_reduction <maximumf>, %mul3A_502, %reduce_max3A_503 [1] : vector<128x128xf32> to vector<128xf32>
    %broadcast_in_dim3A_505 = vector.shape_cast %reduce_max3A_504 : vector<128xf32> to vector<128x1xf32>
    %sub3A_506 = vector.broadcast %broadcast_in_dim3A_505 : vector<128x1xf32> to vector<128x128xf32>
    %sub3A_507 = arith.subf %mul3A_502, %sub3A_506 : vector<128x128xf32>
    %exp3A_508 = math.exp %sub3A_507 : vector<128x128xf32>
    %reduce_sum3A_509 = arith.constant dense<0.000000e+00> : vector<128xf32>
    %reduce_sum3A_510 = vector.multi_reduction <add>, %exp3A_508, %reduce_sum3A_509 [1] : vector<128x128xf32> to vector<128xf32>
    %broadcast_in_dim3A_511 = vector.shape_cast %reduce_sum3A_510 : vector<128xf32> to vector<128x1xf32>
    %div3A_512 = vector.broadcast %broadcast_in_dim3A_511 : vector<128x1xf32> to vector<128x128xf32>
    %div3A_513 = arith.divf %exp3A_508, %div3A_512 : vector<128x128xf32>
    %slice3A_514 = vector.extract_strided_slice %add3A_100 {offsets = [256, 256], sizes = [128, 64], strides = [1, 1]} : vector<512x512xf32> to vector<128x64xf32>
    %dot_general3A_515 = arith.constant dense<0.000000e+00> : vector<128x64xf32>
    %dot_general3A_516 = tpu.matmul %div3A_513, %slice3A_514, %dot_general3A_515 {dimension_numbers = #tpu.dot_dimension_numbers<[1], [0], [0], [1], [0, 0, 1, 1], [], []>, transpose_lhs_hint = false} : vector<128x128xf32>, vector<128x64xf32>, vector<128x64xf32> -> vector<128x64xf32>
    %slice3A_517 = vector.extract_strided_slice %slice3A_452 {offsets = [384, 0], sizes = [128, 64], strides = [1, 1]} : vector<512x64xf32> to vector<128x64xf32>
    %slice3A_518 = vector.extract_strided_slice %slice3A_453 {offsets = [384, 0], sizes = [128, 64], strides = [1, 1]} : vector<512x64xf32> to vector<128x64xf32>
    %dot_general3A_519 = arith.constant dense<0.000000e+00> : vector<128x128xf32>
    %dot_general3A_520 = tpu.matmul %slice3A_517, %slice3A_518, %dot_general3A_519 {dimension_numbers = #tpu.dot_dimension_numbers<[1], [1], [0], [0], [0, 0, 1, 0], [], []>, transpose_lhs_hint = false} : vector<128x64xf32>, vector<128x64xf32>, vector<128x128xf32> -> vector<128x128xf32>
    %mul3A_521 = arith.constant 1.250000e-01 : f32
    %mul3A_522 = vector.broadcast %mul3A_521 : f32 to vector<128x128xf32>
    %mul3A_523 = arith.mulf %dot_general3A_520, %mul3A_522 : vector<128x128xf32>
    %reduce_max3A_524 = arith.constant dense<0xFF800000> : vector<128xf32>
    %reduce_max3A_525 = vector.multi_reduction <maximumf>, %mul3A_523, %reduce_max3A_524 [1] : vector<128x128xf32> to vector<128xf32>
    %broadcast_in_dim3A_526 = vector.shape_cast %reduce_max3A_525 : vector<128xf32> to vector<128x1xf32>
    %sub3A_527 = vector.broadcast %broadcast_in_dim3A_526 : vector<128x1xf32> to vector<128x128xf32>
    %sub3A_528 = arith.subf %mul3A_523, %sub3A_527 : vector<128x128xf32>
    %exp3A_529 = math.exp %sub3A_528 : vector<128x128xf32>
    %reduce_sum3A_530 = arith.constant dense<0.000000e+00> : vector<128xf32>
    %reduce_sum3A_531 = vector.multi_reduction <add>, %exp3A_529, %reduce_sum3A_530 [1] : vector<128x128xf32> to vector<128xf32>
    %broadcast_in_dim3A_532 = vector.shape_cast %reduce_sum3A_531 : vector<128xf32> to vector<128x1xf32>
    %div3A_533 = vector.broadcast %broadcast_in_dim3A_532 : vector<128x1xf32> to vector<128x128xf32>
    %div3A_534 = arith.divf %exp3A_529, %div3A_533 : vector<128x128xf32>
    %slice3A_535 = vector.extract_strided_slice %add3A_100 {offsets = [384, 256], sizes = [128, 64], strides = [1, 1]} : vector<512x512xf32> to vector<128x64xf32>
    %dot_general3A_536 = arith.constant dense<0.000000e+00> : vector<128x64xf32>
    %dot_general3A_537 = tpu.matmul %div3A_534, %slice3A_535, %dot_general3A_536 {dimension_numbers = #tpu.dot_dimension_numbers<[1], [0], [0], [1], [0, 0, 1, 1], [], []>, transpose_lhs_hint = false} : vector<128x128xf32>, vector<128x64xf32>, vector<128x64xf32> -> vector<128x64xf32>
    %concatenate3A_538 = tpu.concatenate %dot_general3A_474, %dot_general3A_495, %dot_general3A_516, %dot_general3A_537 in 0 : vector<128x64xf32>, vector<128x64xf32>, vector<128x64xf32>, vector<128x64xf32> -> vector<512x64xf32>
    %slice3A_539 = vector.extract_strided_slice %add3A_105 {offsets = [0, 320], sizes = [512, 64], strides = [1, 1]} : vector<512x512xf32> to vector<512x64xf32>
    %slice3A_540 = vector.extract_strided_slice %add3A_110 {offsets = [0, 320], sizes = [512, 64], strides = [1, 1]} : vector<512x512xf32> to vector<512x64xf32>
    %slice3A_541 = vector.extract_strided_slice %slice3A_539 {offsets = [0, 0], sizes = [128, 64], strides = [1, 1]} : vector<512x64xf32> to vector<128x64xf32>
    %slice3A_542 = vector.extract_strided_slice %slice3A_540 {offsets = [0, 0], sizes = [128, 64], strides = [1, 1]} : vector<512x64xf32> to vector<128x64xf32>
    %dot_general3A_543 = arith.constant dense<0.000000e+00> : vector<128x128xf32>
    %dot_general3A_544 = tpu.matmul %slice3A_541, %slice3A_542, %dot_general3A_543 {dimension_numbers = #tpu.dot_dimension_numbers<[1], [1], [0], [0], [0, 0, 1, 0], [], []>, transpose_lhs_hint = false} : vector<128x64xf32>, vector<128x64xf32>, vector<128x128xf32> -> vector<128x128xf32>
    %mul3A_545 = arith.constant 1.250000e-01 : f32
    %mul3A_546 = vector.broadcast %mul3A_545 : f32 to vector<128x128xf32>
    %mul3A_547 = arith.mulf %dot_general3A_544, %mul3A_546 : vector<128x128xf32>
    %reduce_max3A_548 = arith.constant dense<0xFF800000> : vector<128xf32>
    %reduce_max3A_549 = vector.multi_reduction <maximumf>, %mul3A_547, %reduce_max3A_548 [1] : vector<128x128xf32> to vector<128xf32>
    %broadcast_in_dim3A_550 = vector.shape_cast %reduce_max3A_549 : vector<128xf32> to vector<128x1xf32>
    %sub3A_551 = vector.broadcast %broadcast_in_dim3A_550 : vector<128x1xf32> to vector<128x128xf32>
    %sub3A_552 = arith.subf %mul3A_547, %sub3A_551 : vector<128x128xf32>
    %exp3A_553 = math.exp %sub3A_552 : vector<128x128xf32>
    %reduce_sum3A_554 = arith.constant dense<0.000000e+00> : vector<128xf32>
    %reduce_sum3A_555 = vector.multi_reduction <add>, %exp3A_553, %reduce_sum3A_554 [1] : vector<128x128xf32> to vector<128xf32>
    %broadcast_in_dim3A_556 = vector.shape_cast %reduce_sum3A_555 : vector<128xf32> to vector<128x1xf32>
    %div3A_557 = vector.broadcast %broadcast_in_dim3A_556 : vector<128x1xf32> to vector<128x128xf32>
    %div3A_558 = arith.divf %exp3A_553, %div3A_557 : vector<128x128xf32>
    %slice3A_559 = vector.extract_strided_slice %add3A_100 {offsets = [0, 320], sizes = [128, 64], strides = [1, 1]} : vector<512x512xf32> to vector<128x64xf32>
    %dot_general3A_560 = arith.constant dense<0.000000e+00> : vector<128x64xf32>
    %dot_general3A_561 = tpu.matmul %div3A_558, %slice3A_559, %dot_general3A_560 {dimension_numbers = #tpu.dot_dimension_numbers<[1], [0], [0], [1], [0, 0, 1, 1], [], []>, transpose_lhs_hint = false} : vector<128x128xf32>, vector<128x64xf32>, vector<128x64xf32> -> vector<128x64xf32>
    %slice3A_562 = vector.extract_strided_slice %slice3A_539 {offsets = [128, 0], sizes = [128, 64], strides = [1, 1]} : vector<512x64xf32> to vector<128x64xf32>
    %slice3A_563 = vector.extract_strided_slice %slice3A_540 {offsets = [128, 0], sizes = [128, 64], strides = [1, 1]} : vector<512x64xf32> to vector<128x64xf32>
    %dot_general3A_564 = arith.constant dense<0.000000e+00> : vector<128x128xf32>
    %dot_general3A_565 = tpu.matmul %slice3A_562, %slice3A_563, %dot_general3A_564 {dimension_numbers = #tpu.dot_dimension_numbers<[1], [1], [0], [0], [0, 0, 1, 0], [], []>, transpose_lhs_hint = false} : vector<128x64xf32>, vector<128x64xf32>, vector<128x128xf32> -> vector<128x128xf32>
    %mul3A_566 = arith.constant 1.250000e-01 : f32
    %mul3A_567 = vector.broadcast %mul3A_566 : f32 to vector<128x128xf32>
    %mul3A_568 = arith.mulf %dot_general3A_565, %mul3A_567 : vector<128x128xf32>
    %reduce_max3A_569 = arith.constant dense<0xFF800000> : vector<128xf32>
    %reduce_max3A_570 = vector.multi_reduction <maximumf>, %mul3A_568, %reduce_max3A_569 [1] : vector<128x128xf32> to vector<128xf32>
    %broadcast_in_dim3A_571 = vector.shape_cast %reduce_max3A_570 : vector<128xf32> to vector<128x1xf32>
    %sub3A_572 = vector.broadcast %broadcast_in_dim3A_571 : vector<128x1xf32> to vector<128x128xf32>
    %sub3A_573 = arith.subf %mul3A_568, %sub3A_572 : vector<128x128xf32>
    %exp3A_574 = math.exp %sub3A_573 : vector<128x128xf32>
    %reduce_sum3A_575 = arith.constant dense<0.000000e+00> : vector<128xf32>
    %reduce_sum3A_576 = vector.multi_reduction <add>, %exp3A_574, %reduce_sum3A_575 [1] : vector<128x128xf32> to vector<128xf32>
    %broadcast_in_dim3A_577 = vector.shape_cast %reduce_sum3A_576 : vector<128xf32> to vector<128x1xf32>
    %div3A_578 = vector.broadcast %broadcast_in_dim3A_577 : vector<128x1xf32> to vector<128x128xf32>
    %div3A_579 = arith.divf %exp3A_574, %div3A_578 : vector<128x128xf32>
    %slice3A_580 = vector.extract_strided_slice %add3A_100 {offsets = [128, 320], sizes = [128, 64], strides = [1, 1]} : vector<512x512xf32> to vector<128x64xf32>
    %dot_general3A_581 = arith.constant dense<0.000000e+00> : vector<128x64xf32>
    %dot_general3A_582 = tpu.matmul %div3A_579, %slice3A_580, %dot_general3A_581 {dimension_numbers = #tpu.dot_dimension_numbers<[1], [0], [0], [1], [0, 0, 1, 1], [], []>, transpose_lhs_hint = false} : vector<128x128xf32>, vector<128x64xf32>, vector<128x64xf32> -> vector<128x64xf32>
    %slice3A_583 = vector.extract_strided_slice %slice3A_539 {offsets = [256, 0], sizes = [128, 64], strides = [1, 1]} : vector<512x64xf32> to vector<128x64xf32>
    %slice3A_584 = vector.extract_strided_slice %slice3A_540 {offsets = [256, 0], sizes = [128, 64], strides = [1, 1]} : vector<512x64xf32> to vector<128x64xf32>
    %dot_general3A_585 = arith.constant dense<0.000000e+00> : vector<128x128xf32>
    %dot_general3A_586 = tpu.matmul %slice3A_583, %slice3A_584, %dot_general3A_585 {dimension_numbers = #tpu.dot_dimension_numbers<[1], [1], [0], [0], [0, 0, 1, 0], [], []>, transpose_lhs_hint = false} : vector<128x64xf32>, vector<128x64xf32>, vector<128x128xf32> -> vector<128x128xf32>
    %mul3A_587 = arith.constant 1.250000e-01 : f32
    %mul3A_588 = vector.broadcast %mul3A_587 : f32 to vector<128x128xf32>
    %mul3A_589 = arith.mulf %dot_general3A_586, %mul3A_588 : vector<128x128xf32>
    %reduce_max3A_590 = arith.constant dense<0xFF800000> : vector<128xf32>
    %reduce_max3A_591 = vector.multi_reduction <maximumf>, %mul3A_589, %reduce_max3A_590 [1] : vector<128x128xf32> to vector<128xf32>
    %broadcast_in_dim3A_592 = vector.shape_cast %reduce_max3A_591 : vector<128xf32> to vector<128x1xf32>
    %sub3A_593 = vector.broadcast %broadcast_in_dim3A_592 : vector<128x1xf32> to vector<128x128xf32>
    %sub3A_594 = arith.subf %mul3A_589, %sub3A_593 : vector<128x128xf32>
    %exp3A_595 = math.exp %sub3A_594 : vector<128x128xf32>
    %reduce_sum3A_596 = arith.constant dense<0.000000e+00> : vector<128xf32>
    %reduce_sum3A_597 = vector.multi_reduction <add>, %exp3A_595, %reduce_sum3A_596 [1] : vector<128x128xf32> to vector<128xf32>
    %broadcast_in_dim3A_598 = vector.shape_cast %reduce_sum3A_597 : vector<128xf32> to vector<128x1xf32>
    %div3A_599 = vector.broadcast %broadcast_in_dim3A_598 : vector<128x1xf32> to vector<128x128xf32>
    %div3A_600 = arith.divf %exp3A_595, %div3A_599 : vector<128x128xf32>
    %slice3A_601 = vector.extract_strided_slice %add3A_100 {offsets = [256, 320], sizes = [128, 64], strides = [1, 1]} : vector<512x512xf32> to vector<128x64xf32>
    %dot_general3A_602 = arith.constant dense<0.000000e+00> : vector<128x64xf32>
    %dot_general3A_603 = tpu.matmul %div3A_600, %slice3A_601, %dot_general3A_602 {dimension_numbers = #tpu.dot_dimension_numbers<[1], [0], [0], [1], [0, 0, 1, 1], [], []>, transpose_lhs_hint = false} : vector<128x128xf32>, vector<128x64xf32>, vector<128x64xf32> -> vector<128x64xf32>
    %slice3A_604 = vector.extract_strided_slice %slice3A_539 {offsets = [384, 0], sizes = [128, 64], strides = [1, 1]} : vector<512x64xf32> to vector<128x64xf32>
    %slice3A_605 = vector.extract_strided_slice %slice3A_540 {offsets = [384, 0], sizes = [128, 64], strides = [1, 1]} : vector<512x64xf32> to vector<128x64xf32>
    %dot_general3A_606 = arith.constant dense<0.000000e+00> : vector<128x128xf32>
    %dot_general3A_607 = tpu.matmul %slice3A_604, %slice3A_605, %dot_general3A_606 {dimension_numbers = #tpu.dot_dimension_numbers<[1], [1], [0], [0], [0, 0, 1, 0], [], []>, transpose_lhs_hint = false} : vector<128x64xf32>, vector<128x64xf32>, vector<128x128xf32> -> vector<128x128xf32>
    %mul3A_608 = arith.constant 1.250000e-01 : f32
    %mul3A_609 = vector.broadcast %mul3A_608 : f32 to vector<128x128xf32>
    %mul3A_610 = arith.mulf %dot_general3A_607, %mul3A_609 : vector<128x128xf32>
    %reduce_max3A_611 = arith.constant dense<0xFF800000> : vector<128xf32>
    %reduce_max3A_612 = vector.multi_reduction <maximumf>, %mul3A_610, %reduce_max3A_611 [1] : vector<128x128xf32> to vector<128xf32>
    %broadcast_in_dim3A_613 = vector.shape_cast %reduce_max3A_612 : vector<128xf32> to vector<128x1xf32>
    %sub3A_614 = vector.broadcast %broadcast_in_dim3A_613 : vector<128x1xf32> to vector<128x128xf32>
    %sub3A_615 = arith.subf %mul3A_610, %sub3A_614 : vector<128x128xf32>
    %exp3A_616 = math.exp %sub3A_615 : vector<128x128xf32>
    %reduce_sum3A_617 = arith.constant dense<0.000000e+00> : vector<128xf32>
    %reduce_sum3A_618 = vector.multi_reduction <add>, %exp3A_616, %reduce_sum3A_617 [1] : vector<128x128xf32> to vector<128xf32>
    %broadcast_in_dim3A_619 = vector.shape_cast %reduce_sum3A_618 : vector<128xf32> to vector<128x1xf32>
    %div3A_620 = vector.broadcast %broadcast_in_dim3A_619 : vector<128x1xf32> to vector<128x128xf32>
    %div3A_621 = arith.divf %exp3A_616, %div3A_620 : vector<128x128xf32>
    %slice3A_622 = vector.extract_strided_slice %add3A_100 {offsets = [384, 320], sizes = [128, 64], strides = [1, 1]} : vector<512x512xf32> to vector<128x64xf32>
    %dot_general3A_623 = arith.constant dense<0.000000e+00> : vector<128x64xf32>
    %dot_general3A_624 = tpu.matmul %div3A_621, %slice3A_622, %dot_general3A_623 {dimension_numbers = #tpu.dot_dimension_numbers<[1], [0], [0], [1], [0, 0, 1, 1], [], []>, transpose_lhs_hint = false} : vector<128x128xf32>, vector<128x64xf32>, vector<128x64xf32> -> vector<128x64xf32>
    %concatenate3A_625 = tpu.concatenate %dot_general3A_561, %dot_general3A_582, %dot_general3A_603, %dot_general3A_624 in 0 : vector<128x64xf32>, vector<128x64xf32>, vector<128x64xf32>, vector<128x64xf32> -> vector<512x64xf32>
    %slice3A_626 = vector.extract_strided_slice %add3A_105 {offsets = [0, 384], sizes = [512, 64], strides = [1, 1]} : vector<512x512xf32> to vector<512x64xf32>
    %slice3A_627 = vector.extract_strided_slice %add3A_110 {offsets = [0, 384], sizes = [512, 64], strides = [1, 1]} : vector<512x512xf32> to vector<512x64xf32>
    %slice3A_628 = vector.extract_strided_slice %slice3A_626 {offsets = [0, 0], sizes = [128, 64], strides = [1, 1]} : vector<512x64xf32> to vector<128x64xf32>
    %slice3A_629 = vector.extract_strided_slice %slice3A_627 {offsets = [0, 0], sizes = [128, 64], strides = [1, 1]} : vector<512x64xf32> to vector<128x64xf32>
    %dot_general3A_630 = arith.constant dense<0.000000e+00> : vector<128x128xf32>
    %dot_general3A_631 = tpu.matmul %slice3A_628, %slice3A_629, %dot_general3A_630 {dimension_numbers = #tpu.dot_dimension_numbers<[1], [1], [0], [0], [0, 0, 1, 0], [], []>, transpose_lhs_hint = false} : vector<128x64xf32>, vector<128x64xf32>, vector<128x128xf32> -> vector<128x128xf32>
    %mul3A_632 = arith.constant 1.250000e-01 : f32
    %mul3A_633 = vector.broadcast %mul3A_632 : f32 to vector<128x128xf32>
    %mul3A_634 = arith.mulf %dot_general3A_631, %mul3A_633 : vector<128x128xf32>
    %reduce_max3A_635 = arith.constant dense<0xFF800000> : vector<128xf32>
    %reduce_max3A_636 = vector.multi_reduction <maximumf>, %mul3A_634, %reduce_max3A_635 [1] : vector<128x128xf32> to vector<128xf32>
    %broadcast_in_dim3A_637 = vector.shape_cast %reduce_max3A_636 : vector<128xf32> to vector<128x1xf32>
    %sub3A_638 = vector.broadcast %broadcast_in_dim3A_637 : vector<128x1xf32> to vector<128x128xf32>
    %sub3A_639 = arith.subf %mul3A_634, %sub3A_638 : vector<128x128xf32>
    %exp3A_640 = math.exp %sub3A_639 : vector<128x128xf32>
    %reduce_sum3A_641 = arith.constant dense<0.000000e+00> : vector<128xf32>
    %reduce_sum3A_642 = vector.multi_reduction <add>, %exp3A_640, %reduce_sum3A_641 [1] : vector<128x128xf32> to vector<128xf32>
    %broadcast_in_dim3A_643 = vector.shape_cast %reduce_sum3A_642 : vector<128xf32> to vector<128x1xf32>
    %div3A_644 = vector.broadcast %broadcast_in_dim3A_643 : vector<128x1xf32> to vector<128x128xf32>
    %div3A_645 = arith.divf %exp3A_640, %div3A_644 : vector<128x128xf32>
    %slice3A_646 = vector.extract_strided_slice %add3A_100 {offsets = [0, 384], sizes = [128, 64], strides = [1, 1]} : vector<512x512xf32> to vector<128x64xf32>
    %dot_general3A_647 = arith.constant dense<0.000000e+00> : vector<128x64xf32>
    %dot_general3A_648 = tpu.matmul %div3A_645, %slice3A_646, %dot_general3A_647 {dimension_numbers = #tpu.dot_dimension_numbers<[1], [0], [0], [1], [0, 0, 1, 1], [], []>, transpose_lhs_hint = false} : vector<128x128xf32>, vector<128x64xf32>, vector<128x64xf32> -> vector<128x64xf32>
    %slice3A_649 = vector.extract_strided_slice %slice3A_626 {offsets = [128, 0], sizes = [128, 64], strides = [1, 1]} : vector<512x64xf32> to vector<128x64xf32>
    %slice3A_650 = vector.extract_strided_slice %slice3A_627 {offsets = [128, 0], sizes = [128, 64], strides = [1, 1]} : vector<512x64xf32> to vector<128x64xf32>
    %dot_general3A_651 = arith.constant dense<0.000000e+00> : vector<128x128xf32>
    %dot_general3A_652 = tpu.matmul %slice3A_649, %slice3A_650, %dot_general3A_651 {dimension_numbers = #tpu.dot_dimension_numbers<[1], [1], [0], [0], [0, 0, 1, 0], [], []>, transpose_lhs_hint = false} : vector<128x64xf32>, vector<128x64xf32>, vector<128x128xf32> -> vector<128x128xf32>
    %mul3A_653 = arith.constant 1.250000e-01 : f32
    %mul3A_654 = vector.broadcast %mul3A_653 : f32 to vector<128x128xf32>
    %mul3A_655 = arith.mulf %dot_general3A_652, %mul3A_654 : vector<128x128xf32>
    %reduce_max3A_656 = arith.constant dense<0xFF800000> : vector<128xf32>
    %reduce_max3A_657 = vector.multi_reduction <maximumf>, %mul3A_655, %reduce_max3A_656 [1] : vector<128x128xf32> to vector<128xf32>
    %broadcast_in_dim3A_658 = vector.shape_cast %reduce_max3A_657 : vector<128xf32> to vector<128x1xf32>
    %sub3A_659 = vector.broadcast %broadcast_in_dim3A_658 : vector<128x1xf32> to vector<128x128xf32>
    %sub3A_660 = arith.subf %mul3A_655, %sub3A_659 : vector<128x128xf32>
    %exp3A_661 = math.exp %sub3A_660 : vector<128x128xf32>
    %reduce_sum3A_662 = arith.constant dense<0.000000e+00> : vector<128xf32>
    %reduce_sum3A_663 = vector.multi_reduction <add>, %exp3A_661, %reduce_sum3A_662 [1] : vector<128x128xf32> to vector<128xf32>
    %broadcast_in_dim3A_664 = vector.shape_cast %reduce_sum3A_663 : vector<128xf32> to vector<128x1xf32>
    %div3A_665 = vector.broadcast %broadcast_in_dim3A_664 : vector<128x1xf32> to vector<128x128xf32>
    %div3A_666 = arith.divf %exp3A_661, %div3A_665 : vector<128x128xf32>
    %slice3A_667 = vector.extract_strided_slice %add3A_100 {offsets = [128, 384], sizes = [128, 64], strides = [1, 1]} : vector<512x512xf32> to vector<128x64xf32>
    %dot_general3A_668 = arith.constant dense<0.000000e+00> : vector<128x64xf32>
    %dot_general3A_669 = tpu.matmul %div3A_666, %slice3A_667, %dot_general3A_668 {dimension_numbers = #tpu.dot_dimension_numbers<[1], [0], [0], [1], [0, 0, 1, 1], [], []>, transpose_lhs_hint = false} : vector<128x128xf32>, vector<128x64xf32>, vector<128x64xf32> -> vector<128x64xf32>
    %slice3A_670 = vector.extract_strided_slice %slice3A_626 {offsets = [256, 0], sizes = [128, 64], strides = [1, 1]} : vector<512x64xf32> to vector<128x64xf32>
    %slice3A_671 = vector.extract_strided_slice %slice3A_627 {offsets = [256, 0], sizes = [128, 64], strides = [1, 1]} : vector<512x64xf32> to vector<128x64xf32>
    %dot_general3A_672 = arith.constant dense<0.000000e+00> : vector<128x128xf32>
    %dot_general3A_673 = tpu.matmul %slice3A_670, %slice3A_671, %dot_general3A_672 {dimension_numbers = #tpu.dot_dimension_numbers<[1], [1], [0], [0], [0, 0, 1, 0], [], []>, transpose_lhs_hint = false} : vector<128x64xf32>, vector<128x64xf32>, vector<128x128xf32> -> vector<128x128xf32>
    %mul3A_674 = arith.constant 1.250000e-01 : f32
    %mul3A_675 = vector.broadcast %mul3A_674 : f32 to vector<128x128xf32>
    %mul3A_676 = arith.mulf %dot_general3A_673, %mul3A_675 : vector<128x128xf32>
    %reduce_max3A_677 = arith.constant dense<0xFF800000> : vector<128xf32>
    %reduce_max3A_678 = vector.multi_reduction <maximumf>, %mul3A_676, %reduce_max3A_677 [1] : vector<128x128xf32> to vector<128xf32>
    %broadcast_in_dim3A_679 = vector.shape_cast %reduce_max3A_678 : vector<128xf32> to vector<128x1xf32>
    %sub3A_680 = vector.broadcast %broadcast_in_dim3A_679 : vector<128x1xf32> to vector<128x128xf32>
    %sub3A_681 = arith.subf %mul3A_676, %sub3A_680 : vector<128x128xf32>
    %exp3A_682 = math.exp %sub3A_681 : vector<128x128xf32>
    %reduce_sum3A_683 = arith.constant dense<0.000000e+00> : vector<128xf32>
    %reduce_sum3A_684 = vector.multi_reduction <add>, %exp3A_682, %reduce_sum3A_683 [1] : vector<128x128xf32> to vector<128xf32>
    %broadcast_in_dim3A_685 = vector.shape_cast %reduce_sum3A_684 : vector<128xf32> to vector<128x1xf32>
    %div3A_686 = vector.broadcast %broadcast_in_dim3A_685 : vector<128x1xf32> to vector<128x128xf32>
    %div3A_687 = arith.divf %exp3A_682, %div3A_686 : vector<128x128xf32>
    %slice3A_688 = vector.extract_strided_slice %add3A_100 {offsets = [256, 384], sizes = [128, 64], strides = [1, 1]} : vector<512x512xf32> to vector<128x64xf32>
    %dot_general3A_689 = arith.constant dense<0.000000e+00> : vector<128x64xf32>
    %dot_general3A_690 = tpu.matmul %div3A_687, %slice3A_688, %dot_general3A_689 {dimension_numbers = #tpu.dot_dimension_numbers<[1], [0], [0], [1], [0, 0, 1, 1], [], []>, transpose_lhs_hint = false} : vector<128x128xf32>, vector<128x64xf32>, vector<128x64xf32> -> vector<128x64xf32>
    %slice3A_691 = vector.extract_strided_slice %slice3A_626 {offsets = [384, 0], sizes = [128, 64], strides = [1, 1]} : vector<512x64xf32> to vector<128x64xf32>
    %slice3A_692 = vector.extract_strided_slice %slice3A_627 {offsets = [384, 0], sizes = [128, 64], strides = [1, 1]} : vector<512x64xf32> to vector<128x64xf32>
    %dot_general3A_693 = arith.constant dense<0.000000e+00> : vector<128x128xf32>
    %dot_general3A_694 = tpu.matmul %slice3A_691, %slice3A_692, %dot_general3A_693 {dimension_numbers = #tpu.dot_dimension_numbers<[1], [1], [0], [0], [0, 0, 1, 0], [], []>, transpose_lhs_hint = false} : vector<128x64xf32>, vector<128x64xf32>, vector<128x128xf32> -> vector<128x128xf32>
    %mul3A_695 = arith.constant 1.250000e-01 : f32
    %mul3A_696 = vector.broadcast %mul3A_695 : f32 to vector<128x128xf32>
    %mul3A_697 = arith.mulf %dot_general3A_694, %mul3A_696 : vector<128x128xf32>
    %reduce_max3A_698 = arith.constant dense<0xFF800000> : vector<128xf32>
    %reduce_max3A_699 = vector.multi_reduction <maximumf>, %mul3A_697, %reduce_max3A_698 [1] : vector<128x128xf32> to vector<128xf32>
    %broadcast_in_dim3A_700 = vector.shape_cast %reduce_max3A_699 : vector<128xf32> to vector<128x1xf32>
    %sub3A_701 = vector.broadcast %broadcast_in_dim3A_700 : vector<128x1xf32> to vector<128x128xf32>
    %sub3A_702 = arith.subf %mul3A_697, %sub3A_701 : vector<128x128xf32>
    %exp3A_703 = math.exp %sub3A_702 : vector<128x128xf32>
    %reduce_sum3A_704 = arith.constant dense<0.000000e+00> : vector<128xf32>
    %reduce_sum3A_705 = vector.multi_reduction <add>, %exp3A_703, %reduce_sum3A_704 [1] : vector<128x128xf32> to vector<128xf32>
    %broadcast_in_dim3A_706 = vector.shape_cast %reduce_sum3A_705 : vector<128xf32> to vector<128x1xf32>
    %div3A_707 = vector.broadcast %broadcast_in_dim3A_706 : vector<128x1xf32> to vector<128x128xf32>
    %div3A_708 = arith.divf %exp3A_703, %div3A_707 : vector<128x128xf32>
    %slice3A_709 = vector.extract_strided_slice %add3A_100 {offsets = [384, 384], sizes = [128, 64], strides = [1, 1]} : vector<512x512xf32> to vector<128x64xf32>
    %dot_general3A_710 = arith.constant dense<0.000000e+00> : vector<128x64xf32>
    %dot_general3A_711 = tpu.matmul %div3A_708, %slice3A_709, %dot_general3A_710 {dimension_numbers = #tpu.dot_dimension_numbers<[1], [0], [0], [1], [0, 0, 1, 1], [], []>, transpose_lhs_hint = false} : vector<128x128xf32>, vector<128x64xf32>, vector<128x64xf32> -> vector<128x64xf32>
    %concatenate3A_712 = tpu.concatenate %dot_general3A_648, %dot_general3A_669, %dot_general3A_690, %dot_general3A_711 in 0 : vector<128x64xf32>, vector<128x64xf32>, vector<128x64xf32>, vector<128x64xf32> -> vector<512x64xf32>
    %slice3A_713 = vector.extract_strided_slice %add3A_105 {offsets = [0, 448], sizes = [512, 64], strides = [1, 1]} : vector<512x512xf32> to vector<512x64xf32>
    %slice3A_714 = vector.extract_strided_slice %add3A_110 {offsets = [0, 448], sizes = [512, 64], strides = [1, 1]} : vector<512x512xf32> to vector<512x64xf32>
    %slice3A_715 = vector.extract_strided_slice %slice3A_713 {offsets = [0, 0], sizes = [128, 64], strides = [1, 1]} : vector<512x64xf32> to vector<128x64xf32>
    %slice3A_716 = vector.extract_strided_slice %slice3A_714 {offsets = [0, 0], sizes = [128, 64], strides = [1, 1]} : vector<512x64xf32> to vector<128x64xf32>
    %dot_general3A_717 = arith.constant dense<0.000000e+00> : vector<128x128xf32>
    %dot_general3A_718 = tpu.matmul %slice3A_715, %slice3A_716, %dot_general3A_717 {dimension_numbers = #tpu.dot_dimension_numbers<[1], [1], [0], [0], [0, 0, 1, 0], [], []>, transpose_lhs_hint = false} : vector<128x64xf32>, vector<128x64xf32>, vector<128x128xf32> -> vector<128x128xf32>
    %mul3A_719 = arith.constant 1.250000e-01 : f32
    %mul3A_720 = vector.broadcast %mul3A_719 : f32 to vector<128x128xf32>
    %mul3A_721 = arith.mulf %dot_general3A_718, %mul3A_720 : vector<128x128xf32>
    %reduce_max3A_722 = arith.constant dense<0xFF800000> : vector<128xf32>
    %reduce_max3A_723 = vector.multi_reduction <maximumf>, %mul3A_721, %reduce_max3A_722 [1] : vector<128x128xf32> to vector<128xf32>
    %broadcast_in_dim3A_724 = vector.shape_cast %reduce_max3A_723 : vector<128xf32> to vector<128x1xf32>
    %sub3A_725 = vector.broadcast %broadcast_in_dim3A_724 : vector<128x1xf32> to vector<128x128xf32>
    %sub3A_726 = arith.subf %mul3A_721, %sub3A_725 : vector<128x128xf32>
    %exp3A_727 = math.exp %sub3A_726 : vector<128x128xf32>
    %reduce_sum3A_728 = arith.constant dense<0.000000e+00> : vector<128xf32>
    %reduce_sum3A_729 = vector.multi_reduction <add>, %exp3A_727, %reduce_sum3A_728 [1] : vector<128x128xf32> to vector<128xf32>
    %broadcast_in_dim3A_730 = vector.shape_cast %reduce_sum3A_729 : vector<128xf32> to vector<128x1xf32>
    %div3A_731 = vector.broadcast %broadcast_in_dim3A_730 : vector<128x1xf32> to vector<128x128xf32>
    %div3A_732 = arith.divf %exp3A_727, %div3A_731 : vector<128x128xf32>
    %slice3A_733 = vector.extract_strided_slice %add3A_100 {offsets = [0, 448], sizes = [128, 64], strides = [1, 1]} : vector<512x512xf32> to vector<128x64xf32>
    %dot_general3A_734 = arith.constant dense<0.000000e+00> : vector<128x64xf32>
    %dot_general3A_735 = tpu.matmul %div3A_732, %slice3A_733, %dot_general3A_734 {dimension_numbers = #tpu.dot_dimension_numbers<[1], [0], [0], [1], [0, 0, 1, 1], [], []>, transpose_lhs_hint = false} : vector<128x128xf32>, vector<128x64xf32>, vector<128x64xf32> -> vector<128x64xf32>
    %slice3A_736 = vector.extract_strided_slice %slice3A_713 {offsets = [128, 0], sizes = [128, 64], strides = [1, 1]} : vector<512x64xf32> to vector<128x64xf32>
    %slice3A_737 = vector.extract_strided_slice %slice3A_714 {offsets = [128, 0], sizes = [128, 64], strides = [1, 1]} : vector<512x64xf32> to vector<128x64xf32>
    %dot_general3A_738 = arith.constant dense<0.000000e+00> : vector<128x128xf32>
    %dot_general3A_739 = tpu.matmul %slice3A_736, %slice3A_737, %dot_general3A_738 {dimension_numbers = #tpu.dot_dimension_numbers<[1], [1], [0], [0], [0, 0, 1, 0], [], []>, transpose_lhs_hint = false} : vector<128x64xf32>, vector<128x64xf32>, vector<128x128xf32> -> vector<128x128xf32>
    %mul3A_740 = arith.constant 1.250000e-01 : f32
    %mul3A_741 = vector.broadcast %mul3A_740 : f32 to vector<128x128xf32>
    %mul3A_742 = arith.mulf %dot_general3A_739, %mul3A_741 : vector<128x128xf32>
    %reduce_max3A_743 = arith.constant dense<0xFF800000> : vector<128xf32>
    %reduce_max3A_744 = vector.multi_reduction <maximumf>, %mul3A_742, %reduce_max3A_743 [1] : vector<128x128xf32> to vector<128xf32>
    %broadcast_in_dim3A_745 = vector.shape_cast %reduce_max3A_744 : vector<128xf32> to vector<128x1xf32>
    %sub3A_746 = vector.broadcast %broadcast_in_dim3A_745 : vector<128x1xf32> to vector<128x128xf32>
    %sub3A_747 = arith.subf %mul3A_742, %sub3A_746 : vector<128x128xf32>
    %exp3A_748 = math.exp %sub3A_747 : vector<128x128xf32>
    %reduce_sum3A_749 = arith.constant dense<0.000000e+00> : vector<128xf32>
    %reduce_sum3A_750 = vector.multi_reduction <add>, %exp3A_748, %reduce_sum3A_749 [1] : vector<128x128xf32> to vector<128xf32>
    %broadcast_in_dim3A_751 = vector.shape_cast %reduce_sum3A_750 : vector<128xf32> to vector<128x1xf32>
    %div3A_752 = vector.broadcast %broadcast_in_dim3A_751 : vector<128x1xf32> to vector<128x128xf32>
    %div3A_753 = arith.divf %exp3A_748, %div3A_752 : vector<128x128xf32>
    %slice3A_754 = vector.extract_strided_slice %add3A_100 {offsets = [128, 448], sizes = [128, 64], strides = [1, 1]} : vector<512x512xf32> to vector<128x64xf32>
    %dot_general3A_755 = arith.constant dense<0.000000e+00> : vector<128x64xf32>
    %dot_general3A_756 = tpu.matmul %div3A_753, %slice3A_754, %dot_general3A_755 {dimension_numbers = #tpu.dot_dimension_numbers<[1], [0], [0], [1], [0, 0, 1, 1], [], []>, transpose_lhs_hint = false} : vector<128x128xf32>, vector<128x64xf32>, vector<128x64xf32> -> vector<128x64xf32>
    %slice3A_757 = vector.extract_strided_slice %slice3A_713 {offsets = [256, 0], sizes = [128, 64], strides = [1, 1]} : vector<512x64xf32> to vector<128x64xf32>
    %slice3A_758 = vector.extract_strided_slice %slice3A_714 {offsets = [256, 0], sizes = [128, 64], strides = [1, 1]} : vector<512x64xf32> to vector<128x64xf32>
    %dot_general3A_759 = arith.constant dense<0.000000e+00> : vector<128x128xf32>
    %dot_general3A_760 = tpu.matmul %slice3A_757, %slice3A_758, %dot_general3A_759 {dimension_numbers = #tpu.dot_dimension_numbers<[1], [1], [0], [0], [0, 0, 1, 0], [], []>, transpose_lhs_hint = false} : vector<128x64xf32>, vector<128x64xf32>, vector<128x128xf32> -> vector<128x128xf32>
    %mul3A_761 = arith.constant 1.250000e-01 : f32
    %mul3A_762 = vector.broadcast %mul3A_761 : f32 to vector<128x128xf32>
    %mul3A_763 = arith.mulf %dot_general3A_760, %mul3A_762 : vector<128x128xf32>
    %reduce_max3A_764 = arith.constant dense<0xFF800000> : vector<128xf32>
    %reduce_max3A_765 = vector.multi_reduction <maximumf>, %mul3A_763, %reduce_max3A_764 [1] : vector<128x128xf32> to vector<128xf32>
    %broadcast_in_dim3A_766 = vector.shape_cast %reduce_max3A_765 : vector<128xf32> to vector<128x1xf32>
    %sub3A_767 = vector.broadcast %broadcast_in_dim3A_766 : vector<128x1xf32> to vector<128x128xf32>
    %sub3A_768 = arith.subf %mul3A_763, %sub3A_767 : vector<128x128xf32>
    %exp3A_769 = math.exp %sub3A_768 : vector<128x128xf32>
    %reduce_sum3A_770 = arith.constant dense<0.000000e+00> : vector<128xf32>
    %reduce_sum3A_771 = vector.multi_reduction <add>, %exp3A_769, %reduce_sum3A_770 [1] : vector<128x128xf32> to vector<128xf32>
    %broadcast_in_dim3A_772 = vector.shape_cast %reduce_sum3A_771 : vector<128xf32> to vector<128x1xf32>
    %div3A_773 = vector.broadcast %broadcast_in_dim3A_772 : vector<128x1xf32> to vector<128x128xf32>
    %div3A_774 = arith.divf %exp3A_769, %div3A_773 : vector<128x128xf32>
    %slice3A_775 = vector.extract_strided_slice %add3A_100 {offsets = [256, 448], sizes = [128, 64], strides = [1, 1]} : vector<512x512xf32> to vector<128x64xf32>
    %dot_general3A_776 = arith.constant dense<0.000000e+00> : vector<128x64xf32>
    %dot_general3A_777 = tpu.matmul %div3A_774, %slice3A_775, %dot_general3A_776 {dimension_numbers = #tpu.dot_dimension_numbers<[1], [0], [0], [1], [0, 0, 1, 1], [], []>, transpose_lhs_hint = false} : vector<128x128xf32>, vector<128x64xf32>, vector<128x64xf32> -> vector<128x64xf32>
    %slice3A_778 = vector.extract_strided_slice %slice3A_713 {offsets = [384, 0], sizes = [128, 64], strides = [1, 1]} : vector<512x64xf32> to vector<128x64xf32>
    %slice3A_779 = vector.extract_strided_slice %slice3A_714 {offsets = [384, 0], sizes = [128, 64], strides = [1, 1]} : vector<512x64xf32> to vector<128x64xf32>
    %dot_general3A_780 = arith.constant dense<0.000000e+00> : vector<128x128xf32>
    %dot_general3A_781 = tpu.matmul %slice3A_778, %slice3A_779, %dot_general3A_780 {dimension_numbers = #tpu.dot_dimension_numbers<[1], [1], [0], [0], [0, 0, 1, 0], [], []>, transpose_lhs_hint = false} : vector<128x64xf32>, vector<128x64xf32>, vector<128x128xf32> -> vector<128x128xf32>
    %mul3A_782 = arith.constant 1.250000e-01 : f32
    %mul3A_783 = vector.broadcast %mul3A_782 : f32 to vector<128x128xf32>
    %mul3A_784 = arith.mulf %dot_general3A_781, %mul3A_783 : vector<128x128xf32>
    %reduce_max3A_785 = arith.constant dense<0xFF800000> : vector<128xf32>
    %reduce_max3A_786 = vector.multi_reduction <maximumf>, %mul3A_784, %reduce_max3A_785 [1] : vector<128x128xf32> to vector<128xf32>
    %broadcast_in_dim3A_787 = vector.shape_cast %reduce_max3A_786 : vector<128xf32> to vector<128x1xf32>
    %sub3A_788 = vector.broadcast %broadcast_in_dim3A_787 : vector<128x1xf32> to vector<128x128xf32>
    %sub3A_789 = arith.subf %mul3A_784, %sub3A_788 : vector<128x128xf32>
    %exp3A_790 = math.exp %sub3A_789 : vector<128x128xf32>
    %reduce_sum3A_791 = arith.constant dense<0.000000e+00> : vector<128xf32>
    %reduce_sum3A_792 = vector.multi_reduction <add>, %exp3A_790, %reduce_sum3A_791 [1] : vector<128x128xf32> to vector<128xf32>
    %broadcast_in_dim3A_793 = vector.shape_cast %reduce_sum3A_792 : vector<128xf32> to vector<128x1xf32>
    %div3A_794 = vector.broadcast %broadcast_in_dim3A_793 : vector<128x1xf32> to vector<128x128xf32>
    %div3A_795 = arith.divf %exp3A_790, %div3A_794 : vector<128x128xf32>
    %slice3A_796 = vector.extract_strided_slice %add3A_100 {offsets = [384, 448], sizes = [128, 64], strides = [1, 1]} : vector<512x512xf32> to vector<128x64xf32>
    %dot_general3A_797 = arith.constant dense<0.000000e+00> : vector<128x64xf32>
    %dot_general3A_798 = tpu.matmul %div3A_795, %slice3A_796, %dot_general3A_797 {dimension_numbers = #tpu.dot_dimension_numbers<[1], [0], [0], [1], [0, 0, 1, 1], [], []>, transpose_lhs_hint = false} : vector<128x128xf32>, vector<128x64xf32>, vector<128x64xf32> -> vector<128x64xf32>
    %concatenate3A_799 = tpu.concatenate %dot_general3A_735, %dot_general3A_756, %dot_general3A_777, %dot_general3A_798 in 0 : vector<128x64xf32>, vector<128x64xf32>, vector<128x64xf32>, vector<128x64xf32> -> vector<512x64xf32>
    %concatenate3A_800 = tpu.concatenate %concatenate3A, %concatenate3A_277, %concatenate3A_364, %concatenate3A_451, %concatenate3A_538, %concatenate3A_625, %concatenate3A_712, %concatenate3A_799 in 1 : vector<512x64xf32>, vector<512x64xf32>, vector<512x64xf32>, vector<512x64xf32>, vector<512x64xf32>, vector<512x64xf32>, vector<512x64xf32>, vector<512x64xf32> -> vector<512x512xf32>
    %dot_general3A_801 = arith.constant dense<0.000000e+00> : vector<512x512xf32>
    %dot_general3A_802 = tpu.matmul %concatenate3A_800, %get3A_62, %dot_general3A_801 {dimension_numbers = #tpu.dot_dimension_numbers<[1], [0], [0], [1], [0, 0, 1, 1], [], []>, transpose_lhs_hint = false} : vector<512x512xf32>, vector<512x512xf32>, vector<512x512xf32> -> vector<512x512xf32>
    %add3A_803 = arith.addf %add3A_32, %dot_general3A_802 : vector<512x512xf32>
    %add3A_804 = vector.broadcast %get3A_65 : vector<1x512xf32> to vector<512x512xf32>
    %add3A_805 = arith.addf %add3A_803, %add3A_804 : vector<512x512xf32>
    %reduce_sum3A_806 = arith.constant dense<0.000000e+00> : vector<512xf32>
    %reduce_sum3A_807 = vector.multi_reduction <add>, %add3A_805, %reduce_sum3A_806 [1] : vector<512x512xf32> to vector<512xf32>
    %broadcast_in_dim3A_808 = vector.shape_cast %reduce_sum3A_807 : vector<512xf32> to vector<512x1xf32>
    %div3A_809 = arith.constant 5.120000e+02 : f32
    %div3A_810 = vector.broadcast %div3A_809 : f32 to vector<512x1xf32>
    %div3A_811 = arith.divf %broadcast_in_dim3A_808, %div3A_810 : vector<512x1xf32>
    %sub3A_812 = vector.broadcast %div3A_811 : vector<512x1xf32> to vector<512x512xf32>
    %sub3A_813 = arith.subf %add3A_805, %sub3A_812 : vector<512x512xf32>
    %integer_pow3A = arith.mulf %sub3A_813, %sub3A_813 : vector<512x512xf32>
    %reduce_sum3A_814 = arith.constant dense<0.000000e+00> : vector<512xf32>
    %reduce_sum3A_815 = vector.multi_reduction <add>, %integer_pow3A, %reduce_sum3A_814 [1] : vector<512x512xf32> to vector<512xf32>
    %broadcast_in_dim3A_816 = vector.shape_cast %reduce_sum3A_815 : vector<512xf32> to vector<512x1xf32>
    %div3A_817 = arith.constant 5.120000e+02 : f32
    %div3A_818 = vector.broadcast %div3A_817 : f32 to vector<512x1xf32>
    %div3A_819 = arith.divf %broadcast_in_dim3A_816, %div3A_818 : vector<512x1xf32>
    %sub3A_820 = vector.broadcast %div3A_811 : vector<512x1xf32> to vector<512x512xf32>
    %sub3A_821 = arith.subf %add3A_805, %sub3A_820 : vector<512x512xf32>
    %add3A_822 = arith.constant 9.99999974E-6 : f32
    %add3A_823 = vector.broadcast %add3A_822 : f32 to vector<512x1xf32>
    %add3A_824 = arith.addf %div3A_819, %add3A_823 : vector<512x1xf32>
    %sqrt3A = math.sqrt %add3A_824 : vector<512x1xf32>
    %div3A_825 = vector.broadcast %sqrt3A : vector<512x1xf32> to vector<512x512xf32>
    %div3A_826 = arith.divf %sub3A_821, %div3A_825 : vector<512x512xf32>
    %mul3A_827 = vector.broadcast %get3A_68 : vector<1x512xf32> to vector<512x512xf32>
    %mul3A_828 = arith.mulf %div3A_826, %mul3A_827 : vector<512x512xf32>
    %add3A_829 = vector.broadcast %get3A_71 : vector<1x512xf32> to vector<512x512xf32>
    %add3A_830 = arith.addf %mul3A_828, %add3A_829 : vector<512x512xf32>
    %dot_general3A_831 = arith.constant dense<0.000000e+00> : vector<512x2048xf32>
    %dot_general3A_832 = tpu.matmul %add3A_830, %get3A_74, %dot_general3A_831 {dimension_numbers = #tpu.dot_dimension_numbers<[1], [0], [0], [1], [0, 0, 1, 1], [], []>, transpose_lhs_hint = false} : vector<512x512xf32>, vector<512x2048xf32>, vector<512x2048xf32> -> vector<512x2048xf32>
    %add3A_833 = vector.broadcast %get3A_77 : vector<1x2048xf32> to vector<512x2048xf32>
    %add3A_834 = arith.addf %dot_general3A_832, %add3A_833 : vector<512x2048xf32>
    %mul3A_835 = arith.constant 5.000000e-01 : f32
    %mul3A_836 = vector.broadcast %mul3A_835 : f32 to vector<512x2048xf32>
    %mul3A_837 = arith.mulf %mul3A_836, %add3A_834 : vector<512x2048xf32>
    %mul3A_838 = arith.constant 0.707106769 : f32
    %mul3A_839 = vector.broadcast %mul3A_838 : f32 to vector<512x2048xf32>
    %mul3A_840 = arith.mulf %add3A_834, %mul3A_839 : vector<512x2048xf32>
    %erf3A = math.erf %mul3A_840 : vector<512x2048xf32>
    %add3A_841 = arith.constant 1.000000e+00 : f32
    %add3A_842 = vector.broadcast %add3A_841 : f32 to vector<512x2048xf32>
    %add3A_843 = arith.addf %add3A_842, %erf3A : vector<512x2048xf32>
    %mul3A_844 = arith.mulf %mul3A_837, %add3A_843 : vector<512x2048xf32>
    %dot_general3A_845 = arith.constant dense<0.000000e+00> : vector<512x512xf32>
    %dot_general3A_846 = tpu.matmul %mul3A_844, %get3A_80, %dot_general3A_845 {dimension_numbers = #tpu.dot_dimension_numbers<[1], [0], [0], [1], [0, 0, 1, 1], [], []>, transpose_lhs_hint = false} : vector<512x2048xf32>, vector<2048x512xf32>, vector<512x512xf32> -> vector<512x512xf32>
    %add3A_847 = arith.addf %add3A_830, %dot_general3A_846 : vector<512x512xf32>
    %add3A_848 = vector.broadcast %get3A_83 : vector<1x512xf32> to vector<512x512xf32>
    %add3A_849 = arith.addf %add3A_847, %add3A_848 : vector<512x512xf32>
    %reduce_sum3A_850 = arith.constant dense<0.000000e+00> : vector<512xf32>
    %reduce_sum3A_851 = vector.multi_reduction <add>, %add3A_849, %reduce_sum3A_850 [1] : vector<512x512xf32> to vector<512xf32>
    %broadcast_in_dim3A_852 = vector.shape_cast %reduce_sum3A_851 : vector<512xf32> to vector<512x1xf32>
    %div3A_853 = arith.constant 5.120000e+02 : f32
    %div3A_854 = vector.broadcast %div3A_853 : f32 to vector<512x1xf32>
    %div3A_855 = arith.divf %broadcast_in_dim3A_852, %div3A_854 : vector<512x1xf32>
    %sub3A_856 = vector.broadcast %div3A_855 : vector<512x1xf32> to vector<512x512xf32>
    %sub3A_857 = arith.subf %add3A_849, %sub3A_856 : vector<512x512xf32>
    %integer_pow3A_858 = arith.mulf %sub3A_857, %sub3A_857 : vector<512x512xf32>
    %reduce_sum3A_859 = arith.constant dense<0.000000e+00> : vector<512xf32>
    %reduce_sum3A_860 = vector.multi_reduction <add>, %integer_pow3A_858, %reduce_sum3A_859 [1] : vector<512x512xf32> to vector<512xf32>
    %broadcast_in_dim3A_861 = vector.shape_cast %reduce_sum3A_860 : vector<512xf32> to vector<512x1xf32>
    %div3A_862 = arith.constant 5.120000e+02 : f32
    %div3A_863 = vector.broadcast %div3A_862 : f32 to vector<512x1xf32>
    %div3A_864 = arith.divf %broadcast_in_dim3A_861, %div3A_863 : vector<512x1xf32>
    %sub3A_865 = vector.broadcast %div3A_855 : vector<512x1xf32> to vector<512x512xf32>
    %sub3A_866 = arith.subf %add3A_849, %sub3A_865 : vector<512x512xf32>
    %add3A_867 = arith.constant 9.99999974E-6 : f32
    %add3A_868 = vector.broadcast %add3A_867 : f32 to vector<512x1xf32>
    %add3A_869 = arith.addf %div3A_864, %add3A_868 : vector<512x1xf32>
    %sqrt3A_870 = math.sqrt %add3A_869 : vector<512x1xf32>
    %div3A_871 = vector.broadcast %sqrt3A_870 : vector<512x1xf32> to vector<512x512xf32>
    %div3A_872 = arith.divf %sub3A_866, %div3A_871 : vector<512x512xf32>
    %mul3A_873 = vector.broadcast %get3A_86 : vector<1x512xf32> to vector<512x512xf32>
    %mul3A_874 = arith.mulf %div3A_872, %mul3A_873 : vector<512x512xf32>
    %add3A_875 = vector.broadcast %get3A_89 : vector<1x512xf32> to vector<512x512xf32>
    %add3A_876 = arith.addf %mul3A_874, %add3A_875 : vector<512x512xf32>
    %get3A_877 = arith.constant 0 : index
    %get3A_878 = arith.constant 0 : index
    %get3A_879 = vector.load %arg23[%get3A_877, %get3A_878] : memref<512x512xf32, #tpu.memory_space<vmem>>, vector<512x512xf32>
    %get3A_880 = arith.constant 0 : index
    %get3A_881 = arith.constant 0 : index
    %get3A_882 = vector.load %arg24[%get3A_880, %get3A_881] : memref<1x512xf32, #tpu.memory_space<vmem>>, vector<1x512xf32>
    %get3A_883 = arith.constant 0 : index
    %get3A_884 = arith.constant 0 : index
    %get3A_885 = vector.load %arg25[%get3A_883, %get3A_884] : memref<512x512xf32, #tpu.memory_space<vmem>>, vector<512x512xf32>
    %get3A_886 = arith.constant 0 : index
    %get3A_887 = arith.constant 0 : index
    %get3A_888 = vector.load %arg26[%get3A_886, %get3A_887] : memref<1x512xf32, #tpu.memory_space<vmem>>, vector<1x512xf32>
    %get3A_889 = arith.constant 0 : index
    %get3A_890 = arith.constant 0 : index
    %get3A_891 = vector.load %arg27[%get3A_889, %get3A_890] : memref<512x512xf32, #tpu.memory_space<vmem>>, vector<512x512xf32>
    %get3A_892 = arith.constant 0 : index
    %get3A_893 = arith.constant 0 : index
    %get3A_894 = vector.load %arg28[%get3A_892, %get3A_893] : memref<1x512xf32, #tpu.memory_space<vmem>>, vector<1x512xf32>
    %get3A_895 = arith.constant 0 : index
    %get3A_896 = arith.constant 0 : index
    %get3A_897 = vector.load %arg29[%get3A_895, %get3A_896] : memref<512x512xf32, #tpu.memory_space<vmem>>, vector<512x512xf32>
    %get3A_898 = arith.constant 0 : index
    %get3A_899 = arith.constant 0 : index
    %get3A_900 = vector.load %arg30[%get3A_898, %get3A_899] : memref<1x512xf32, #tpu.memory_space<vmem>>, vector<1x512xf32>
    %get3A_901 = arith.constant 0 : index
    %get3A_902 = arith.constant 0 : index
    %get3A_903 = vector.load %arg31[%get3A_901, %get3A_902] : memref<1x512xf32, #tpu.memory_space<vmem>>, vector<1x512xf32>
    %get3A_904 = arith.constant 0 : index
    %get3A_905 = arith.constant 0 : index
    %get3A_906 = vector.load %arg32[%get3A_904, %get3A_905] : memref<1x512xf32, #tpu.memory_space<vmem>>, vector<1x512xf32>
    %get3A_907 = arith.constant 0 : index
    %get3A_908 = arith.constant 0 : index
    %get3A_909 = vector.load %arg33[%get3A_907, %get3A_908] : memref<512x2048xf32, #tpu.memory_space<vmem>>, vector<512x2048xf32>
    %get3A_910 = arith.constant 0 : index
    %get3A_911 = arith.constant 0 : index
    %get3A_912 = vector.load %arg34[%get3A_910, %get3A_911] : memref<1x2048xf32, #tpu.memory_space<vmem>>, vector<1x2048xf32>
    %get3A_913 = arith.constant 0 : index
    %get3A_914 = arith.constant 0 : index
    %get3A_915 = vector.load %arg35[%get3A_913, %get3A_914] : memref<2048x512xf32, #tpu.memory_space<vmem>>, vector<2048x512xf32>
    %get3A_916 = arith.constant 0 : index
    %get3A_917 = arith.constant 0 : index
    %get3A_918 = vector.load %arg36[%get3A_916, %get3A_917] : memref<1x512xf32, #tpu.memory_space<vmem>>, vector<1x512xf32>
    %get3A_919 = arith.constant 0 : index
    %get3A_920 = arith.constant 0 : index
    %get3A_921 = vector.load %arg37[%get3A_919, %get3A_920] : memref<1x512xf32, #tpu.memory_space<vmem>>, vector<1x512xf32>
    %get3A_922 = arith.constant 0 : index
    %get3A_923 = arith.constant 0 : index
    %get3A_924 = vector.load %arg38[%get3A_922, %get3A_923] : memref<1x512xf32, #tpu.memory_space<vmem>>, vector<1x512xf32>
    %dot_general3A_925 = arith.constant dense<0.000000e+00> : vector<512x512xf32>
    %dot_general3A_926 = tpu.matmul %add3A_876, %get3A_879, %dot_general3A_925 {dimension_numbers = #tpu.dot_dimension_numbers<[1], [0], [0], [1], [0, 0, 1, 1], [], []>, transpose_lhs_hint = false} : vector<512x512xf32>, vector<512x512xf32>, vector<512x512xf32> -> vector<512x512xf32>
    %add3A_927 = vector.broadcast %get3A_882 : vector<1x512xf32> to vector<512x512xf32>
    %add3A_928 = arith.addf %dot_general3A_926, %add3A_927 : vector<512x512xf32>
    %dot_general3A_929 = arith.constant dense<0.000000e+00> : vector<512x512xf32>
    %dot_general3A_930 = tpu.matmul %add3A_876, %get3A_885, %dot_general3A_929 {dimension_numbers = #tpu.dot_dimension_numbers<[1], [0], [0], [1], [0, 0, 1, 1], [], []>, transpose_lhs_hint = false} : vector<512x512xf32>, vector<512x512xf32>, vector<512x512xf32> -> vector<512x512xf32>
    %add3A_931 = vector.broadcast %get3A_888 : vector<1x512xf32> to vector<512x512xf32>
    %add3A_932 = arith.addf %dot_general3A_930, %add3A_931 : vector<512x512xf32>
    %dot_general3A_933 = arith.constant dense<0.000000e+00> : vector<512x512xf32>
    %dot_general3A_934 = tpu.matmul %add3A_876, %get3A_891, %dot_general3A_933 {dimension_numbers = #tpu.dot_dimension_numbers<[1], [0], [0], [1], [0, 0, 1, 1], [], []>, transpose_lhs_hint = false} : vector<512x512xf32>, vector<512x512xf32>, vector<512x512xf32> -> vector<512x512xf32>
    %add3A_935 = vector.broadcast %get3A_894 : vector<1x512xf32> to vector<512x512xf32>
    %add3A_936 = arith.addf %dot_general3A_934, %add3A_935 : vector<512x512xf32>
    %mul3A_937 = arith.mulf %add3A_928, %get3A_38 : vector<512x512xf32>
    %dot_general3A_938 = arith.constant dense<0.000000e+00> : vector<512x512xf32>
    %dot_general3A_939 = tpu.matmul %add3A_928, %get3A_41, %dot_general3A_938 {dimension_numbers = #tpu.dot_dimension_numbers<[1], [0], [0], [1], [0, 0, 1, 1], [], []>, transpose_lhs_hint = false} : vector<512x512xf32>, vector<512x512xf32>, vector<512x512xf32> -> vector<512x512xf32>
    %mul3A_940 = arith.mulf %dot_general3A_939, %get3A_35 : vector<512x512xf32>
    %add3A_941 = arith.addf %mul3A_937, %mul3A_940 : vector<512x512xf32>
    %mul3A_942 = arith.mulf %add3A_932, %get3A_38 : vector<512x512xf32>
    %dot_general3A_943 = arith.constant dense<0.000000e+00> : vector<512x512xf32>
    %dot_general3A_944 = tpu.matmul %add3A_932, %get3A_41, %dot_general3A_943 {dimension_numbers = #tpu.dot_dimension_numbers<[1], [0], [0], [1], [0, 0, 1, 1], [], []>, transpose_lhs_hint = false} : vector<512x512xf32>, vector<512x512xf32>, vector<512x512xf32> -> vector<512x512xf32>
    %mul3A_945 = arith.mulf %dot_general3A_944, %get3A_35 : vector<512x512xf32>
    %add3A_946 = arith.addf %mul3A_942, %mul3A_945 : vector<512x512xf32>
    %slice3A_947 = vector.extract_strided_slice %add3A_941 {offsets = [0, 0], sizes = [512, 64], strides = [1, 1]} : vector<512x512xf32> to vector<512x64xf32>
    %slice3A_948 = vector.extract_strided_slice %add3A_946 {offsets = [0, 0], sizes = [512, 64], strides = [1, 1]} : vector<512x512xf32> to vector<512x64xf32>
    %slice3A_949 = vector.extract_strided_slice %slice3A_947 {offsets = [0, 0], sizes = [128, 64], strides = [1, 1]} : vector<512x64xf32> to vector<128x64xf32>
    %slice3A_950 = vector.extract_strided_slice %slice3A_948 {offsets = [0, 0], sizes = [128, 64], strides = [1, 1]} : vector<512x64xf32> to vector<128x64xf32>
    %dot_general3A_951 = arith.constant dense<0.000000e+00> : vector<128x128xf32>
    %dot_general3A_952 = tpu.matmul %slice3A_949, %slice3A_950, %dot_general3A_951 {dimension_numbers = #tpu.dot_dimension_numbers<[1], [1], [0], [0], [0, 0, 1, 0], [], []>, transpose_lhs_hint = false} : vector<128x64xf32>, vector<128x64xf32>, vector<128x128xf32> -> vector<128x128xf32>
    %mul3A_953 = arith.constant 1.250000e-01 : f32
    %mul3A_954 = vector.broadcast %mul3A_953 : f32 to vector<128x128xf32>
    %mul3A_955 = arith.mulf %dot_general3A_952, %mul3A_954 : vector<128x128xf32>
    %reduce_max3A_956 = arith.constant dense<0xFF800000> : vector<128xf32>
    %reduce_max3A_957 = vector.multi_reduction <maximumf>, %mul3A_955, %reduce_max3A_956 [1] : vector<128x128xf32> to vector<128xf32>
    %broadcast_in_dim3A_958 = vector.shape_cast %reduce_max3A_957 : vector<128xf32> to vector<128x1xf32>
    %sub3A_959 = vector.broadcast %broadcast_in_dim3A_958 : vector<128x1xf32> to vector<128x128xf32>
    %sub3A_960 = arith.subf %mul3A_955, %sub3A_959 : vector<128x128xf32>
    %exp3A_961 = math.exp %sub3A_960 : vector<128x128xf32>
    %reduce_sum3A_962 = arith.constant dense<0.000000e+00> : vector<128xf32>
    %reduce_sum3A_963 = vector.multi_reduction <add>, %exp3A_961, %reduce_sum3A_962 [1] : vector<128x128xf32> to vector<128xf32>
    %broadcast_in_dim3A_964 = vector.shape_cast %reduce_sum3A_963 : vector<128xf32> to vector<128x1xf32>
    %div3A_965 = vector.broadcast %broadcast_in_dim3A_964 : vector<128x1xf32> to vector<128x128xf32>
    %div3A_966 = arith.divf %exp3A_961, %div3A_965 : vector<128x128xf32>
    %slice3A_967 = vector.extract_strided_slice %add3A_936 {offsets = [0, 0], sizes = [128, 64], strides = [1, 1]} : vector<512x512xf32> to vector<128x64xf32>
    %dot_general3A_968 = arith.constant dense<0.000000e+00> : vector<128x64xf32>
    %dot_general3A_969 = tpu.matmul %div3A_966, %slice3A_967, %dot_general3A_968 {dimension_numbers = #tpu.dot_dimension_numbers<[1], [0], [0], [1], [0, 0, 1, 1], [], []>, transpose_lhs_hint = false} : vector<128x128xf32>, vector<128x64xf32>, vector<128x64xf32> -> vector<128x64xf32>
    %slice3A_970 = vector.extract_strided_slice %slice3A_947 {offsets = [128, 0], sizes = [128, 64], strides = [1, 1]} : vector<512x64xf32> to vector<128x64xf32>
    %slice3A_971 = vector.extract_strided_slice %slice3A_948 {offsets = [128, 0], sizes = [128, 64], strides = [1, 1]} : vector<512x64xf32> to vector<128x64xf32>
    %dot_general3A_972 = arith.constant dense<0.000000e+00> : vector<128x128xf32>
    %dot_general3A_973 = tpu.matmul %slice3A_970, %slice3A_971, %dot_general3A_972 {dimension_numbers = #tpu.dot_dimension_numbers<[1], [1], [0], [0], [0, 0, 1, 0], [], []>, transpose_lhs_hint = false} : vector<128x64xf32>, vector<128x64xf32>, vector<128x128xf32> -> vector<128x128xf32>
    %mul3A_974 = arith.constant 1.250000e-01 : f32
    %mul3A_975 = vector.broadcast %mul3A_974 : f32 to vector<128x128xf32>
    %mul3A_976 = arith.mulf %dot_general3A_973, %mul3A_975 : vector<128x128xf32>
    %reduce_max3A_977 = arith.constant dense<0xFF800000> : vector<128xf32>
    %reduce_max3A_978 = vector.multi_reduction <maximumf>, %mul3A_976, %reduce_max3A_977 [1] : vector<128x128xf32> to vector<128xf32>
    %broadcast_in_dim3A_979 = vector.shape_cast %reduce_max3A_978 : vector<128xf32> to vector<128x1xf32>
    %sub3A_980 = vector.broadcast %broadcast_in_dim3A_979 : vector<128x1xf32> to vector<128x128xf32>
    %sub3A_981 = arith.subf %mul3A_976, %sub3A_980 : vector<128x128xf32>
    %exp3A_982 = math.exp %sub3A_981 : vector<128x128xf32>
    %reduce_sum3A_983 = arith.constant dense<0.000000e+00> : vector<128xf32>
    %reduce_sum3A_984 = vector.multi_reduction <add>, %exp3A_982, %reduce_sum3A_983 [1] : vector<128x128xf32> to vector<128xf32>
    %broadcast_in_dim3A_985 = vector.shape_cast %reduce_sum3A_984 : vector<128xf32> to vector<128x1xf32>
    %div3A_986 = vector.broadcast %broadcast_in_dim3A_985 : vector<128x1xf32> to vector<128x128xf32>
    %div3A_987 = arith.divf %exp3A_982, %div3A_986 : vector<128x128xf32>
    %slice3A_988 = vector.extract_strided_slice %add3A_936 {offsets = [128, 0], sizes = [128, 64], strides = [1, 1]} : vector<512x512xf32> to vector<128x64xf32>
    %dot_general3A_989 = arith.constant dense<0.000000e+00> : vector<128x64xf32>
    %dot_general3A_990 = tpu.matmul %div3A_987, %slice3A_988, %dot_general3A_989 {dimension_numbers = #tpu.dot_dimension_numbers<[1], [0], [0], [1], [0, 0, 1, 1], [], []>, transpose_lhs_hint = false} : vector<128x128xf32>, vector<128x64xf32>, vector<128x64xf32> -> vector<128x64xf32>
    %slice3A_991 = vector.extract_strided_slice %slice3A_947 {offsets = [256, 0], sizes = [128, 64], strides = [1, 1]} : vector<512x64xf32> to vector<128x64xf32>
    %slice3A_992 = vector.extract_strided_slice %slice3A_948 {offsets = [256, 0], sizes = [128, 64], strides = [1, 1]} : vector<512x64xf32> to vector<128x64xf32>
    %dot_general3A_993 = arith.constant dense<0.000000e+00> : vector<128x128xf32>
    %dot_general3A_994 = tpu.matmul %slice3A_991, %slice3A_992, %dot_general3A_993 {dimension_numbers = #tpu.dot_dimension_numbers<[1], [1], [0], [0], [0, 0, 1, 0], [], []>, transpose_lhs_hint = false} : vector<128x64xf32>, vector<128x64xf32>, vector<128x128xf32> -> vector<128x128xf32>
    %mul3A_995 = arith.constant 1.250000e-01 : f32
    %mul3A_996 = vector.broadcast %mul3A_995 : f32 to vector<128x128xf32>
    %mul3A_997 = arith.mulf %dot_general3A_994, %mul3A_996 : vector<128x128xf32>
    %reduce_max3A_998 = arith.constant dense<0xFF800000> : vector<128xf32>
    %reduce_max3A_999 = vector.multi_reduction <maximumf>, %mul3A_997, %reduce_max3A_998 [1] : vector<128x128xf32> to vector<128xf32>
    %broadcast_in_dim3A_1000 = vector.shape_cast %reduce_max3A_999 : vector<128xf32> to vector<128x1xf32>
    %sub3A_1001 = vector.broadcast %broadcast_in_dim3A_1000 : vector<128x1xf32> to vector<128x128xf32>
    %sub3A_1002 = arith.subf %mul3A_997, %sub3A_1001 : vector<128x128xf32>
    %exp3A_1003 = math.exp %sub3A_1002 : vector<128x128xf32>
    %reduce_sum3A_1004 = arith.constant dense<0.000000e+00> : vector<128xf32>
    %reduce_sum3A_1005 = vector.multi_reduction <add>, %exp3A_1003, %reduce_sum3A_1004 [1] : vector<128x128xf32> to vector<128xf32>
    %broadcast_in_dim3A_1006 = vector.shape_cast %reduce_sum3A_1005 : vector<128xf32> to vector<128x1xf32>
    %div3A_1007 = vector.broadcast %broadcast_in_dim3A_1006 : vector<128x1xf32> to vector<128x128xf32>
    %div3A_1008 = arith.divf %exp3A_1003, %div3A_1007 : vector<128x128xf32>
    %slice3A_1009 = vector.extract_strided_slice %add3A_936 {offsets = [256, 0], sizes = [128, 64], strides = [1, 1]} : vector<512x512xf32> to vector<128x64xf32>
    %dot_general3A_1010 = arith.constant dense<0.000000e+00> : vector<128x64xf32>
    %dot_general3A_1011 = tpu.matmul %div3A_1008, %slice3A_1009, %dot_general3A_1010 {dimension_numbers = #tpu.dot_dimension_numbers<[1], [0], [0], [1], [0, 0, 1, 1], [], []>, transpose_lhs_hint = false} : vector<128x128xf32>, vector<128x64xf32>, vector<128x64xf32> -> vector<128x64xf32>
    %slice3A_1012 = vector.extract_strided_slice %slice3A_947 {offsets = [384, 0], sizes = [128, 64], strides = [1, 1]} : vector<512x64xf32> to vector<128x64xf32>
    %slice3A_1013 = vector.extract_strided_slice %slice3A_948 {offsets = [384, 0], sizes = [128, 64], strides = [1, 1]} : vector<512x64xf32> to vector<128x64xf32>
    %dot_general3A_1014 = arith.constant dense<0.000000e+00> : vector<128x128xf32>
    %dot_general3A_1015 = tpu.matmul %slice3A_1012, %slice3A_1013, %dot_general3A_1014 {dimension_numbers = #tpu.dot_dimension_numbers<[1], [1], [0], [0], [0, 0, 1, 0], [], []>, transpose_lhs_hint = false} : vector<128x64xf32>, vector<128x64xf32>, vector<128x128xf32> -> vector<128x128xf32>
    %mul3A_1016 = arith.constant 1.250000e-01 : f32
    %mul3A_1017 = vector.broadcast %mul3A_1016 : f32 to vector<128x128xf32>
    %mul3A_1018 = arith.mulf %dot_general3A_1015, %mul3A_1017 : vector<128x128xf32>
    %reduce_max3A_1019 = arith.constant dense<0xFF800000> : vector<128xf32>
    %reduce_max3A_1020 = vector.multi_reduction <maximumf>, %mul3A_1018, %reduce_max3A_1019 [1] : vector<128x128xf32> to vector<128xf32>
    %broadcast_in_dim3A_1021 = vector.shape_cast %reduce_max3A_1020 : vector<128xf32> to vector<128x1xf32>
    %sub3A_1022 = vector.broadcast %broadcast_in_dim3A_1021 : vector<128x1xf32> to vector<128x128xf32>
    %sub3A_1023 = arith.subf %mul3A_1018, %sub3A_1022 : vector<128x128xf32>
    %exp3A_1024 = math.exp %sub3A_1023 : vector<128x128xf32>
    %reduce_sum3A_1025 = arith.constant dense<0.000000e+00> : vector<128xf32>
    %reduce_sum3A_1026 = vector.multi_reduction <add>, %exp3A_1024, %reduce_sum3A_1025 [1] : vector<128x128xf32> to vector<128xf32>
    %broadcast_in_dim3A_1027 = vector.shape_cast %reduce_sum3A_1026 : vector<128xf32> to vector<128x1xf32>
    %div3A_1028 = vector.broadcast %broadcast_in_dim3A_1027 : vector<128x1xf32> to vector<128x128xf32>
    %div3A_1029 = arith.divf %exp3A_1024, %div3A_1028 : vector<128x128xf32>
    %slice3A_1030 = vector.extract_strided_slice %add3A_936 {offsets = [384, 0], sizes = [128, 64], strides = [1, 1]} : vector<512x512xf32> to vector<128x64xf32>
    %dot_general3A_1031 = arith.constant dense<0.000000e+00> : vector<128x64xf32>
    %dot_general3A_1032 = tpu.matmul %div3A_1029, %slice3A_1030, %dot_general3A_1031 {dimension_numbers = #tpu.dot_dimension_numbers<[1], [0], [0], [1], [0, 0, 1, 1], [], []>, transpose_lhs_hint = false} : vector<128x128xf32>, vector<128x64xf32>, vector<128x64xf32> -> vector<128x64xf32>
    %concatenate3A_1033 = tpu.concatenate %dot_general3A_969, %dot_general3A_990, %dot_general3A_1011, %dot_general3A_1032 in 0 : vector<128x64xf32>, vector<128x64xf32>, vector<128x64xf32>, vector<128x64xf32> -> vector<512x64xf32>
    %slice3A_1034 = vector.extract_strided_slice %add3A_941 {offsets = [0, 64], sizes = [512, 64], strides = [1, 1]} : vector<512x512xf32> to vector<512x64xf32>
    %slice3A_1035 = vector.extract_strided_slice %add3A_946 {offsets = [0, 64], sizes = [512, 64], strides = [1, 1]} : vector<512x512xf32> to vector<512x64xf32>
    %slice3A_1036 = vector.extract_strided_slice %slice3A_1034 {offsets = [0, 0], sizes = [128, 64], strides = [1, 1]} : vector<512x64xf32> to vector<128x64xf32>
    %slice3A_1037 = vector.extract_strided_slice %slice3A_1035 {offsets = [0, 0], sizes = [128, 64], strides = [1, 1]} : vector<512x64xf32> to vector<128x64xf32>
    %dot_general3A_1038 = arith.constant dense<0.000000e+00> : vector<128x128xf32>
    %dot_general3A_1039 = tpu.matmul %slice3A_1036, %slice3A_1037, %dot_general3A_1038 {dimension_numbers = #tpu.dot_dimension_numbers<[1], [1], [0], [0], [0, 0, 1, 0], [], []>, transpose_lhs_hint = false} : vector<128x64xf32>, vector<128x64xf32>, vector<128x128xf32> -> vector<128x128xf32>
    %mul3A_1040 = arith.constant 1.250000e-01 : f32
    %mul3A_1041 = vector.broadcast %mul3A_1040 : f32 to vector<128x128xf32>
    %mul3A_1042 = arith.mulf %dot_general3A_1039, %mul3A_1041 : vector<128x128xf32>
    %reduce_max3A_1043 = arith.constant dense<0xFF800000> : vector<128xf32>
    %reduce_max3A_1044 = vector.multi_reduction <maximumf>, %mul3A_1042, %reduce_max3A_1043 [1] : vector<128x128xf32> to vector<128xf32>
    %broadcast_in_dim3A_1045 = vector.shape_cast %reduce_max3A_1044 : vector<128xf32> to vector<128x1xf32>
    %sub3A_1046 = vector.broadcast %broadcast_in_dim3A_1045 : vector<128x1xf32> to vector<128x128xf32>
    %sub3A_1047 = arith.subf %mul3A_1042, %sub3A_1046 : vector<128x128xf32>
    %exp3A_1048 = math.exp %sub3A_1047 : vector<128x128xf32>
    %reduce_sum3A_1049 = arith.constant dense<0.000000e+00> : vector<128xf32>
    %reduce_sum3A_1050 = vector.multi_reduction <add>, %exp3A_1048, %reduce_sum3A_1049 [1] : vector<128x128xf32> to vector<128xf32>
    %broadcast_in_dim3A_1051 = vector.shape_cast %reduce_sum3A_1050 : vector<128xf32> to vector<128x1xf32>
    %div3A_1052 = vector.broadcast %broadcast_in_dim3A_1051 : vector<128x1xf32> to vector<128x128xf32>
    %div3A_1053 = arith.divf %exp3A_1048, %div3A_1052 : vector<128x128xf32>
    %slice3A_1054 = vector.extract_strided_slice %add3A_936 {offsets = [0, 64], sizes = [128, 64], strides = [1, 1]} : vector<512x512xf32> to vector<128x64xf32>
    %dot_general3A_1055 = arith.constant dense<0.000000e+00> : vector<128x64xf32>
    %dot_general3A_1056 = tpu.matmul %div3A_1053, %slice3A_1054, %dot_general3A_1055 {dimension_numbers = #tpu.dot_dimension_numbers<[1], [0], [0], [1], [0, 0, 1, 1], [], []>, transpose_lhs_hint = false} : vector<128x128xf32>, vector<128x64xf32>, vector<128x64xf32> -> vector<128x64xf32>
    %slice3A_1057 = vector.extract_strided_slice %slice3A_1034 {offsets = [128, 0], sizes = [128, 64], strides = [1, 1]} : vector<512x64xf32> to vector<128x64xf32>
    %slice3A_1058 = vector.extract_strided_slice %slice3A_1035 {offsets = [128, 0], sizes = [128, 64], strides = [1, 1]} : vector<512x64xf32> to vector<128x64xf32>
    %dot_general3A_1059 = arith.constant dense<0.000000e+00> : vector<128x128xf32>
    %dot_general3A_1060 = tpu.matmul %slice3A_1057, %slice3A_1058, %dot_general3A_1059 {dimension_numbers = #tpu.dot_dimension_numbers<[1], [1], [0], [0], [0, 0, 1, 0], [], []>, transpose_lhs_hint = false} : vector<128x64xf32>, vector<128x64xf32>, vector<128x128xf32> -> vector<128x128xf32>
    %mul3A_1061 = arith.constant 1.250000e-01 : f32
    %mul3A_1062 = vector.broadcast %mul3A_1061 : f32 to vector<128x128xf32>
    %mul3A_1063 = arith.mulf %dot_general3A_1060, %mul3A_1062 : vector<128x128xf32>
    %reduce_max3A_1064 = arith.constant dense<0xFF800000> : vector<128xf32>
    %reduce_max3A_1065 = vector.multi_reduction <maximumf>, %mul3A_1063, %reduce_max3A_1064 [1] : vector<128x128xf32> to vector<128xf32>
    %broadcast_in_dim3A_1066 = vector.shape_cast %reduce_max3A_1065 : vector<128xf32> to vector<128x1xf32>
    %sub3A_1067 = vector.broadcast %broadcast_in_dim3A_1066 : vector<128x1xf32> to vector<128x128xf32>
    %sub3A_1068 = arith.subf %mul3A_1063, %sub3A_1067 : vector<128x128xf32>
    %exp3A_1069 = math.exp %sub3A_1068 : vector<128x128xf32>
    %reduce_sum3A_1070 = arith.constant dense<0.000000e+00> : vector<128xf32>
    %reduce_sum3A_1071 = vector.multi_reduction <add>, %exp3A_1069, %reduce_sum3A_1070 [1] : vector<128x128xf32> to vector<128xf32>
    %broadcast_in_dim3A_1072 = vector.shape_cast %reduce_sum3A_1071 : vector<128xf32> to vector<128x1xf32>
    %div3A_1073 = vector.broadcast %broadcast_in_dim3A_1072 : vector<128x1xf32> to vector<128x128xf32>
    %div3A_1074 = arith.divf %exp3A_1069, %div3A_1073 : vector<128x128xf32>
    %slice3A_1075 = vector.extract_strided_slice %add3A_936 {offsets = [128, 64], sizes = [128, 64], strides = [1, 1]} : vector<512x512xf32> to vector<128x64xf32>
    %dot_general3A_1076 = arith.constant dense<0.000000e+00> : vector<128x64xf32>
    %dot_general3A_1077 = tpu.matmul %div3A_1074, %slice3A_1075, %dot_general3A_1076 {dimension_numbers = #tpu.dot_dimension_numbers<[1], [0], [0], [1], [0, 0, 1, 1], [], []>, transpose_lhs_hint = false} : vector<128x128xf32>, vector<128x64xf32>, vector<128x64xf32> -> vector<128x64xf32>
    %slice3A_1078 = vector.extract_strided_slice %slice3A_1034 {offsets = [256, 0], sizes = [128, 64], strides = [1, 1]} : vector<512x64xf32> to vector<128x64xf32>
    %slice3A_1079 = vector.extract_strided_slice %slice3A_1035 {offsets = [256, 0], sizes = [128, 64], strides = [1, 1]} : vector<512x64xf32> to vector<128x64xf32>
    %dot_general3A_1080 = arith.constant dense<0.000000e+00> : vector<128x128xf32>
    %dot_general3A_1081 = tpu.matmul %slice3A_1078, %slice3A_1079, %dot_general3A_1080 {dimension_numbers = #tpu.dot_dimension_numbers<[1], [1], [0], [0], [0, 0, 1, 0], [], []>, transpose_lhs_hint = false} : vector<128x64xf32>, vector<128x64xf32>, vector<128x128xf32> -> vector<128x128xf32>
    %mul3A_1082 = arith.constant 1.250000e-01 : f32
    %mul3A_1083 = vector.broadcast %mul3A_1082 : f32 to vector<128x128xf32>
    %mul3A_1084 = arith.mulf %dot_general3A_1081, %mul3A_1083 : vector<128x128xf32>
    %reduce_max3A_1085 = arith.constant dense<0xFF800000> : vector<128xf32>
    %reduce_max3A_1086 = vector.multi_reduction <maximumf>, %mul3A_1084, %reduce_max3A_1085 [1] : vector<128x128xf32> to vector<128xf32>
    %broadcast_in_dim3A_1087 = vector.shape_cast %reduce_max3A_1086 : vector<128xf32> to vector<128x1xf32>
    %sub3A_1088 = vector.broadcast %broadcast_in_dim3A_1087 : vector<128x1xf32> to vector<128x128xf32>
    %sub3A_1089 = arith.subf %mul3A_1084, %sub3A_1088 : vector<128x128xf32>
    %exp3A_1090 = math.exp %sub3A_1089 : vector<128x128xf32>
    %reduce_sum3A_1091 = arith.constant dense<0.000000e+00> : vector<128xf32>
    %reduce_sum3A_1092 = vector.multi_reduction <add>, %exp3A_1090, %reduce_sum3A_1091 [1] : vector<128x128xf32> to vector<128xf32>
    %broadcast_in_dim3A_1093 = vector.shape_cast %reduce_sum3A_1092 : vector<128xf32> to vector<128x1xf32>
    %div3A_1094 = vector.broadcast %broadcast_in_dim3A_1093 : vector<128x1xf32> to vector<128x128xf32>
    %div3A_1095 = arith.divf %exp3A_1090, %div3A_1094 : vector<128x128xf32>
    %slice3A_1096 = vector.extract_strided_slice %add3A_936 {offsets = [256, 64], sizes = [128, 64], strides = [1, 1]} : vector<512x512xf32> to vector<128x64xf32>
    %dot_general3A_1097 = arith.constant dense<0.000000e+00> : vector<128x64xf32>
    %dot_general3A_1098 = tpu.matmul %div3A_1095, %slice3A_1096, %dot_general3A_1097 {dimension_numbers = #tpu.dot_dimension_numbers<[1], [0], [0], [1], [0, 0, 1, 1], [], []>, transpose_lhs_hint = false} : vector<128x128xf32>, vector<128x64xf32>, vector<128x64xf32> -> vector<128x64xf32>
    %slice3A_1099 = vector.extract_strided_slice %slice3A_1034 {offsets = [384, 0], sizes = [128, 64], strides = [1, 1]} : vector<512x64xf32> to vector<128x64xf32>
    %slice3A_1100 = vector.extract_strided_slice %slice3A_1035 {offsets = [384, 0], sizes = [128, 64], strides = [1, 1]} : vector<512x64xf32> to vector<128x64xf32>
    %dot_general3A_1101 = arith.constant dense<0.000000e+00> : vector<128x128xf32>
    %dot_general3A_1102 = tpu.matmul %slice3A_1099, %slice3A_1100, %dot_general3A_1101 {dimension_numbers = #tpu.dot_dimension_numbers<[1], [1], [0], [0], [0, 0, 1, 0], [], []>, transpose_lhs_hint = false} : vector<128x64xf32>, vector<128x64xf32>, vector<128x128xf32> -> vector<128x128xf32>
    %mul3A_1103 = arith.constant 1.250000e-01 : f32
    %mul3A_1104 = vector.broadcast %mul3A_1103 : f32 to vector<128x128xf32>
    %mul3A_1105 = arith.mulf %dot_general3A_1102, %mul3A_1104 : vector<128x128xf32>
    %reduce_max3A_1106 = arith.constant dense<0xFF800000> : vector<128xf32>
    %reduce_max3A_1107 = vector.multi_reduction <maximumf>, %mul3A_1105, %reduce_max3A_1106 [1] : vector<128x128xf32> to vector<128xf32>
    %broadcast_in_dim3A_1108 = vector.shape_cast %reduce_max3A_1107 : vector<128xf32> to vector<128x1xf32>
    %sub3A_1109 = vector.broadcast %broadcast_in_dim3A_1108 : vector<128x1xf32> to vector<128x128xf32>
    %sub3A_1110 = arith.subf %mul3A_1105, %sub3A_1109 : vector<128x128xf32>
    %exp3A_1111 = math.exp %sub3A_1110 : vector<128x128xf32>
    %reduce_sum3A_1112 = arith.constant dense<0.000000e+00> : vector<128xf32>
    %reduce_sum3A_1113 = vector.multi_reduction <add>, %exp3A_1111, %reduce_sum3A_1112 [1] : vector<128x128xf32> to vector<128xf32>
    %broadcast_in_dim3A_1114 = vector.shape_cast %reduce_sum3A_1113 : vector<128xf32> to vector<128x1xf32>
    %div3A_1115 = vector.broadcast %broadcast_in_dim3A_1114 : vector<128x1xf32> to vector<128x128xf32>
    %div3A_1116 = arith.divf %exp3A_1111, %div3A_1115 : vector<128x128xf32>
    %slice3A_1117 = vector.extract_strided_slice %add3A_936 {offsets = [384, 64], sizes = [128, 64], strides = [1, 1]} : vector<512x512xf32> to vector<128x64xf32>
    %dot_general3A_1118 = arith.constant dense<0.000000e+00> : vector<128x64xf32>
    %dot_general3A_1119 = tpu.matmul %div3A_1116, %slice3A_1117, %dot_general3A_1118 {dimension_numbers = #tpu.dot_dimension_numbers<[1], [0], [0], [1], [0, 0, 1, 1], [], []>, transpose_lhs_hint = false} : vector<128x128xf32>, vector<128x64xf32>, vector<128x64xf32> -> vector<128x64xf32>
    %concatenate3A_1120 = tpu.concatenate %dot_general3A_1056, %dot_general3A_1077, %dot_general3A_1098, %dot_general3A_1119 in 0 : vector<128x64xf32>, vector<128x64xf32>, vector<128x64xf32>, vector<128x64xf32> -> vector<512x64xf32>
    %slice3A_1121 = vector.extract_strided_slice %add3A_941 {offsets = [0, 128], sizes = [512, 64], strides = [1, 1]} : vector<512x512xf32> to vector<512x64xf32>
    %slice3A_1122 = vector.extract_strided_slice %add3A_946 {offsets = [0, 128], sizes = [512, 64], strides = [1, 1]} : vector<512x512xf32> to vector<512x64xf32>
    %slice3A_1123 = vector.extract_strided_slice %slice3A_1121 {offsets = [0, 0], sizes = [128, 64], strides = [1, 1]} : vector<512x64xf32> to vector<128x64xf32>
    %slice3A_1124 = vector.extract_strided_slice %slice3A_1122 {offsets = [0, 0], sizes = [128, 64], strides = [1, 1]} : vector<512x64xf32> to vector<128x64xf32>
    %dot_general3A_1125 = arith.constant dense<0.000000e+00> : vector<128x128xf32>
    %dot_general3A_1126 = tpu.matmul %slice3A_1123, %slice3A_1124, %dot_general3A_1125 {dimension_numbers = #tpu.dot_dimension_numbers<[1], [1], [0], [0], [0, 0, 1, 0], [], []>, transpose_lhs_hint = false} : vector<128x64xf32>, vector<128x64xf32>, vector<128x128xf32> -> vector<128x128xf32>
    %mul3A_1127 = arith.constant 1.250000e-01 : f32
    %mul3A_1128 = vector.broadcast %mul3A_1127 : f32 to vector<128x128xf32>
    %mul3A_1129 = arith.mulf %dot_general3A_1126, %mul3A_1128 : vector<128x128xf32>
    %reduce_max3A_1130 = arith.constant dense<0xFF800000> : vector<128xf32>
    %reduce_max3A_1131 = vector.multi_reduction <maximumf>, %mul3A_1129, %reduce_max3A_1130 [1] : vector<128x128xf32> to vector<128xf32>
    %broadcast_in_dim3A_1132 = vector.shape_cast %reduce_max3A_1131 : vector<128xf32> to vector<128x1xf32>
    %sub3A_1133 = vector.broadcast %broadcast_in_dim3A_1132 : vector<128x1xf32> to vector<128x128xf32>
    %sub3A_1134 = arith.subf %mul3A_1129, %sub3A_1133 : vector<128x128xf32>
    %exp3A_1135 = math.exp %sub3A_1134 : vector<128x128xf32>
    %reduce_sum3A_1136 = arith.constant dense<0.000000e+00> : vector<128xf32>
    %reduce_sum3A_1137 = vector.multi_reduction <add>, %exp3A_1135, %reduce_sum3A_1136 [1] : vector<128x128xf32> to vector<128xf32>
    %broadcast_in_dim3A_1138 = vector.shape_cast %reduce_sum3A_1137 : vector<128xf32> to vector<128x1xf32>
    %div3A_1139 = vector.broadcast %broadcast_in_dim3A_1138 : vector<128x1xf32> to vector<128x128xf32>
    %div3A_1140 = arith.divf %exp3A_1135, %div3A_1139 : vector<128x128xf32>
    %slice3A_1141 = vector.extract_strided_slice %add3A_936 {offsets = [0, 128], sizes = [128, 64], strides = [1, 1]} : vector<512x512xf32> to vector<128x64xf32>
    %dot_general3A_1142 = arith.constant dense<0.000000e+00> : vector<128x64xf32>
    %dot_general3A_1143 = tpu.matmul %div3A_1140, %slice3A_1141, %dot_general3A_1142 {dimension_numbers = #tpu.dot_dimension_numbers<[1], [0], [0], [1], [0, 0, 1, 1], [], []>, transpose_lhs_hint = false} : vector<128x128xf32>, vector<128x64xf32>, vector<128x64xf32> -> vector<128x64xf32>
    %slice3A_1144 = vector.extract_strided_slice %slice3A_1121 {offsets = [128, 0], sizes = [128, 64], strides = [1, 1]} : vector<512x64xf32> to vector<128x64xf32>
    %slice3A_1145 = vector.extract_strided_slice %slice3A_1122 {offsets = [128, 0], sizes = [128, 64], strides = [1, 1]} : vector<512x64xf32> to vector<128x64xf32>
    %dot_general3A_1146 = arith.constant dense<0.000000e+00> : vector<128x128xf32>
    %dot_general3A_1147 = tpu.matmul %slice3A_1144, %slice3A_1145, %dot_general3A_1146 {dimension_numbers = #tpu.dot_dimension_numbers<[1], [1], [0], [0], [0, 0, 1, 0], [], []>, transpose_lhs_hint = false} : vector<128x64xf32>, vector<128x64xf32>, vector<128x128xf32> -> vector<128x128xf32>
    %mul3A_1148 = arith.constant 1.250000e-01 : f32
    %mul3A_1149 = vector.broadcast %mul3A_1148 : f32 to vector<128x128xf32>
    %mul3A_1150 = arith.mulf %dot_general3A_1147, %mul3A_1149 : vector<128x128xf32>
    %reduce_max3A_1151 = arith.constant dense<0xFF800000> : vector<128xf32>
    %reduce_max3A_1152 = vector.multi_reduction <maximumf>, %mul3A_1150, %reduce_max3A_1151 [1] : vector<128x128xf32> to vector<128xf32>
    %broadcast_in_dim3A_1153 = vector.shape_cast %reduce_max3A_1152 : vector<128xf32> to vector<128x1xf32>
    %sub3A_1154 = vector.broadcast %broadcast_in_dim3A_1153 : vector<128x1xf32> to vector<128x128xf32>
    %sub3A_1155 = arith.subf %mul3A_1150, %sub3A_1154 : vector<128x128xf32>
    %exp3A_1156 = math.exp %sub3A_1155 : vector<128x128xf32>
    %reduce_sum3A_1157 = arith.constant dense<0.000000e+00> : vector<128xf32>
    %reduce_sum3A_1158 = vector.multi_reduction <add>, %exp3A_1156, %reduce_sum3A_1157 [1] : vector<128x128xf32> to vector<128xf32>
    %broadcast_in_dim3A_1159 = vector.shape_cast %reduce_sum3A_1158 : vector<128xf32> to vector<128x1xf32>
    %div3A_1160 = vector.broadcast %broadcast_in_dim3A_1159 : vector<128x1xf32> to vector<128x128xf32>
    %div3A_1161 = arith.divf %exp3A_1156, %div3A_1160 : vector<128x128xf32>
    %slice3A_1162 = vector.extract_strided_slice %add3A_936 {offsets = [128, 128], sizes = [128, 64], strides = [1, 1]} : vector<512x512xf32> to vector<128x64xf32>
    %dot_general3A_1163 = arith.constant dense<0.000000e+00> : vector<128x64xf32>
    %dot_general3A_1164 = tpu.matmul %div3A_1161, %slice3A_1162, %dot_general3A_1163 {dimension_numbers = #tpu.dot_dimension_numbers<[1], [0], [0], [1], [0, 0, 1, 1], [], []>, transpose_lhs_hint = false} : vector<128x128xf32>, vector<128x64xf32>, vector<128x64xf32> -> vector<128x64xf32>
    %slice3A_1165 = vector.extract_strided_slice %slice3A_1121 {offsets = [256, 0], sizes = [128, 64], strides = [1, 1]} : vector<512x64xf32> to vector<128x64xf32>
    %slice3A_1166 = vector.extract_strided_slice %slice3A_1122 {offsets = [256, 0], sizes = [128, 64], strides = [1, 1]} : vector<512x64xf32> to vector<128x64xf32>
    %dot_general3A_1167 = arith.constant dense<0.000000e+00> : vector<128x128xf32>
    %dot_general3A_1168 = tpu.matmul %slice3A_1165, %slice3A_1166, %dot_general3A_1167 {dimension_numbers = #tpu.dot_dimension_numbers<[1], [1], [0], [0], [0, 0, 1, 0], [], []>, transpose_lhs_hint = false} : vector<128x64xf32>, vector<128x64xf32>, vector<128x128xf32> -> vector<128x128xf32>
    %mul3A_1169 = arith.constant 1.250000e-01 : f32
    %mul3A_1170 = vector.broadcast %mul3A_1169 : f32 to vector<128x128xf32>
    %mul3A_1171 = arith.mulf %dot_general3A_1168, %mul3A_1170 : vector<128x128xf32>
    %reduce_max3A_1172 = arith.constant dense<0xFF800000> : vector<128xf32>
    %reduce_max3A_1173 = vector.multi_reduction <maximumf>, %mul3A_1171, %reduce_max3A_1172 [1] : vector<128x128xf32> to vector<128xf32>
    %broadcast_in_dim3A_1174 = vector.shape_cast %reduce_max3A_1173 : vector<128xf32> to vector<128x1xf32>
    %sub3A_1175 = vector.broadcast %broadcast_in_dim3A_1174 : vector<128x1xf32> to vector<128x128xf32>
    %sub3A_1176 = arith.subf %mul3A_1171, %sub3A_1175 : vector<128x128xf32>
    %exp3A_1177 = math.exp %sub3A_1176 : vector<128x128xf32>
    %reduce_sum3A_1178 = arith.constant dense<0.000000e+00> : vector<128xf32>
    %reduce_sum3A_1179 = vector.multi_reduction <add>, %exp3A_1177, %reduce_sum3A_1178 [1] : vector<128x128xf32> to vector<128xf32>
    %broadcast_in_dim3A_1180 = vector.shape_cast %reduce_sum3A_1179 : vector<128xf32> to vector<128x1xf32>
    %div3A_1181 = vector.broadcast %broadcast_in_dim3A_1180 : vector<128x1xf32> to vector<128x128xf32>
    %div3A_1182 = arith.divf %exp3A_1177, %div3A_1181 : vector<128x128xf32>
    %slice3A_1183 = vector.extract_strided_slice %add3A_936 {offsets = [256, 128], sizes = [128, 64], strides = [1, 1]} : vector<512x512xf32> to vector<128x64xf32>
    %dot_general3A_1184 = arith.constant dense<0.000000e+00> : vector<128x64xf32>
    %dot_general3A_1185 = tpu.matmul %div3A_1182, %slice3A_1183, %dot_general3A_1184 {dimension_numbers = #tpu.dot_dimension_numbers<[1], [0], [0], [1], [0, 0, 1, 1], [], []>, transpose_lhs_hint = false} : vector<128x128xf32>, vector<128x64xf32>, vector<128x64xf32> -> vector<128x64xf32>
    %slice3A_1186 = vector.extract_strided_slice %slice3A_1121 {offsets = [384, 0], sizes = [128, 64], strides = [1, 1]} : vector<512x64xf32> to vector<128x64xf32>
    %slice3A_1187 = vector.extract_strided_slice %slice3A_1122 {offsets = [384, 0], sizes = [128, 64], strides = [1, 1]} : vector<512x64xf32> to vector<128x64xf32>
    %dot_general3A_1188 = arith.constant dense<0.000000e+00> : vector<128x128xf32>
    %dot_general3A_1189 = tpu.matmul %slice3A_1186, %slice3A_1187, %dot_general3A_1188 {dimension_numbers = #tpu.dot_dimension_numbers<[1], [1], [0], [0], [0, 0, 1, 0], [], []>, transpose_lhs_hint = false} : vector<128x64xf32>, vector<128x64xf32>, vector<128x128xf32> -> vector<128x128xf32>
    %mul3A_1190 = arith.constant 1.250000e-01 : f32
    %mul3A_1191 = vector.broadcast %mul3A_1190 : f32 to vector<128x128xf32>
    %mul3A_1192 = arith.mulf %dot_general3A_1189, %mul3A_1191 : vector<128x128xf32>
    %reduce_max3A_1193 = arith.constant dense<0xFF800000> : vector<128xf32>
    %reduce_max3A_1194 = vector.multi_reduction <maximumf>, %mul3A_1192, %reduce_max3A_1193 [1] : vector<128x128xf32> to vector<128xf32>
    %broadcast_in_dim3A_1195 = vector.shape_cast %reduce_max3A_1194 : vector<128xf32> to vector<128x1xf32>
    %sub3A_1196 = vector.broadcast %broadcast_in_dim3A_1195 : vector<128x1xf32> to vector<128x128xf32>
    %sub3A_1197 = arith.subf %mul3A_1192, %sub3A_1196 : vector<128x128xf32>
    %exp3A_1198 = math.exp %sub3A_1197 : vector<128x128xf32>
    %reduce_sum3A_1199 = arith.constant dense<0.000000e+00> : vector<128xf32>
    %reduce_sum3A_1200 = vector.multi_reduction <add>, %exp3A_1198, %reduce_sum3A_1199 [1] : vector<128x128xf32> to vector<128xf32>
    %broadcast_in_dim3A_1201 = vector.shape_cast %reduce_sum3A_1200 : vector<128xf32> to vector<128x1xf32>
    %div3A_1202 = vector.broadcast %broadcast_in_dim3A_1201 : vector<128x1xf32> to vector<128x128xf32>
    %div3A_1203 = arith.divf %exp3A_1198, %div3A_1202 : vector<128x128xf32>
    %slice3A_1204 = vector.extract_strided_slice %add3A_936 {offsets = [384, 128], sizes = [128, 64], strides = [1, 1]} : vector<512x512xf32> to vector<128x64xf32>
    %dot_general3A_1205 = arith.constant dense<0.000000e+00> : vector<128x64xf32>
    %dot_general3A_1206 = tpu.matmul %div3A_1203, %slice3A_1204, %dot_general3A_1205 {dimension_numbers = #tpu.dot_dimension_numbers<[1], [0], [0], [1], [0, 0, 1, 1], [], []>, transpose_lhs_hint = false} : vector<128x128xf32>, vector<128x64xf32>, vector<128x64xf32> -> vector<128x64xf32>
    %concatenate3A_1207 = tpu.concatenate %dot_general3A_1143, %dot_general3A_1164, %dot_general3A_1185, %dot_general3A_1206 in 0 : vector<128x64xf32>, vector<128x64xf32>, vector<128x64xf32>, vector<128x64xf32> -> vector<512x64xf32>
    %slice3A_1208 = vector.extract_strided_slice %add3A_941 {offsets = [0, 192], sizes = [512, 64], strides = [1, 1]} : vector<512x512xf32> to vector<512x64xf32>
    %slice3A_1209 = vector.extract_strided_slice %add3A_946 {offsets = [0, 192], sizes = [512, 64], strides = [1, 1]} : vector<512x512xf32> to vector<512x64xf32>
    %slice3A_1210 = vector.extract_strided_slice %slice3A_1208 {offsets = [0, 0], sizes = [128, 64], strides = [1, 1]} : vector<512x64xf32> to vector<128x64xf32>
    %slice3A_1211 = vector.extract_strided_slice %slice3A_1209 {offsets = [0, 0], sizes = [128, 64], strides = [1, 1]} : vector<512x64xf32> to vector<128x64xf32>
    %dot_general3A_1212 = arith.constant dense<0.000000e+00> : vector<128x128xf32>
    %dot_general3A_1213 = tpu.matmul %slice3A_1210, %slice3A_1211, %dot_general3A_1212 {dimension_numbers = #tpu.dot_dimension_numbers<[1], [1], [0], [0], [0, 0, 1, 0], [], []>, transpose_lhs_hint = false} : vector<128x64xf32>, vector<128x64xf32>, vector<128x128xf32> -> vector<128x128xf32>
    %mul3A_1214 = arith.constant 1.250000e-01 : f32
    %mul3A_1215 = vector.broadcast %mul3A_1214 : f32 to vector<128x128xf32>
    %mul3A_1216 = arith.mulf %dot_general3A_1213, %mul3A_1215 : vector<128x128xf32>
    %reduce_max3A_1217 = arith.constant dense<0xFF800000> : vector<128xf32>
    %reduce_max3A_1218 = vector.multi_reduction <maximumf>, %mul3A_1216, %reduce_max3A_1217 [1] : vector<128x128xf32> to vector<128xf32>
    %broadcast_in_dim3A_1219 = vector.shape_cast %reduce_max3A_1218 : vector<128xf32> to vector<128x1xf32>
    %sub3A_1220 = vector.broadcast %broadcast_in_dim3A_1219 : vector<128x1xf32> to vector<128x128xf32>
    %sub3A_1221 = arith.subf %mul3A_1216, %sub3A_1220 : vector<128x128xf32>
    %exp3A_1222 = math.exp %sub3A_1221 : vector<128x128xf32>
    %reduce_sum3A_1223 = arith.constant dense<0.000000e+00> : vector<128xf32>
    %reduce_sum3A_1224 = vector.multi_reduction <add>, %exp3A_1222, %reduce_sum3A_1223 [1] : vector<128x128xf32> to vector<128xf32>
    %broadcast_in_dim3A_1225 = vector.shape_cast %reduce_sum3A_1224 : vector<128xf32> to vector<128x1xf32>
    %div3A_1226 = vector.broadcast %broadcast_in_dim3A_1225 : vector<128x1xf32> to vector<128x128xf32>
    %div3A_1227 = arith.divf %exp3A_1222, %div3A_1226 : vector<128x128xf32>
    %slice3A_1228 = vector.extract_strided_slice %add3A_936 {offsets = [0, 192], sizes = [128, 64], strides = [1, 1]} : vector<512x512xf32> to vector<128x64xf32>
    %dot_general3A_1229 = arith.constant dense<0.000000e+00> : vector<128x64xf32>
    %dot_general3A_1230 = tpu.matmul %div3A_1227, %slice3A_1228, %dot_general3A_1229 {dimension_numbers = #tpu.dot_dimension_numbers<[1], [0], [0], [1], [0, 0, 1, 1], [], []>, transpose_lhs_hint = false} : vector<128x128xf32>, vector<128x64xf32>, vector<128x64xf32> -> vector<128x64xf32>
    %slice3A_1231 = vector.extract_strided_slice %slice3A_1208 {offsets = [128, 0], sizes = [128, 64], strides = [1, 1]} : vector<512x64xf32> to vector<128x64xf32>
    %slice3A_1232 = vector.extract_strided_slice %slice3A_1209 {offsets = [128, 0], sizes = [128, 64], strides = [1, 1]} : vector<512x64xf32> to vector<128x64xf32>
    %dot_general3A_1233 = arith.constant dense<0.000000e+00> : vector<128x128xf32>
    %dot_general3A_1234 = tpu.matmul %slice3A_1231, %slice3A_1232, %dot_general3A_1233 {dimension_numbers = #tpu.dot_dimension_numbers<[1], [1], [0], [0], [0, 0, 1, 0], [], []>, transpose_lhs_hint = false} : vector<128x64xf32>, vector<128x64xf32>, vector<128x128xf32> -> vector<128x128xf32>
    %mul3A_1235 = arith.constant 1.250000e-01 : f32
    %mul3A_1236 = vector.broadcast %mul3A_1235 : f32 to vector<128x128xf32>
    %mul3A_1237 = arith.mulf %dot_general3A_1234, %mul3A_1236 : vector<128x128xf32>
    %reduce_max3A_1238 = arith.constant dense<0xFF800000> : vector<128xf32>
    %reduce_max3A_1239 = vector.multi_reduction <maximumf>, %mul3A_1237, %reduce_max3A_1238 [1] : vector<128x128xf32> to vector<128xf32>
    %broadcast_in_dim3A_1240 = vector.shape_cast %reduce_max3A_1239 : vector<128xf32> to vector<128x1xf32>
    %sub3A_1241 = vector.broadcast %broadcast_in_dim3A_1240 : vector<128x1xf32> to vector<128x128xf32>
    %sub3A_1242 = arith.subf %mul3A_1237, %sub3A_1241 : vector<128x128xf32>
    %exp3A_1243 = math.exp %sub3A_1242 : vector<128x128xf32>
    %reduce_sum3A_1244 = arith.constant dense<0.000000e+00> : vector<128xf32>
    %reduce_sum3A_1245 = vector.multi_reduction <add>, %exp3A_1243, %reduce_sum3A_1244 [1] : vector<128x128xf32> to vector<128xf32>
    %broadcast_in_dim3A_1246 = vector.shape_cast %reduce_sum3A_1245 : vector<128xf32> to vector<128x1xf32>
    %div3A_1247 = vector.broadcast %broadcast_in_dim3A_1246 : vector<128x1xf32> to vector<128x128xf32>
    %div3A_1248 = arith.divf %exp3A_1243, %div3A_1247 : vector<128x128xf32>
    %slice3A_1249 = vector.extract_strided_slice %add3A_936 {offsets = [128, 192], sizes = [128, 64], strides = [1, 1]} : vector<512x512xf32> to vector<128x64xf32>
    %dot_general3A_1250 = arith.constant dense<0.000000e+00> : vector<128x64xf32>
    %dot_general3A_1251 = tpu.matmul %div3A_1248, %slice3A_1249, %dot_general3A_1250 {dimension_numbers = #tpu.dot_dimension_numbers<[1], [0], [0], [1], [0, 0, 1, 1], [], []>, transpose_lhs_hint = false} : vector<128x128xf32>, vector<128x64xf32>, vector<128x64xf32> -> vector<128x64xf32>
    %slice3A_1252 = vector.extract_strided_slice %slice3A_1208 {offsets = [256, 0], sizes = [128, 64], strides = [1, 1]} : vector<512x64xf32> to vector<128x64xf32>
    %slice3A_1253 = vector.extract_strided_slice %slice3A_1209 {offsets = [256, 0], sizes = [128, 64], strides = [1, 1]} : vector<512x64xf32> to vector<128x64xf32>
    %dot_general3A_1254 = arith.constant dense<0.000000e+00> : vector<128x128xf32>
    %dot_general3A_1255 = tpu.matmul %slice3A_1252, %slice3A_1253, %dot_general3A_1254 {dimension_numbers = #tpu.dot_dimension_numbers<[1], [1], [0], [0], [0, 0, 1, 0], [], []>, transpose_lhs_hint = false} : vector<128x64xf32>, vector<128x64xf32>, vector<128x128xf32> -> vector<128x128xf32>
    %mul3A_1256 = arith.constant 1.250000e-01 : f32
    %mul3A_1257 = vector.broadcast %mul3A_1256 : f32 to vector<128x128xf32>
    %mul3A_1258 = arith.mulf %dot_general3A_1255, %mul3A_1257 : vector<128x128xf32>
    %reduce_max3A_1259 = arith.constant dense<0xFF800000> : vector<128xf32>
    %reduce_max3A_1260 = vector.multi_reduction <maximumf>, %mul3A_1258, %reduce_max3A_1259 [1] : vector<128x128xf32> to vector<128xf32>
    %broadcast_in_dim3A_1261 = vector.shape_cast %reduce_max3A_1260 : vector<128xf32> to vector<128x1xf32>
    %sub3A_1262 = vector.broadcast %broadcast_in_dim3A_1261 : vector<128x1xf32> to vector<128x128xf32>
    %sub3A_1263 = arith.subf %mul3A_1258, %sub3A_1262 : vector<128x128xf32>
    %exp3A_1264 = math.exp %sub3A_1263 : vector<128x128xf32>
    %reduce_sum3A_1265 = arith.constant dense<0.000000e+00> : vector<128xf32>
    %reduce_sum3A_1266 = vector.multi_reduction <add>, %exp3A_1264, %reduce_sum3A_1265 [1] : vector<128x128xf32> to vector<128xf32>
    %broadcast_in_dim3A_1267 = vector.shape_cast %reduce_sum3A_1266 : vector<128xf32> to vector<128x1xf32>
    %div3A_1268 = vector.broadcast %broadcast_in_dim3A_1267 : vector<128x1xf32> to vector<128x128xf32>
    %div3A_1269 = arith.divf %exp3A_1264, %div3A_1268 : vector<128x128xf32>
    %slice3A_1270 = vector.extract_strided_slice %add3A_936 {offsets = [256, 192], sizes = [128, 64], strides = [1, 1]} : vector<512x512xf32> to vector<128x64xf32>
    %dot_general3A_1271 = arith.constant dense<0.000000e+00> : vector<128x64xf32>
    %dot_general3A_1272 = tpu.matmul %div3A_1269, %slice3A_1270, %dot_general3A_1271 {dimension_numbers = #tpu.dot_dimension_numbers<[1], [0], [0], [1], [0, 0, 1, 1], [], []>, transpose_lhs_hint = false} : vector<128x128xf32>, vector<128x64xf32>, vector<128x64xf32> -> vector<128x64xf32>
    %slice3A_1273 = vector.extract_strided_slice %slice3A_1208 {offsets = [384, 0], sizes = [128, 64], strides = [1, 1]} : vector<512x64xf32> to vector<128x64xf32>
    %slice3A_1274 = vector.extract_strided_slice %slice3A_1209 {offsets = [384, 0], sizes = [128, 64], strides = [1, 1]} : vector<512x64xf32> to vector<128x64xf32>
    %dot_general3A_1275 = arith.constant dense<0.000000e+00> : vector<128x128xf32>
    %dot_general3A_1276 = tpu.matmul %slice3A_1273, %slice3A_1274, %dot_general3A_1275 {dimension_numbers = #tpu.dot_dimension_numbers<[1], [1], [0], [0], [0, 0, 1, 0], [], []>, transpose_lhs_hint = false} : vector<128x64xf32>, vector<128x64xf32>, vector<128x128xf32> -> vector<128x128xf32>
    %mul3A_1277 = arith.constant 1.250000e-01 : f32
    %mul3A_1278 = vector.broadcast %mul3A_1277 : f32 to vector<128x128xf32>
    %mul3A_1279 = arith.mulf %dot_general3A_1276, %mul3A_1278 : vector<128x128xf32>
    %reduce_max3A_1280 = arith.constant dense<0xFF800000> : vector<128xf32>
    %reduce_max3A_1281 = vector.multi_reduction <maximumf>, %mul3A_1279, %reduce_max3A_1280 [1] : vector<128x128xf32> to vector<128xf32>
    %broadcast_in_dim3A_1282 = vector.shape_cast %reduce_max3A_1281 : vector<128xf32> to vector<128x1xf32>
    %sub3A_1283 = vector.broadcast %broadcast_in_dim3A_1282 : vector<128x1xf32> to vector<128x128xf32>
    %sub3A_1284 = arith.subf %mul3A_1279, %sub3A_1283 : vector<128x128xf32>
    %exp3A_1285 = math.exp %sub3A_1284 : vector<128x128xf32>
    %reduce_sum3A_1286 = arith.constant dense<0.000000e+00> : vector<128xf32>
    %reduce_sum3A_1287 = vector.multi_reduction <add>, %exp3A_1285, %reduce_sum3A_1286 [1] : vector<128x128xf32> to vector<128xf32>
    %broadcast_in_dim3A_1288 = vector.shape_cast %reduce_sum3A_1287 : vector<128xf32> to vector<128x1xf32>
    %div3A_1289 = vector.broadcast %broadcast_in_dim3A_1288 : vector<128x1xf32> to vector<128x128xf32>
    %div3A_1290 = arith.divf %exp3A_1285, %div3A_1289 : vector<128x128xf32>
    %slice3A_1291 = vector.extract_strided_slice %add3A_936 {offsets = [384, 192], sizes = [128, 64], strides = [1, 1]} : vector<512x512xf32> to vector<128x64xf32>
    %dot_general3A_1292 = arith.constant dense<0.000000e+00> : vector<128x64xf32>
    %dot_general3A_1293 = tpu.matmul %div3A_1290, %slice3A_1291, %dot_general3A_1292 {dimension_numbers = #tpu.dot_dimension_numbers<[1], [0], [0], [1], [0, 0, 1, 1], [], []>, transpose_lhs_hint = false} : vector<128x128xf32>, vector<128x64xf32>, vector<128x64xf32> -> vector<128x64xf32>
    %concatenate3A_1294 = tpu.concatenate %dot_general3A_1230, %dot_general3A_1251, %dot_general3A_1272, %dot_general3A_1293 in 0 : vector<128x64xf32>, vector<128x64xf32>, vector<128x64xf32>, vector<128x64xf32> -> vector<512x64xf32>
    %slice3A_1295 = vector.extract_strided_slice %add3A_941 {offsets = [0, 256], sizes = [512, 64], strides = [1, 1]} : vector<512x512xf32> to vector<512x64xf32>
    %slice3A_1296 = vector.extract_strided_slice %add3A_946 {offsets = [0, 256], sizes = [512, 64], strides = [1, 1]} : vector<512x512xf32> to vector<512x64xf32>
    %slice3A_1297 = vector.extract_strided_slice %slice3A_1295 {offsets = [0, 0], sizes = [128, 64], strides = [1, 1]} : vector<512x64xf32> to vector<128x64xf32>
    %slice3A_1298 = vector.extract_strided_slice %slice3A_1296 {offsets = [0, 0], sizes = [128, 64], strides = [1, 1]} : vector<512x64xf32> to vector<128x64xf32>
    %dot_general3A_1299 = arith.constant dense<0.000000e+00> : vector<128x128xf32>
    %dot_general3A_1300 = tpu.matmul %slice3A_1297, %slice3A_1298, %dot_general3A_1299 {dimension_numbers = #tpu.dot_dimension_numbers<[1], [1], [0], [0], [0, 0, 1, 0], [], []>, transpose_lhs_hint = false} : vector<128x64xf32>, vector<128x64xf32>, vector<128x128xf32> -> vector<128x128xf32>
    %mul3A_1301 = arith.constant 1.250000e-01 : f32
    %mul3A_1302 = vector.broadcast %mul3A_1301 : f32 to vector<128x128xf32>
    %mul3A_1303 = arith.mulf %dot_general3A_1300, %mul3A_1302 : vector<128x128xf32>
    %reduce_max3A_1304 = arith.constant dense<0xFF800000> : vector<128xf32>
    %reduce_max3A_1305 = vector.multi_reduction <maximumf>, %mul3A_1303, %reduce_max3A_1304 [1] : vector<128x128xf32> to vector<128xf32>
    %broadcast_in_dim3A_1306 = vector.shape_cast %reduce_max3A_1305 : vector<128xf32> to vector<128x1xf32>
    %sub3A_1307 = vector.broadcast %broadcast_in_dim3A_1306 : vector<128x1xf32> to vector<128x128xf32>
    %sub3A_1308 = arith.subf %mul3A_1303, %sub3A_1307 : vector<128x128xf32>
    %exp3A_1309 = math.exp %sub3A_1308 : vector<128x128xf32>
    %reduce_sum3A_1310 = arith.constant dense<0.000000e+00> : vector<128xf32>
    %reduce_sum3A_1311 = vector.multi_reduction <add>, %exp3A_1309, %reduce_sum3A_1310 [1] : vector<128x128xf32> to vector<128xf32>
    %broadcast_in_dim3A_1312 = vector.shape_cast %reduce_sum3A_1311 : vector<128xf32> to vector<128x1xf32>
    %div3A_1313 = vector.broadcast %broadcast_in_dim3A_1312 : vector<128x1xf32> to vector<128x128xf32>
    %div3A_1314 = arith.divf %exp3A_1309, %div3A_1313 : vector<128x128xf32>
    %slice3A_1315 = vector.extract_strided_slice %add3A_936 {offsets = [0, 256], sizes = [128, 64], strides = [1, 1]} : vector<512x512xf32> to vector<128x64xf32>
    %dot_general3A_1316 = arith.constant dense<0.000000e+00> : vector<128x64xf32>
    %dot_general3A_1317 = tpu.matmul %div3A_1314, %slice3A_1315, %dot_general3A_1316 {dimension_numbers = #tpu.dot_dimension_numbers<[1], [0], [0], [1], [0, 0, 1, 1], [], []>, transpose_lhs_hint = false} : vector<128x128xf32>, vector<128x64xf32>, vector<128x64xf32> -> vector<128x64xf32>
    %slice3A_1318 = vector.extract_strided_slice %slice3A_1295 {offsets = [128, 0], sizes = [128, 64], strides = [1, 1]} : vector<512x64xf32> to vector<128x64xf32>
    %slice3A_1319 = vector.extract_strided_slice %slice3A_1296 {offsets = [128, 0], sizes = [128, 64], strides = [1, 1]} : vector<512x64xf32> to vector<128x64xf32>
    %dot_general3A_1320 = arith.constant dense<0.000000e+00> : vector<128x128xf32>
    %dot_general3A_1321 = tpu.matmul %slice3A_1318, %slice3A_1319, %dot_general3A_1320 {dimension_numbers = #tpu.dot_dimension_numbers<[1], [1], [0], [0], [0, 0, 1, 0], [], []>, transpose_lhs_hint = false} : vector<128x64xf32>, vector<128x64xf32>, vector<128x128xf32> -> vector<128x128xf32>
    %mul3A_1322 = arith.constant 1.250000e-01 : f32
    %mul3A_1323 = vector.broadcast %mul3A_1322 : f32 to vector<128x128xf32>
    %mul3A_1324 = arith.mulf %dot_general3A_1321, %mul3A_1323 : vector<128x128xf32>
    %reduce_max3A_1325 = arith.constant dense<0xFF800000> : vector<128xf32>
    %reduce_max3A_1326 = vector.multi_reduction <maximumf>, %mul3A_1324, %reduce_max3A_1325 [1] : vector<128x128xf32> to vector<128xf32>
    %broadcast_in_dim3A_1327 = vector.shape_cast %reduce_max3A_1326 : vector<128xf32> to vector<128x1xf32>
    %sub3A_1328 = vector.broadcast %broadcast_in_dim3A_1327 : vector<128x1xf32> to vector<128x128xf32>
    %sub3A_1329 = arith.subf %mul3A_1324, %sub3A_1328 : vector<128x128xf32>
    %exp3A_1330 = math.exp %sub3A_1329 : vector<128x128xf32>
    %reduce_sum3A_1331 = arith.constant dense<0.000000e+00> : vector<128xf32>
    %reduce_sum3A_1332 = vector.multi_reduction <add>, %exp3A_1330, %reduce_sum3A_1331 [1] : vector<128x128xf32> to vector<128xf32>
    %broadcast_in_dim3A_1333 = vector.shape_cast %reduce_sum3A_1332 : vector<128xf32> to vector<128x1xf32>
    %div3A_1334 = vector.broadcast %broadcast_in_dim3A_1333 : vector<128x1xf32> to vector<128x128xf32>
    %div3A_1335 = arith.divf %exp3A_1330, %div3A_1334 : vector<128x128xf32>
    %slice3A_1336 = vector.extract_strided_slice %add3A_936 {offsets = [128, 256], sizes = [128, 64], strides = [1, 1]} : vector<512x512xf32> to vector<128x64xf32>
    %dot_general3A_1337 = arith.constant dense<0.000000e+00> : vector<128x64xf32>
    %dot_general3A_1338 = tpu.matmul %div3A_1335, %slice3A_1336, %dot_general3A_1337 {dimension_numbers = #tpu.dot_dimension_numbers<[1], [0], [0], [1], [0, 0, 1, 1], [], []>, transpose_lhs_hint = false} : vector<128x128xf32>, vector<128x64xf32>, vector<128x64xf32> -> vector<128x64xf32>
    %slice3A_1339 = vector.extract_strided_slice %slice3A_1295 {offsets = [256, 0], sizes = [128, 64], strides = [1, 1]} : vector<512x64xf32> to vector<128x64xf32>
    %slice3A_1340 = vector.extract_strided_slice %slice3A_1296 {offsets = [256, 0], sizes = [128, 64], strides = [1, 1]} : vector<512x64xf32> to vector<128x64xf32>
    %dot_general3A_1341 = arith.constant dense<0.000000e+00> : vector<128x128xf32>
    %dot_general3A_1342 = tpu.matmul %slice3A_1339, %slice3A_1340, %dot_general3A_1341 {dimension_numbers = #tpu.dot_dimension_numbers<[1], [1], [0], [0], [0, 0, 1, 0], [], []>, transpose_lhs_hint = false} : vector<128x64xf32>, vector<128x64xf32>, vector<128x128xf32> -> vector<128x128xf32>
    %mul3A_1343 = arith.constant 1.250000e-01 : f32
    %mul3A_1344 = vector.broadcast %mul3A_1343 : f32 to vector<128x128xf32>
    %mul3A_1345 = arith.mulf %dot_general3A_1342, %mul3A_1344 : vector<128x128xf32>
    %reduce_max3A_1346 = arith.constant dense<0xFF800000> : vector<128xf32>
    %reduce_max3A_1347 = vector.multi_reduction <maximumf>, %mul3A_1345, %reduce_max3A_1346 [1] : vector<128x128xf32> to vector<128xf32>
    %broadcast_in_dim3A_1348 = vector.shape_cast %reduce_max3A_1347 : vector<128xf32> to vector<128x1xf32>
    %sub3A_1349 = vector.broadcast %broadcast_in_dim3A_1348 : vector<128x1xf32> to vector<128x128xf32>
    %sub3A_1350 = arith.subf %mul3A_1345, %sub3A_1349 : vector<128x128xf32>
    %exp3A_1351 = math.exp %sub3A_1350 : vector<128x128xf32>
    %reduce_sum3A_1352 = arith.constant dense<0.000000e+00> : vector<128xf32>
    %reduce_sum3A_1353 = vector.multi_reduction <add>, %exp3A_1351, %reduce_sum3A_1352 [1] : vector<128x128xf32> to vector<128xf32>
    %broadcast_in_dim3A_1354 = vector.shape_cast %reduce_sum3A_1353 : vector<128xf32> to vector<128x1xf32>
    %div3A_1355 = vector.broadcast %broadcast_in_dim3A_1354 : vector<128x1xf32> to vector<128x128xf32>
    %div3A_1356 = arith.divf %exp3A_1351, %div3A_1355 : vector<128x128xf32>
    %slice3A_1357 = vector.extract_strided_slice %add3A_936 {offsets = [256, 256], sizes = [128, 64], strides = [1, 1]} : vector<512x512xf32> to vector<128x64xf32>
    %dot_general3A_1358 = arith.constant dense<0.000000e+00> : vector<128x64xf32>
    %dot_general3A_1359 = tpu.matmul %div3A_1356, %slice3A_1357, %dot_general3A_1358 {dimension_numbers = #tpu.dot_dimension_numbers<[1], [0], [0], [1], [0, 0, 1, 1], [], []>, transpose_lhs_hint = false} : vector<128x128xf32>, vector<128x64xf32>, vector<128x64xf32> -> vector<128x64xf32>
    %slice3A_1360 = vector.extract_strided_slice %slice3A_1295 {offsets = [384, 0], sizes = [128, 64], strides = [1, 1]} : vector<512x64xf32> to vector<128x64xf32>
    %slice3A_1361 = vector.extract_strided_slice %slice3A_1296 {offsets = [384, 0], sizes = [128, 64], strides = [1, 1]} : vector<512x64xf32> to vector<128x64xf32>
    %dot_general3A_1362 = arith.constant dense<0.000000e+00> : vector<128x128xf32>
    %dot_general3A_1363 = tpu.matmul %slice3A_1360, %slice3A_1361, %dot_general3A_1362 {dimension_numbers = #tpu.dot_dimension_numbers<[1], [1], [0], [0], [0, 0, 1, 0], [], []>, transpose_lhs_hint = false} : vector<128x64xf32>, vector<128x64xf32>, vector<128x128xf32> -> vector<128x128xf32>
    %mul3A_1364 = arith.constant 1.250000e-01 : f32
    %mul3A_1365 = vector.broadcast %mul3A_1364 : f32 to vector<128x128xf32>
    %mul3A_1366 = arith.mulf %dot_general3A_1363, %mul3A_1365 : vector<128x128xf32>
    %reduce_max3A_1367 = arith.constant dense<0xFF800000> : vector<128xf32>
    %reduce_max3A_1368 = vector.multi_reduction <maximumf>, %mul3A_1366, %reduce_max3A_1367 [1] : vector<128x128xf32> to vector<128xf32>
    %broadcast_in_dim3A_1369 = vector.shape_cast %reduce_max3A_1368 : vector<128xf32> to vector<128x1xf32>
    %sub3A_1370 = vector.broadcast %broadcast_in_dim3A_1369 : vector<128x1xf32> to vector<128x128xf32>
    %sub3A_1371 = arith.subf %mul3A_1366, %sub3A_1370 : vector<128x128xf32>
    %exp3A_1372 = math.exp %sub3A_1371 : vector<128x128xf32>
    %reduce_sum3A_1373 = arith.constant dense<0.000000e+00> : vector<128xf32>
    %reduce_sum3A_1374 = vector.multi_reduction <add>, %exp3A_1372, %reduce_sum3A_1373 [1] : vector<128x128xf32> to vector<128xf32>
    %broadcast_in_dim3A_1375 = vector.shape_cast %reduce_sum3A_1374 : vector<128xf32> to vector<128x1xf32>
    %div3A_1376 = vector.broadcast %broadcast_in_dim3A_1375 : vector<128x1xf32> to vector<128x128xf32>
    %div3A_1377 = arith.divf %exp3A_1372, %div3A_1376 : vector<128x128xf32>
    %slice3A_1378 = vector.extract_strided_slice %add3A_936 {offsets = [384, 256], sizes = [128, 64], strides = [1, 1]} : vector<512x512xf32> to vector<128x64xf32>
    %dot_general3A_1379 = arith.constant dense<0.000000e+00> : vector<128x64xf32>
    %dot_general3A_1380 = tpu.matmul %div3A_1377, %slice3A_1378, %dot_general3A_1379 {dimension_numbers = #tpu.dot_dimension_numbers<[1], [0], [0], [1], [0, 0, 1, 1], [], []>, transpose_lhs_hint = false} : vector<128x128xf32>, vector<128x64xf32>, vector<128x64xf32> -> vector<128x64xf32>
    %concatenate3A_1381 = tpu.concatenate %dot_general3A_1317, %dot_general3A_1338, %dot_general3A_1359, %dot_general3A_1380 in 0 : vector<128x64xf32>, vector<128x64xf32>, vector<128x64xf32>, vector<128x64xf32> -> vector<512x64xf32>
    %slice3A_1382 = vector.extract_strided_slice %add3A_941 {offsets = [0, 320], sizes = [512, 64], strides = [1, 1]} : vector<512x512xf32> to vector<512x64xf32>
    %slice3A_1383 = vector.extract_strided_slice %add3A_946 {offsets = [0, 320], sizes = [512, 64], strides = [1, 1]} : vector<512x512xf32> to vector<512x64xf32>
    %slice3A_1384 = vector.extract_strided_slice %slice3A_1382 {offsets = [0, 0], sizes = [128, 64], strides = [1, 1]} : vector<512x64xf32> to vector<128x64xf32>
    %slice3A_1385 = vector.extract_strided_slice %slice3A_1383 {offsets = [0, 0], sizes = [128, 64], strides = [1, 1]} : vector<512x64xf32> to vector<128x64xf32>
    %dot_general3A_1386 = arith.constant dense<0.000000e+00> : vector<128x128xf32>
    %dot_general3A_1387 = tpu.matmul %slice3A_1384, %slice3A_1385, %dot_general3A_1386 {dimension_numbers = #tpu.dot_dimension_numbers<[1], [1], [0], [0], [0, 0, 1, 0], [], []>, transpose_lhs_hint = false} : vector<128x64xf32>, vector<128x64xf32>, vector<128x128xf32> -> vector<128x128xf32>
    %mul3A_1388 = arith.constant 1.250000e-01 : f32
    %mul3A_1389 = vector.broadcast %mul3A_1388 : f32 to vector<128x128xf32>
    %mul3A_1390 = arith.mulf %dot_general3A_1387, %mul3A_1389 : vector<128x128xf32>
    %reduce_max3A_1391 = arith.constant dense<0xFF800000> : vector<128xf32>
    %reduce_max3A_1392 = vector.multi_reduction <maximumf>, %mul3A_1390, %reduce_max3A_1391 [1] : vector<128x128xf32> to vector<128xf32>
    %broadcast_in_dim3A_1393 = vector.shape_cast %reduce_max3A_1392 : vector<128xf32> to vector<128x1xf32>
    %sub3A_1394 = vector.broadcast %broadcast_in_dim3A_1393 : vector<128x1xf32> to vector<128x128xf32>
    %sub3A_1395 = arith.subf %mul3A_1390, %sub3A_1394 : vector<128x128xf32>
    %exp3A_1396 = math.exp %sub3A_1395 : vector<128x128xf32>
    %reduce_sum3A_1397 = arith.constant dense<0.000000e+00> : vector<128xf32>
    %reduce_sum3A_1398 = vector.multi_reduction <add>, %exp3A_1396, %reduce_sum3A_1397 [1] : vector<128x128xf32> to vector<128xf32>
    %broadcast_in_dim3A_1399 = vector.shape_cast %reduce_sum3A_1398 : vector<128xf32> to vector<128x1xf32>
    %div3A_1400 = vector.broadcast %broadcast_in_dim3A_1399 : vector<128x1xf32> to vector<128x128xf32>
    %div3A_1401 = arith.divf %exp3A_1396, %div3A_1400 : vector<128x128xf32>
    %slice3A_1402 = vector.extract_strided_slice %add3A_936 {offsets = [0, 320], sizes = [128, 64], strides = [1, 1]} : vector<512x512xf32> to vector<128x64xf32>
    %dot_general3A_1403 = arith.constant dense<0.000000e+00> : vector<128x64xf32>
    %dot_general3A_1404 = tpu.matmul %div3A_1401, %slice3A_1402, %dot_general3A_1403 {dimension_numbers = #tpu.dot_dimension_numbers<[1], [0], [0], [1], [0, 0, 1, 1], [], []>, transpose_lhs_hint = false} : vector<128x128xf32>, vector<128x64xf32>, vector<128x64xf32> -> vector<128x64xf32>
    %slice3A_1405 = vector.extract_strided_slice %slice3A_1382 {offsets = [128, 0], sizes = [128, 64], strides = [1, 1]} : vector<512x64xf32> to vector<128x64xf32>
    %slice3A_1406 = vector.extract_strided_slice %slice3A_1383 {offsets = [128, 0], sizes = [128, 64], strides = [1, 1]} : vector<512x64xf32> to vector<128x64xf32>
    %dot_general3A_1407 = arith.constant dense<0.000000e+00> : vector<128x128xf32>
    %dot_general3A_1408 = tpu.matmul %slice3A_1405, %slice3A_1406, %dot_general3A_1407 {dimension_numbers = #tpu.dot_dimension_numbers<[1], [1], [0], [0], [0, 0, 1, 0], [], []>, transpose_lhs_hint = false} : vector<128x64xf32>, vector<128x64xf32>, vector<128x128xf32> -> vector<128x128xf32>
    %mul3A_1409 = arith.constant 1.250000e-01 : f32
    %mul3A_1410 = vector.broadcast %mul3A_1409 : f32 to vector<128x128xf32>
    %mul3A_1411 = arith.mulf %dot_general3A_1408, %mul3A_1410 : vector<128x128xf32>
    %reduce_max3A_1412 = arith.constant dense<0xFF800000> : vector<128xf32>
    %reduce_max3A_1413 = vector.multi_reduction <maximumf>, %mul3A_1411, %reduce_max3A_1412 [1] : vector<128x128xf32> to vector<128xf32>
    %broadcast_in_dim3A_1414 = vector.shape_cast %reduce_max3A_1413 : vector<128xf32> to vector<128x1xf32>
    %sub3A_1415 = vector.broadcast %broadcast_in_dim3A_1414 : vector<128x1xf32> to vector<128x128xf32>
    %sub3A_1416 = arith.subf %mul3A_1411, %sub3A_1415 : vector<128x128xf32>
    %exp3A_1417 = math.exp %sub3A_1416 : vector<128x128xf32>
    %reduce_sum3A_1418 = arith.constant dense<0.000000e+00> : vector<128xf32>
    %reduce_sum3A_1419 = vector.multi_reduction <add>, %exp3A_1417, %reduce_sum3A_1418 [1] : vector<128x128xf32> to vector<128xf32>
    %broadcast_in_dim3A_1420 = vector.shape_cast %reduce_sum3A_1419 : vector<128xf32> to vector<128x1xf32>
    %div3A_1421 = vector.broadcast %broadcast_in_dim3A_1420 : vector<128x1xf32> to vector<128x128xf32>
    %div3A_1422 = arith.divf %exp3A_1417, %div3A_1421 : vector<128x128xf32>
    %slice3A_1423 = vector.extract_strided_slice %add3A_936 {offsets = [128, 320], sizes = [128, 64], strides = [1, 1]} : vector<512x512xf32> to vector<128x64xf32>
    %dot_general3A_1424 = arith.constant dense<0.000000e+00> : vector<128x64xf32>
    %dot_general3A_1425 = tpu.matmul %div3A_1422, %slice3A_1423, %dot_general3A_1424 {dimension_numbers = #tpu.dot_dimension_numbers<[1], [0], [0], [1], [0, 0, 1, 1], [], []>, transpose_lhs_hint = false} : vector<128x128xf32>, vector<128x64xf32>, vector<128x64xf32> -> vector<128x64xf32>
    %slice3A_1426 = vector.extract_strided_slice %slice3A_1382 {offsets = [256, 0], sizes = [128, 64], strides = [1, 1]} : vector<512x64xf32> to vector<128x64xf32>
    %slice3A_1427 = vector.extract_strided_slice %slice3A_1383 {offsets = [256, 0], sizes = [128, 64], strides = [1, 1]} : vector<512x64xf32> to vector<128x64xf32>
    %dot_general3A_1428 = arith.constant dense<0.000000e+00> : vector<128x128xf32>
    %dot_general3A_1429 = tpu.matmul %slice3A_1426, %slice3A_1427, %dot_general3A_1428 {dimension_numbers = #tpu.dot_dimension_numbers<[1], [1], [0], [0], [0, 0, 1, 0], [], []>, transpose_lhs_hint = false} : vector<128x64xf32>, vector<128x64xf32>, vector<128x128xf32> -> vector<128x128xf32>
    %mul3A_1430 = arith.constant 1.250000e-01 : f32
    %mul3A_1431 = vector.broadcast %mul3A_1430 : f32 to vector<128x128xf32>
    %mul3A_1432 = arith.mulf %dot_general3A_1429, %mul3A_1431 : vector<128x128xf32>
    %reduce_max3A_1433 = arith.constant dense<0xFF800000> : vector<128xf32>
    %reduce_max3A_1434 = vector.multi_reduction <maximumf>, %mul3A_1432, %reduce_max3A_1433 [1] : vector<128x128xf32> to vector<128xf32>
    %broadcast_in_dim3A_1435 = vector.shape_cast %reduce_max3A_1434 : vector<128xf32> to vector<128x1xf32>
    %sub3A_1436 = vector.broadcast %broadcast_in_dim3A_1435 : vector<128x1xf32> to vector<128x128xf32>
    %sub3A_1437 = arith.subf %mul3A_1432, %sub3A_1436 : vector<128x128xf32>
    %exp3A_1438 = math.exp %sub3A_1437 : vector<128x128xf32>
    %reduce_sum3A_1439 = arith.constant dense<0.000000e+00> : vector<128xf32>
    %reduce_sum3A_1440 = vector.multi_reduction <add>, %exp3A_1438, %reduce_sum3A_1439 [1] : vector<128x128xf32> to vector<128xf32>
    %broadcast_in_dim3A_1441 = vector.shape_cast %reduce_sum3A_1440 : vector<128xf32> to vector<128x1xf32>
    %div3A_1442 = vector.broadcast %broadcast_in_dim3A_1441 : vector<128x1xf32> to vector<128x128xf32>
    %div3A_1443 = arith.divf %exp3A_1438, %div3A_1442 : vector<128x128xf32>
    %slice3A_1444 = vector.extract_strided_slice %add3A_936 {offsets = [256, 320], sizes = [128, 64], strides = [1, 1]} : vector<512x512xf32> to vector<128x64xf32>
    %dot_general3A_1445 = arith.constant dense<0.000000e+00> : vector<128x64xf32>
    %dot_general3A_1446 = tpu.matmul %div3A_1443, %slice3A_1444, %dot_general3A_1445 {dimension_numbers = #tpu.dot_dimension_numbers<[1], [0], [0], [1], [0, 0, 1, 1], [], []>, transpose_lhs_hint = false} : vector<128x128xf32>, vector<128x64xf32>, vector<128x64xf32> -> vector<128x64xf32>
    %slice3A_1447 = vector.extract_strided_slice %slice3A_1382 {offsets = [384, 0], sizes = [128, 64], strides = [1, 1]} : vector<512x64xf32> to vector<128x64xf32>
    %slice3A_1448 = vector.extract_strided_slice %slice3A_1383 {offsets = [384, 0], sizes = [128, 64], strides = [1, 1]} : vector<512x64xf32> to vector<128x64xf32>
    %dot_general3A_1449 = arith.constant dense<0.000000e+00> : vector<128x128xf32>
    %dot_general3A_1450 = tpu.matmul %slice3A_1447, %slice3A_1448, %dot_general3A_1449 {dimension_numbers = #tpu.dot_dimension_numbers<[1], [1], [0], [0], [0, 0, 1, 0], [], []>, transpose_lhs_hint = false} : vector<128x64xf32>, vector<128x64xf32>, vector<128x128xf32> -> vector<128x128xf32>
    %mul3A_1451 = arith.constant 1.250000e-01 : f32
    %mul3A_1452 = vector.broadcast %mul3A_1451 : f32 to vector<128x128xf32>
    %mul3A_1453 = arith.mulf %dot_general3A_1450, %mul3A_1452 : vector<128x128xf32>
    %reduce_max3A_1454 = arith.constant dense<0xFF800000> : vector<128xf32>
    %reduce_max3A_1455 = vector.multi_reduction <maximumf>, %mul3A_1453, %reduce_max3A_1454 [1] : vector<128x128xf32> to vector<128xf32>
    %broadcast_in_dim3A_1456 = vector.shape_cast %reduce_max3A_1455 : vector<128xf32> to vector<128x1xf32>
    %sub3A_1457 = vector.broadcast %broadcast_in_dim3A_1456 : vector<128x1xf32> to vector<128x128xf32>
    %sub3A_1458 = arith.subf %mul3A_1453, %sub3A_1457 : vector<128x128xf32>
    %exp3A_1459 = math.exp %sub3A_1458 : vector<128x128xf32>
    %reduce_sum3A_1460 = arith.constant dense<0.000000e+00> : vector<128xf32>
    %reduce_sum3A_1461 = vector.multi_reduction <add>, %exp3A_1459, %reduce_sum3A_1460 [1] : vector<128x128xf32> to vector<128xf32>
    %broadcast_in_dim3A_1462 = vector.shape_cast %reduce_sum3A_1461 : vector<128xf32> to vector<128x1xf32>
    %div3A_1463 = vector.broadcast %broadcast_in_dim3A_1462 : vector<128x1xf32> to vector<128x128xf32>
    %div3A_1464 = arith.divf %exp3A_1459, %div3A_1463 : vector<128x128xf32>
    %slice3A_1465 = vector.extract_strided_slice %add3A_936 {offsets = [384, 320], sizes = [128, 64], strides = [1, 1]} : vector<512x512xf32> to vector<128x64xf32>
    %dot_general3A_1466 = arith.constant dense<0.000000e+00> : vector<128x64xf32>
    %dot_general3A_1467 = tpu.matmul %div3A_1464, %slice3A_1465, %dot_general3A_1466 {dimension_numbers = #tpu.dot_dimension_numbers<[1], [0], [0], [1], [0, 0, 1, 1], [], []>, transpose_lhs_hint = false} : vector<128x128xf32>, vector<128x64xf32>, vector<128x64xf32> -> vector<128x64xf32>
    %concatenate3A_1468 = tpu.concatenate %dot_general3A_1404, %dot_general3A_1425, %dot_general3A_1446, %dot_general3A_1467 in 0 : vector<128x64xf32>, vector<128x64xf32>, vector<128x64xf32>, vector<128x64xf32> -> vector<512x64xf32>
    %slice3A_1469 = vector.extract_strided_slice %add3A_941 {offsets = [0, 384], sizes = [512, 64], strides = [1, 1]} : vector<512x512xf32> to vector<512x64xf32>
    %slice3A_1470 = vector.extract_strided_slice %add3A_946 {offsets = [0, 384], sizes = [512, 64], strides = [1, 1]} : vector<512x512xf32> to vector<512x64xf32>
    %slice3A_1471 = vector.extract_strided_slice %slice3A_1469 {offsets = [0, 0], sizes = [128, 64], strides = [1, 1]} : vector<512x64xf32> to vector<128x64xf32>
    %slice3A_1472 = vector.extract_strided_slice %slice3A_1470 {offsets = [0, 0], sizes = [128, 64], strides = [1, 1]} : vector<512x64xf32> to vector<128x64xf32>
    %dot_general3A_1473 = arith.constant dense<0.000000e+00> : vector<128x128xf32>
    %dot_general3A_1474 = tpu.matmul %slice3A_1471, %slice3A_1472, %dot_general3A_1473 {dimension_numbers = #tpu.dot_dimension_numbers<[1], [1], [0], [0], [0, 0, 1, 0], [], []>, transpose_lhs_hint = false} : vector<128x64xf32>, vector<128x64xf32>, vector<128x128xf32> -> vector<128x128xf32>
    %mul3A_1475 = arith.constant 1.250000e-01 : f32
    %mul3A_1476 = vector.broadcast %mul3A_1475 : f32 to vector<128x128xf32>
    %mul3A_1477 = arith.mulf %dot_general3A_1474, %mul3A_1476 : vector<128x128xf32>
    %reduce_max3A_1478 = arith.constant dense<0xFF800000> : vector<128xf32>
    %reduce_max3A_1479 = vector.multi_reduction <maximumf>, %mul3A_1477, %reduce_max3A_1478 [1] : vector<128x128xf32> to vector<128xf32>
    %broadcast_in_dim3A_1480 = vector.shape_cast %reduce_max3A_1479 : vector<128xf32> to vector<128x1xf32>
    %sub3A_1481 = vector.broadcast %broadcast_in_dim3A_1480 : vector<128x1xf32> to vector<128x128xf32>
    %sub3A_1482 = arith.subf %mul3A_1477, %sub3A_1481 : vector<128x128xf32>
    %exp3A_1483 = math.exp %sub3A_1482 : vector<128x128xf32>
    %reduce_sum3A_1484 = arith.constant dense<0.000000e+00> : vector<128xf32>
    %reduce_sum3A_1485 = vector.multi_reduction <add>, %exp3A_1483, %reduce_sum3A_1484 [1] : vector<128x128xf32> to vector<128xf32>
    %broadcast_in_dim3A_1486 = vector.shape_cast %reduce_sum3A_1485 : vector<128xf32> to vector<128x1xf32>
    %div3A_1487 = vector.broadcast %broadcast_in_dim3A_1486 : vector<128x1xf32> to vector<128x128xf32>
    %div3A_1488 = arith.divf %exp3A_1483, %div3A_1487 : vector<128x128xf32>
    %slice3A_1489 = vector.extract_strided_slice %add3A_936 {offsets = [0, 384], sizes = [128, 64], strides = [1, 1]} : vector<512x512xf32> to vector<128x64xf32>
    %dot_general3A_1490 = arith.constant dense<0.000000e+00> : vector<128x64xf32>
    %dot_general3A_1491 = tpu.matmul %div3A_1488, %slice3A_1489, %dot_general3A_1490 {dimension_numbers = #tpu.dot_dimension_numbers<[1], [0], [0], [1], [0, 0, 1, 1], [], []>, transpose_lhs_hint = false} : vector<128x128xf32>, vector<128x64xf32>, vector<128x64xf32> -> vector<128x64xf32>
    %slice3A_1492 = vector.extract_strided_slice %slice3A_1469 {offsets = [128, 0], sizes = [128, 64], strides = [1, 1]} : vector<512x64xf32> to vector<128x64xf32>
    %slice3A_1493 = vector.extract_strided_slice %slice3A_1470 {offsets = [128, 0], sizes = [128, 64], strides = [1, 1]} : vector<512x64xf32> to vector<128x64xf32>
    %dot_general3A_1494 = arith.constant dense<0.000000e+00> : vector<128x128xf32>
    %dot_general3A_1495 = tpu.matmul %slice3A_1492, %slice3A_1493, %dot_general3A_1494 {dimension_numbers = #tpu.dot_dimension_numbers<[1], [1], [0], [0], [0, 0, 1, 0], [], []>, transpose_lhs_hint = false} : vector<128x64xf32>, vector<128x64xf32>, vector<128x128xf32> -> vector<128x128xf32>
    %mul3A_1496 = arith.constant 1.250000e-01 : f32
    %mul3A_1497 = vector.broadcast %mul3A_1496 : f32 to vector<128x128xf32>
    %mul3A_1498 = arith.mulf %dot_general3A_1495, %mul3A_1497 : vector<128x128xf32>
    %reduce_max3A_1499 = arith.constant dense<0xFF800000> : vector<128xf32>
    %reduce_max3A_1500 = vector.multi_reduction <maximumf>, %mul3A_1498, %reduce_max3A_1499 [1] : vector<128x128xf32> to vector<128xf32>
    %broadcast_in_dim3A_1501 = vector.shape_cast %reduce_max3A_1500 : vector<128xf32> to vector<128x1xf32>
    %sub3A_1502 = vector.broadcast %broadcast_in_dim3A_1501 : vector<128x1xf32> to vector<128x128xf32>
    %sub3A_1503 = arith.subf %mul3A_1498, %sub3A_1502 : vector<128x128xf32>
    %exp3A_1504 = math.exp %sub3A_1503 : vector<128x128xf32>
    %reduce_sum3A_1505 = arith.constant dense<0.000000e+00> : vector<128xf32>
    %reduce_sum3A_1506 = vector.multi_reduction <add>, %exp3A_1504, %reduce_sum3A_1505 [1] : vector<128x128xf32> to vector<128xf32>
    %broadcast_in_dim3A_1507 = vector.shape_cast %reduce_sum3A_1506 : vector<128xf32> to vector<128x1xf32>
    %div3A_1508 = vector.broadcast %broadcast_in_dim3A_1507 : vector<128x1xf32> to vector<128x128xf32>
    %div3A_1509 = arith.divf %exp3A_1504, %div3A_1508 : vector<128x128xf32>
    %slice3A_1510 = vector.extract_strided_slice %add3A_936 {offsets = [128, 384], sizes = [128, 64], strides = [1, 1]} : vector<512x512xf32> to vector<128x64xf32>
    %dot_general3A_1511 = arith.constant dense<0.000000e+00> : vector<128x64xf32>
    %dot_general3A_1512 = tpu.matmul %div3A_1509, %slice3A_1510, %dot_general3A_1511 {dimension_numbers = #tpu.dot_dimension_numbers<[1], [0], [0], [1], [0, 0, 1, 1], [], []>, transpose_lhs_hint = false} : vector<128x128xf32>, vector<128x64xf32>, vector<128x64xf32> -> vector<128x64xf32>
    %slice3A_1513 = vector.extract_strided_slice %slice3A_1469 {offsets = [256, 0], sizes = [128, 64], strides = [1, 1]} : vector<512x64xf32> to vector<128x64xf32>
    %slice3A_1514 = vector.extract_strided_slice %slice3A_1470 {offsets = [256, 0], sizes = [128, 64], strides = [1, 1]} : vector<512x64xf32> to vector<128x64xf32>
    %dot_general3A_1515 = arith.constant dense<0.000000e+00> : vector<128x128xf32>
    %dot_general3A_1516 = tpu.matmul %slice3A_1513, %slice3A_1514, %dot_general3A_1515 {dimension_numbers = #tpu.dot_dimension_numbers<[1], [1], [0], [0], [0, 0, 1, 0], [], []>, transpose_lhs_hint = false} : vector<128x64xf32>, vector<128x64xf32>, vector<128x128xf32> -> vector<128x128xf32>
    %mul3A_1517 = arith.constant 1.250000e-01 : f32
    %mul3A_1518 = vector.broadcast %mul3A_1517 : f32 to vector<128x128xf32>
    %mul3A_1519 = arith.mulf %dot_general3A_1516, %mul3A_1518 : vector<128x128xf32>
    %reduce_max3A_1520 = arith.constant dense<0xFF800000> : vector<128xf32>
    %reduce_max3A_1521 = vector.multi_reduction <maximumf>, %mul3A_1519, %reduce_max3A_1520 [1] : vector<128x128xf32> to vector<128xf32>
    %broadcast_in_dim3A_1522 = vector.shape_cast %reduce_max3A_1521 : vector<128xf32> to vector<128x1xf32>
    %sub3A_1523 = vector.broadcast %broadcast_in_dim3A_1522 : vector<128x1xf32> to vector<128x128xf32>
    %sub3A_1524 = arith.subf %mul3A_1519, %sub3A_1523 : vector<128x128xf32>
    %exp3A_1525 = math.exp %sub3A_1524 : vector<128x128xf32>
    %reduce_sum3A_1526 = arith.constant dense<0.000000e+00> : vector<128xf32>
    %reduce_sum3A_1527 = vector.multi_reduction <add>, %exp3A_1525, %reduce_sum3A_1526 [1] : vector<128x128xf32> to vector<128xf32>
    %broadcast_in_dim3A_1528 = vector.shape_cast %reduce_sum3A_1527 : vector<128xf32> to vector<128x1xf32>
    %div3A_1529 = vector.broadcast %broadcast_in_dim3A_1528 : vector<128x1xf32> to vector<128x128xf32>
    %div3A_1530 = arith.divf %exp3A_1525, %div3A_1529 : vector<128x128xf32>
    %slice3A_1531 = vector.extract_strided_slice %add3A_936 {offsets = [256, 384], sizes = [128, 64], strides = [1, 1]} : vector<512x512xf32> to vector<128x64xf32>
    %dot_general3A_1532 = arith.constant dense<0.000000e+00> : vector<128x64xf32>
    %dot_general3A_1533 = tpu.matmul %div3A_1530, %slice3A_1531, %dot_general3A_1532 {dimension_numbers = #tpu.dot_dimension_numbers<[1], [0], [0], [1], [0, 0, 1, 1], [], []>, transpose_lhs_hint = false} : vector<128x128xf32>, vector<128x64xf32>, vector<128x64xf32> -> vector<128x64xf32>
    %slice3A_1534 = vector.extract_strided_slice %slice3A_1469 {offsets = [384, 0], sizes = [128, 64], strides = [1, 1]} : vector<512x64xf32> to vector<128x64xf32>
    %slice3A_1535 = vector.extract_strided_slice %slice3A_1470 {offsets = [384, 0], sizes = [128, 64], strides = [1, 1]} : vector<512x64xf32> to vector<128x64xf32>
    %dot_general3A_1536 = arith.constant dense<0.000000e+00> : vector<128x128xf32>
    %dot_general3A_1537 = tpu.matmul %slice3A_1534, %slice3A_1535, %dot_general3A_1536 {dimension_numbers = #tpu.dot_dimension_numbers<[1], [1], [0], [0], [0, 0, 1, 0], [], []>, transpose_lhs_hint = false} : vector<128x64xf32>, vector<128x64xf32>, vector<128x128xf32> -> vector<128x128xf32>
    %mul3A_1538 = arith.constant 1.250000e-01 : f32
    %mul3A_1539 = vector.broadcast %mul3A_1538 : f32 to vector<128x128xf32>
    %mul3A_1540 = arith.mulf %dot_general3A_1537, %mul3A_1539 : vector<128x128xf32>
    %reduce_max3A_1541 = arith.constant dense<0xFF800000> : vector<128xf32>
    %reduce_max3A_1542 = vector.multi_reduction <maximumf>, %mul3A_1540, %reduce_max3A_1541 [1] : vector<128x128xf32> to vector<128xf32>
    %broadcast_in_dim3A_1543 = vector.shape_cast %reduce_max3A_1542 : vector<128xf32> to vector<128x1xf32>
    %sub3A_1544 = vector.broadcast %broadcast_in_dim3A_1543 : vector<128x1xf32> to vector<128x128xf32>
    %sub3A_1545 = arith.subf %mul3A_1540, %sub3A_1544 : vector<128x128xf32>
    %exp3A_1546 = math.exp %sub3A_1545 : vector<128x128xf32>
    %reduce_sum3A_1547 = arith.constant dense<0.000000e+00> : vector<128xf32>
    %reduce_sum3A_1548 = vector.multi_reduction <add>, %exp3A_1546, %reduce_sum3A_1547 [1] : vector<128x128xf32> to vector<128xf32>
    %broadcast_in_dim3A_1549 = vector.shape_cast %reduce_sum3A_1548 : vector<128xf32> to vector<128x1xf32>
    %div3A_1550 = vector.broadcast %broadcast_in_dim3A_1549 : vector<128x1xf32> to vector<128x128xf32>
    %div3A_1551 = arith.divf %exp3A_1546, %div3A_1550 : vector<128x128xf32>
    %slice3A_1552 = vector.extract_strided_slice %add3A_936 {offsets = [384, 384], sizes = [128, 64], strides = [1, 1]} : vector<512x512xf32> to vector<128x64xf32>
    %dot_general3A_1553 = arith.constant dense<0.000000e+00> : vector<128x64xf32>
    %dot_general3A_1554 = tpu.matmul %div3A_1551, %slice3A_1552, %dot_general3A_1553 {dimension_numbers = #tpu.dot_dimension_numbers<[1], [0], [0], [1], [0, 0, 1, 1], [], []>, transpose_lhs_hint = false} : vector<128x128xf32>, vector<128x64xf32>, vector<128x64xf32> -> vector<128x64xf32>
    %concatenate3A_1555 = tpu.concatenate %dot_general3A_1491, %dot_general3A_1512, %dot_general3A_1533, %dot_general3A_1554 in 0 : vector<128x64xf32>, vector<128x64xf32>, vector<128x64xf32>, vector<128x64xf32> -> vector<512x64xf32>
    %slice3A_1556 = vector.extract_strided_slice %add3A_941 {offsets = [0, 448], sizes = [512, 64], strides = [1, 1]} : vector<512x512xf32> to vector<512x64xf32>
    %slice3A_1557 = vector.extract_strided_slice %add3A_946 {offsets = [0, 448], sizes = [512, 64], strides = [1, 1]} : vector<512x512xf32> to vector<512x64xf32>
    %slice3A_1558 = vector.extract_strided_slice %slice3A_1556 {offsets = [0, 0], sizes = [128, 64], strides = [1, 1]} : vector<512x64xf32> to vector<128x64xf32>
    %slice3A_1559 = vector.extract_strided_slice %slice3A_1557 {offsets = [0, 0], sizes = [128, 64], strides = [1, 1]} : vector<512x64xf32> to vector<128x64xf32>
    %dot_general3A_1560 = arith.constant dense<0.000000e+00> : vector<128x128xf32>
    %dot_general3A_1561 = tpu.matmul %slice3A_1558, %slice3A_1559, %dot_general3A_1560 {dimension_numbers = #tpu.dot_dimension_numbers<[1], [1], [0], [0], [0, 0, 1, 0], [], []>, transpose_lhs_hint = false} : vector<128x64xf32>, vector<128x64xf32>, vector<128x128xf32> -> vector<128x128xf32>
    %mul3A_1562 = arith.constant 1.250000e-01 : f32
    %mul3A_1563 = vector.broadcast %mul3A_1562 : f32 to vector<128x128xf32>
    %mul3A_1564 = arith.mulf %dot_general3A_1561, %mul3A_1563 : vector<128x128xf32>
    %reduce_max3A_1565 = arith.constant dense<0xFF800000> : vector<128xf32>
    %reduce_max3A_1566 = vector.multi_reduction <maximumf>, %mul3A_1564, %reduce_max3A_1565 [1] : vector<128x128xf32> to vector<128xf32>
    %broadcast_in_dim3A_1567 = vector.shape_cast %reduce_max3A_1566 : vector<128xf32> to vector<128x1xf32>
    %sub3A_1568 = vector.broadcast %broadcast_in_dim3A_1567 : vector<128x1xf32> to vector<128x128xf32>
    %sub3A_1569 = arith.subf %mul3A_1564, %sub3A_1568 : vector<128x128xf32>
    %exp3A_1570 = math.exp %sub3A_1569 : vector<128x128xf32>
    %reduce_sum3A_1571 = arith.constant dense<0.000000e+00> : vector<128xf32>
    %reduce_sum3A_1572 = vector.multi_reduction <add>, %exp3A_1570, %reduce_sum3A_1571 [1] : vector<128x128xf32> to vector<128xf32>
    %broadcast_in_dim3A_1573 = vector.shape_cast %reduce_sum3A_1572 : vector<128xf32> to vector<128x1xf32>
    %div3A_1574 = vector.broadcast %broadcast_in_dim3A_1573 : vector<128x1xf32> to vector<128x128xf32>
    %div3A_1575 = arith.divf %exp3A_1570, %div3A_1574 : vector<128x128xf32>
    %slice3A_1576 = vector.extract_strided_slice %add3A_936 {offsets = [0, 448], sizes = [128, 64], strides = [1, 1]} : vector<512x512xf32> to vector<128x64xf32>
    %dot_general3A_1577 = arith.constant dense<0.000000e+00> : vector<128x64xf32>
    %dot_general3A_1578 = tpu.matmul %div3A_1575, %slice3A_1576, %dot_general3A_1577 {dimension_numbers = #tpu.dot_dimension_numbers<[1], [0], [0], [1], [0, 0, 1, 1], [], []>, transpose_lhs_hint = false} : vector<128x128xf32>, vector<128x64xf32>, vector<128x64xf32> -> vector<128x64xf32>
    %slice3A_1579 = vector.extract_strided_slice %slice3A_1556 {offsets = [128, 0], sizes = [128, 64], strides = [1, 1]} : vector<512x64xf32> to vector<128x64xf32>
    %slice3A_1580 = vector.extract_strided_slice %slice3A_1557 {offsets = [128, 0], sizes = [128, 64], strides = [1, 1]} : vector<512x64xf32> to vector<128x64xf32>
    %dot_general3A_1581 = arith.constant dense<0.000000e+00> : vector<128x128xf32>
    %dot_general3A_1582 = tpu.matmul %slice3A_1579, %slice3A_1580, %dot_general3A_1581 {dimension_numbers = #tpu.dot_dimension_numbers<[1], [1], [0], [0], [0, 0, 1, 0], [], []>, transpose_lhs_hint = false} : vector<128x64xf32>, vector<128x64xf32>, vector<128x128xf32> -> vector<128x128xf32>
    %mul3A_1583 = arith.constant 1.250000e-01 : f32
    %mul3A_1584 = vector.broadcast %mul3A_1583 : f32 to vector<128x128xf32>
    %mul3A_1585 = arith.mulf %dot_general3A_1582, %mul3A_1584 : vector<128x128xf32>
    %reduce_max3A_1586 = arith.constant dense<0xFF800000> : vector<128xf32>
    %reduce_max3A_1587 = vector.multi_reduction <maximumf>, %mul3A_1585, %reduce_max3A_1586 [1] : vector<128x128xf32> to vector<128xf32>
    %broadcast_in_dim3A_1588 = vector.shape_cast %reduce_max3A_1587 : vector<128xf32> to vector<128x1xf32>
    %sub3A_1589 = vector.broadcast %broadcast_in_dim3A_1588 : vector<128x1xf32> to vector<128x128xf32>
    %sub3A_1590 = arith.subf %mul3A_1585, %sub3A_1589 : vector<128x128xf32>
    %exp3A_1591 = math.exp %sub3A_1590 : vector<128x128xf32>
    %reduce_sum3A_1592 = arith.constant dense<0.000000e+00> : vector<128xf32>
    %reduce_sum3A_1593 = vector.multi_reduction <add>, %exp3A_1591, %reduce_sum3A_1592 [1] : vector<128x128xf32> to vector<128xf32>
    %broadcast_in_dim3A_1594 = vector.shape_cast %reduce_sum3A_1593 : vector<128xf32> to vector<128x1xf32>
    %div3A_1595 = vector.broadcast %broadcast_in_dim3A_1594 : vector<128x1xf32> to vector<128x128xf32>
    %div3A_1596 = arith.divf %exp3A_1591, %div3A_1595 : vector<128x128xf32>
    %slice3A_1597 = vector.extract_strided_slice %add3A_936 {offsets = [128, 448], sizes = [128, 64], strides = [1, 1]} : vector<512x512xf32> to vector<128x64xf32>
    %dot_general3A_1598 = arith.constant dense<0.000000e+00> : vector<128x64xf32>
    %dot_general3A_1599 = tpu.matmul %div3A_1596, %slice3A_1597, %dot_general3A_1598 {dimension_numbers = #tpu.dot_dimension_numbers<[1], [0], [0], [1], [0, 0, 1, 1], [], []>, transpose_lhs_hint = false} : vector<128x128xf32>, vector<128x64xf32>, vector<128x64xf32> -> vector<128x64xf32>
    %slice3A_1600 = vector.extract_strided_slice %slice3A_1556 {offsets = [256, 0], sizes = [128, 64], strides = [1, 1]} : vector<512x64xf32> to vector<128x64xf32>
    %slice3A_1601 = vector.extract_strided_slice %slice3A_1557 {offsets = [256, 0], sizes = [128, 64], strides = [1, 1]} : vector<512x64xf32> to vector<128x64xf32>
    %dot_general3A_1602 = arith.constant dense<0.000000e+00> : vector<128x128xf32>
    %dot_general3A_1603 = tpu.matmul %slice3A_1600, %slice3A_1601, %dot_general3A_1602 {dimension_numbers = #tpu.dot_dimension_numbers<[1], [1], [0], [0], [0, 0, 1, 0], [], []>, transpose_lhs_hint = false} : vector<128x64xf32>, vector<128x64xf32>, vector<128x128xf32> -> vector<128x128xf32>
    %mul3A_1604 = arith.constant 1.250000e-01 : f32
    %mul3A_1605 = vector.broadcast %mul3A_1604 : f32 to vector<128x128xf32>
    %mul3A_1606 = arith.mulf %dot_general3A_1603, %mul3A_1605 : vector<128x128xf32>
    %reduce_max3A_1607 = arith.constant dense<0xFF800000> : vector<128xf32>
    %reduce_max3A_1608 = vector.multi_reduction <maximumf>, %mul3A_1606, %reduce_max3A_1607 [1] : vector<128x128xf32> to vector<128xf32>
    %broadcast_in_dim3A_1609 = vector.shape_cast %reduce_max3A_1608 : vector<128xf32> to vector<128x1xf32>
    %sub3A_1610 = vector.broadcast %broadcast_in_dim3A_1609 : vector<128x1xf32> to vector<128x128xf32>
    %sub3A_1611 = arith.subf %mul3A_1606, %sub3A_1610 : vector<128x128xf32>
    %exp3A_1612 = math.exp %sub3A_1611 : vector<128x128xf32>
    %reduce_sum3A_1613 = arith.constant dense<0.000000e+00> : vector<128xf32>
    %reduce_sum3A_1614 = vector.multi_reduction <add>, %exp3A_1612, %reduce_sum3A_1613 [1] : vector<128x128xf32> to vector<128xf32>
    %broadcast_in_dim3A_1615 = vector.shape_cast %reduce_sum3A_1614 : vector<128xf32> to vector<128x1xf32>
    %div3A_1616 = vector.broadcast %broadcast_in_dim3A_1615 : vector<128x1xf32> to vector<128x128xf32>
    %div3A_1617 = arith.divf %exp3A_1612, %div3A_1616 : vector<128x128xf32>
    %slice3A_1618 = vector.extract_strided_slice %add3A_936 {offsets = [256, 448], sizes = [128, 64], strides = [1, 1]} : vector<512x512xf32> to vector<128x64xf32>
    %dot_general3A_1619 = arith.constant dense<0.000000e+00> : vector<128x64xf32>
    %dot_general3A_1620 = tpu.matmul %div3A_1617, %slice3A_1618, %dot_general3A_1619 {dimension_numbers = #tpu.dot_dimension_numbers<[1], [0], [0], [1], [0, 0, 1, 1], [], []>, transpose_lhs_hint = false} : vector<128x128xf32>, vector<128x64xf32>, vector<128x64xf32> -> vector<128x64xf32>
    %slice3A_1621 = vector.extract_strided_slice %slice3A_1556 {offsets = [384, 0], sizes = [128, 64], strides = [1, 1]} : vector<512x64xf32> to vector<128x64xf32>
    %slice3A_1622 = vector.extract_strided_slice %slice3A_1557 {offsets = [384, 0], sizes = [128, 64], strides = [1, 1]} : vector<512x64xf32> to vector<128x64xf32>
    %dot_general3A_1623 = arith.constant dense<0.000000e+00> : vector<128x128xf32>
    %dot_general3A_1624 = tpu.matmul %slice3A_1621, %slice3A_1622, %dot_general3A_1623 {dimension_numbers = #tpu.dot_dimension_numbers<[1], [1], [0], [0], [0, 0, 1, 0], [], []>, transpose_lhs_hint = false} : vector<128x64xf32>, vector<128x64xf32>, vector<128x128xf32> -> vector<128x128xf32>
    %mul3A_1625 = arith.constant 1.250000e-01 : f32
    %mul3A_1626 = vector.broadcast %mul3A_1625 : f32 to vector<128x128xf32>
    %mul3A_1627 = arith.mulf %dot_general3A_1624, %mul3A_1626 : vector<128x128xf32>
    %reduce_max3A_1628 = arith.constant dense<0xFF800000> : vector<128xf32>
    %reduce_max3A_1629 = vector.multi_reduction <maximumf>, %mul3A_1627, %reduce_max3A_1628 [1] : vector<128x128xf32> to vector<128xf32>
    %broadcast_in_dim3A_1630 = vector.shape_cast %reduce_max3A_1629 : vector<128xf32> to vector<128x1xf32>
    %sub3A_1631 = vector.broadcast %broadcast_in_dim3A_1630 : vector<128x1xf32> to vector<128x128xf32>
    %sub3A_1632 = arith.subf %mul3A_1627, %sub3A_1631 : vector<128x128xf32>
    %exp3A_1633 = math.exp %sub3A_1632 : vector<128x128xf32>
    %reduce_sum3A_1634 = arith.constant dense<0.000000e+00> : vector<128xf32>
    %reduce_sum3A_1635 = vector.multi_reduction <add>, %exp3A_1633, %reduce_sum3A_1634 [1] : vector<128x128xf32> to vector<128xf32>
    %broadcast_in_dim3A_1636 = vector.shape_cast %reduce_sum3A_1635 : vector<128xf32> to vector<128x1xf32>
    %div3A_1637 = vector.broadcast %broadcast_in_dim3A_1636 : vector<128x1xf32> to vector<128x128xf32>
    %div3A_1638 = arith.divf %exp3A_1633, %div3A_1637 : vector<128x128xf32>
    %slice3A_1639 = vector.extract_strided_slice %add3A_936 {offsets = [384, 448], sizes = [128, 64], strides = [1, 1]} : vector<512x512xf32> to vector<128x64xf32>
    %dot_general3A_1640 = arith.constant dense<0.000000e+00> : vector<128x64xf32>
    %dot_general3A_1641 = tpu.matmul %div3A_1638, %slice3A_1639, %dot_general3A_1640 {dimension_numbers = #tpu.dot_dimension_numbers<[1], [0], [0], [1], [0, 0, 1, 1], [], []>, transpose_lhs_hint = false} : vector<128x128xf32>, vector<128x64xf32>, vector<128x64xf32> -> vector<128x64xf32>
    %concatenate3A_1642 = tpu.concatenate %dot_general3A_1578, %dot_general3A_1599, %dot_general3A_1620, %dot_general3A_1641 in 0 : vector<128x64xf32>, vector<128x64xf32>, vector<128x64xf32>, vector<128x64xf32> -> vector<512x64xf32>
    %concatenate3A_1643 = tpu.concatenate %concatenate3A_1033, %concatenate3A_1120, %concatenate3A_1207, %concatenate3A_1294, %concatenate3A_1381, %concatenate3A_1468, %concatenate3A_1555, %concatenate3A_1642 in 1 : vector<512x64xf32>, vector<512x64xf32>, vector<512x64xf32>, vector<512x64xf32>, vector<512x64xf32>, vector<512x64xf32>, vector<512x64xf32>, vector<512x64xf32> -> vector<512x512xf32>
    %dot_general3A_1644 = arith.constant dense<0.000000e+00> : vector<512x512xf32>
    %dot_general3A_1645 = tpu.matmul %concatenate3A_1643, %get3A_897, %dot_general3A_1644 {dimension_numbers = #tpu.dot_dimension_numbers<[1], [0], [0], [1], [0, 0, 1, 1], [], []>, transpose_lhs_hint = false} : vector<512x512xf32>, vector<512x512xf32>, vector<512x512xf32> -> vector<512x512xf32>
    %add3A_1646 = arith.addf %add3A_876, %dot_general3A_1645 : vector<512x512xf32>
    %add3A_1647 = vector.broadcast %get3A_900 : vector<1x512xf32> to vector<512x512xf32>
    %add3A_1648 = arith.addf %add3A_1646, %add3A_1647 : vector<512x512xf32>
    %reduce_sum3A_1649 = arith.constant dense<0.000000e+00> : vector<512xf32>
    %reduce_sum3A_1650 = vector.multi_reduction <add>, %add3A_1648, %reduce_sum3A_1649 [1] : vector<512x512xf32> to vector<512xf32>
    %broadcast_in_dim3A_1651 = vector.shape_cast %reduce_sum3A_1650 : vector<512xf32> to vector<512x1xf32>
    %div3A_1652 = arith.constant 5.120000e+02 : f32
    %div3A_1653 = vector.broadcast %div3A_1652 : f32 to vector<512x1xf32>
    %div3A_1654 = arith.divf %broadcast_in_dim3A_1651, %div3A_1653 : vector<512x1xf32>
    %sub3A_1655 = vector.broadcast %div3A_1654 : vector<512x1xf32> to vector<512x512xf32>
    %sub3A_1656 = arith.subf %add3A_1648, %sub3A_1655 : vector<512x512xf32>
    %integer_pow3A_1657 = arith.mulf %sub3A_1656, %sub3A_1656 : vector<512x512xf32>
    %reduce_sum3A_1658 = arith.constant dense<0.000000e+00> : vector<512xf32>
    %reduce_sum3A_1659 = vector.multi_reduction <add>, %integer_pow3A_1657, %reduce_sum3A_1658 [1] : vector<512x512xf32> to vector<512xf32>
    %broadcast_in_dim3A_1660 = vector.shape_cast %reduce_sum3A_1659 : vector<512xf32> to vector<512x1xf32>
    %div3A_1661 = arith.constant 5.120000e+02 : f32
    %div3A_1662 = vector.broadcast %div3A_1661 : f32 to vector<512x1xf32>
    %div3A_1663 = arith.divf %broadcast_in_dim3A_1660, %div3A_1662 : vector<512x1xf32>
    %sub3A_1664 = vector.broadcast %div3A_1654 : vector<512x1xf32> to vector<512x512xf32>
    %sub3A_1665 = arith.subf %add3A_1648, %sub3A_1664 : vector<512x512xf32>
    %add3A_1666 = arith.constant 9.99999974E-6 : f32
    %add3A_1667 = vector.broadcast %add3A_1666 : f32 to vector<512x1xf32>
    %add3A_1668 = arith.addf %div3A_1663, %add3A_1667 : vector<512x1xf32>
    %sqrt3A_1669 = math.sqrt %add3A_1668 : vector<512x1xf32>
    %div3A_1670 = vector.broadcast %sqrt3A_1669 : vector<512x1xf32> to vector<512x512xf32>
    %div3A_1671 = arith.divf %sub3A_1665, %div3A_1670 : vector<512x512xf32>
    %mul3A_1672 = vector.broadcast %get3A_903 : vector<1x512xf32> to vector<512x512xf32>
    %mul3A_1673 = arith.mulf %div3A_1671, %mul3A_1672 : vector<512x512xf32>
    %add3A_1674 = vector.broadcast %get3A_906 : vector<1x512xf32> to vector<512x512xf32>
    %add3A_1675 = arith.addf %mul3A_1673, %add3A_1674 : vector<512x512xf32>
    %dot_general3A_1676 = arith.constant dense<0.000000e+00> : vector<512x2048xf32>
    %dot_general3A_1677 = tpu.matmul %add3A_1675, %get3A_909, %dot_general3A_1676 {dimension_numbers = #tpu.dot_dimension_numbers<[1], [0], [0], [1], [0, 0, 1, 1], [], []>, transpose_lhs_hint = false} : vector<512x512xf32>, vector<512x2048xf32>, vector<512x2048xf32> -> vector<512x2048xf32>
    %add3A_1678 = vector.broadcast %get3A_912 : vector<1x2048xf32> to vector<512x2048xf32>
    %add3A_1679 = arith.addf %dot_general3A_1677, %add3A_1678 : vector<512x2048xf32>
    %mul3A_1680 = arith.constant 5.000000e-01 : f32
    %mul3A_1681 = vector.broadcast %mul3A_1680 : f32 to vector<512x2048xf32>
    %mul3A_1682 = arith.mulf %mul3A_1681, %add3A_1679 : vector<512x2048xf32>
    %mul3A_1683 = arith.constant 0.707106769 : f32
    %mul3A_1684 = vector.broadcast %mul3A_1683 : f32 to vector<512x2048xf32>
    %mul3A_1685 = arith.mulf %add3A_1679, %mul3A_1684 : vector<512x2048xf32>
    %erf3A_1686 = math.erf %mul3A_1685 : vector<512x2048xf32>
    %add3A_1687 = arith.constant 1.000000e+00 : f32
    %add3A_1688 = vector.broadcast %add3A_1687 : f32 to vector<512x2048xf32>
    %add3A_1689 = arith.addf %add3A_1688, %erf3A_1686 : vector<512x2048xf32>
    %mul3A_1690 = arith.mulf %mul3A_1682, %add3A_1689 : vector<512x2048xf32>
    %dot_general3A_1691 = arith.constant dense<0.000000e+00> : vector<512x512xf32>
    %dot_general3A_1692 = tpu.matmul %mul3A_1690, %get3A_915, %dot_general3A_1691 {dimension_numbers = #tpu.dot_dimension_numbers<[1], [0], [0], [1], [0, 0, 1, 1], [], []>, transpose_lhs_hint = false} : vector<512x2048xf32>, vector<2048x512xf32>, vector<512x512xf32> -> vector<512x512xf32>
    %add3A_1693 = arith.addf %add3A_1675, %dot_general3A_1692 : vector<512x512xf32>
    %add3A_1694 = vector.broadcast %get3A_918 : vector<1x512xf32> to vector<512x512xf32>
    %add3A_1695 = arith.addf %add3A_1693, %add3A_1694 : vector<512x512xf32>
    %reduce_sum3A_1696 = arith.constant dense<0.000000e+00> : vector<512xf32>
    %reduce_sum3A_1697 = vector.multi_reduction <add>, %add3A_1695, %reduce_sum3A_1696 [1] : vector<512x512xf32> to vector<512xf32>
    %broadcast_in_dim3A_1698 = vector.shape_cast %reduce_sum3A_1697 : vector<512xf32> to vector<512x1xf32>
    %div3A_1699 = arith.constant 5.120000e+02 : f32
    %div3A_1700 = vector.broadcast %div3A_1699 : f32 to vector<512x1xf32>
    %div3A_1701 = arith.divf %broadcast_in_dim3A_1698, %div3A_1700 : vector<512x1xf32>
    %sub3A_1702 = vector.broadcast %div3A_1701 : vector<512x1xf32> to vector<512x512xf32>
    %sub3A_1703 = arith.subf %add3A_1695, %sub3A_1702 : vector<512x512xf32>
    %integer_pow3A_1704 = arith.mulf %sub3A_1703, %sub3A_1703 : vector<512x512xf32>
    %reduce_sum3A_1705 = arith.constant dense<0.000000e+00> : vector<512xf32>
    %reduce_sum3A_1706 = vector.multi_reduction <add>, %integer_pow3A_1704, %reduce_sum3A_1705 [1] : vector<512x512xf32> to vector<512xf32>
    %broadcast_in_dim3A_1707 = vector.shape_cast %reduce_sum3A_1706 : vector<512xf32> to vector<512x1xf32>
    %div3A_1708 = arith.constant 5.120000e+02 : f32
    %div3A_1709 = vector.broadcast %div3A_1708 : f32 to vector<512x1xf32>
    %div3A_1710 = arith.divf %broadcast_in_dim3A_1707, %div3A_1709 : vector<512x1xf32>
    %sub3A_1711 = vector.broadcast %div3A_1701 : vector<512x1xf32> to vector<512x512xf32>
    %sub3A_1712 = arith.subf %add3A_1695, %sub3A_1711 : vector<512x512xf32>
    %add3A_1713 = arith.constant 9.99999974E-6 : f32
    %add3A_1714 = vector.broadcast %add3A_1713 : f32 to vector<512x1xf32>
    %add3A_1715 = arith.addf %div3A_1710, %add3A_1714 : vector<512x1xf32>
    %sqrt3A_1716 = math.sqrt %add3A_1715 : vector<512x1xf32>
    %div3A_1717 = vector.broadcast %sqrt3A_1716 : vector<512x1xf32> to vector<512x512xf32>
    %div3A_1718 = arith.divf %sub3A_1712, %div3A_1717 : vector<512x512xf32>
    %mul3A_1719 = vector.broadcast %get3A_921 : vector<1x512xf32> to vector<512x512xf32>
    %mul3A_1720 = arith.mulf %div3A_1718, %mul3A_1719 : vector<512x512xf32>
    %add3A_1721 = vector.broadcast %get3A_924 : vector<1x512xf32> to vector<512x512xf32>
    %add3A_1722 = arith.addf %mul3A_1720, %add3A_1721 : vector<512x512xf32>
    %slice3A_1723 = vector.extract_strided_slice %add3A_1722 {offsets = [0, 0], sizes = [128, 512], strides = [1, 1]} : vector<512x512xf32> to vector<128x512xf32>
    %reduce_sum3A_1724 = arith.constant dense<0.000000e+00> : vector<512xf32>
    %reduce_sum3A_1725 = vector.multi_reduction <add>, %slice3A_1723, %reduce_sum3A_1724 [0] : vector<128x512xf32> to vector<512xf32>
    %broadcast_in_dim3A_1726 = vector.shape_cast %reduce_sum3A_1725 : vector<512xf32> to vector<1x512xf32>
    %div3A_1727 = arith.constant 1.280000e+02 : f32
    %div3A_1728 = vector.broadcast %div3A_1727 : f32 to vector<1x512xf32>
    %div3A_1729 = arith.divf %broadcast_in_dim3A_1726, %div3A_1728 : vector<1x512xf32>
    %get3A_1730 = arith.constant 0 : index
    %get3A_1731 = arith.constant 0 : index
    %get3A_1732 = vector.load %arg39[%get3A_1730, %get3A_1731] : memref<512x1xf32, #tpu.memory_space<vmem>>, vector<512x1xf32>
    %dot_general3A_1733 = arith.constant dense<0.000000e+00> : vector<1x1xf32>
    %dot_general3A_1734 = tpu.matmul %div3A_1729, %get3A_1732, %dot_general3A_1733 {dimension_numbers = #tpu.dot_dimension_numbers<[1], [0], [0], [1], [0, 0, 1, 1], [], []>, precision = #tpu.contract_precision<fp32>, transpose_lhs_hint = false} : vector<1x512xf32>, vector<512x1xf32>, vector<1x1xf32> -> vector<1x1xf32>
    %get3A_1735 = arith.constant 0 : index
    %get3A_1736 = arith.constant 0 : index
    %get3A_1737 = vector.load %arg40[%get3A_1735, %get3A_1736] : memref<1x1xf32, #tpu.memory_space<vmem>>, vector<1x1xf32>
    %get3A_1738 = vector.extract %get3A_1737[0, 0] : f32 from vector<1x1xf32>
    %add3A_1739 = vector.broadcast %get3A_1738 : f32 to vector<1x1xf32>
    %add3A_1740 = arith.addf %dot_general3A_1734, %add3A_1739 : vector<1x1xf32>
    %logistic3A = arith.negf %add3A_1740 : vector<1x1xf32>
    %logistic3A_1741 = math.exp %logistic3A : vector<1x1xf32>
    %logistic3A_1742 = arith.constant 1.000000e+00 : f32
    %logistic3A_1743 = vector.broadcast %logistic3A_1742 : f32 to vector<1x1xf32>
    %logistic3A_1744 = arith.addf %logistic3A_1743, %logistic3A_1741 : vector<1x1xf32>
    %logistic3A_1745 = arith.divf %logistic3A_1743, %logistic3A_1744 : vector<1x1xf32>
    %swap3A = arith.constant 0 : index
    %swap3A_1746 = arith.constant 0 : index
    %swap3A_1747 = arith.constant 0 : index
    %swap3A_1748 = vector.load %arg41[%swap3A, %swap3A_1746, %swap3A_1747] : memref<4x1x1xf32, #tpu.memory_space<vmem>>, vector<1x1x1xf32>
    %swap3A_1749 = vector.shape_cast %swap3A_1748 : vector<1x1x1xf32> to vector<1x1xf32>
    %swap3A_1750 = vector.shape_cast %logistic3A_1745 : vector<1x1xf32> to vector<1x1x1xf32>
    tpu.vector_store %arg41[%swap3A, %swap3A_1746, %swap3A_1747], %swap3A_1750 {strides = array<i32>} : memref<4x1x1xf32, #tpu.memory_space<vmem>>, vector<1x1x1xf32>,
    %slice3A_1751 = vector.extract_strided_slice %add3A_1722 {offsets = [128, 0], sizes = [128, 512], strides = [1, 1]} : vector<512x512xf32> to vector<128x512xf32>
    %reduce_sum3A_1752 = arith.constant dense<0.000000e+00> : vector<512xf32>
    %reduce_sum3A_1753 = vector.multi_reduction <add>, %slice3A_1751, %reduce_sum3A_1752 [0] : vector<128x512xf32> to vector<512xf32>
    %broadcast_in_dim3A_1754 = vector.shape_cast %reduce_sum3A_1753 : vector<512xf32> to vector<1x512xf32>
    %div3A_1755 = arith.constant 1.280000e+02 : f32
    %div3A_1756 = vector.broadcast %div3A_1755 : f32 to vector<1x512xf32>
    %div3A_1757 = arith.divf %broadcast_in_dim3A_1754, %div3A_1756 : vector<1x512xf32>
    %get3A_1758 = arith.constant 0 : index
    %get3A_1759 = arith.constant 0 : index
    %get3A_1760 = vector.load %arg39[%get3A_1758, %get3A_1759] : memref<512x1xf32, #tpu.memory_space<vmem>>, vector<512x1xf32>
    %dot_general3A_1761 = arith.constant dense<0.000000e+00> : vector<1x1xf32>
    %dot_general3A_1762 = tpu.matmul %div3A_1757, %get3A_1760, %dot_general3A_1761 {dimension_numbers = #tpu.dot_dimension_numbers<[1], [0], [0], [1], [0, 0, 1, 1], [], []>, precision = #tpu.contract_precision<fp32>, transpose_lhs_hint = false} : vector<1x512xf32>, vector<512x1xf32>, vector<1x1xf32> -> vector<1x1xf32>
    %get3A_1763 = arith.constant 0 : index
    %get3A_1764 = arith.constant 0 : index
    %get3A_1765 = vector.load %arg40[%get3A_1763, %get3A_1764] : memref<1x1xf32, #tpu.memory_space<vmem>>, vector<1x1xf32>
    %get3A_1766 = vector.extract %get3A_1765[0, 0] : f32 from vector<1x1xf32>
    %add3A_1767 = vector.broadcast %get3A_1766 : f32 to vector<1x1xf32>
    %add3A_1768 = arith.addf %dot_general3A_1762, %add3A_1767 : vector<1x1xf32>
    %logistic3A_1769 = arith.negf %add3A_1768 : vector<1x1xf32>
    %logistic3A_1770 = math.exp %logistic3A_1769 : vector<1x1xf32>
    %logistic3A_1771 = arith.constant 1.000000e+00 : f32
    %logistic3A_1772 = vector.broadcast %logistic3A_1771 : f32 to vector<1x1xf32>
    %logistic3A_1773 = arith.addf %logistic3A_1772, %logistic3A_1770 : vector<1x1xf32>
    %logistic3A_1774 = arith.divf %logistic3A_1772, %logistic3A_1773 : vector<1x1xf32>
    %swap3A_1775 = arith.constant 1 : index
    %swap3A_1776 = arith.constant 0 : index
    %swap3A_1777 = arith.constant 0 : index
    %swap3A_1778 = vector.load %arg41[%swap3A_1775, %swap3A_1776, %swap3A_1777] : memref<4x1x1xf32, #tpu.memory_space<vmem>>, vector<1x1x1xf32>
    %swap3A_1779 = vector.shape_cast %swap3A_1778 : vector<1x1x1xf32> to vector<1x1xf32>
    %swap3A_1780 = vector.shape_cast %logistic3A_1774 : vector<1x1xf32> to vector<1x1x1xf32>
    tpu.vector_store %arg41[%swap3A_1775, %swap3A_1776, %swap3A_1777], %swap3A_1780 {strides = array<i32>} : memref<4x1x1xf32, #tpu.memory_space<vmem>>, vector<1x1x1xf32>,
    %slice3A_1781 = vector.extract_strided_slice %add3A_1722 {offsets = [256, 0], sizes = [128, 512], strides = [1, 1]} : vector<512x512xf32> to vector<128x512xf32>
    %reduce_sum3A_1782 = arith.constant dense<0.000000e+00> : vector<512xf32>
    %reduce_sum3A_1783 = vector.multi_reduction <add>, %slice3A_1781, %reduce_sum3A_1782 [0] : vector<128x512xf32> to vector<512xf32>
    %broadcast_in_dim3A_1784 = vector.shape_cast %reduce_sum3A_1783 : vector<512xf32> to vector<1x512xf32>
    %div3A_1785 = arith.constant 1.280000e+02 : f32
    %div3A_1786 = vector.broadcast %div3A_1785 : f32 to vector<1x512xf32>
    %div3A_1787 = arith.divf %broadcast_in_dim3A_1784, %div3A_1786 : vector<1x512xf32>
    %get3A_1788 = arith.constant 0 : index
    %get3A_1789 = arith.constant 0 : index
    %get3A_1790 = vector.load %arg39[%get3A_1788, %get3A_1789] : memref<512x1xf32, #tpu.memory_space<vmem>>, vector<512x1xf32>
    %dot_general3A_1791 = arith.constant dense<0.000000e+00> : vector<1x1xf32>
    %dot_general3A_1792 = tpu.matmul %div3A_1787, %get3A_1790, %dot_general3A_1791 {dimension_numbers = #tpu.dot_dimension_numbers<[1], [0], [0], [1], [0, 0, 1, 1], [], []>, precision = #tpu.contract_precision<fp32>, transpose_lhs_hint = false} : vector<1x512xf32>, vector<512x1xf32>, vector<1x1xf32> -> vector<1x1xf32>
    %get3A_1793 = arith.constant 0 : index
    %get3A_1794 = arith.constant 0 : index
    %get3A_1795 = vector.load %arg40[%get3A_1793, %get3A_1794] : memref<1x1xf32, #tpu.memory_space<vmem>>, vector<1x1xf32>
    %get3A_1796 = vector.extract %get3A_1795[0, 0] : f32 from vector<1x1xf32>
    %add3A_1797 = vector.broadcast %get3A_1796 : f32 to vector<1x1xf32>
    %add3A_1798 = arith.addf %dot_general3A_1792, %add3A_1797 : vector<1x1xf32>
    %logistic3A_1799 = arith.negf %add3A_1798 : vector<1x1xf32>
    %logistic3A_1800 = math.exp %logistic3A_1799 : vector<1x1xf32>
    %logistic3A_1801 = arith.constant 1.000000e+00 : f32
    %logistic3A_1802 = vector.broadcast %logistic3A_1801 : f32 to vector<1x1xf32>
    %logistic3A_1803 = arith.addf %logistic3A_1802, %logistic3A_1800 : vector<1x1xf32>
    %logistic3A_1804 = arith.divf %logistic3A_1802, %logistic3A_1803 : vector<1x1xf32>
    %swap3A_1805 = arith.constant 2 : index
    %swap3A_1806 = arith.constant 0 : index
    %swap3A_1807 = arith.constant 0 : index
    %swap3A_1808 = vector.load %arg41[%swap3A_1805, %swap3A_1806, %swap3A_1807] : memref<4x1x1xf32, #tpu.memory_space<vmem>>, vector<1x1x1xf32>
    %swap3A_1809 = vector.shape_cast %swap3A_1808 : vector<1x1x1xf32> to vector<1x1xf32>
    %swap3A_1810 = vector.shape_cast %logistic3A_1804 : vector<1x1xf32> to vector<1x1x1xf32>
    tpu.vector_store %arg41[%swap3A_1805, %swap3A_1806, %swap3A_1807], %swap3A_1810 {strides = array<i32>} : memref<4x1x1xf32, #tpu.memory_space<vmem>>, vector<1x1x1xf32>,
    %slice3A_1811 = vector.extract_strided_slice %add3A_1722 {offsets = [384, 0], sizes = [128, 512], strides = [1, 1]} : vector<512x512xf32> to vector<128x512xf32>
    %reduce_sum3A_1812 = arith.constant dense<0.000000e+00> : vector<512xf32>
    %reduce_sum3A_1813 = vector.multi_reduction <add>, %slice3A_1811, %reduce_sum3A_1812 [0] : vector<128x512xf32> to vector<512xf32>
    %broadcast_in_dim3A_1814 = vector.shape_cast %reduce_sum3A_1813 : vector<512xf32> to vector<1x512xf32>
    %div3A_1815 = arith.constant 1.280000e+02 : f32
    %div3A_1816 = vector.broadcast %div3A_1815 : f32 to vector<1x512xf32>
    %div3A_1817 = arith.divf %broadcast_in_dim3A_1814, %div3A_1816 : vector<1x512xf32>
    %get3A_1818 = arith.constant 0 : index
    %get3A_1819 = arith.constant 0 : index
    %get3A_1820 = vector.load %arg39[%get3A_1818, %get3A_1819] : memref<512x1xf32, #tpu.memory_space<vmem>>, vector<512x1xf32>
    %dot_general3A_1821 = arith.constant dense<0.000000e+00> : vector<1x1xf32>
    %dot_general3A_1822 = tpu.matmul %div3A_1817, %get3A_1820, %dot_general3A_1821 {dimension_numbers = #tpu.dot_dimension_numbers<[1], [0], [0], [1], [0, 0, 1, 1], [], []>, precision = #tpu.contract_precision<fp32>, transpose_lhs_hint = false} : vector<1x512xf32>, vector<512x1xf32>, vector<1x1xf32> -> vector<1x1xf32>
    %get3A_1823 = arith.constant 0 : index
    %get3A_1824 = arith.constant 0 : index
    %get3A_1825 = vector.load %arg40[%get3A_1823, %get3A_1824] : memref<1x1xf32, #tpu.memory_space<vmem>>, vector<1x1xf32>
    %get3A_1826 = vector.extract %get3A_1825[0, 0] : f32 from vector<1x1xf32>
    %add3A_1827 = vector.broadcast %get3A_1826 : f32 to vector<1x1xf32>
    %add3A_1828 = arith.addf %dot_general3A_1822, %add3A_1827 : vector<1x1xf32>
    %logistic3A_1829 = arith.negf %add3A_1828 : vector<1x1xf32>
    %logistic3A_1830 = math.exp %logistic3A_1829 : vector<1x1xf32>
    %logistic3A_1831 = arith.constant 1.000000e+00 : f32
    %logistic3A_1832 = vector.broadcast %logistic3A_1831 : f32 to vector<1x1xf32>
    %logistic3A_1833 = arith.addf %logistic3A_1832, %logistic3A_1830 : vector<1x1xf32>
    %logistic3A_1834 = arith.divf %logistic3A_1832, %logistic3A_1833 : vector<1x1xf32>
    %swap3A_1835 = arith.constant 3 : index
    %swap3A_1836 = arith.constant 0 : index
    %swap3A_1837 = arith.constant 0 : index
    %swap3A_1838 = vector.load %arg41[%swap3A_1835, %swap3A_1836, %swap3A_1837] : memref<4x1x1xf32, #tpu.memory_space<vmem>>, vector<1x1x1xf32>
    %swap3A_1839 = vector.shape_cast %swap3A_1838 : vector<1x1x1xf32> to vector<1x1xf32>
    %swap3A_1840 = vector.shape_cast %logistic3A_1834 : vector<1x1xf32> to vector<1x1x1xf32>
    tpu.vector_store %arg41[%swap3A_1835, %swap3A_1836, %swap3A_1837], %swap3A_1840 {strides = array<i32>} : memref<4x1x1xf32, #tpu.memory_space<vmem>>, vector<1x1x1xf32>,
    return
  }
  func.func @transform_0(%arg0: i32) -> (i32, i32) {
    %c0_i32 = arith.constant 0 : i32
    %c0_i32_0 = arith.constant 0 : i32
    return %arg0, %c0_i32 : i32, i32
  }
  func.func @transform_1(%arg0: i32) -> (i32, i32, i32) {
    %c0_i32 = arith.constant 0 : i32
    %c0_i32_0 = arith.constant 0 : i32
    %c0_i32_1 = arith.constant 0 : i32
    return %arg0, %c0_i32, %c0_i32_0 : i32, i32, i32
  }
  func.func @transform_2(%arg0: i32) -> (i32, i32) {
    %c0_i32 = arith.constant 0 : i32
    %c0_i32_0 = arith.constant 0 : i32
    %c0_i32_1 = arith.constant 0 : i32
    return %c0_i32, %c0_i32_0 : i32, i32
  }
  func.func @transform_3(%arg0: i32) -> (i32, i32) {
    %c0_i32 = arith.constant 0 : i32
    %c0_i32_0 = arith.constant 0 : i32
    %c0_i32_1 = arith.constant 0 : i32
    return %c0_i32, %c0_i32_0 : i32, i32
  }
  func.func @transform_4(%arg0: i32) -> (i32, i32) {
    %c0_i32 = arith.constant 0 : i32
    %c0_i32_0 = arith.constant 0 : i32
    %c0_i32_1 = arith.constant 0 : i32
    return %c0_i32, %c0_i32_0 : i32, i32
  }
  func.func @transform_5(%arg0: i32) -> (i32, i32) {
    %c0_i32 = arith.constant 0 : i32
    %c0_i32_0 = arith.constant 0 : i32
    %c0_i32_1 = arith.constant 0 : i32
    return %c0_i32, %c0_i32_0 : i32, i32
  }
  func.func @transform_6(%arg0: i32) -> (i32, i32) {
    %c0_i32 = arith.constant 0 : i32
    %c0_i32_0 = arith.constant 0 : i32
    %c0_i32_1 = arith.constant 0 : i32
    return %c0_i32, %c0_i32_0 : i32, i32
  }
  func.func @transform_7(%arg0: i32) -> (i32, i32) {
    %c0_i32 = arith.constant 0 : i32
    %c0_i32_0 = arith.constant 0 : i32
    %c0_i32_1 = arith.constant 0 : i32
    return %c0_i32, %c0_i32_0 : i32, i32
  }
  func.func @transform_8(%arg0: i32) -> (i32, i32) {
    %c0_i32 = arith.constant 0 : i32
    %c0_i32_0 = arith.constant 0 : i32
    %c0_i32_1 = arith.constant 0 : i32
    return %c0_i32, %c0_i32_0 : i32, i32
  }
  func.func @transform_9(%arg0: i32) -> (i32, i32) {
    %c0_i32 = arith.constant 0 : i32
    %c0_i32_0 = arith.constant 0 : i32
    %c0_i32_1 = arith.constant 0 : i32
    return %c0_i32, %c0_i32_0 : i32, i32
  }
  func.func @transform_10(%arg0: i32) -> (i32, i32) {
    %c0_i32 = arith.constant 0 : i32
    %c0_i32_0 = arith.constant 0 : i32
    %c0_i32_1 = arith.constant 0 : i32
    return %c0_i32, %c0_i32_0 : i32, i32
  }
  func.func @transform_11(%arg0: i32) -> (i32, i32) {
    %c0_i32 = arith.constant 0 : i32
    %c0_i32_0 = arith.constant 0 : i32
    %c0_i32_1 = arith.constant 0 : i32
    return %c0_i32, %c0_i32_0 : i32, i32
  }
  func.func @transform_12(%arg0: i32) -> (i32, i32) {
    %c0_i32 = arith.constant 0 : i32
    %c0_i32_0 = arith.constant 0 : i32
    %c0_i32_1 = arith.constant 0 : i32
    return %c0_i32, %c0_i32_0 : i32, i32
  }
  func.func @transform_13(%arg0: i32) -> (i32, i32) {
    %c0_i32 = arith.constant 0 : i32
    %c0_i32_0 = arith.constant 0 : i32
    %c0_i32_1 = arith.constant 0 : i32
    return %c0_i32, %c0_i32_0 : i32, i32
  }
  func.func @transform_14(%arg0: i32) -> (i32, i32) {
    %c0_i32 = arith.constant 0 : i32
    %c0_i32_0 = arith.constant 0 : i32
    %c0_i32_1 = arith.constant 0 : i32
    return %c0_i32, %c0_i32_0 : i32, i32
  }
  func.func @transform_15(%arg0: i32) -> (i32, i32) {
    %c0_i32 = arith.constant 0 : i32
    %c0_i32_0 = arith.constant 0 : i32
    %c0_i32_1 = arith.constant 0 : i32
    return %c0_i32, %c0_i32_0 : i32, i32
  }
  func.func @transform_16(%arg0: i32) -> (i32, i32) {
    %c0_i32 = arith.constant 0 : i32
    %c0_i32_0 = arith.constant 0 : i32
    %c0_i32_1 = arith.constant 0 : i32
    return %c0_i32, %c0_i32_0 : i32, i32
  }
  func.func @transform_17(%arg0: i32) -> (i32, i32) {
    %c0_i32 = arith.constant 0 : i32
    %c0_i32_0 = arith.constant 0 : i32
    %c0_i32_1 = arith.constant 0 : i32
    return %c0_i32, %c0_i32_0 : i32, i32
  }
  func.func @transform_18(%arg0: i32) -> (i32, i32) {
    %c0_i32 = arith.constant 0 : i32
    %c0_i32_0 = arith.constant 0 : i32
    %c0_i32_1 = arith.constant 0 : i32
    return %c0_i32, %c0_i32_0 : i32, i32
  }
  func.func @transform_19(%arg0: i32) -> (i32, i32) {
    %c0_i32 = arith.constant 0 : i32
    %c0_i32_0 = arith.constant 0 : i32
    %c0_i32_1 = arith.constant 0 : i32
    return %c0_i32, %c0_i32_0 : i32, i32
  }
  func.func @transform_20(%arg0: i32) -> (i32, i32) {
    %c0_i32 = arith.constant 0 : i32
    %c0_i32_0 = arith.constant 0 : i32
    %c0_i32_1 = arith.constant 0 : i32
    return %c0_i32, %c0_i32_0 : i32, i32
  }
  func.func @transform_21(%arg0: i32) -> (i32, i32) {
    %c0_i32 = arith.constant 0 : i32
    %c0_i32_0 = arith.constant 0 : i32
    %c0_i32_1 = arith.constant 0 : i32
    return %c0_i32, %c0_i32_0 : i32, i32
  }
  func.func @transform_22(%arg0: i32) -> (i32, i32) {
    %c0_i32 = arith.constant 0 : i32
    %c0_i32_0 = arith.constant 0 : i32
    %c0_i32_1 = arith.constant 0 : i32
    return %c0_i32, %c0_i32_0 : i32, i32
  }
  func.func @transform_23(%arg0: i32) -> (i32, i32) {
    %c0_i32 = arith.constant 0 : i32
    %c0_i32_0 = arith.constant 0 : i32
    %c0_i32_1 = arith.constant 0 : i32
    return %c0_i32, %c0_i32_0 : i32, i32
  }
  func.func @transform_24(%arg0: i32) -> (i32, i32) {
    %c0_i32 = arith.constant 0 : i32
    %c0_i32_0 = arith.constant 0 : i32
    %c0_i32_1 = arith.constant 0 : i32
    return %c0_i32, %c0_i32_0 : i32, i32
  }
  func.func @transform_25(%arg0: i32) -> (i32, i32) {
    %c0_i32 = arith.constant 0 : i32
    %c0_i32_0 = arith.constant 0 : i32
    %c0_i32_1 = arith.constant 0 : i32
    return %c0_i32, %c0_i32_0 : i32, i32
  }
  func.func @transform_26(%arg0: i32) -> (i32, i32) {
    %c0_i32 = arith.constant 0 : i32
    %c0_i32_0 = arith.constant 0 : i32
    %c0_i32_1 = arith.constant 0 : i32
    return %c0_i32, %c0_i32_0 : i32, i32
  }
  func.func @transform_27(%arg0: i32) -> (i32, i32) {
    %c0_i32 = arith.constant 0 : i32
    %c0_i32_0 = arith.constant 0 : i32
    %c0_i32_1 = arith.constant 0 : i32
    return %c0_i32, %c0_i32_0 : i32, i32
  }
  func.func @transform_28(%arg0: i32) -> (i32, i32) {
    %c0_i32 = arith.constant 0 : i32
    %c0_i32_0 = arith.constant 0 : i32
    %c0_i32_1 = arith.constant 0 : i32
    return %c0_i32, %c0_i32_0 : i32, i32
  }
  func.func @transform_29(%arg0: i32) -> (i32, i32) {
    %c0_i32 = arith.constant 0 : i32
    %c0_i32_0 = arith.constant 0 : i32
    %c0_i32_1 = arith.constant 0 : i32
    return %c0_i32, %c0_i32_0 : i32, i32
  }
  func.func @transform_30(%arg0: i32) -> (i32, i32) {
    %c0_i32 = arith.constant 0 : i32
    %c0_i32_0 = arith.constant 0 : i32
    %c0_i32_1 = arith.constant 0 : i32
    return %c0_i32, %c0_i32_0 : i32, i32
  }
  func.func @transform_31(%arg0: i32) -> (i32, i32) {
    %c0_i32 = arith.constant 0 : i32
    %c0_i32_0 = arith.constant 0 : i32
    %c0_i32_1 = arith.constant 0 : i32
    return %c0_i32, %c0_i32_0 : i32, i32
  }
  func.func @transform_32(%arg0: i32) -> (i32, i32) {
    %c0_i32 = arith.constant 0 : i32
    %c0_i32_0 = arith.constant 0 : i32
    %c0_i32_1 = arith.constant 0 : i32
    return %c0_i32, %c0_i32_0 : i32, i32
  }
  func.func @transform_33(%arg0: i32) -> (i32, i32) {
    %c0_i32 = arith.constant 0 : i32
    %c0_i32_0 = arith.constant 0 : i32
    %c0_i32_1 = arith.constant 0 : i32
    return %c0_i32, %c0_i32_0 : i32, i32
  }
  func.func @transform_34(%arg0: i32) -> (i32, i32) {
    %c0_i32 = arith.constant 0 : i32
    %c0_i32_0 = arith.constant 0 : i32
    %c0_i32_1 = arith.constant 0 : i32
    return %c0_i32, %c0_i32_0 : i32, i32
  }
  func.func @transform_35(%arg0: i32) -> (i32, i32) {
    %c0_i32 = arith.constant 0 : i32
    %c0_i32_0 = arith.constant 0 : i32
    %c0_i32_1 = arith.constant 0 : i32
    return %c0_i32, %c0_i32_0 : i32, i32
  }
  func.func @transform_36(%arg0: i32) -> (i32, i32) {
    %c0_i32 = arith.constant 0 : i32
    %c0_i32_0 = arith.constant 0 : i32
    %c0_i32_1 = arith.constant 0 : i32
    return %c0_i32, %c0_i32_0 : i32, i32
  }
  func.func @transform_37(%arg0: i32) -> (i32, i32) {
    %c0_i32 = arith.constant 0 : i32
    %c0_i32_0 = arith.constant 0 : i32
    %c0_i32_1 = arith.constant 0 : i32
    return %c0_i32, %c0_i32_0 : i32, i32
  }
  func.func @transform_38(%arg0: i32) -> (i32, i32) {
    %c0_i32 = arith.constant 0 : i32
    %c0_i32_0 = arith.constant 0 : i32
    %c0_i32_1 = arith.constant 0 : i32
    return %c0_i32, %c0_i32_0 : i32, i32
  }
  func.func @transform_39(%arg0: i32) -> (i32, i32) {
    %c0_i32 = arith.constant 0 : i32
    %c0_i32_0 = arith.constant 0 : i32
    %c0_i32_1 = arith.constant 0 : i32
    return %c0_i32, %c0_i32_0 : i32, i32
  }
  func.func @transform_40(%arg0: i32) -> (i32, i32, i32) {
    %c0_i32 = arith.constant 0 : i32
    %c0_i32_0 = arith.constant 0 : i32
    %c0_i32_1 = arith.constant 0 : i32
    return %arg0, %c0_i32, %c0_i32_0 : i32, i32, i32
  }
}

</mosaic_0001>

<sc_bundles>
// kernel: kernel.5.cloned.1.call-start
scs
__scs_entry_jumppad:
0x0: {  	(pc) =	sbr.rel $0x88, $3  }
0x1: {  	(tag) =	ssettag $0x0;
	lr =	simm.s32 $0x1  }
0x2: {  	[smem:$0x3F6F] =	sst lr;
	_ =	strace $0xD0000000  }
0x3: {  	_ = 	snop  }
0x4: {  	_ = 	snop  }
0x5: {  	_ = 	snop  }
0x6: {  	_ = 	snop  }
0x7: {  	_ = 	snop  }
__scs_overlays_trampoline_lowered:
0x8: {  	[smem:$0x3F7E] =	sst s0  }
0x9: {  	[smem:$0x3F7F] =	sst s1  }
0xa: {  	[smem:$0x3F80] =	sst s2  }
0xb: {  	[smem:$0x3F81] =	sst s3  }
0xc: {  	[smem:$0x3F82] =	sst s4  }
0xd: {  	[smem:$0x3F83] =	sst s5  }
0xe: {  	[smem:$0x3F84] =	sst s6  }
0xf: {  	[smem:$0x3F85] =	sst s7  }
0x10: {  	[smem:$0x3F86] =	sst s8  }
0x11: {  	[smem:$0x3F87] =	sst s9;
	s0 =	simm.s32 @!p0 $0x0  }
0x12: {  	s1 =	sld [smem:$0x3F6D];
	s0 =	simm.s32 @p0 $0x1  }
0x13: {  	[smem:$0x3F88] =	sst s0;
	s0 =	simm.s32 @!p1 $0x0  }
0x14: {  	s2 =	sld [smem:$0x3F6C];
	s0 =	simm.s32 @p1 $0x1  }
0x15: {  	[smem:$0x3F89] =	sst s0;
	s0 =	simm.s32 @!p2 $0x0  }
0x16: {  	s3 =	sld [smem:$0x3FDB];
	s0 =	simm.s32 @p2 $0x1  }
0x17: {  	s4 =	simm.s32 $0x1BF5;
	[smem:$0x3F8B] =	sst s0  }
0x18: {  	s0 =	sld [smem:$0x3F6E];
	_ =	swait.ge [sflag:s4], $0x0  }
0x19: {  	s7 =	sld [smem:$0x3F6F]  }
0x1a: {  	s8 =	sadd.s32 $0xFFFFE003, lr  }
0x1b: {  	s9 =	sadd.s32 $0xFFFFFEF7, lr;
	s5 =	simm.s32 $0xFFFFFFFF;
	p2 =	slt.u32 s8, $0xFFFFF086  }
0x1c: {  	p1 =	slt.u32 s9, $0xF7A;
	s5 =	simm.s32 @!p2 $0x0  }
0x1d: {  	s5 =	simm.s32 @p1 $0x1;
	p0 =	seq.s32 s7, s2  }
0x1e: {  	s7 =	smul.u32 @!p0 $0xF7A, s2;
	p2 =	seq.s32 @!p0 s5, $0x0  }
0x1f: {  	s9 =	smul.u32 $0xF7A, s1;
	s8 =	simm.s32 @!p0 $0x1BF5;
	p2 =	por !p2, p0  }
0x20: {  	[sflag:s8] =	ssyncset.s32 @!p0 $0xFFFFF086;
	s6 =	sadd.s32 @!p0 s3, s7;
	s7 =	simm.s32 @!p0 $0x108  }
0x21: {  	s3 =	sadd.s32 s3, s9;
	s6 =	sadd.s32 @!p0 $0x88, s6;
	s7 =	simm.s32 @p2 $0x1082  }
0x22: {  	[simem:s7], [sflag:s8] =	dma.local @!p0 [hbm:s6], $0xF7A  }
0x23: {  	s9 =	sor.u32 $0xD0000000, s2;
	s6 =	simm.s32 $0x108;
	_ =	swait.ge @!p0 [sflag:s8], $0x0  }
0x24: {  	s3 =	sadd.s32 $0x88, s3;
	s6 =	simm.s32 @!p1 $0x1082;
	[sflag:s4] =	ssyncset.s32 $0xFFFFF086  }
0x25: {  	[simem:s6], [sflag:s4] =	dma.local [hbm:s3], $0xF7A  }
0x26: {  	[smem:$0x3F6F] =	sst s1;
	(tag) =	ssettag s2;
	_ =	strace s9  }
0x27: {  	s1 =	sld [smem:$0x3F7F]  }
0x28: {  	s2 =	sld [smem:$0x3F80]  }
0x29: {  	s4 =	sld [smem:$0x3F82]  }
0x2a: {  	p0 =	seq.s32 s5, $0x0;
	s5 =	sld [smem:$0x3F83]  }
0x2b: {  	s6 =	sld [smem:$0x3F84]  }
0x2c: {  	s7 =	sld [smem:$0x3F85]  }
0x2d: {  	s3 =	simm.s32 $0x108;
	s8 =	sld [smem:$0x3F86]  }
0x2e: {  	s3 =	simm.s32 @!p0 $0x1082;
	s9 =	sld [smem:$0x3F87]  }
0x2f: {  	lr =	sadd.s32 s0, s3;
	s0 =	sld [smem:$0x3F7E]  }
0x30: {  	s3 =	sld [smem:$0x3F81]  }
0x31: {  	[smem:$0x3F8A] =	sst s10  }
0x32: {  	s10 =	sld [smem:$0x3F88];
	_ =	sdelay $0x3  }
0x33: {  	p0 =	seq.s32 s10, $0x1;
	s10 =	sld [smem:$0x3F8A];
	_ =	sdelay $0x3  }
0x34: {  	[smem:$0x3F8A] =	sst s10  }
0x35: {  	s10 =	sld [smem:$0x3F89];
	_ =	sdelay $0x3  }
0x36: {  	p1 =	seq.s32 s10, $0x1;
	s10 =	sld [smem:$0x3F8A];
	_ =	sdelay $0x3  }
0x37: {  	[smem:$0x3F8A] =	sst s10  }
0x38: {  	s10 =	sld [smem:$0x3F8B]  }
0x39: {  	_ = 	snop;
	(pc) =	sbr.ind lr, $3  }
0x3a: {  	_ = 	snop  }
0x3b: {  	_ = 	snop  }
0x3c: {  	p2 =	seq.s32 s10, $0x1;
	s10 =	sld [smem:$0x3F8A]  }
0x3d: {  	_ =	shalt  }
0x3e: {  	_ =	shalt  }
0x3f: {  	_ =	shalt  }
0x40: {  	_ =	shalt  }
0x41: {  	_ =	shalt  }
0x42: {  	_ =	shalt  }
0x43: {  	_ =	shalt  }
0x44: {  	_ =	shalt  }
0x45: {  	_ =	shalt  }
0x46: {  	_ =	shalt  }
0x47: {  	_ =	shalt  }
0x48: {  	_ =	shalt  }
0x49: {  	_ =	shalt  }
0x4a: {  	_ =	shalt  }
0x4b: {  	_ =	shalt  }
0x4c: {  	_ =	shalt  }
0x4d: {  	_ =	shalt  }
0x4e: {  	_ =	shalt  }
0x4f: {  	_ =	shalt  }
0x50: {  	_ =	shalt  }
0x51: {  	_ =	shalt  }
0x52: {  	_ =	shalt  }
0x53: {  	_ =	shalt  }
0x54: {  	_ =	shalt  }
0x55: {  	_ =	shalt  }
0x56: {  	_ =	shalt  }
0x57: {  	_ =	shalt  }
0x58: {  	_ =	shalt  }
0x59: {  	_ =	shalt  }
0x5a: {  	_ =	shalt  }
0x5b: {  	_ =	shalt  }
0x5c: {  	_ =	shalt  }
0x5d: {  	_ =	shalt  }
0x5e: {  	_ =	shalt  }
0x5f: {  	_ =	shalt  }
0x60: {  	_ =	shalt  }
0x61: {  	_ =	shalt  }
0x62: {  	_ =	shalt  }
0x63: {  	_ =	shalt  }
0x64: {  	_ =	shalt  }
0x65: {  	_ =	shalt  }
0x66: {  	_ =	shalt  }
0x67: {  	_ =	shalt  }
0x68: {  	_ =	shalt  }
0x69: {  	_ =	shalt  }
0x6a: {  	_ =	shalt  }
0x6b: {  	_ =	shalt  }
0x6c: {  	_ =	shalt  }
0x6d: {  	_ =	shalt  }
0x6e: {  	_ =	shalt  }
0x6f: {  	_ =	shalt  }
0x70: {  	_ =	shalt  }
0x71: {  	_ =	shalt  }
0x72: {  	_ =	shalt  }
0x73: {  	_ =	shalt  }
0x74: {  	_ =	shalt  }
0x75: {  	_ =	shalt  }
0x76: {  	_ =	shalt  }
0x77: {  	_ =	shalt  }
0x78: {  	_ =	shalt  }
0x79: {  	_ =	shalt  }
0x7a: {  	_ =	shalt  }
0x7b: {  	_ =	shalt  }
0x7c: {  	_ =	shalt  }
0x7d: {  	_ =	shalt  }
0x7e: {  	_ =	shalt  }
0x7f: {  	_ =	shalt  }
0x80: {  	_ =	shalt  }
0x81: {  	_ =	shalt  }
0x82: {  	_ =	shalt  }
0x83: {  	_ =	shalt  }
0x84: {  	_ =	shalt  }
0x85: {  	_ =	shalt  }
0x86: {  	_ =	shalt  }
0x87: {  	_ =	shalt  }
.Lfunc_end0:
.L_simem_size_0:
called_computation_lowered:
.L_overlay_start_0:
0x88: {  	s2 =	sld [smem:$0x3FD9]  }
0x89: {  	s3 =	sld [smem:$0x3FFE];
	_ =	sdelay $0x1  }
0x8a: {  	s1 =	srdreg.scid  }
0x8b: {  	s0 =	sand.u32 $0x1, s1  }
0x8c: {  	s16 =	sshll.u32 s0, $0xA;
	s2 =	sadd.s32 s3, s2  }
0x8d: {  	s2 =	sadd.s32 s2, s16  }
0x8e: {  	[smem:$0x3F96] =	sst s2  }
0x8f: {  	_ = 	snop  }
0x90: {  	(tm) =	ssettm $0x1  }
0x91: {  	s17 =	sld [smem:$0x3FFB];
	_ =	sdelay $0x3  }
0x92: {  	_ =	strace s17  }
0x93: {  	s2 =	sld [smem:$0x3FFC];
	_ =	sdelay $0x3  }
0x94: {  	_ =	strace s2  }
0x95: {  	s2 =	sld [smem:$0x3FFD];
	_ =	sdelay $0x3  }
0x96: {  	_ =	strace s2  }
0x97: {  	_ =	strace $0x8FFFFFFF  }
0x98: {  	s18 =	sld [smem:$0x3FDB];
	_ =	sdelay $0x1  }
0x99: {  	s19 =	simm.s32 $_scs_section_size  }
0x9a: {  	s4 =	simm.s32 $_size__tile_overlayer_lowered;
	s5 =	simm.s32 $_tile_overlayer_lowered  }
0x9b: {  	s22 =	simm.s32 $0x1BFF;
	s21 =	sshll.u32 s5, $0x1;
	s2 =	sadd.s32 s19, s18  }
0x9c: {  	s6 =	simm.s32 $0x0;
	s20 =	sshll.u32 s4, $0x1;
	s4 =	sadd.s32 s21, s2  }
0x9d: {  	[timem:s6], [sflag:s22] =	dma.local [hbm:s4], s20  }
0x9e: {  	_ =	swait.ge [sflag:s22], s20  }
0x9f: {  	s3 =	ssub.s32 $0x0, s20;
	[sflag:s22] =	ssyncset.done $0x0  }
0xa0: {  	[sflag:s22] =	ssyncadd.s32 s3;
	_ =	sdelay $0x1  }
0xa1: {  	s23 =	simm.s32 $0x1B8B  }
0xa2: {  	_ =	swait.ge [sflag:s23], $0x1  }
0xa3: {  	[sflag:s23] =	ssyncset.done $0x0  }
0xa4: {  	s25 =	simm.s32 $0x1B8E;
	s24 =	sld [smem:$0x3FFE];
	[sflag:s23] =	ssyncadd.s32 $0xFFFFFFFF  }
0xa5: {  	s26 =	simm.s32 $execute0_lowered;
	[smem:$0x3FD2] =	sst s25  }
0xa6: {  	s4 =	sshll.u32 s26, $0x1;
	_ =	strace $0x80000046;
	[dreg:$0x1] =	wrdreg $0xFFFFFFFF  }
0xa7: {  	s28 =	simm.s32 $_size_execute0_lowered;
	s2 =	sadd.s32 s2, s4;
	[dreg:$0x0] =	wrdreg $0x0  }
0xa8: {  	s4 =	sshll.u32 s28, $0x1;
	[dreg:$0x2] =	wrdreg s2  }
0xa9: {  	[dreg:$0x3] =	wrdreg s4  }
0xaa: {  	[dreg:$0x4] =	wrdreg $0xC0  }
0xab: {  	_ =	task [dreg:s6], $0x5FFFF  }
0xac: {  	[dreg:$0x1] =	wrdreg $0xFFFFFFFF  }
0xad: {  	[dreg:$0x0] =	wrdreg $0x60  }
0xae: {  	[dreg:$0x2] =	wrdreg s24  }
0xaf: {  	[dreg:$0x3] =	wrdreg $0x9  }
0xb0: {  	_ =	task.clear_ibuf [dreg:s6], $0x4FFFF;
	_ =	strace $0x90000046  }
0xb1: {  	s29 =	simm.s32 $0x9;
	_ =	strace $0x8000004D  }
0xb2: {  	_ =	swait.ge [sflag:s29], $0x1  }
0xb3: {  	[sflag:s29] =	ssyncadd.s32 $0xFFFFFFFF  }
0xb4: {  	_ =	strace $0x9000004D  }
0xb5: {  	_ =	sfence  }
0xb6: {  	s30 =	sld [smem:$0x0];
	_ =	sdelay $0x2  }
0xb7: {  	s31 =	sshll.u32 s1, $0xD;
	s1 =	sshrl.u32 s1, $0x2  }
0xb8: {  	s3 =	sand.u32 $0x4000, s31;
	s1 =	sadd.s32 s1, s30  }
0xb9: {  	s0 =	sor.u32 s3, s0;
	s1 =	sshll.u32 s1, $0x11  }
0xba: {  	s0 =	sor.u32 s1, s0  }
0xbb: {  	s0 =	sadd.s32 $0x8F2B, s0  }
0xbc: {  	[sflag:s0] =	ssyncadd.remote.s32 $0x1  }
0xbd: {  	_ =	sfence.sel $0xFFFF  }
0xbe: {  	[dreg:$0x0] =	wrdreg $0xFFFFFFFF;
	(pc) =	sbr.abs _section_cstart, $3  }
0xbf: {  	[dreg:$0x1] =	wrdreg $0xFFFFFFFF  }
0xc0: {  	_ =	task.clear_ibuf [dreg:s6], $0x2FFFF;
	_ =	strace $0x9FFFFFFF  }
0xc1: {  	(tm) =	ssettm $0x7FFFFFFF  }
tec
execute0_lowered:
.L_overlay_start_1:
0x0: {  	(tag) =	ssettag $0x1  }
0x1: {  	s4 =	rddreg [dreg:$0x0]  }
0x2: {  	s0 =	rddreg [dreg:$0x1]  }
0x3: {  	s3 =	srdreg.scid;
	s2 =	simm.s32 $0x0;
	s1 =	stileid.u32  }
0x4: {  	s9 =	simm.s32 $0x900;
	s10 =	simm.s32 $0x1100;
	s11 =	simm.s32 $0x1900  }
0x5: {  	s12 =	simm.s32 $0x2100;
	s13 =	simm.s32 $0x2900;
	s14 =	simm.s32 $0x3100  }
0x6: {  	s15 =	simm.s32 $0x3900;
	s16 =	simm.s32 $0x4100;
	s17 =	simm.s32 $0x4900  }
0x7: {  	s18 =	simm.s32 $0x5100;
	s19 =	simm.s32 $0x5900;
	s20 =	simm.s32 $0x6100  }
0x8: {  	s21 =	simm.s32 $0x6900;
	s22 =	simm.s32 $0x7100;
	s23 =	simm.s32 $0x7900  }
0x9: {  	s24 =	simm.s32 $0x5;
	s25 =	simm.s32 $0x3;
	s5 =	sand.u32 $0x1, s3  }
0xa: {  	[smem:$0x7FF] =	sst s2;
	s6 =	sshll.u32 s1, $0x7;
	s3 =	sshll.u32 s5, $0xB  }
0xb: {  	_ =	strace $0x80000047;
	s5 =	ssub.s32 $0x2, s5;
	s6 =	sor.u32 s6, s3  }
0xc: {  	s3 =	sadd.s32 $0x86800, s4;
	s7 =	sshrl.u32 s6, $0x3;
	s6 =	sshll.u32 s6, $0x5  }
0xd: {  	v2 =	vlaneseq.u32;
	s8 =	sshrl.u32 s5, $0x1;
	s7 =	sadd.s32 s7, s4;
	s6 =	sadd.s32 s6, s4  }
0xe: {  	vm0 =	vmmov $0xffff;
	v1 =	vshrl.u32 v2, $0x3;
	s8 =	ssub.s32 s5, s8;
	s4 =	sadd.s32 $0x6800, s7;
	s5 =	sadd.s32 $0x6A00, s6  }
0xf: {  	v0 =	vand.u32 $0x7, v2;
	v2 =	vor.u32 $0x8, v2;
	v1 =	vmul.u32 $0x8, v1;
	s6 =	smax.u32 s8, $0x1;
	s7 =	simm.s32 $0x1;
	s8 =	simm.s32 $0x100  }
.LBB2_1:
0x10: {  	_ =	strace $0x80000048  }
0x11: {  	[tilespmem:s2], [sflag:$0x1] =	stream.linear.gather [hbm4b:s4+s2], $0x80, $0x200038;
	[tilespmem:$0x10100] =	vst v63  }
0x12: {  	_ =	strace $0x90000048  }
0x13: {  	_ =	strace $0x80000049  }
0x14: {  	_ =	swait.ge [sflag:s7], $0x80  }
0x15: {  	[sflag:s7] =	ssyncset.done $0x0  }
0x16: {  	[sflag:s7] =	ssyncadd.s32 $0xFFFFFF80  }
0x17: {  	_ =	strace $0x90000049  }
0x18: {  	_ =	strace $0x8000004A  }
0x19: {  	v3 =	vld [tilespmem:$0x0];
	_ =	sdelay $0x4  }
0x1a: {  	v4 =	vshll.u32 v3, $0x1  }
0x1b: {  	v3 =	vand.u32 $0x7, v3;
	v4 =	vand.u32 $0xFFFFFFF0, v4  }
0x1c: {  	v3 =	vor.u32 v3, v4  }
0x1d: {  	v4 =	vperm.xlane v3, v0;
	_ =	sdelay $0x1  }
0x1e: {  	v3 =	vperm.xlane v3, v2;
	v4 =	vadd.s32 v1, v4;
	_ =	sdelay $0x1  }
0x1f: {  	v3 =	vadd.s32 v1, v3;
	_ =	sdelay $0x2  }
0x20: {  	[tilespmem:s8], [sflag:$0x5] =	stream.indirect_vreg.gather [hbm4b:s3+s2], $0x80, v4, vm0, $0x2000b8;
	[tilespmem:$0x10100] =	vst v63  }
0x21: {  	_ = 	snop  }
0x22: {  	[tilespmem:s9], [sflag:$0x5] =	stream.indirect_vreg.gather [hbm4b:s3+s2], $0x80, v3, vm0, $0x2000b8;
	[tilespmem:$0x10100] =	vst v63  }
0x23: {  	v3 =	vld [tilespmem:$0x10];
	_ =	sdelay $0x4  }
0x24: {  	v57 =	vshll.u32 v3, $0x1  }
0x25: {  	v3 =	vand.u32 $0x7, v3;
	v4 =	vand.u32 $0xFFFFFFF0, v57  }
0x26: {  	v3 =	vor.u32 v3, v4  }
0x27: {  	v4 =	vperm.xlane v3, v0;
	_ =	sdelay $0x1  }
0x28: {  	v3 =	vperm.xlane v3, v2;
	v4 =	vadd.s32 v1, v4;
	_ =	sdelay $0x1  }
0x29: {  	v3 =	vadd.s32 v1, v3;
	_ =	sdelay $0x2  }
0x2a: {  	[tilespmem:s10], [sflag:$0x5] =	stream.indirect_vreg.gather [hbm4b:s3+s2], $0x80, v4, vm0, $0x2000b8;
	[tilespmem:$0x10100] =	vst v63  }
0x2b: {  	_ = 	snop  }
0x2c: {  	[tilespmem:s11], [sflag:$0x5] =	stream.indirect_vreg.gather [hbm4b:s3+s2], $0x80, v3, vm0, $0x2000b8;
	[tilespmem:$0x10100] =	vst v63  }
0x2d: {  	v3 =	vld [tilespmem:$0x20];
	_ =	sdelay $0x4  }
0x2e: {  	v58 =	vshll.u32 v3, $0x1  }
0x2f: {  	v3 =	vand.u32 $0x7, v3;
	v4 =	vand.u32 $0xFFFFFFF0, v58  }
0x30: {  	v3 =	vor.u32 v3, v4  }
0x31: {  	v4 =	vperm.xlane v3, v0;
	_ =	sdelay $0x1  }
0x32: {  	v3 =	vperm.xlane v3, v2;
	v4 =	vadd.s32 v1, v4;
	_ =	sdelay $0x1  }
0x33: {  	v3 =	vadd.s32 v1, v3;
	_ =	sdelay $0x2  }
0x34: {  	[tilespmem:s12], [sflag:$0x5] =	stream.indirect_vreg.gather [hbm4b:s3+s2], $0x80, v4, vm0, $0x2000b8;
	[tilespmem:$0x10100] =	vst v63  }
0x35: {  	_ = 	snop  }
0x36: {  	[tilespmem:s13], [sflag:$0x5] =	stream.indirect_vreg.gather [hbm4b:s3+s2], $0x80, v3, vm0, $0x2000b8;
	[tilespmem:$0x10100] =	vst v63  }
0x37: {  	v3 =	vld [tilespmem:$0x30];
	_ =	sdelay $0x4  }
0x38: {  	v59 =	vshll.u32 v3, $0x1  }
0x39: {  	v3 =	vand.u32 $0x7, v3;
	v4 =	vand.u32 $0xFFFFFFF0, v59  }
0x3a: {  	v3 =	vor.u32 v3, v4  }
0x3b: {  	v4 =	vperm.xlane v3, v0;
	_ =	sdelay $0x1  }
0x3c: {  	v3 =	vperm.xlane v3, v2;
	v4 =	vadd.s32 v1, v4;
	_ =	sdelay $0x1  }
0x3d: {  	v3 =	vadd.s32 v1, v3;
	_ =	sdelay $0x2  }
0x3e: {  	[tilespmem:s14], [sflag:$0x5] =	stream.indirect_vreg.gather [hbm4b:s3+s2], $0x80, v4, vm0, $0x2000b8;
	[tilespmem:$0x10100] =	vst v63  }
0x3f: {  	_ = 	snop  }
0x40: {  	[tilespmem:s15], [sflag:$0x5] =	stream.indirect_vreg.gather [hbm4b:s3+s2], $0x80, v3, vm0, $0x2000b8;
	[tilespmem:$0x10100] =	vst v63  }
0x41: {  	v3 =	vld [tilespmem:$0x40];
	_ =	sdelay $0x4  }
0x42: {  	v60 =	vshll.u32 v3, $0x1  }
0x43: {  	v3 =	vand.u32 $0x7, v3;
	v4 =	vand.u32 $0xFFFFFFF0, v60  }
0x44: {  	v3 =	vor.u32 v3, v4  }
0x45: {  	v4 =	vperm.xlane v3, v0;
	_ =	sdelay $0x1  }
0x46: {  	v3 =	vperm.xlane v3, v2;
	v4 =	vadd.s32 v1, v4;
	_ =	sdelay $0x1  }
0x47: {  	v3 =	vadd.s32 v1, v3;
	_ =	sdelay $0x2  }
0x48: {  	[tilespmem:s16], [sflag:$0x5] =	stream.indirect_vreg.gather [hbm4b:s3+s2], $0x80, v4, vm0, $0x2000b8;
	[tilespmem:$0x10100] =	vst v63  }
0x49: {  	_ = 	snop  }
0x4a: {  	[tilespmem:s17], [sflag:$0x5] =	stream.indirect_vreg.gather [hbm4b:s3+s2], $0x80, v3, vm0, $0x2000b8;
	[tilespmem:$0x10100] =	vst v63  }
0x4b: {  	v3 =	vld [tilespmem:$0x50];
	_ =	sdelay $0x4  }
0x4c: {  	v61 =	vshll.u32 v3, $0x1  }
0x4d: {  	v3 =	vand.u32 $0x7, v3;
	v4 =	vand.u32 $0xFFFFFFF0, v61  }
0x4e: {  	v3 =	vor.u32 v3, v4  }
0x4f: {  	v4 =	vperm.xlane v3, v0;
	_ =	sdelay $0x1  }
0x50: {  	v3 =	vperm.xlane v3, v2;
	v4 =	vadd.s32 v1, v4;
	_ =	sdelay $0x1  }
0x51: {  	v3 =	vadd.s32 v1, v3;
	_ =	sdelay $0x2  }
0x52: {  	[tilespmem:s18], [sflag:$0x5] =	stream.indirect_vreg.gather [hbm4b:s3+s2], $0x80, v4, vm0, $0x2000b8;
	[tilespmem:$0x10100] =	vst v63  }
0x53: {  	_ = 	snop  }
0x54: {  	[tilespmem:s19], [sflag:$0x5] =	stream.indirect_vreg.gather [hbm4b:s3+s2], $0x80, v3, vm0, $0x2000b8;
	[tilespmem:$0x10100] =	vst v63  }
0x55: {  	v3 =	vld [tilespmem:$0x60];
	_ =	sdelay $0x4  }
0x56: {  	v62 =	vshll.u32 v3, $0x1  }
0x57: {  	v3 =	vand.u32 $0x7, v3;
	v4 =	vand.u32 $0xFFFFFFF0, v62  }
0x58: {  	v3 =	vor.u32 v3, v4  }
0x59: {  	v4 =	vperm.xlane v3, v0;
	_ =	sdelay $0x1  }
0x5a: {  	v3 =	vperm.xlane v3, v2;
	v4 =	vadd.s32 v1, v4;
	_ =	sdelay $0x1  }
0x5b: {  	v3 =	vadd.s32 v1, v3;
	_ =	sdelay $0x2  }
0x5c: {  	[tilespmem:s20], [sflag:$0x5] =	stream.indirect_vreg.gather [hbm4b:s3+s2], $0x80, v4, vm0, $0x2000b8;
	[tilespmem:$0x10100] =	vst v63  }
0x5d: {  	_ = 	snop  }
0x5e: {  	[tilespmem:s21], [sflag:$0x5] =	stream.indirect_vreg.gather [hbm4b:s3+s2], $0x80, v3, vm0, $0x2000b8;
	[tilespmem:$0x10100] =	vst v63  }
0x5f: {  	v3 =	vld [tilespmem:$0x70];
	_ =	sdelay $0x4  }
0x60: {  	v63 =	vshll.u32 v3, $0x1  }
0x61: {  	v3 =	vand.u32 $0x7, v3;
	v4 =	vand.u32 $0xFFFFFFF0, v63  }
0x62: {  	v3 =	vor.u32 v3, v4  }
0x63: {  	v4 =	vperm.xlane v3, v0;
	_ =	sdelay $0x1  }
0x64: {  	v3 =	vperm.xlane v3, v2;
	v4 =	vadd.s32 v1, v4;
	_ =	sdelay $0x1  }
0x65: {  	v3 =	vadd.s32 v1, v3;
	_ =	sdelay $0x2  }
0x66: {  	[tilespmem:s22], [sflag:$0x5] =	stream.indirect_vreg.gather [hbm4b:s3+s2], $0x80, v4, vm0, $0x2000b8;
	[tilespmem:$0x10100] =	vst v63  }
0x67: {  	_ = 	snop  }
0x68: {  	[tilespmem:s23], [sflag:$0x5] =	stream.indirect_vreg.gather [hbm4b:s3+s2], $0x80, v3, vm0, $0x2000b8;
	[tilespmem:$0x10100] =	vst v63  }
0x69: {  	_ =	swait.ge [sflag:s24], $0x8000  }
0x6a: {  	[sflag:s24] =	ssyncset.done $0x0  }
0x6b: {  	[sflag:s24] =	ssyncadd.s32 $0xFFFF8000  }
0x6c: {  	_ =	strace $0x9000004A  }
0x6d: {  	_ =	strace $0x8000004B  }
0x6e: {  	[hbm4b:s5+s2] =	stream.linear.scatter [tilespmem:s8], [sflag:$0x3], $0x8000, $0x200038;
	[tilespmem:$0x10100] =	vst v63  }
0x6f: {  	p0 =	sne.s32 s6, $0x1;
	_ =	strace $0x9000004B  }
.Ltmp0:
0x70: {  	_ =	strace $0x8000004C;
	(pc) =	sbr.rel @p0 .LBB2_1-.Ltmp0, $4  }
0x71: {  	_ =	swait.ge [sflag:s25], $0x8000  }
0x72: {  	[sflag:s25] =	ssyncset.done $0x0  }
0x73: {  	[sflag:s25] =	ssyncadd.s32 $0xFFFF8000  }
0x74: {  	s6 =	sadd.s32 $0xFFFFFFFF, s6;
	_ =	strace $0x9000004C  }
0x75: {  	_ =	sfence.sel $0x180000  }
0x76: {  	[bflag:$0x0] =	sbarrier.arrive $0xFFFF  }
0x77: {  	p0 =	sne.s32 s1, $0x0;
	_ =	strace $0x90000047  }
0x78: {  	s0 =	sadd.s32 @!p0 $0x100000, s0;
	[bflag:$0x2] =	sbarrier.arrive $0xFFFF  }
0x79: {  	[sflag:s0] =	ssyncadd.tile.s32 @!p0 $0x1;
	_ =	shalt  }
.Lfunc_end2:
_tile_overlayer_lowered:
.L_overlay_start_2:
0x7a: {  	(tag) =	ssettag $0x2  }
0x7b: {  	s0 =	rddreg [dreg:$0x0];
	s2 =	stileid.u32  }
0x7c: {  	s1 =	rddreg [dreg:$0x1];
	p0 =	sne.s32 s2, $0x0  }
0x7d: {  	s3 =	rddreg [dreg:$0x2];
	[bflag:$0x3] =	sbarrier.arrive $0xFFFF;
	s2 =	simm.s32 @!p0 $0x1C01  }
0x7e: {  	[timem:s3], [sflag:s2] =	dma.local @!p0 [hbm:s0], s1  }
0x7f: {  	s0 =	simm.s32 @!p0 $0x1  }
0x80: {  	_ =	swait.ge @!p0 [sflag:s0], s1  }
0x81: {  	s1 =	ssub.s32 @!p0 $0x0, s1;
	[sflag:s0] =	ssyncset.done @!p0 $0x0  }
0x82: {  	[sflag:s0] =	ssyncadd.s32 @!p0 s1  }
0x83: {  	[bflag:$0x3] =	sbarrier.arrive $0xFFFF  }
0x84: {  	_ =	shalt  }

</sc_bundles>
